<compile_context>
chip_gen: v7x
topology: tpu7x:2x2x1
jax: 0.10.2.dev20260603
libtpu: 0.0.44.dev20260713+nightly
codegen_flags: <defaults>
</compile_context>

<pallas_src>
import functools

import jax
import jax.numpy as jnp
import numpy as np
from jax import lax
from jax.experimental import pallas as pl
from jax.experimental.pallas import tpu as pltpu
from jax.experimental.pallas import tpu_sc as plsc

_BG_VOCABS = 1024
_ID_VOCABS = 1024
_MO_VOCABS = 1024
_CLASS_VOCABS = 400
_MASK_TOKEN = _BG_VOCABS + _ID_VOCABS + _MO_VOCABS + _CLASS_VOCABS

_B = 128
_L = 8192
_H = 2048

_NC = 2
_NS = 16
_NL = 16
_NW = _NC * _NS
_RPW = _B // _NW
_CHUNKS = _H // _NL
_UNROLL = 16
_NACC = 4

_TC_ROWS = 64



def _rotl32(x, d):
    return ((x << np.uint32(d)) | (x >> np.uint32(32 - d))).astype(np.uint32)


def _fry_uniform(seed, shape):
    size = int(np.prod(shape))
    rotations = ((13, 15, 26, 6), (17, 29, 16, 24))
    k0, k1 = np.uint32(0), np.uint32(seed)
    ks = (k0, k1, np.uint32(k0 ^ k1 ^ np.uint32(0x1BD11BDA)))
    x = [
        np.full(size, ks[0], dtype=np.uint32),
        (np.arange(size, dtype=np.uint32) + ks[1]).astype(np.uint32),
    ]
    for i in range(5):
        for r in rotations[i % 2]:
            x[0] = (x[0] + x[1]).astype(np.uint32)
            x[1] = _rotl32(x[1], r) ^ x[0]
        x[0] = (x[0] + ks[(i + 1) % 3]).astype(np.uint32)
        x[1] = (x[1] + ks[(i + 2) % 3] + np.uint32(i + 1)).astype(np.uint32)
    bits = x[0] ^ x[1]
    f = ((bits >> np.uint32(9)) | np.uint32(0x3F800000)).view(np.float32)
    return (f - np.float32(1.0)).reshape(shape)


_NOISE = _fry_uniform(42, (_B, _L))
_NOISE_SC = np.ascontiguousarray(_NOISE[:, :_H]).reshape(_B * _H)
_NOISE_TC = np.ascontiguousarray(_NOISE[:, _H:])


def _sc_body(ratev, noise, ci_out, nrow0, nrow1, ratebuf, cibuf, nsem):
    lane = jax.lax.iota(jnp.int32, _NL)
    wid = lax.axis_index("s") * _NC + lax.axis_index("c")
    row0 = wid * _RPW

    nrows = (nrow0, nrow1)
    ndesc = [None] * _RPW
    ndesc[0] = pltpu.async_copy(noise.at[pl.ds(row0 * _H, _H)], nrows[0], nsem)

    pltpu.sync_copy(ratev, ratebuf)
    r16 = ratebuf[...]

    civec = jnp.zeros((_NL,), jnp.float32)

    for r in range(_RPW):
        cur = r % 2
        row = row0 + r
        ndesc[r].wait()
        if r + 1 < _RPW:
            ndesc[r + 1] = pltpu.async_copy(
                noise.at[pl.ds((row + 1) * _H, _H)], nrows[1 - cur], nsem
            )

        nrow = nrows[cur]

        def amin_body(j, carry):
            mins, idxs, base = carry
            mins, idxs = list(mins), list(idxs)
            for u in range(_UNROLL):
                k = u % _NACC
                v = nrow[pl.ds((j * _UNROLL + u) * _NL, _NL)] * r16
                idxv = base + (u * _NL)
                cond = v <= mins[k]
                mins[k] = jnp.where(cond, v, mins[k])
                idxs[k] = jnp.where(cond, idxv, idxs[k])
            return tuple(mins), tuple(idxs), base + _UNROLL * _NL

        inf16 = jnp.full((_NL,), jnp.inf, jnp.float32)
        mins, idxs, _ = lax.fori_loop(
            0, _CHUNKS // _UNROLL, amin_body,
            ((inf16,) * _NACC, (lane,) * _NACC, lane),
        )
        vmin, vidx = mins[0], idxs[0]
        for k in range(1, _NACC):
            take = (mins[k] < vmin) | ((mins[k] == vmin) & (idxs[k] > vidx))
            vmin = jnp.where(take, mins[k], vmin)
            vidx = jnp.where(take, idxs[k], vidx)
        m = vmin[0]
        ci = vidx[0]
        for j in range(1, _NL):
            v = vmin[j]
            ix = vidx[j]
            take = (v < m) | ((v == m) & (ix > ci))
            m = jnp.where(take, v, m)
            ci = jnp.where(take, ix, ci)

        civec = jnp.where(lane == r, ci.astype(jnp.float32), civec)
        civec = jnp.where(lane == _RPW + r, m, civec)

    cibuf[...] = civec
    pltpu.sync_copy(cibuf, ci_out.at[pl.ds(wid * _NL, _NL)])


@functools.cache
def _sc_call():
    return functools.partial(
        pl.kernel,
        out_type=jax.ShapeDtypeStruct((_NW * _NL,), jnp.float32),
        mesh=plsc.VectorSubcoreMesh(
            core_axis_name="c", subcore_axis_name="s", num_cores=_NC, num_subcores=_NS
        ),
        scratch_types=[
            pltpu.VMEM((_H,), jnp.float32),
            pltpu.VMEM((_H,), jnp.float32),
            pltpu.VMEM((_NL,), jnp.float32),
            pltpu.VMEM((_NL,), jnp.float32),
            pltpu.SemaphoreType.DMA,
        ],
    )(_sc_body)


def _tc_body(ci_ref, rate_ref, nz_ref, xt_ref, x_ref, xm_ref):
    i = pl.program_id(0)
    rowv = lax.broadcasted_iota(jnp.int32, (_TC_ROWS, 1), 0)
    cif = jnp.zeros((_TC_ROWS, 1), jnp.float32)
    ml = jnp.zeros((_TC_ROWS, 1), jnp.float32)
    for k in range(_TC_ROWS):
        b = i * _TC_ROWS + k
        w = b // _RPW
        r = b % _RPW
        hit = rowv == k
        cif = jnp.where(hit, ci_ref[w * _NL + r], cif)
        ml = jnp.where(hit, ci_ref[w * _NL + _RPW + r], ml)
    cil = cif.astype(jnp.int32)

    scaled = nz_ref[...] * rate_ref[0]
    mr = jnp.min(scaled, axis=1, keepdims=True)
    colr = lax.broadcasted_iota(jnp.int32, (_TC_ROWS, _L - _H), 1) + _H
    cir = jnp.max(jnp.where(scaled == mr, colr, -1), axis=1, keepdims=True)

    civ = jnp.where(mr <= ml, cir, cil)

    col = lax.broadcasted_iota(jnp.int32, (_TC_ROWS, _L), 1)
    eq = col == civ
    x_ref[...] = jnp.where(eq, xt_ref[...], _MASK_TOKEN)
    xm_ref[...] = jnp.where(eq, 0, 1)


_tc_call = pl.pallas_call(
    _tc_body,
    grid=(_B // _TC_ROWS,),
    in_specs=[
        pl.BlockSpec(memory_space=pltpu.SMEM),
        pl.BlockSpec(memory_space=pltpu.SMEM),
        pl.BlockSpec((_TC_ROWS, _L - _H), lambda i: (i, 0)),
        pl.BlockSpec((_TC_ROWS, _L), lambda i: (i, 0)),
    ],
    out_specs=[
        pl.BlockSpec((_TC_ROWS, _L), lambda i: (i, 0)),
        pl.BlockSpec((_TC_ROWS, _L), lambda i: (i, 0)),
    ],
    out_shape=[
        jax.ShapeDtypeStruct((_B, _L), jnp.int32),
        jax.ShapeDtypeStruct((_B, _L), jnp.int32),
    ],
)


def kernel(x_tokens, rate):
    ratef = jnp.asarray(rate, jnp.float32)
    ratev = jnp.broadcast_to(ratef, (_NL,))
    ci_grid = _sc_call()(ratev, jnp.asarray(_NOISE_SC))
    x, xm = _tc_call(ci_grid, ratef.reshape(1), jnp.asarray(_NOISE_TC), x_tokens)
    return (x, xm)

# --- scband reference (transcript-rebuilt; emitter-appended) ---
"""Pipeline reference for scband-class-tokenizer-35141422416008 (READ-ONLY COPY).

The authoritative reference and input builder live on the scoring server;
editing this copy changes nothing except your own understanding.
"""

import jax, jax.numpy as jnp
import numpy as np

# Vocab layout mirrors Class_Tokenizer.__init__ with num_embeddings_c=1024 (bg/id),
# num_embeddings_m=1024 (mo), and 400 classes from id2class.
BG_VOCABS = 1024
ID_VOCABS = 1024
MO_VOCABS = 1024
CLASS_VOCABS = 400
MASK_TOKEN = BG_VOCABS + ID_VOCABS + MO_VOCABS + CLASS_VOCABS  # command_tokens['MASK'] = 3472

B = 128
L = 8192


def setup_inputs(seed: int = 0) -> dict:
    key = jax.random.key(seed)
    x_tokens = jax.random.randint(key, (B, L), 0, MASK_TOKEN, dtype=jnp.int32)
    return {"x_tokens": x_tokens, "rate": 1}


def reference(x_tokens, rate):
    # Faithful translation of Class_Tokenizer.random_mask:
    #   tot_mask_num = min(L-1, max(1, int(L*rate)))
    #   mask_ids = torch.multinomial(torch.ones(B, L), tot_mask_num, replacement=False)
    #   -> uniform sampling without replacement == top-k indices of iid uniform noise
    #   xmask = sum(one_hot(mask_ids, L), dim=1)  -> scatter-set of ones at sampled ids
    #   x = x_tokens * (1 - xmask) + xmask * MASK
    Bb, Ll = x_tokens.shape
    tot_mask_num = Ll - 1
    noise = jax.random.uniform(jax.random.key(42), (Bb, Ll))
    noise = noise * jnp.asarray(rate, noise.dtype)
    _, mask_ids = jax.lax.top_k(noise, tot_mask_num)
    xmask = jnp.zeros((Bb, Ll), jnp.int32).at[jnp.arange(Bb)[:, None], mask_ids].set(1)
    x = x_tokens * (1 - xmask) + xmask * MASK_TOKEN
    return (x, xmask)

if __name__ == "__main__":
    import jax
    _d = setup_inputs()
    print(jax.jit(kernel)(*tuple(_d.values())))

</pallas_src>

<mosaic_0001>
#map = affine_map<(d0, d1) -> (0)>
module attributes {stable_mosaic.version = 14 : i64} {
  func.func @_sc_body(%arg0: i32, %arg1: i32, %arg2: memref<16xf32, #tpu.memory_space<hbm>>, %arg3: memref<262144xf32, #tpu.memory_space<hbm>>, %arg4: memref<512xf32, #tpu.memory_space<hbm>>, %arg5: memref<2048xf32, #tpu.memory_space<vmem>>, %arg6: memref<2048xf32, #tpu.memory_space<vmem>>, %arg7: memref<16xf32, #tpu.memory_space<vmem>>, %arg8: memref<16xf32, #tpu.memory_space<vmem>>, %arg9: memref<!tpu.dma_semaphore, #tpu.memory_space<semaphore_mem>>) attributes {dimension_semantics = [#tpu.dimension_semantics<core_parallel>, #tpu.dimension_semantics<subcore_parallel>], iteration_bounds = array<i64: 2, 16>, scalar_prefetch = 0 : i64, scratch_operands = 5 : i64, tpu.core_type = #tpu.core_type<sc_vector_subcore>, window_params = [{transform_indices = #map}, {transform_indices = #map}, {transform_indices = #map}]} {
    %iota3A = tpu.iota {dimensions = array<i32: 0>} : vector<16xi32>
    %mul3A = arith.constant 2 : i32
    %mul3A_0 = arith.muli %arg1, %mul3A : i32
    %add3A = arith.addi %mul3A_0, %arg0 : i32
    %mul3A_1 = arith.constant 4 : i32
    %mul3A_2 = arith.muli %add3A, %mul3A_1 : i32
    %mul3A_3 = arith.constant 2048 : i32
    %mul3A_4 = arith.muli %mul3A_2, %mul3A_3 : i32
    %dma_start3A = tpu.memref_slice %arg3[%mul3A_4] : memref<262144xf32, #tpu.memory_space<hbm>> -> memref<2048xf32, #tpu.memory_space<hbm>>
    %dma_start3A_5 = tpu.memref_slice %arg3[%mul3A_4] : memref<262144xf32, #tpu.memory_space<hbm>> -> memref<2048xf32, #tpu.memory_space<hbm>>
    tpu.enqueue_dma source(%dma_start3A_5 : memref<2048xf32, #tpu.memory_space<hbm>>) target(%arg5 : memref<2048xf32, #tpu.memory_space<vmem>>) target_semaphore(%arg9 : memref<!tpu.dma_semaphore, #tpu.memory_space<semaphore_mem>>)
    "tpu.region"() ({
      %run_scoped3A = tpu.sem_alloc : memref<!tpu.dma_semaphore, #tpu.memory_space<semaphore_mem>>
      tpu.enqueue_dma source(%arg2 : memref<16xf32, #tpu.memory_space<hbm>>) target(%arg7 : memref<16xf32, #tpu.memory_space<vmem>>) target_semaphore(%run_scoped3A : memref<!tpu.dma_semaphore, #tpu.memory_space<semaphore_mem>>)
      tpu.wait_dma2 semaphore(%run_scoped3A : memref<!tpu.dma_semaphore, #tpu.memory_space<semaphore_mem>>) src(%arg2 : memref<16xf32, #tpu.memory_space<hbm>>) dst(%arg7 : memref<16xf32, #tpu.memory_space<vmem>>)
      tpu.yield
    }) : () -> ()
    %get3A = arith.constant 0 : index
    %get3A_6 = tpu.vector_load %arg7[%get3A] {strides = array<i32>} : memref<16xf32, #tpu.memory_space<vmem>>, vector<16xf32>,
    %get3A_7 = vector.shape_cast %get3A_6 : vector<16xf32> to vector<16xf32>
    %broadcast_in_dim3A = arith.constant 0.000000e+00 : f32
    %broadcast_in_dim3A_8 = vector.broadcast %broadcast_in_dim3A : f32 to vector<16xf32>
    %add3A_9 = arith.constant 0 : i32
    %add3A_10 = arith.addi %mul3A_2, %add3A_9 : i32
    %dma_wait3A = tpu.memref_slice %arg3[%mul3A_4] : memref<262144xf32, #tpu.memory_space<hbm>> -> memref<2048xf32, #tpu.memory_space<hbm>>
    %dma_wait3A_11 = tpu.memref_slice %arg3[%mul3A_4] : memref<262144xf32, #tpu.memory_space<hbm>> -> memref<2048xf32, #tpu.memory_space<hbm>>
    tpu.wait_dma2 semaphore(%arg9 : memref<!tpu.dma_semaphore, #tpu.memory_space<semaphore_mem>>) src(%dma_wait3A_11 : memref<2048xf32, #tpu.memory_space<hbm>>) dst(%arg5 : memref<2048xf32, #tpu.memory_space<vmem>>)
    %add3A_12 = arith.constant 1 : i32
    %add3A_13 = arith.addi %add3A_10, %add3A_12 : i32
    %mul3A_14 = arith.constant 2048 : i32
    %mul3A_15 = arith.muli %add3A_13, %mul3A_14 : i32
    %dma_start3A_16 = tpu.memref_slice %arg3[%mul3A_15] : memref<262144xf32, #tpu.memory_space<hbm>> -> memref<2048xf32, #tpu.memory_space<hbm>>
    %dma_start3A_17 = tpu.memref_slice %arg3[%mul3A_15] : memref<262144xf32, #tpu.memory_space<hbm>> -> memref<2048xf32, #tpu.memory_space<hbm>>
    tpu.enqueue_dma source(%dma_start3A_17 : memref<2048xf32, #tpu.memory_space<hbm>>) target(%arg6 : memref<2048xf32, #tpu.memory_space<vmem>>) target_semaphore(%arg9 : memref<!tpu.dma_semaphore, #tpu.memory_space<semaphore_mem>>)
    %broadcast_in_dim3A_18 = arith.constant 0x7F800000 : f32
    %broadcast_in_dim3A_19 = vector.broadcast %broadcast_in_dim3A_18 : f32 to vector<16xf32>
    %scan3A = arith.constant 0 : i32
    %scan3A_20 = arith.constant 8 : i32
    %scan3A_21 = arith.addi %scan3A, %scan3A_20 : i32
    %scan3A_22 = arith.constant 1 : i32
    %scan3A_23:9 = scf.for %scan3A_873 = %scan3A to %scan3A_21 step %scan3A_22 iter_args(%scan3A_874 = %broadcast_in_dim3A_19, %scan3A_875 = %broadcast_in_dim3A_19, %scan3A_876 = %broadcast_in_dim3A_19, %scan3A_877 = %broadcast_in_dim3A_19, %scan3A_878 = %iota3A, %scan3A_879 = %iota3A, %scan3A_880 = %iota3A, %scan3A_881 = %iota3A, %scan3A_882 = %iota3A) -> (vector<16xf32>, vector<16xf32>, vector<16xf32>, vector<16xf32>, vector<16xi32>, vector<16xi32>, vector<16xi32>, vector<16xi32>, vector<16xi32>)  : i32 {
      %mul3A_883 = arith.constant 16 : i32
      %mul3A_884 = arith.muli %scan3A_873, %mul3A_883 : i32
      %add3A_885 = arith.constant 0 : i32
      %add3A_886 = arith.addi %mul3A_884, %add3A_885 : i32
      %mul3A_887 = arith.constant 16 : i32
      %mul3A_888 = arith.muli %add3A_886, %mul3A_887 : i32
      %get3A_889 = arith.index_cast %mul3A_888 : i32 to index
      %get3A_890 = tpu.vector_load %arg5[%get3A_889] {strides = array<i32>} : memref<2048xf32, #tpu.memory_space<vmem>>, vector<16xf32>,
      %get3A_891 = vector.shape_cast %get3A_890 : vector<16xf32> to vector<16xf32>
      %mul3A_892 = arith.mulf %get3A_891, %get3A_7 : vector<16xf32>
      %add3A_893 = arith.constant 0 : i32
      %add3A_894 = vector.broadcast %add3A_893 : i32 to vector<16xi32>
      %add3A_895 = arith.addi %scan3A_882, %add3A_894 : vector<16xi32>
      %le3A = arith.cmpf ole, %mul3A_892, %scan3A_874 : vector<16xf32>
      %select_n3A_896 = arith.select %le3A, %mul3A_892, %scan3A_874 : vector<16xi1>, vector<16xf32>
      %select_n3A_897 = arith.select %le3A, %add3A_895, %scan3A_878 : vector<16xi1>, vector<16xi32>
      %mul3A_898 = arith.constant 16 : i32
      %mul3A_899 = arith.muli %scan3A_873, %mul3A_898 : i32
      %add3A_900 = arith.constant 1 : i32
      %add3A_901 = arith.addi %mul3A_899, %add3A_900 : i32
      %mul3A_902 = arith.constant 16 : i32
      %mul3A_903 = arith.muli %add3A_901, %mul3A_902 : i32
      %get3A_904 = arith.index_cast %mul3A_903 : i32 to index
      %get3A_905 = tpu.vector_load %arg5[%get3A_904] {strides = array<i32>} : memref<2048xf32, #tpu.memory_space<vmem>>, vector<16xf32>,
      %get3A_906 = vector.shape_cast %get3A_905 : vector<16xf32> to vector<16xf32>
      %mul3A_907 = arith.mulf %get3A_906, %get3A_7 : vector<16xf32>
      %add3A_908 = arith.constant 16 : i32
      %add3A_909 = vector.broadcast %add3A_908 : i32 to vector<16xi32>
      %add3A_910 = arith.addi %scan3A_882, %add3A_909 : vector<16xi32>
      %le3A_911 = arith.cmpf ole, %mul3A_907, %scan3A_875 : vector<16xf32>
      %select_n3A_912 = arith.select %le3A_911, %mul3A_907, %scan3A_875 : vector<16xi1>, vector<16xf32>
      %select_n3A_913 = arith.select %le3A_911, %add3A_910, %scan3A_879 : vector<16xi1>, vector<16xi32>
      %mul3A_914 = arith.constant 16 : i32
      %mul3A_915 = arith.muli %scan3A_873, %mul3A_914 : i32
      %add3A_916 = arith.constant 2 : i32
      %add3A_917 = arith.addi %mul3A_915, %add3A_916 : i32
      %mul3A_918 = arith.constant 16 : i32
      %mul3A_919 = arith.muli %add3A_917, %mul3A_918 : i32
      %get3A_920 = arith.index_cast %mul3A_919 : i32 to index
      %get3A_921 = tpu.vector_load %arg5[%get3A_920] {strides = array<i32>} : memref<2048xf32, #tpu.memory_space<vmem>>, vector<16xf32>,
      %get3A_922 = vector.shape_cast %get3A_921 : vector<16xf32> to vector<16xf32>
      %mul3A_923 = arith.mulf %get3A_922, %get3A_7 : vector<16xf32>
      %add3A_924 = arith.constant 32 : i32
      %add3A_925 = vector.broadcast %add3A_924 : i32 to vector<16xi32>
      %add3A_926 = arith.addi %scan3A_882, %add3A_925 : vector<16xi32>
      %le3A_927 = arith.cmpf ole, %mul3A_923, %scan3A_876 : vector<16xf32>
      %select_n3A_928 = arith.select %le3A_927, %mul3A_923, %scan3A_876 : vector<16xi1>, vector<16xf32>
      %select_n3A_929 = arith.select %le3A_927, %add3A_926, %scan3A_880 : vector<16xi1>, vector<16xi32>
      %mul3A_930 = arith.constant 16 : i32
      %mul3A_931 = arith.muli %scan3A_873, %mul3A_930 : i32
      %add3A_932 = arith.constant 3 : i32
      %add3A_933 = arith.addi %mul3A_931, %add3A_932 : i32
      %mul3A_934 = arith.constant 16 : i32
      %mul3A_935 = arith.muli %add3A_933, %mul3A_934 : i32
      %get3A_936 = arith.index_cast %mul3A_935 : i32 to index
      %get3A_937 = tpu.vector_load %arg5[%get3A_936] {strides = array<i32>} : memref<2048xf32, #tpu.memory_space<vmem>>, vector<16xf32>,
      %get3A_938 = vector.shape_cast %get3A_937 : vector<16xf32> to vector<16xf32>
      %mul3A_939 = arith.mulf %get3A_938, %get3A_7 : vector<16xf32>
      %add3A_940 = arith.constant 48 : i32
      %add3A_941 = vector.broadcast %add3A_940 : i32 to vector<16xi32>
      %add3A_942 = arith.addi %scan3A_882, %add3A_941 : vector<16xi32>
      %le3A_943 = arith.cmpf ole, %mul3A_939, %scan3A_877 : vector<16xf32>
      %select_n3A_944 = arith.select %le3A_943, %mul3A_939, %scan3A_877 : vector<16xi1>, vector<16xf32>
      %select_n3A_945 = arith.select %le3A_943, %add3A_942, %scan3A_881 : vector<16xi1>, vector<16xi32>
      %mul3A_946 = arith.constant 16 : i32
      %mul3A_947 = arith.muli %scan3A_873, %mul3A_946 : i32
      %add3A_948 = arith.constant 4 : i32
      %add3A_949 = arith.addi %mul3A_947, %add3A_948 : i32
      %mul3A_950 = arith.constant 16 : i32
      %mul3A_951 = arith.muli %add3A_949, %mul3A_950 : i32
      %get3A_952 = arith.index_cast %mul3A_951 : i32 to index
      %get3A_953 = tpu.vector_load %arg5[%get3A_952] {strides = array<i32>} : memref<2048xf32, #tpu.memory_space<vmem>>, vector<16xf32>,
      %get3A_954 = vector.shape_cast %get3A_953 : vector<16xf32> to vector<16xf32>
      %mul3A_955 = arith.mulf %get3A_954, %get3A_7 : vector<16xf32>
      %add3A_956 = arith.constant 64 : i32
      %add3A_957 = vector.broadcast %add3A_956 : i32 to vector<16xi32>
      %add3A_958 = arith.addi %scan3A_882, %add3A_957 : vector<16xi32>
      %le3A_959 = arith.cmpf ole, %mul3A_955, %select_n3A_896 : vector<16xf32>
      %select_n3A_960 = arith.select %le3A_959, %mul3A_955, %select_n3A_896 : vector<16xi1>, vector<16xf32>
      %select_n3A_961 = arith.select %le3A_959, %add3A_958, %select_n3A_897 : vector<16xi1>, vector<16xi32>
      %mul3A_962 = arith.constant 16 : i32
      %mul3A_963 = arith.muli %scan3A_873, %mul3A_962 : i32
      %add3A_964 = arith.constant 5 : i32
      %add3A_965 = arith.addi %mul3A_963, %add3A_964 : i32
      %mul3A_966 = arith.constant 16 : i32
      %mul3A_967 = arith.muli %add3A_965, %mul3A_966 : i32
      %get3A_968 = arith.index_cast %mul3A_967 : i32 to index
      %get3A_969 = tpu.vector_load %arg5[%get3A_968] {strides = array<i32>} : memref<2048xf32, #tpu.memory_space<vmem>>, vector<16xf32>,
      %get3A_970 = vector.shape_cast %get3A_969 : vector<16xf32> to vector<16xf32>
      %mul3A_971 = arith.mulf %get3A_970, %get3A_7 : vector<16xf32>
      %add3A_972 = arith.constant 80 : i32
      %add3A_973 = vector.broadcast %add3A_972 : i32 to vector<16xi32>
      %add3A_974 = arith.addi %scan3A_882, %add3A_973 : vector<16xi32>
      %le3A_975 = arith.cmpf ole, %mul3A_971, %select_n3A_912 : vector<16xf32>
      %select_n3A_976 = arith.select %le3A_975, %mul3A_971, %select_n3A_912 : vector<16xi1>, vector<16xf32>
      %select_n3A_977 = arith.select %le3A_975, %add3A_974, %select_n3A_913 : vector<16xi1>, vector<16xi32>
      %mul3A_978 = arith.constant 16 : i32
      %mul3A_979 = arith.muli %scan3A_873, %mul3A_978 : i32
      %add3A_980 = arith.constant 6 : i32
      %add3A_981 = arith.addi %mul3A_979, %add3A_980 : i32
      %mul3A_982 = arith.constant 16 : i32
      %mul3A_983 = arith.muli %add3A_981, %mul3A_982 : i32
      %get3A_984 = arith.index_cast %mul3A_983 : i32 to index
      %get3A_985 = tpu.vector_load %arg5[%get3A_984] {strides = array<i32>} : memref<2048xf32, #tpu.memory_space<vmem>>, vector<16xf32>,
      %get3A_986 = vector.shape_cast %get3A_985 : vector<16xf32> to vector<16xf32>
      %mul3A_987 = arith.mulf %get3A_986, %get3A_7 : vector<16xf32>
      %add3A_988 = arith.constant 96 : i32
      %add3A_989 = vector.broadcast %add3A_988 : i32 to vector<16xi32>
      %add3A_990 = arith.addi %scan3A_882, %add3A_989 : vector<16xi32>
      %le3A_991 = arith.cmpf ole, %mul3A_987, %select_n3A_928 : vector<16xf32>
      %select_n3A_992 = arith.select %le3A_991, %mul3A_987, %select_n3A_928 : vector<16xi1>, vector<16xf32>
      %select_n3A_993 = arith.select %le3A_991, %add3A_990, %select_n3A_929 : vector<16xi1>, vector<16xi32>
      %mul3A_994 = arith.constant 16 : i32
      %mul3A_995 = arith.muli %scan3A_873, %mul3A_994 : i32
      %add3A_996 = arith.constant 7 : i32
      %add3A_997 = arith.addi %mul3A_995, %add3A_996 : i32
      %mul3A_998 = arith.constant 16 : i32
      %mul3A_999 = arith.muli %add3A_997, %mul3A_998 : i32
      %get3A_1000 = arith.index_cast %mul3A_999 : i32 to index
      %get3A_1001 = tpu.vector_load %arg5[%get3A_1000] {strides = array<i32>} : memref<2048xf32, #tpu.memory_space<vmem>>, vector<16xf32>,
      %get3A_1002 = vector.shape_cast %get3A_1001 : vector<16xf32> to vector<16xf32>
      %mul3A_1003 = arith.mulf %get3A_1002, %get3A_7 : vector<16xf32>
      %add3A_1004 = arith.constant 112 : i32
      %add3A_1005 = vector.broadcast %add3A_1004 : i32 to vector<16xi32>
      %add3A_1006 = arith.addi %scan3A_882, %add3A_1005 : vector<16xi32>
      %le3A_1007 = arith.cmpf ole, %mul3A_1003, %select_n3A_944 : vector<16xf32>
      %select_n3A_1008 = arith.select %le3A_1007, %mul3A_1003, %select_n3A_944 : vector<16xi1>, vector<16xf32>
      %select_n3A_1009 = arith.select %le3A_1007, %add3A_1006, %select_n3A_945 : vector<16xi1>, vector<16xi32>
      %mul3A_1010 = arith.constant 16 : i32
      %mul3A_1011 = arith.muli %scan3A_873, %mul3A_1010 : i32
      %add3A_1012 = arith.constant 8 : i32
      %add3A_1013 = arith.addi %mul3A_1011, %add3A_1012 : i32
      %mul3A_1014 = arith.constant 16 : i32
      %mul3A_1015 = arith.muli %add3A_1013, %mul3A_1014 : i32
      %get3A_1016 = arith.index_cast %mul3A_1015 : i32 to index
      %get3A_1017 = tpu.vector_load %arg5[%get3A_1016] {strides = array<i32>} : memref<2048xf32, #tpu.memory_space<vmem>>, vector<16xf32>,
      %get3A_1018 = vector.shape_cast %get3A_1017 : vector<16xf32> to vector<16xf32>
      %mul3A_1019 = arith.mulf %get3A_1018, %get3A_7 : vector<16xf32>
      %add3A_1020 = arith.constant 128 : i32
      %add3A_1021 = vector.broadcast %add3A_1020 : i32 to vector<16xi32>
      %add3A_1022 = arith.addi %scan3A_882, %add3A_1021 : vector<16xi32>
      %le3A_1023 = arith.cmpf ole, %mul3A_1019, %select_n3A_960 : vector<16xf32>
      %select_n3A_1024 = arith.select %le3A_1023, %mul3A_1019, %select_n3A_960 : vector<16xi1>, vector<16xf32>
      %select_n3A_1025 = arith.select %le3A_1023, %add3A_1022, %select_n3A_961 : vector<16xi1>, vector<16xi32>
      %mul3A_1026 = arith.constant 16 : i32
      %mul3A_1027 = arith.muli %scan3A_873, %mul3A_1026 : i32
      %add3A_1028 = arith.constant 9 : i32
      %add3A_1029 = arith.addi %mul3A_1027, %add3A_1028 : i32
      %mul3A_1030 = arith.constant 16 : i32
      %mul3A_1031 = arith.muli %add3A_1029, %mul3A_1030 : i32
      %get3A_1032 = arith.index_cast %mul3A_1031 : i32 to index
      %get3A_1033 = tpu.vector_load %arg5[%get3A_1032] {strides = array<i32>} : memref<2048xf32, #tpu.memory_space<vmem>>, vector<16xf32>,
      %get3A_1034 = vector.shape_cast %get3A_1033 : vector<16xf32> to vector<16xf32>
      %mul3A_1035 = arith.mulf %get3A_1034, %get3A_7 : vector<16xf32>
      %add3A_1036 = arith.constant 144 : i32
      %add3A_1037 = vector.broadcast %add3A_1036 : i32 to vector<16xi32>
      %add3A_1038 = arith.addi %scan3A_882, %add3A_1037 : vector<16xi32>
      %le3A_1039 = arith.cmpf ole, %mul3A_1035, %select_n3A_976 : vector<16xf32>
      %select_n3A_1040 = arith.select %le3A_1039, %mul3A_1035, %select_n3A_976 : vector<16xi1>, vector<16xf32>
      %select_n3A_1041 = arith.select %le3A_1039, %add3A_1038, %select_n3A_977 : vector<16xi1>, vector<16xi32>
      %mul3A_1042 = arith.constant 16 : i32
      %mul3A_1043 = arith.muli %scan3A_873, %mul3A_1042 : i32
      %add3A_1044 = arith.constant 10 : i32
      %add3A_1045 = arith.addi %mul3A_1043, %add3A_1044 : i32
      %mul3A_1046 = arith.constant 16 : i32
      %mul3A_1047 = arith.muli %add3A_1045, %mul3A_1046 : i32
      %get3A_1048 = arith.index_cast %mul3A_1047 : i32 to index
      %get3A_1049 = tpu.vector_load %arg5[%get3A_1048] {strides = array<i32>} : memref<2048xf32, #tpu.memory_space<vmem>>, vector<16xf32>,
      %get3A_1050 = vector.shape_cast %get3A_1049 : vector<16xf32> to vector<16xf32>
      %mul3A_1051 = arith.mulf %get3A_1050, %get3A_7 : vector<16xf32>
      %add3A_1052 = arith.constant 160 : i32
      %add3A_1053 = vector.broadcast %add3A_1052 : i32 to vector<16xi32>
      %add3A_1054 = arith.addi %scan3A_882, %add3A_1053 : vector<16xi32>
      %le3A_1055 = arith.cmpf ole, %mul3A_1051, %select_n3A_992 : vector<16xf32>
      %select_n3A_1056 = arith.select %le3A_1055, %mul3A_1051, %select_n3A_992 : vector<16xi1>, vector<16xf32>
      %select_n3A_1057 = arith.select %le3A_1055, %add3A_1054, %select_n3A_993 : vector<16xi1>, vector<16xi32>
      %mul3A_1058 = arith.constant 16 : i32
      %mul3A_1059 = arith.muli %scan3A_873, %mul3A_1058 : i32
      %add3A_1060 = arith.constant 11 : i32
      %add3A_1061 = arith.addi %mul3A_1059, %add3A_1060 : i32
      %mul3A_1062 = arith.constant 16 : i32
      %mul3A_1063 = arith.muli %add3A_1061, %mul3A_1062 : i32
      %get3A_1064 = arith.index_cast %mul3A_1063 : i32 to index
      %get3A_1065 = tpu.vector_load %arg5[%get3A_1064] {strides = array<i32>} : memref<2048xf32, #tpu.memory_space<vmem>>, vector<16xf32>,
      %get3A_1066 = vector.shape_cast %get3A_1065 : vector<16xf32> to vector<16xf32>
      %mul3A_1067 = arith.mulf %get3A_1066, %get3A_7 : vector<16xf32>
      %add3A_1068 = arith.constant 176 : i32
      %add3A_1069 = vector.broadcast %add3A_1068 : i32 to vector<16xi32>
      %add3A_1070 = arith.addi %scan3A_882, %add3A_1069 : vector<16xi32>
      %le3A_1071 = arith.cmpf ole, %mul3A_1067, %select_n3A_1008 : vector<16xf32>
      %select_n3A_1072 = arith.select %le3A_1071, %mul3A_1067, %select_n3A_1008 : vector<16xi1>, vector<16xf32>
      %select_n3A_1073 = arith.select %le3A_1071, %add3A_1070, %select_n3A_1009 : vector<16xi1>, vector<16xi32>
      %mul3A_1074 = arith.constant 16 : i32
      %mul3A_1075 = arith.muli %scan3A_873, %mul3A_1074 : i32
      %add3A_1076 = arith.constant 12 : i32
      %add3A_1077 = arith.addi %mul3A_1075, %add3A_1076 : i32
      %mul3A_1078 = arith.constant 16 : i32
      %mul3A_1079 = arith.muli %add3A_1077, %mul3A_1078 : i32
      %get3A_1080 = arith.index_cast %mul3A_1079 : i32 to index
      %get3A_1081 = tpu.vector_load %arg5[%get3A_1080] {strides = array<i32>} : memref<2048xf32, #tpu.memory_space<vmem>>, vector<16xf32>,
      %get3A_1082 = vector.shape_cast %get3A_1081 : vector<16xf32> to vector<16xf32>
      %mul3A_1083 = arith.mulf %get3A_1082, %get3A_7 : vector<16xf32>
      %add3A_1084 = arith.constant 192 : i32
      %add3A_1085 = vector.broadcast %add3A_1084 : i32 to vector<16xi32>
      %add3A_1086 = arith.addi %scan3A_882, %add3A_1085 : vector<16xi32>
      %le3A_1087 = arith.cmpf ole, %mul3A_1083, %select_n3A_1024 : vector<16xf32>
      %select_n3A_1088 = arith.select %le3A_1087, %mul3A_1083, %select_n3A_1024 : vector<16xi1>, vector<16xf32>
      %select_n3A_1089 = arith.select %le3A_1087, %add3A_1086, %select_n3A_1025 : vector<16xi1>, vector<16xi32>
      %mul3A_1090 = arith.constant 16 : i32
      %mul3A_1091 = arith.muli %scan3A_873, %mul3A_1090 : i32
      %add3A_1092 = arith.constant 13 : i32
      %add3A_1093 = arith.addi %mul3A_1091, %add3A_1092 : i32
      %mul3A_1094 = arith.constant 16 : i32
      %mul3A_1095 = arith.muli %add3A_1093, %mul3A_1094 : i32
      %get3A_1096 = arith.index_cast %mul3A_1095 : i32 to index
      %get3A_1097 = tpu.vector_load %arg5[%get3A_1096] {strides = array<i32>} : memref<2048xf32, #tpu.memory_space<vmem>>, vector<16xf32>,
      %get3A_1098 = vector.shape_cast %get3A_1097 : vector<16xf32> to vector<16xf32>
      %mul3A_1099 = arith.mulf %get3A_1098, %get3A_7 : vector<16xf32>
      %add3A_1100 = arith.constant 208 : i32
      %add3A_1101 = vector.broadcast %add3A_1100 : i32 to vector<16xi32>
      %add3A_1102 = arith.addi %scan3A_882, %add3A_1101 : vector<16xi32>
      %le3A_1103 = arith.cmpf ole, %mul3A_1099, %select_n3A_1040 : vector<16xf32>
      %select_n3A_1104 = arith.select %le3A_1103, %mul3A_1099, %select_n3A_1040 : vector<16xi1>, vector<16xf32>
      %select_n3A_1105 = arith.select %le3A_1103, %add3A_1102, %select_n3A_1041 : vector<16xi1>, vector<16xi32>
      %mul3A_1106 = arith.constant 16 : i32
      %mul3A_1107 = arith.muli %scan3A_873, %mul3A_1106 : i32
      %add3A_1108 = arith.constant 14 : i32
      %add3A_1109 = arith.addi %mul3A_1107, %add3A_1108 : i32
      %mul3A_1110 = arith.constant 16 : i32
      %mul3A_1111 = arith.muli %add3A_1109, %mul3A_1110 : i32
      %get3A_1112 = arith.index_cast %mul3A_1111 : i32 to index
      %get3A_1113 = tpu.vector_load %arg5[%get3A_1112] {strides = array<i32>} : memref<2048xf32, #tpu.memory_space<vmem>>, vector<16xf32>,
      %get3A_1114 = vector.shape_cast %get3A_1113 : vector<16xf32> to vector<16xf32>
      %mul3A_1115 = arith.mulf %get3A_1114, %get3A_7 : vector<16xf32>
      %add3A_1116 = arith.constant 224 : i32
      %add3A_1117 = vector.broadcast %add3A_1116 : i32 to vector<16xi32>
      %add3A_1118 = arith.addi %scan3A_882, %add3A_1117 : vector<16xi32>
      %le3A_1119 = arith.cmpf ole, %mul3A_1115, %select_n3A_1056 : vector<16xf32>
      %select_n3A_1120 = arith.select %le3A_1119, %mul3A_1115, %select_n3A_1056 : vector<16xi1>, vector<16xf32>
      %select_n3A_1121 = arith.select %le3A_1119, %add3A_1118, %select_n3A_1057 : vector<16xi1>, vector<16xi32>
      %mul3A_1122 = arith.constant 16 : i32
      %mul3A_1123 = arith.muli %scan3A_873, %mul3A_1122 : i32
      %add3A_1124 = arith.constant 15 : i32
      %add3A_1125 = arith.addi %mul3A_1123, %add3A_1124 : i32
      %mul3A_1126 = arith.constant 16 : i32
      %mul3A_1127 = arith.muli %add3A_1125, %mul3A_1126 : i32
      %get3A_1128 = arith.index_cast %mul3A_1127 : i32 to index
      %get3A_1129 = tpu.vector_load %arg5[%get3A_1128] {strides = array<i32>} : memref<2048xf32, #tpu.memory_space<vmem>>, vector<16xf32>,
      %get3A_1130 = vector.shape_cast %get3A_1129 : vector<16xf32> to vector<16xf32>
      %mul3A_1131 = arith.mulf %get3A_1130, %get3A_7 : vector<16xf32>
      %add3A_1132 = arith.constant 240 : i32
      %add3A_1133 = vector.broadcast %add3A_1132 : i32 to vector<16xi32>
      %add3A_1134 = arith.addi %scan3A_882, %add3A_1133 : vector<16xi32>
      %le3A_1135 = arith.cmpf ole, %mul3A_1131, %select_n3A_1072 : vector<16xf32>
      %select_n3A_1136 = arith.select %le3A_1135, %mul3A_1131, %select_n3A_1072 : vector<16xi1>, vector<16xf32>
      %select_n3A_1137 = arith.select %le3A_1135, %add3A_1134, %select_n3A_1073 : vector<16xi1>, vector<16xi32>
      %add3A_1138 = arith.constant 256 : i32
      %add3A_1139 = vector.broadcast %add3A_1138 : i32 to vector<16xi32>
      %add3A_1140 = arith.addi %scan3A_882, %add3A_1139 : vector<16xi32>
      scf.yield %select_n3A_1088, %select_n3A_1104, %select_n3A_1120, %select_n3A_1136, %select_n3A_1089, %select_n3A_1105, %select_n3A_1121, %select_n3A_1137, %add3A_1140 : vector<16xf32>, vector<16xf32>, vector<16xf32>, vector<16xf32>, vector<16xi32>, vector<16xi32>, vector<16xi32>, vector<16xi32>, vector<16xi32>
    }
    %scan3A_24 = arith.constant 8 : i32
    %lt3A = arith.cmpf olt, %scan3A_23#1, %scan3A_23#0 : vector<16xf32>
    %eq3A = arith.cmpf oeq, %scan3A_23#1, %scan3A_23#0 : vector<16xf32>
    %gt3A = arith.cmpi sgt, %scan3A_23#5, %scan3A_23#4 : vector<16xi32>
    %and3A = arith.andi %eq3A, %gt3A : vector<16xi1>
    %or3A = arith.ori %lt3A, %and3A : vector<16xi1>
    %select_n3A = arith.select %or3A, %scan3A_23#1, %scan3A_23#0 : vector<16xi1>, vector<16xf32>
    %select_n3A_25 = arith.select %or3A, %scan3A_23#5, %scan3A_23#4 : vector<16xi1>, vector<16xi32>
    %lt3A_26 = arith.cmpf olt, %scan3A_23#2, %select_n3A : vector<16xf32>
    %eq3A_27 = arith.cmpf oeq, %scan3A_23#2, %select_n3A : vector<16xf32>
    %gt3A_28 = arith.cmpi sgt, %scan3A_23#6, %select_n3A_25 : vector<16xi32>
    %and3A_29 = arith.andi %eq3A_27, %gt3A_28 : vector<16xi1>
    %or3A_30 = arith.ori %lt3A_26, %and3A_29 : vector<16xi1>
    %select_n3A_31 = arith.select %or3A_30, %scan3A_23#2, %select_n3A : vector<16xi1>, vector<16xf32>
    %select_n3A_32 = arith.select %or3A_30, %scan3A_23#6, %select_n3A_25 : vector<16xi1>, vector<16xi32>
    %lt3A_33 = arith.cmpf olt, %scan3A_23#3, %select_n3A_31 : vector<16xf32>
    %eq3A_34 = arith.cmpf oeq, %scan3A_23#3, %select_n3A_31 : vector<16xf32>
    %gt3A_35 = arith.cmpi sgt, %scan3A_23#7, %select_n3A_32 : vector<16xi32>
    %and3A_36 = arith.andi %eq3A_34, %gt3A_35 : vector<16xi1>
    %or3A_37 = arith.ori %lt3A_33, %and3A_36 : vector<16xi1>
    %select_n3A_38 = arith.select %or3A_37, %scan3A_23#3, %select_n3A_31 : vector<16xi1>, vector<16xf32>
    %select_n3A_39 = arith.select %or3A_37, %scan3A_23#7, %select_n3A_32 : vector<16xi1>, vector<16xi32>
    %slice3A = vector.extract_strided_slice %select_n3A_38 {offsets = [0], sizes = [1], strides = [1]} : vector<16xf32> to vector<1xf32>
    %squeeze3A = vector.extract %slice3A[0] : f32 from vector<1xf32>
    %slice3A_40 = vector.extract_strided_slice %select_n3A_39 {offsets = [0], sizes = [1], strides = [1]} : vector<16xi32> to vector<1xi32>
    %squeeze3A_41 = vector.extract %slice3A_40[0] : i32 from vector<1xi32>
    %slice3A_42 = vector.extract_strided_slice %select_n3A_38 {offsets = [1], sizes = [1], strides = [1]} : vector<16xf32> to vector<1xf32>
    %squeeze3A_43 = vector.extract %slice3A_42[0] : f32 from vector<1xf32>
    %slice3A_44 = vector.extract_strided_slice %select_n3A_39 {offsets = [1], sizes = [1], strides = [1]} : vector<16xi32> to vector<1xi32>
    %squeeze3A_45 = vector.extract %slice3A_44[0] : i32 from vector<1xi32>
    %lt3A_46 = arith.cmpf olt, %squeeze3A_43, %squeeze3A : f32
    %eq3A_47 = arith.cmpf oeq, %squeeze3A_43, %squeeze3A : f32
    %gt3A_48 = arith.cmpi sgt, %squeeze3A_45, %squeeze3A_41 : i32
    %and3A_49 = arith.andi %eq3A_47, %gt3A_48 : i1
    %or3A_50 = arith.ori %lt3A_46, %and3A_49 : i1
    %select_n3A_51 = arith.select %or3A_50, %squeeze3A_43, %squeeze3A : f32
    %select_n3A_52 = arith.select %or3A_50, %squeeze3A_45, %squeeze3A_41 : i32
    %slice3A_53 = vector.extract_strided_slice %select_n3A_38 {offsets = [2], sizes = [1], strides = [1]} : vector<16xf32> to vector<1xf32>
    %squeeze3A_54 = vector.extract %slice3A_53[0] : f32 from vector<1xf32>
    %slice3A_55 = vector.extract_strided_slice %select_n3A_39 {offsets = [2], sizes = [1], strides = [1]} : vector<16xi32> to vector<1xi32>
    %squeeze3A_56 = vector.extract %slice3A_55[0] : i32 from vector<1xi32>
    %lt3A_57 = arith.cmpf olt, %squeeze3A_54, %select_n3A_51 : f32
    %eq3A_58 = arith.cmpf oeq, %squeeze3A_54, %select_n3A_51 : f32
    %gt3A_59 = arith.cmpi sgt, %squeeze3A_56, %select_n3A_52 : i32
    %and3A_60 = arith.andi %eq3A_58, %gt3A_59 : i1
    %or3A_61 = arith.ori %lt3A_57, %and3A_60 : i1
    %select_n3A_62 = arith.select %or3A_61, %squeeze3A_54, %select_n3A_51 : f32
    %select_n3A_63 = arith.select %or3A_61, %squeeze3A_56, %select_n3A_52 : i32
    %slice3A_64 = vector.extract_strided_slice %select_n3A_38 {offsets = [3], sizes = [1], strides = [1]} : vector<16xf32> to vector<1xf32>
    %squeeze3A_65 = vector.extract %slice3A_64[0] : f32 from vector<1xf32>
    %slice3A_66 = vector.extract_strided_slice %select_n3A_39 {offsets = [3], sizes = [1], strides = [1]} : vector<16xi32> to vector<1xi32>
    %squeeze3A_67 = vector.extract %slice3A_66[0] : i32 from vector<1xi32>
    %lt3A_68 = arith.cmpf olt, %squeeze3A_65, %select_n3A_62 : f32
    %eq3A_69 = arith.cmpf oeq, %squeeze3A_65, %select_n3A_62 : f32
    %gt3A_70 = arith.cmpi sgt, %squeeze3A_67, %select_n3A_63 : i32
    %and3A_71 = arith.andi %eq3A_69, %gt3A_70 : i1
    %or3A_72 = arith.ori %lt3A_68, %and3A_71 : i1
    %select_n3A_73 = arith.select %or3A_72, %squeeze3A_65, %select_n3A_62 : f32
    %select_n3A_74 = arith.select %or3A_72, %squeeze3A_67, %select_n3A_63 : i32
    %slice3A_75 = vector.extract_strided_slice %select_n3A_38 {offsets = [4], sizes = [1], strides = [1]} : vector<16xf32> to vector<1xf32>
    %squeeze3A_76 = vector.extract %slice3A_75[0] : f32 from vector<1xf32>
    %slice3A_77 = vector.extract_strided_slice %select_n3A_39 {offsets = [4], sizes = [1], strides = [1]} : vector<16xi32> to vector<1xi32>
    %squeeze3A_78 = vector.extract %slice3A_77[0] : i32 from vector<1xi32>
    %lt3A_79 = arith.cmpf olt, %squeeze3A_76, %select_n3A_73 : f32
    %eq3A_80 = arith.cmpf oeq, %squeeze3A_76, %select_n3A_73 : f32
    %gt3A_81 = arith.cmpi sgt, %squeeze3A_78, %select_n3A_74 : i32
    %and3A_82 = arith.andi %eq3A_80, %gt3A_81 : i1
    %or3A_83 = arith.ori %lt3A_79, %and3A_82 : i1
    %select_n3A_84 = arith.select %or3A_83, %squeeze3A_76, %select_n3A_73 : f32
    %select_n3A_85 = arith.select %or3A_83, %squeeze3A_78, %select_n3A_74 : i32
    %slice3A_86 = vector.extract_strided_slice %select_n3A_38 {offsets = [5], sizes = [1], strides = [1]} : vector<16xf32> to vector<1xf32>
    %squeeze3A_87 = vector.extract %slice3A_86[0] : f32 from vector<1xf32>
    %slice3A_88 = vector.extract_strided_slice %select_n3A_39 {offsets = [5], sizes = [1], strides = [1]} : vector<16xi32> to vector<1xi32>
    %squeeze3A_89 = vector.extract %slice3A_88[0] : i32 from vector<1xi32>
    %lt3A_90 = arith.cmpf olt, %squeeze3A_87, %select_n3A_84 : f32
    %eq3A_91 = arith.cmpf oeq, %squeeze3A_87, %select_n3A_84 : f32
    %gt3A_92 = arith.cmpi sgt, %squeeze3A_89, %select_n3A_85 : i32
    %and3A_93 = arith.andi %eq3A_91, %gt3A_92 : i1
    %or3A_94 = arith.ori %lt3A_90, %and3A_93 : i1
    %select_n3A_95 = arith.select %or3A_94, %squeeze3A_87, %select_n3A_84 : f32
    %select_n3A_96 = arith.select %or3A_94, %squeeze3A_89, %select_n3A_85 : i32
    %slice3A_97 = vector.extract_strided_slice %select_n3A_38 {offsets = [6], sizes = [1], strides = [1]} : vector<16xf32> to vector<1xf32>
    %squeeze3A_98 = vector.extract %slice3A_97[0] : f32 from vector<1xf32>
    %slice3A_99 = vector.extract_strided_slice %select_n3A_39 {offsets = [6], sizes = [1], strides = [1]} : vector<16xi32> to vector<1xi32>
    %squeeze3A_100 = vector.extract %slice3A_99[0] : i32 from vector<1xi32>
    %lt3A_101 = arith.cmpf olt, %squeeze3A_98, %select_n3A_95 : f32
    %eq3A_102 = arith.cmpf oeq, %squeeze3A_98, %select_n3A_95 : f32
    %gt3A_103 = arith.cmpi sgt, %squeeze3A_100, %select_n3A_96 : i32
    %and3A_104 = arith.andi %eq3A_102, %gt3A_103 : i1
    %or3A_105 = arith.ori %lt3A_101, %and3A_104 : i1
    %select_n3A_106 = arith.select %or3A_105, %squeeze3A_98, %select_n3A_95 : f32
    %select_n3A_107 = arith.select %or3A_105, %squeeze3A_100, %select_n3A_96 : i32
    %slice3A_108 = vector.extract_strided_slice %select_n3A_38 {offsets = [7], sizes = [1], strides = [1]} : vector<16xf32> to vector<1xf32>
    %squeeze3A_109 = vector.extract %slice3A_108[0] : f32 from vector<1xf32>
    %slice3A_110 = vector.extract_strided_slice %select_n3A_39 {offsets = [7], sizes = [1], strides = [1]} : vector<16xi32> to vector<1xi32>
    %squeeze3A_111 = vector.extract %slice3A_110[0] : i32 from vector<1xi32>
    %lt3A_112 = arith.cmpf olt, %squeeze3A_109, %select_n3A_106 : f32
    %eq3A_113 = arith.cmpf oeq, %squeeze3A_109, %select_n3A_106 : f32
    %gt3A_114 = arith.cmpi sgt, %squeeze3A_111, %select_n3A_107 : i32
    %and3A_115 = arith.andi %eq3A_113, %gt3A_114 : i1
    %or3A_116 = arith.ori %lt3A_112, %and3A_115 : i1
    %select_n3A_117 = arith.select %or3A_116, %squeeze3A_109, %select_n3A_106 : f32
    %select_n3A_118 = arith.select %or3A_116, %squeeze3A_111, %select_n3A_107 : i32
    %slice3A_119 = vector.extract_strided_slice %select_n3A_38 {offsets = [8], sizes = [1], strides = [1]} : vector<16xf32> to vector<1xf32>
    %squeeze3A_120 = vector.extract %slice3A_119[0] : f32 from vector<1xf32>
    %slice3A_121 = vector.extract_strided_slice %select_n3A_39 {offsets = [8], sizes = [1], strides = [1]} : vector<16xi32> to vector<1xi32>
    %squeeze3A_122 = vector.extract %slice3A_121[0] : i32 from vector<1xi32>
    %lt3A_123 = arith.cmpf olt, %squeeze3A_120, %select_n3A_117 : f32
    %eq3A_124 = arith.cmpf oeq, %squeeze3A_120, %select_n3A_117 : f32
    %gt3A_125 = arith.cmpi sgt, %squeeze3A_122, %select_n3A_118 : i32
    %and3A_126 = arith.andi %eq3A_124, %gt3A_125 : i1
    %or3A_127 = arith.ori %lt3A_123, %and3A_126 : i1
    %select_n3A_128 = arith.select %or3A_127, %squeeze3A_120, %select_n3A_117 : f32
    %select_n3A_129 = arith.select %or3A_127, %squeeze3A_122, %select_n3A_118 : i32
    %slice3A_130 = vector.extract_strided_slice %select_n3A_38 {offsets = [9], sizes = [1], strides = [1]} : vector<16xf32> to vector<1xf32>
    %squeeze3A_131 = vector.extract %slice3A_130[0] : f32 from vector<1xf32>
    %slice3A_132 = vector.extract_strided_slice %select_n3A_39 {offsets = [9], sizes = [1], strides = [1]} : vector<16xi32> to vector<1xi32>
    %squeeze3A_133 = vector.extract %slice3A_132[0] : i32 from vector<1xi32>
    %lt3A_134 = arith.cmpf olt, %squeeze3A_131, %select_n3A_128 : f32
    %eq3A_135 = arith.cmpf oeq, %squeeze3A_131, %select_n3A_128 : f32
    %gt3A_136 = arith.cmpi sgt, %squeeze3A_133, %select_n3A_129 : i32
    %and3A_137 = arith.andi %eq3A_135, %gt3A_136 : i1
    %or3A_138 = arith.ori %lt3A_134, %and3A_137 : i1
    %select_n3A_139 = arith.select %or3A_138, %squeeze3A_131, %select_n3A_128 : f32
    %select_n3A_140 = arith.select %or3A_138, %squeeze3A_133, %select_n3A_129 : i32
    %slice3A_141 = vector.extract_strided_slice %select_n3A_38 {offsets = [10], sizes = [1], strides = [1]} : vector<16xf32> to vector<1xf32>
    %squeeze3A_142 = vector.extract %slice3A_141[0] : f32 from vector<1xf32>
    %slice3A_143 = vector.extract_strided_slice %select_n3A_39 {offsets = [10], sizes = [1], strides = [1]} : vector<16xi32> to vector<1xi32>
    %squeeze3A_144 = vector.extract %slice3A_143[0] : i32 from vector<1xi32>
    %lt3A_145 = arith.cmpf olt, %squeeze3A_142, %select_n3A_139 : f32
    %eq3A_146 = arith.cmpf oeq, %squeeze3A_142, %select_n3A_139 : f32
    %gt3A_147 = arith.cmpi sgt, %squeeze3A_144, %select_n3A_140 : i32
    %and3A_148 = arith.andi %eq3A_146, %gt3A_147 : i1
    %or3A_149 = arith.ori %lt3A_145, %and3A_148 : i1
    %select_n3A_150 = arith.select %or3A_149, %squeeze3A_142, %select_n3A_139 : f32
    %select_n3A_151 = arith.select %or3A_149, %squeeze3A_144, %select_n3A_140 : i32
    %slice3A_152 = vector.extract_strided_slice %select_n3A_38 {offsets = [11], sizes = [1], strides = [1]} : vector<16xf32> to vector<1xf32>
    %squeeze3A_153 = vector.extract %slice3A_152[0] : f32 from vector<1xf32>
    %slice3A_154 = vector.extract_strided_slice %select_n3A_39 {offsets = [11], sizes = [1], strides = [1]} : vector<16xi32> to vector<1xi32>
    %squeeze3A_155 = vector.extract %slice3A_154[0] : i32 from vector<1xi32>
    %lt3A_156 = arith.cmpf olt, %squeeze3A_153, %select_n3A_150 : f32
    %eq3A_157 = arith.cmpf oeq, %squeeze3A_153, %select_n3A_150 : f32
    %gt3A_158 = arith.cmpi sgt, %squeeze3A_155, %select_n3A_151 : i32
    %and3A_159 = arith.andi %eq3A_157, %gt3A_158 : i1
    %or3A_160 = arith.ori %lt3A_156, %and3A_159 : i1
    %select_n3A_161 = arith.select %or3A_160, %squeeze3A_153, %select_n3A_150 : f32
    %select_n3A_162 = arith.select %or3A_160, %squeeze3A_155, %select_n3A_151 : i32
    %slice3A_163 = vector.extract_strided_slice %select_n3A_38 {offsets = [12], sizes = [1], strides = [1]} : vector<16xf32> to vector<1xf32>
    %squeeze3A_164 = vector.extract %slice3A_163[0] : f32 from vector<1xf32>
    %slice3A_165 = vector.extract_strided_slice %select_n3A_39 {offsets = [12], sizes = [1], strides = [1]} : vector<16xi32> to vector<1xi32>
    %squeeze3A_166 = vector.extract %slice3A_165[0] : i32 from vector<1xi32>
    %lt3A_167 = arith.cmpf olt, %squeeze3A_164, %select_n3A_161 : f32
    %eq3A_168 = arith.cmpf oeq, %squeeze3A_164, %select_n3A_161 : f32
    %gt3A_169 = arith.cmpi sgt, %squeeze3A_166, %select_n3A_162 : i32
    %and3A_170 = arith.andi %eq3A_168, %gt3A_169 : i1
    %or3A_171 = arith.ori %lt3A_167, %and3A_170 : i1
    %select_n3A_172 = arith.select %or3A_171, %squeeze3A_164, %select_n3A_161 : f32
    %select_n3A_173 = arith.select %or3A_171, %squeeze3A_166, %select_n3A_162 : i32
    %slice3A_174 = vector.extract_strided_slice %select_n3A_38 {offsets = [13], sizes = [1], strides = [1]} : vector<16xf32> to vector<1xf32>
    %squeeze3A_175 = vector.extract %slice3A_174[0] : f32 from vector<1xf32>
    %slice3A_176 = vector.extract_strided_slice %select_n3A_39 {offsets = [13], sizes = [1], strides = [1]} : vector<16xi32> to vector<1xi32>
    %squeeze3A_177 = vector.extract %slice3A_176[0] : i32 from vector<1xi32>
    %lt3A_178 = arith.cmpf olt, %squeeze3A_175, %select_n3A_172 : f32
    %eq3A_179 = arith.cmpf oeq, %squeeze3A_175, %select_n3A_172 : f32
    %gt3A_180 = arith.cmpi sgt, %squeeze3A_177, %select_n3A_173 : i32
    %and3A_181 = arith.andi %eq3A_179, %gt3A_180 : i1
    %or3A_182 = arith.ori %lt3A_178, %and3A_181 : i1
    %select_n3A_183 = arith.select %or3A_182, %squeeze3A_175, %select_n3A_172 : f32
    %select_n3A_184 = arith.select %or3A_182, %squeeze3A_177, %select_n3A_173 : i32
    %slice3A_185 = vector.extract_strided_slice %select_n3A_38 {offsets = [14], sizes = [1], strides = [1]} : vector<16xf32> to vector<1xf32>
    %squeeze3A_186 = vector.extract %slice3A_185[0] : f32 from vector<1xf32>
    %slice3A_187 = vector.extract_strided_slice %select_n3A_39 {offsets = [14], sizes = [1], strides = [1]} : vector<16xi32> to vector<1xi32>
    %squeeze3A_188 = vector.extract %slice3A_187[0] : i32 from vector<1xi32>
    %lt3A_189 = arith.cmpf olt, %squeeze3A_186, %select_n3A_183 : f32
    %eq3A_190 = arith.cmpf oeq, %squeeze3A_186, %select_n3A_183 : f32
    %gt3A_191 = arith.cmpi sgt, %squeeze3A_188, %select_n3A_184 : i32
    %and3A_192 = arith.andi %eq3A_190, %gt3A_191 : i1
    %or3A_193 = arith.ori %lt3A_189, %and3A_192 : i1
    %select_n3A_194 = arith.select %or3A_193, %squeeze3A_186, %select_n3A_183 : f32
    %select_n3A_195 = arith.select %or3A_193, %squeeze3A_188, %select_n3A_184 : i32
    %slice3A_196 = vector.extract_strided_slice %select_n3A_38 {offsets = [15], sizes = [1], strides = [1]} : vector<16xf32> to vector<1xf32>
    %squeeze3A_197 = vector.extract %slice3A_196[0] : f32 from vector<1xf32>
    %slice3A_198 = vector.extract_strided_slice %select_n3A_39 {offsets = [15], sizes = [1], strides = [1]} : vector<16xi32> to vector<1xi32>
    %squeeze3A_199 = vector.extract %slice3A_198[0] : i32 from vector<1xi32>
    %lt3A_200 = arith.cmpf olt, %squeeze3A_197, %select_n3A_194 : f32
    %eq3A_201 = arith.cmpf oeq, %squeeze3A_197, %select_n3A_194 : f32
    %gt3A_202 = arith.cmpi sgt, %squeeze3A_199, %select_n3A_195 : i32
    %and3A_203 = arith.andi %eq3A_201, %gt3A_202 : i1
    %or3A_204 = arith.ori %lt3A_200, %and3A_203 : i1
    %select_n3A_205 = arith.select %or3A_204, %squeeze3A_197, %select_n3A_194 : f32
    %select_n3A_206 = arith.select %or3A_204, %squeeze3A_199, %select_n3A_195 : i32
    %eq3A_207 = arith.constant 0 : i32
    %eq3A_208 = vector.broadcast %eq3A_207 : i32 to vector<16xi32>
    %eq3A_209 = arith.cmpi eq, %iota3A, %eq3A_208 : vector<16xi32>
    %convert_element_type3A = arith.sitofp %select_n3A_206 : i32 to f32
    %broadcast_in_dim3A_210 = vector.broadcast %convert_element_type3A : f32 to vector<16xf32>
    %select_n3A_211 = arith.select %eq3A_209, %broadcast_in_dim3A_210, %broadcast_in_dim3A_8 : vector<16xi1>, vector<16xf32>
    %eq3A_212 = arith.constant 4 : i32
    %eq3A_213 = vector.broadcast %eq3A_212 : i32 to vector<16xi32>
    %eq3A_214 = arith.cmpi eq, %iota3A, %eq3A_213 : vector<16xi32>
    %broadcast_in_dim3A_215 = vector.broadcast %select_n3A_205 : f32 to vector<16xf32>
    %select_n3A_216 = arith.select %eq3A_214, %broadcast_in_dim3A_215, %select_n3A_211 : vector<16xi1>, vector<16xf32>
    %add3A_217 = arith.constant 1 : i32
    %add3A_218 = arith.addi %mul3A_2, %add3A_217 : i32
    %dma_wait3A_219 = tpu.memref_slice %arg3[%mul3A_15] : memref<262144xf32, #tpu.memory_space<hbm>> -> memref<2048xf32, #tpu.memory_space<hbm>>
    %dma_wait3A_220 = tpu.memref_slice %arg3[%mul3A_15] : memref<262144xf32, #tpu.memory_space<hbm>> -> memref<2048xf32, #tpu.memory_space<hbm>>
    tpu.wait_dma2 semaphore(%arg9 : memref<!tpu.dma_semaphore, #tpu.memory_space<semaphore_mem>>) src(%dma_wait3A_220 : memref<2048xf32, #tpu.memory_space<hbm>>) dst(%arg6 : memref<2048xf32, #tpu.memory_space<vmem>>)
    %add3A_221 = arith.constant 1 : i32
    %add3A_222 = arith.addi %add3A_218, %add3A_221 : i32
    %mul3A_223 = arith.constant 2048 : i32
    %mul3A_224 = arith.muli %add3A_222, %mul3A_223 : i32
    %dma_start3A_225 = tpu.memref_slice %arg3[%mul3A_224] : memref<262144xf32, #tpu.memory_space<hbm>> -> memref<2048xf32, #tpu.memory_space<hbm>>
    %dma_start3A_226 = tpu.memref_slice %arg3[%mul3A_224] : memref<262144xf32, #tpu.memory_space<hbm>> -> memref<2048xf32, #tpu.memory_space<hbm>>
    tpu.enqueue_dma source(%dma_start3A_226 : memref<2048xf32, #tpu.memory_space<hbm>>) target(%arg5 : memref<2048xf32, #tpu.memory_space<vmem>>) target_semaphore(%arg9 : memref<!tpu.dma_semaphore, #tpu.memory_space<semaphore_mem>>)
    %broadcast_in_dim3A_227 = arith.constant 0x7F800000 : f32
    %broadcast_in_dim3A_228 = vector.broadcast %broadcast_in_dim3A_227 : f32 to vector<16xf32>
    %scan3A_229 = arith.constant 0 : i32
    %scan3A_230 = arith.constant 8 : i32
    %scan3A_231 = arith.addi %scan3A_229, %scan3A_230 : i32
    %scan3A_232 = arith.constant 1 : i32
    %scan3A_233:9 = scf.for %scan3A_873 = %scan3A_229 to %scan3A_231 step %scan3A_232 iter_args(%scan3A_874 = %broadcast_in_dim3A_228, %scan3A_875 = %broadcast_in_dim3A_228, %scan3A_876 = %broadcast_in_dim3A_228, %scan3A_877 = %broadcast_in_dim3A_228, %scan3A_878 = %iota3A, %scan3A_879 = %iota3A, %scan3A_880 = %iota3A, %scan3A_881 = %iota3A, %scan3A_882 = %iota3A) -> (vector<16xf32>, vector<16xf32>, vector<16xf32>, vector<16xf32>, vector<16xi32>, vector<16xi32>, vector<16xi32>, vector<16xi32>, vector<16xi32>)  : i32 {
      %mul3A_883 = arith.constant 16 : i32
      %mul3A_884 = arith.muli %scan3A_873, %mul3A_883 : i32
      %add3A_885 = arith.constant 0 : i32
      %add3A_886 = arith.addi %mul3A_884, %add3A_885 : i32
      %mul3A_887 = arith.constant 16 : i32
      %mul3A_888 = arith.muli %add3A_886, %mul3A_887 : i32
      %get3A_889 = arith.index_cast %mul3A_888 : i32 to index
      %get3A_890 = tpu.vector_load %arg6[%get3A_889] {strides = array<i32>} : memref<2048xf32, #tpu.memory_space<vmem>>, vector<16xf32>,
      %get3A_891 = vector.shape_cast %get3A_890 : vector<16xf32> to vector<16xf32>
      %mul3A_892 = arith.mulf %get3A_891, %get3A_7 : vector<16xf32>
      %add3A_893 = arith.constant 0 : i32
      %add3A_894 = vector.broadcast %add3A_893 : i32 to vector<16xi32>
      %add3A_895 = arith.addi %scan3A_882, %add3A_894 : vector<16xi32>
      %le3A = arith.cmpf ole, %mul3A_892, %scan3A_874 : vector<16xf32>
      %select_n3A_896 = arith.select %le3A, %mul3A_892, %scan3A_874 : vector<16xi1>, vector<16xf32>
      %select_n3A_897 = arith.select %le3A, %add3A_895, %scan3A_878 : vector<16xi1>, vector<16xi32>
      %mul3A_898 = arith.constant 16 : i32
      %mul3A_899 = arith.muli %scan3A_873, %mul3A_898 : i32
      %add3A_900 = arith.constant 1 : i32
      %add3A_901 = arith.addi %mul3A_899, %add3A_900 : i32
      %mul3A_902 = arith.constant 16 : i32
      %mul3A_903 = arith.muli %add3A_901, %mul3A_902 : i32
      %get3A_904 = arith.index_cast %mul3A_903 : i32 to index
      %get3A_905 = tpu.vector_load %arg6[%get3A_904] {strides = array<i32>} : memref<2048xf32, #tpu.memory_space<vmem>>, vector<16xf32>,
      %get3A_906 = vector.shape_cast %get3A_905 : vector<16xf32> to vector<16xf32>
      %mul3A_907 = arith.mulf %get3A_906, %get3A_7 : vector<16xf32>
      %add3A_908 = arith.constant 16 : i32
      %add3A_909 = vector.broadcast %add3A_908 : i32 to vector<16xi32>
      %add3A_910 = arith.addi %scan3A_882, %add3A_909 : vector<16xi32>
      %le3A_911 = arith.cmpf ole, %mul3A_907, %scan3A_875 : vector<16xf32>
      %select_n3A_912 = arith.select %le3A_911, %mul3A_907, %scan3A_875 : vector<16xi1>, vector<16xf32>
      %select_n3A_913 = arith.select %le3A_911, %add3A_910, %scan3A_879 : vector<16xi1>, vector<16xi32>
      %mul3A_914 = arith.constant 16 : i32
      %mul3A_915 = arith.muli %scan3A_873, %mul3A_914 : i32
      %add3A_916 = arith.constant 2 : i32
      %add3A_917 = arith.addi %mul3A_915, %add3A_916 : i32
      %mul3A_918 = arith.constant 16 : i32
      %mul3A_919 = arith.muli %add3A_917, %mul3A_918 : i32
      %get3A_920 = arith.index_cast %mul3A_919 : i32 to index
      %get3A_921 = tpu.vector_load %arg6[%get3A_920] {strides = array<i32>} : memref<2048xf32, #tpu.memory_space<vmem>>, vector<16xf32>,
      %get3A_922 = vector.shape_cast %get3A_921 : vector<16xf32> to vector<16xf32>
      %mul3A_923 = arith.mulf %get3A_922, %get3A_7 : vector<16xf32>
      %add3A_924 = arith.constant 32 : i32
      %add3A_925 = vector.broadcast %add3A_924 : i32 to vector<16xi32>
      %add3A_926 = arith.addi %scan3A_882, %add3A_925 : vector<16xi32>
      %le3A_927 = arith.cmpf ole, %mul3A_923, %scan3A_876 : vector<16xf32>
      %select_n3A_928 = arith.select %le3A_927, %mul3A_923, %scan3A_876 : vector<16xi1>, vector<16xf32>
      %select_n3A_929 = arith.select %le3A_927, %add3A_926, %scan3A_880 : vector<16xi1>, vector<16xi32>
      %mul3A_930 = arith.constant 16 : i32
      %mul3A_931 = arith.muli %scan3A_873, %mul3A_930 : i32
      %add3A_932 = arith.constant 3 : i32
      %add3A_933 = arith.addi %mul3A_931, %add3A_932 : i32
      %mul3A_934 = arith.constant 16 : i32
      %mul3A_935 = arith.muli %add3A_933, %mul3A_934 : i32
      %get3A_936 = arith.index_cast %mul3A_935 : i32 to index
      %get3A_937 = tpu.vector_load %arg6[%get3A_936] {strides = array<i32>} : memref<2048xf32, #tpu.memory_space<vmem>>, vector<16xf32>,
      %get3A_938 = vector.shape_cast %get3A_937 : vector<16xf32> to vector<16xf32>
      %mul3A_939 = arith.mulf %get3A_938, %get3A_7 : vector<16xf32>
      %add3A_940 = arith.constant 48 : i32
      %add3A_941 = vector.broadcast %add3A_940 : i32 to vector<16xi32>
      %add3A_942 = arith.addi %scan3A_882, %add3A_941 : vector<16xi32>
      %le3A_943 = arith.cmpf ole, %mul3A_939, %scan3A_877 : vector<16xf32>
      %select_n3A_944 = arith.select %le3A_943, %mul3A_939, %scan3A_877 : vector<16xi1>, vector<16xf32>
      %select_n3A_945 = arith.select %le3A_943, %add3A_942, %scan3A_881 : vector<16xi1>, vector<16xi32>
      %mul3A_946 = arith.constant 16 : i32
      %mul3A_947 = arith.muli %scan3A_873, %mul3A_946 : i32
      %add3A_948 = arith.constant 4 : i32
      %add3A_949 = arith.addi %mul3A_947, %add3A_948 : i32
      %mul3A_950 = arith.constant 16 : i32
      %mul3A_951 = arith.muli %add3A_949, %mul3A_950 : i32
      %get3A_952 = arith.index_cast %mul3A_951 : i32 to index
      %get3A_953 = tpu.vector_load %arg6[%get3A_952] {strides = array<i32>} : memref<2048xf32, #tpu.memory_space<vmem>>, vector<16xf32>,
      %get3A_954 = vector.shape_cast %get3A_953 : vector<16xf32> to vector<16xf32>
      %mul3A_955 = arith.mulf %get3A_954, %get3A_7 : vector<16xf32>
      %add3A_956 = arith.constant 64 : i32
      %add3A_957 = vector.broadcast %add3A_956 : i32 to vector<16xi32>
      %add3A_958 = arith.addi %scan3A_882, %add3A_957 : vector<16xi32>
      %le3A_959 = arith.cmpf ole, %mul3A_955, %select_n3A_896 : vector<16xf32>
      %select_n3A_960 = arith.select %le3A_959, %mul3A_955, %select_n3A_896 : vector<16xi1>, vector<16xf32>
      %select_n3A_961 = arith.select %le3A_959, %add3A_958, %select_n3A_897 : vector<16xi1>, vector<16xi32>
      %mul3A_962 = arith.constant 16 : i32
      %mul3A_963 = arith.muli %scan3A_873, %mul3A_962 : i32
      %add3A_964 = arith.constant 5 : i32
      %add3A_965 = arith.addi %mul3A_963, %add3A_964 : i32
      %mul3A_966 = arith.constant 16 : i32
      %mul3A_967 = arith.muli %add3A_965, %mul3A_966 : i32
      %get3A_968 = arith.index_cast %mul3A_967 : i32 to index
      %get3A_969 = tpu.vector_load %arg6[%get3A_968] {strides = array<i32>} : memref<2048xf32, #tpu.memory_space<vmem>>, vector<16xf32>,
      %get3A_970 = vector.shape_cast %get3A_969 : vector<16xf32> to vector<16xf32>
      %mul3A_971 = arith.mulf %get3A_970, %get3A_7 : vector<16xf32>
      %add3A_972 = arith.constant 80 : i32
      %add3A_973 = vector.broadcast %add3A_972 : i32 to vector<16xi32>
      %add3A_974 = arith.addi %scan3A_882, %add3A_973 : vector<16xi32>
      %le3A_975 = arith.cmpf ole, %mul3A_971, %select_n3A_912 : vector<16xf32>
      %select_n3A_976 = arith.select %le3A_975, %mul3A_971, %select_n3A_912 : vector<16xi1>, vector<16xf32>
      %select_n3A_977 = arith.select %le3A_975, %add3A_974, %select_n3A_913 : vector<16xi1>, vector<16xi32>
      %mul3A_978 = arith.constant 16 : i32
      %mul3A_979 = arith.muli %scan3A_873, %mul3A_978 : i32
      %add3A_980 = arith.constant 6 : i32
      %add3A_981 = arith.addi %mul3A_979, %add3A_980 : i32
      %mul3A_982 = arith.constant 16 : i32
      %mul3A_983 = arith.muli %add3A_981, %mul3A_982 : i32
      %get3A_984 = arith.index_cast %mul3A_983 : i32 to index
      %get3A_985 = tpu.vector_load %arg6[%get3A_984] {strides = array<i32>} : memref<2048xf32, #tpu.memory_space<vmem>>, vector<16xf32>,
      %get3A_986 = vector.shape_cast %get3A_985 : vector<16xf32> to vector<16xf32>
      %mul3A_987 = arith.mulf %get3A_986, %get3A_7 : vector<16xf32>
      %add3A_988 = arith.constant 96 : i32
      %add3A_989 = vector.broadcast %add3A_988 : i32 to vector<16xi32>
      %add3A_990 = arith.addi %scan3A_882, %add3A_989 : vector<16xi32>
      %le3A_991 = arith.cmpf ole, %mul3A_987, %select_n3A_928 : vector<16xf32>
      %select_n3A_992 = arith.select %le3A_991, %mul3A_987, %select_n3A_928 : vector<16xi1>, vector<16xf32>
      %select_n3A_993 = arith.select %le3A_991, %add3A_990, %select_n3A_929 : vector<16xi1>, vector<16xi32>
      %mul3A_994 = arith.constant 16 : i32
      %mul3A_995 = arith.muli %scan3A_873, %mul3A_994 : i32
      %add3A_996 = arith.constant 7 : i32
      %add3A_997 = arith.addi %mul3A_995, %add3A_996 : i32
      %mul3A_998 = arith.constant 16 : i32
      %mul3A_999 = arith.muli %add3A_997, %mul3A_998 : i32
      %get3A_1000 = arith.index_cast %mul3A_999 : i32 to index
      %get3A_1001 = tpu.vector_load %arg6[%get3A_1000] {strides = array<i32>} : memref<2048xf32, #tpu.memory_space<vmem>>, vector<16xf32>,
      %get3A_1002 = vector.shape_cast %get3A_1001 : vector<16xf32> to vector<16xf32>
      %mul3A_1003 = arith.mulf %get3A_1002, %get3A_7 : vector<16xf32>
      %add3A_1004 = arith.constant 112 : i32
      %add3A_1005 = vector.broadcast %add3A_1004 : i32 to vector<16xi32>
      %add3A_1006 = arith.addi %scan3A_882, %add3A_1005 : vector<16xi32>
      %le3A_1007 = arith.cmpf ole, %mul3A_1003, %select_n3A_944 : vector<16xf32>
      %select_n3A_1008 = arith.select %le3A_1007, %mul3A_1003, %select_n3A_944 : vector<16xi1>, vector<16xf32>
      %select_n3A_1009 = arith.select %le3A_1007, %add3A_1006, %select_n3A_945 : vector<16xi1>, vector<16xi32>
      %mul3A_1010 = arith.constant 16 : i32
      %mul3A_1011 = arith.muli %scan3A_873, %mul3A_1010 : i32
      %add3A_1012 = arith.constant 8 : i32
      %add3A_1013 = arith.addi %mul3A_1011, %add3A_1012 : i32
      %mul3A_1014 = arith.constant 16 : i32
      %mul3A_1015 = arith.muli %add3A_1013, %mul3A_1014 : i32
      %get3A_1016 = arith.index_cast %mul3A_1015 : i32 to index
      %get3A_1017 = tpu.vector_load %arg6[%get3A_1016] {strides = array<i32>} : memref<2048xf32, #tpu.memory_space<vmem>>, vector<16xf32>,
      %get3A_1018 = vector.shape_cast %get3A_1017 : vector<16xf32> to vector<16xf32>
      %mul3A_1019 = arith.mulf %get3A_1018, %get3A_7 : vector<16xf32>
      %add3A_1020 = arith.constant 128 : i32
      %add3A_1021 = vector.broadcast %add3A_1020 : i32 to vector<16xi32>
      %add3A_1022 = arith.addi %scan3A_882, %add3A_1021 : vector<16xi32>
      %le3A_1023 = arith.cmpf ole, %mul3A_1019, %select_n3A_960 : vector<16xf32>
      %select_n3A_1024 = arith.select %le3A_1023, %mul3A_1019, %select_n3A_960 : vector<16xi1>, vector<16xf32>
      %select_n3A_1025 = arith.select %le3A_1023, %add3A_1022, %select_n3A_961 : vector<16xi1>, vector<16xi32>
      %mul3A_1026 = arith.constant 16 : i32
      %mul3A_1027 = arith.muli %scan3A_873, %mul3A_1026 : i32
      %add3A_1028 = arith.constant 9 : i32
      %add3A_1029 = arith.addi %mul3A_1027, %add3A_1028 : i32
      %mul3A_1030 = arith.constant 16 : i32
      %mul3A_1031 = arith.muli %add3A_1029, %mul3A_1030 : i32
      %get3A_1032 = arith.index_cast %mul3A_1031 : i32 to index
      %get3A_1033 = tpu.vector_load %arg6[%get3A_1032] {strides = array<i32>} : memref<2048xf32, #tpu.memory_space<vmem>>, vector<16xf32>,
      %get3A_1034 = vector.shape_cast %get3A_1033 : vector<16xf32> to vector<16xf32>
      %mul3A_1035 = arith.mulf %get3A_1034, %get3A_7 : vector<16xf32>
      %add3A_1036 = arith.constant 144 : i32
      %add3A_1037 = vector.broadcast %add3A_1036 : i32 to vector<16xi32>
      %add3A_1038 = arith.addi %scan3A_882, %add3A_1037 : vector<16xi32>
      %le3A_1039 = arith.cmpf ole, %mul3A_1035, %select_n3A_976 : vector<16xf32>
      %select_n3A_1040 = arith.select %le3A_1039, %mul3A_1035, %select_n3A_976 : vector<16xi1>, vector<16xf32>
      %select_n3A_1041 = arith.select %le3A_1039, %add3A_1038, %select_n3A_977 : vector<16xi1>, vector<16xi32>
      %mul3A_1042 = arith.constant 16 : i32
      %mul3A_1043 = arith.muli %scan3A_873, %mul3A_1042 : i32
      %add3A_1044 = arith.constant 10 : i32
      %add3A_1045 = arith.addi %mul3A_1043, %add3A_1044 : i32
      %mul3A_1046 = arith.constant 16 : i32
      %mul3A_1047 = arith.muli %add3A_1045, %mul3A_1046 : i32
      %get3A_1048 = arith.index_cast %mul3A_1047 : i32 to index
      %get3A_1049 = tpu.vector_load %arg6[%get3A_1048] {strides = array<i32>} : memref<2048xf32, #tpu.memory_space<vmem>>, vector<16xf32>,
      %get3A_1050 = vector.shape_cast %get3A_1049 : vector<16xf32> to vector<16xf32>
      %mul3A_1051 = arith.mulf %get3A_1050, %get3A_7 : vector<16xf32>
      %add3A_1052 = arith.constant 160 : i32
      %add3A_1053 = vector.broadcast %add3A_1052 : i32 to vector<16xi32>
      %add3A_1054 = arith.addi %scan3A_882, %add3A_1053 : vector<16xi32>
      %le3A_1055 = arith.cmpf ole, %mul3A_1051, %select_n3A_992 : vector<16xf32>
      %select_n3A_1056 = arith.select %le3A_1055, %mul3A_1051, %select_n3A_992 : vector<16xi1>, vector<16xf32>
      %select_n3A_1057 = arith.select %le3A_1055, %add3A_1054, %select_n3A_993 : vector<16xi1>, vector<16xi32>
      %mul3A_1058 = arith.constant 16 : i32
      %mul3A_1059 = arith.muli %scan3A_873, %mul3A_1058 : i32
      %add3A_1060 = arith.constant 11 : i32
      %add3A_1061 = arith.addi %mul3A_1059, %add3A_1060 : i32
      %mul3A_1062 = arith.constant 16 : i32
      %mul3A_1063 = arith.muli %add3A_1061, %mul3A_1062 : i32
      %get3A_1064 = arith.index_cast %mul3A_1063 : i32 to index
      %get3A_1065 = tpu.vector_load %arg6[%get3A_1064] {strides = array<i32>} : memref<2048xf32, #tpu.memory_space<vmem>>, vector<16xf32>,
      %get3A_1066 = vector.shape_cast %get3A_1065 : vector<16xf32> to vector<16xf32>
      %mul3A_1067 = arith.mulf %get3A_1066, %get3A_7 : vector<16xf32>
      %add3A_1068 = arith.constant 176 : i32
      %add3A_1069 = vector.broadcast %add3A_1068 : i32 to vector<16xi32>
      %add3A_1070 = arith.addi %scan3A_882, %add3A_1069 : vector<16xi32>
      %le3A_1071 = arith.cmpf ole, %mul3A_1067, %select_n3A_1008 : vector<16xf32>
      %select_n3A_1072 = arith.select %le3A_1071, %mul3A_1067, %select_n3A_1008 : vector<16xi1>, vector<16xf32>
      %select_n3A_1073 = arith.select %le3A_1071, %add3A_1070, %select_n3A_1009 : vector<16xi1>, vector<16xi32>
      %mul3A_1074 = arith.constant 16 : i32
      %mul3A_1075 = arith.muli %scan3A_873, %mul3A_1074 : i32
      %add3A_1076 = arith.constant 12 : i32
      %add3A_1077 = arith.addi %mul3A_1075, %add3A_1076 : i32
      %mul3A_1078 = arith.constant 16 : i32
      %mul3A_1079 = arith.muli %add3A_1077, %mul3A_1078 : i32
      %get3A_1080 = arith.index_cast %mul3A_1079 : i32 to index
      %get3A_1081 = tpu.vector_load %arg6[%get3A_1080] {strides = array<i32>} : memref<2048xf32, #tpu.memory_space<vmem>>, vector<16xf32>,
      %get3A_1082 = vector.shape_cast %get3A_1081 : vector<16xf32> to vector<16xf32>
      %mul3A_1083 = arith.mulf %get3A_1082, %get3A_7 : vector<16xf32>
      %add3A_1084 = arith.constant 192 : i32
      %add3A_1085 = vector.broadcast %add3A_1084 : i32 to vector<16xi32>
      %add3A_1086 = arith.addi %scan3A_882, %add3A_1085 : vector<16xi32>
      %le3A_1087 = arith.cmpf ole, %mul3A_1083, %select_n3A_1024 : vector<16xf32>
      %select_n3A_1088 = arith.select %le3A_1087, %mul3A_1083, %select_n3A_1024 : vector<16xi1>, vector<16xf32>
      %select_n3A_1089 = arith.select %le3A_1087, %add3A_1086, %select_n3A_1025 : vector<16xi1>, vector<16xi32>
      %mul3A_1090 = arith.constant 16 : i32
      %mul3A_1091 = arith.muli %scan3A_873, %mul3A_1090 : i32
      %add3A_1092 = arith.constant 13 : i32
      %add3A_1093 = arith.addi %mul3A_1091, %add3A_1092 : i32
      %mul3A_1094 = arith.constant 16 : i32
      %mul3A_1095 = arith.muli %add3A_1093, %mul3A_1094 : i32
      %get3A_1096 = arith.index_cast %mul3A_1095 : i32 to index
      %get3A_1097 = tpu.vector_load %arg6[%get3A_1096] {strides = array<i32>} : memref<2048xf32, #tpu.memory_space<vmem>>, vector<16xf32>,
      %get3A_1098 = vector.shape_cast %get3A_1097 : vector<16xf32> to vector<16xf32>
      %mul3A_1099 = arith.mulf %get3A_1098, %get3A_7 : vector<16xf32>
      %add3A_1100 = arith.constant 208 : i32
      %add3A_1101 = vector.broadcast %add3A_1100 : i32 to vector<16xi32>
      %add3A_1102 = arith.addi %scan3A_882, %add3A_1101 : vector<16xi32>
      %le3A_1103 = arith.cmpf ole, %mul3A_1099, %select_n3A_1040 : vector<16xf32>
      %select_n3A_1104 = arith.select %le3A_1103, %mul3A_1099, %select_n3A_1040 : vector<16xi1>, vector<16xf32>
      %select_n3A_1105 = arith.select %le3A_1103, %add3A_1102, %select_n3A_1041 : vector<16xi1>, vector<16xi32>
      %mul3A_1106 = arith.constant 16 : i32
      %mul3A_1107 = arith.muli %scan3A_873, %mul3A_1106 : i32
      %add3A_1108 = arith.constant 14 : i32
      %add3A_1109 = arith.addi %mul3A_1107, %add3A_1108 : i32
      %mul3A_1110 = arith.constant 16 : i32
      %mul3A_1111 = arith.muli %add3A_1109, %mul3A_1110 : i32
      %get3A_1112 = arith.index_cast %mul3A_1111 : i32 to index
      %get3A_1113 = tpu.vector_load %arg6[%get3A_1112] {strides = array<i32>} : memref<2048xf32, #tpu.memory_space<vmem>>, vector<16xf32>,
      %get3A_1114 = vector.shape_cast %get3A_1113 : vector<16xf32> to vector<16xf32>
      %mul3A_1115 = arith.mulf %get3A_1114, %get3A_7 : vector<16xf32>
      %add3A_1116 = arith.constant 224 : i32
      %add3A_1117 = vector.broadcast %add3A_1116 : i32 to vector<16xi32>
      %add3A_1118 = arith.addi %scan3A_882, %add3A_1117 : vector<16xi32>
      %le3A_1119 = arith.cmpf ole, %mul3A_1115, %select_n3A_1056 : vector<16xf32>
      %select_n3A_1120 = arith.select %le3A_1119, %mul3A_1115, %select_n3A_1056 : vector<16xi1>, vector<16xf32>
      %select_n3A_1121 = arith.select %le3A_1119, %add3A_1118, %select_n3A_1057 : vector<16xi1>, vector<16xi32>
      %mul3A_1122 = arith.constant 16 : i32
      %mul3A_1123 = arith.muli %scan3A_873, %mul3A_1122 : i32
      %add3A_1124 = arith.constant 15 : i32
      %add3A_1125 = arith.addi %mul3A_1123, %add3A_1124 : i32
      %mul3A_1126 = arith.constant 16 : i32
      %mul3A_1127 = arith.muli %add3A_1125, %mul3A_1126 : i32
      %get3A_1128 = arith.index_cast %mul3A_1127 : i32 to index
      %get3A_1129 = tpu.vector_load %arg6[%get3A_1128] {strides = array<i32>} : memref<2048xf32, #tpu.memory_space<vmem>>, vector<16xf32>,
      %get3A_1130 = vector.shape_cast %get3A_1129 : vector<16xf32> to vector<16xf32>
      %mul3A_1131 = arith.mulf %get3A_1130, %get3A_7 : vector<16xf32>
      %add3A_1132 = arith.constant 240 : i32
      %add3A_1133 = vector.broadcast %add3A_1132 : i32 to vector<16xi32>
      %add3A_1134 = arith.addi %scan3A_882, %add3A_1133 : vector<16xi32>
      %le3A_1135 = arith.cmpf ole, %mul3A_1131, %select_n3A_1072 : vector<16xf32>
      %select_n3A_1136 = arith.select %le3A_1135, %mul3A_1131, %select_n3A_1072 : vector<16xi1>, vector<16xf32>
      %select_n3A_1137 = arith.select %le3A_1135, %add3A_1134, %select_n3A_1073 : vector<16xi1>, vector<16xi32>
      %add3A_1138 = arith.constant 256 : i32
      %add3A_1139 = vector.broadcast %add3A_1138 : i32 to vector<16xi32>
      %add3A_1140 = arith.addi %scan3A_882, %add3A_1139 : vector<16xi32>
      scf.yield %select_n3A_1088, %select_n3A_1104, %select_n3A_1120, %select_n3A_1136, %select_n3A_1089, %select_n3A_1105, %select_n3A_1121, %select_n3A_1137, %add3A_1140 : vector<16xf32>, vector<16xf32>, vector<16xf32>, vector<16xf32>, vector<16xi32>, vector<16xi32>, vector<16xi32>, vector<16xi32>, vector<16xi32>
    }
    %scan3A_234 = arith.constant 8 : i32
    %lt3A_235 = arith.cmpf olt, %scan3A_233#1, %scan3A_233#0 : vector<16xf32>
    %eq3A_236 = arith.cmpf oeq, %scan3A_233#1, %scan3A_233#0 : vector<16xf32>
    %gt3A_237 = arith.cmpi sgt, %scan3A_233#5, %scan3A_233#4 : vector<16xi32>
    %and3A_238 = arith.andi %eq3A_236, %gt3A_237 : vector<16xi1>
    %or3A_239 = arith.ori %lt3A_235, %and3A_238 : vector<16xi1>
    %select_n3A_240 = arith.select %or3A_239, %scan3A_233#1, %scan3A_233#0 : vector<16xi1>, vector<16xf32>
    %select_n3A_241 = arith.select %or3A_239, %scan3A_233#5, %scan3A_233#4 : vector<16xi1>, vector<16xi32>
    %lt3A_242 = arith.cmpf olt, %scan3A_233#2, %select_n3A_240 : vector<16xf32>
    %eq3A_243 = arith.cmpf oeq, %scan3A_233#2, %select_n3A_240 : vector<16xf32>
    %gt3A_244 = arith.cmpi sgt, %scan3A_233#6, %select_n3A_241 : vector<16xi32>
    %and3A_245 = arith.andi %eq3A_243, %gt3A_244 : vector<16xi1>
    %or3A_246 = arith.ori %lt3A_242, %and3A_245 : vector<16xi1>
    %select_n3A_247 = arith.select %or3A_246, %scan3A_233#2, %select_n3A_240 : vector<16xi1>, vector<16xf32>
    %select_n3A_248 = arith.select %or3A_246, %scan3A_233#6, %select_n3A_241 : vector<16xi1>, vector<16xi32>
    %lt3A_249 = arith.cmpf olt, %scan3A_233#3, %select_n3A_247 : vector<16xf32>
    %eq3A_250 = arith.cmpf oeq, %scan3A_233#3, %select_n3A_247 : vector<16xf32>
    %gt3A_251 = arith.cmpi sgt, %scan3A_233#7, %select_n3A_248 : vector<16xi32>
    %and3A_252 = arith.andi %eq3A_250, %gt3A_251 : vector<16xi1>
    %or3A_253 = arith.ori %lt3A_249, %and3A_252 : vector<16xi1>
    %select_n3A_254 = arith.select %or3A_253, %scan3A_233#3, %select_n3A_247 : vector<16xi1>, vector<16xf32>
    %select_n3A_255 = arith.select %or3A_253, %scan3A_233#7, %select_n3A_248 : vector<16xi1>, vector<16xi32>
    %slice3A_256 = vector.extract_strided_slice %select_n3A_254 {offsets = [0], sizes = [1], strides = [1]} : vector<16xf32> to vector<1xf32>
    %squeeze3A_257 = vector.extract %slice3A_256[0] : f32 from vector<1xf32>
    %slice3A_258 = vector.extract_strided_slice %select_n3A_255 {offsets = [0], sizes = [1], strides = [1]} : vector<16xi32> to vector<1xi32>
    %squeeze3A_259 = vector.extract %slice3A_258[0] : i32 from vector<1xi32>
    %slice3A_260 = vector.extract_strided_slice %select_n3A_254 {offsets = [1], sizes = [1], strides = [1]} : vector<16xf32> to vector<1xf32>
    %squeeze3A_261 = vector.extract %slice3A_260[0] : f32 from vector<1xf32>
    %slice3A_262 = vector.extract_strided_slice %select_n3A_255 {offsets = [1], sizes = [1], strides = [1]} : vector<16xi32> to vector<1xi32>
    %squeeze3A_263 = vector.extract %slice3A_262[0] : i32 from vector<1xi32>
    %lt3A_264 = arith.cmpf olt, %squeeze3A_261, %squeeze3A_257 : f32
    %eq3A_265 = arith.cmpf oeq, %squeeze3A_261, %squeeze3A_257 : f32
    %gt3A_266 = arith.cmpi sgt, %squeeze3A_263, %squeeze3A_259 : i32
    %and3A_267 = arith.andi %eq3A_265, %gt3A_266 : i1
    %or3A_268 = arith.ori %lt3A_264, %and3A_267 : i1
    %select_n3A_269 = arith.select %or3A_268, %squeeze3A_261, %squeeze3A_257 : f32
    %select_n3A_270 = arith.select %or3A_268, %squeeze3A_263, %squeeze3A_259 : i32
    %slice3A_271 = vector.extract_strided_slice %select_n3A_254 {offsets = [2], sizes = [1], strides = [1]} : vector<16xf32> to vector<1xf32>
    %squeeze3A_272 = vector.extract %slice3A_271[0] : f32 from vector<1xf32>
    %slice3A_273 = vector.extract_strided_slice %select_n3A_255 {offsets = [2], sizes = [1], strides = [1]} : vector<16xi32> to vector<1xi32>
    %squeeze3A_274 = vector.extract %slice3A_273[0] : i32 from vector<1xi32>
    %lt3A_275 = arith.cmpf olt, %squeeze3A_272, %select_n3A_269 : f32
    %eq3A_276 = arith.cmpf oeq, %squeeze3A_272, %select_n3A_269 : f32
    %gt3A_277 = arith.cmpi sgt, %squeeze3A_274, %select_n3A_270 : i32
    %and3A_278 = arith.andi %eq3A_276, %gt3A_277 : i1
    %or3A_279 = arith.ori %lt3A_275, %and3A_278 : i1
    %select_n3A_280 = arith.select %or3A_279, %squeeze3A_272, %select_n3A_269 : f32
    %select_n3A_281 = arith.select %or3A_279, %squeeze3A_274, %select_n3A_270 : i32
    %slice3A_282 = vector.extract_strided_slice %select_n3A_254 {offsets = [3], sizes = [1], strides = [1]} : vector<16xf32> to vector<1xf32>
    %squeeze3A_283 = vector.extract %slice3A_282[0] : f32 from vector<1xf32>
    %slice3A_284 = vector.extract_strided_slice %select_n3A_255 {offsets = [3], sizes = [1], strides = [1]} : vector<16xi32> to vector<1xi32>
    %squeeze3A_285 = vector.extract %slice3A_284[0] : i32 from vector<1xi32>
    %lt3A_286 = arith.cmpf olt, %squeeze3A_283, %select_n3A_280 : f32
    %eq3A_287 = arith.cmpf oeq, %squeeze3A_283, %select_n3A_280 : f32
    %gt3A_288 = arith.cmpi sgt, %squeeze3A_285, %select_n3A_281 : i32
    %and3A_289 = arith.andi %eq3A_287, %gt3A_288 : i1
    %or3A_290 = arith.ori %lt3A_286, %and3A_289 : i1
    %select_n3A_291 = arith.select %or3A_290, %squeeze3A_283, %select_n3A_280 : f32
    %select_n3A_292 = arith.select %or3A_290, %squeeze3A_285, %select_n3A_281 : i32
    %slice3A_293 = vector.extract_strided_slice %select_n3A_254 {offsets = [4], sizes = [1], strides = [1]} : vector<16xf32> to vector<1xf32>
    %squeeze3A_294 = vector.extract %slice3A_293[0] : f32 from vector<1xf32>
    %slice3A_295 = vector.extract_strided_slice %select_n3A_255 {offsets = [4], sizes = [1], strides = [1]} : vector<16xi32> to vector<1xi32>
    %squeeze3A_296 = vector.extract %slice3A_295[0] : i32 from vector<1xi32>
    %lt3A_297 = arith.cmpf olt, %squeeze3A_294, %select_n3A_291 : f32
    %eq3A_298 = arith.cmpf oeq, %squeeze3A_294, %select_n3A_291 : f32
    %gt3A_299 = arith.cmpi sgt, %squeeze3A_296, %select_n3A_292 : i32
    %and3A_300 = arith.andi %eq3A_298, %gt3A_299 : i1
    %or3A_301 = arith.ori %lt3A_297, %and3A_300 : i1
    %select_n3A_302 = arith.select %or3A_301, %squeeze3A_294, %select_n3A_291 : f32
    %select_n3A_303 = arith.select %or3A_301, %squeeze3A_296, %select_n3A_292 : i32
    %slice3A_304 = vector.extract_strided_slice %select_n3A_254 {offsets = [5], sizes = [1], strides = [1]} : vector<16xf32> to vector<1xf32>
    %squeeze3A_305 = vector.extract %slice3A_304[0] : f32 from vector<1xf32>
    %slice3A_306 = vector.extract_strided_slice %select_n3A_255 {offsets = [5], sizes = [1], strides = [1]} : vector<16xi32> to vector<1xi32>
    %squeeze3A_307 = vector.extract %slice3A_306[0] : i32 from vector<1xi32>
    %lt3A_308 = arith.cmpf olt, %squeeze3A_305, %select_n3A_302 : f32
    %eq3A_309 = arith.cmpf oeq, %squeeze3A_305, %select_n3A_302 : f32
    %gt3A_310 = arith.cmpi sgt, %squeeze3A_307, %select_n3A_303 : i32
    %and3A_311 = arith.andi %eq3A_309, %gt3A_310 : i1
    %or3A_312 = arith.ori %lt3A_308, %and3A_311 : i1
    %select_n3A_313 = arith.select %or3A_312, %squeeze3A_305, %select_n3A_302 : f32
    %select_n3A_314 = arith.select %or3A_312, %squeeze3A_307, %select_n3A_303 : i32
    %slice3A_315 = vector.extract_strided_slice %select_n3A_254 {offsets = [6], sizes = [1], strides = [1]} : vector<16xf32> to vector<1xf32>
    %squeeze3A_316 = vector.extract %slice3A_315[0] : f32 from vector<1xf32>
    %slice3A_317 = vector.extract_strided_slice %select_n3A_255 {offsets = [6], sizes = [1], strides = [1]} : vector<16xi32> to vector<1xi32>
    %squeeze3A_318 = vector.extract %slice3A_317[0] : i32 from vector<1xi32>
    %lt3A_319 = arith.cmpf olt, %squeeze3A_316, %select_n3A_313 : f32
    %eq3A_320 = arith.cmpf oeq, %squeeze3A_316, %select_n3A_313 : f32
    %gt3A_321 = arith.cmpi sgt, %squeeze3A_318, %select_n3A_314 : i32
    %and3A_322 = arith.andi %eq3A_320, %gt3A_321 : i1
    %or3A_323 = arith.ori %lt3A_319, %and3A_322 : i1
    %select_n3A_324 = arith.select %or3A_323, %squeeze3A_316, %select_n3A_313 : f32
    %select_n3A_325 = arith.select %or3A_323, %squeeze3A_318, %select_n3A_314 : i32
    %slice3A_326 = vector.extract_strided_slice %select_n3A_254 {offsets = [7], sizes = [1], strides = [1]} : vector<16xf32> to vector<1xf32>
    %squeeze3A_327 = vector.extract %slice3A_326[0] : f32 from vector<1xf32>
    %slice3A_328 = vector.extract_strided_slice %select_n3A_255 {offsets = [7], sizes = [1], strides = [1]} : vector<16xi32> to vector<1xi32>
    %squeeze3A_329 = vector.extract %slice3A_328[0] : i32 from vector<1xi32>
    %lt3A_330 = arith.cmpf olt, %squeeze3A_327, %select_n3A_324 : f32
    %eq3A_331 = arith.cmpf oeq, %squeeze3A_327, %select_n3A_324 : f32
    %gt3A_332 = arith.cmpi sgt, %squeeze3A_329, %select_n3A_325 : i32
    %and3A_333 = arith.andi %eq3A_331, %gt3A_332 : i1
    %or3A_334 = arith.ori %lt3A_330, %and3A_333 : i1
    %select_n3A_335 = arith.select %or3A_334, %squeeze3A_327, %select_n3A_324 : f32
    %select_n3A_336 = arith.select %or3A_334, %squeeze3A_329, %select_n3A_325 : i32
    %slice3A_337 = vector.extract_strided_slice %select_n3A_254 {offsets = [8], sizes = [1], strides = [1]} : vector<16xf32> to vector<1xf32>
    %squeeze3A_338 = vector.extract %slice3A_337[0] : f32 from vector<1xf32>
    %slice3A_339 = vector.extract_strided_slice %select_n3A_255 {offsets = [8], sizes = [1], strides = [1]} : vector<16xi32> to vector<1xi32>
    %squeeze3A_340 = vector.extract %slice3A_339[0] : i32 from vector<1xi32>
    %lt3A_341 = arith.cmpf olt, %squeeze3A_338, %select_n3A_335 : f32
    %eq3A_342 = arith.cmpf oeq, %squeeze3A_338, %select_n3A_335 : f32
    %gt3A_343 = arith.cmpi sgt, %squeeze3A_340, %select_n3A_336 : i32
    %and3A_344 = arith.andi %eq3A_342, %gt3A_343 : i1
    %or3A_345 = arith.ori %lt3A_341, %and3A_344 : i1
    %select_n3A_346 = arith.select %or3A_345, %squeeze3A_338, %select_n3A_335 : f32
    %select_n3A_347 = arith.select %or3A_345, %squeeze3A_340, %select_n3A_336 : i32
    %slice3A_348 = vector.extract_strided_slice %select_n3A_254 {offsets = [9], sizes = [1], strides = [1]} : vector<16xf32> to vector<1xf32>
    %squeeze3A_349 = vector.extract %slice3A_348[0] : f32 from vector<1xf32>
    %slice3A_350 = vector.extract_strided_slice %select_n3A_255 {offsets = [9], sizes = [1], strides = [1]} : vector<16xi32> to vector<1xi32>
    %squeeze3A_351 = vector.extract %slice3A_350[0] : i32 from vector<1xi32>
    %lt3A_352 = arith.cmpf olt, %squeeze3A_349, %select_n3A_346 : f32
    %eq3A_353 = arith.cmpf oeq, %squeeze3A_349, %select_n3A_346 : f32
    %gt3A_354 = arith.cmpi sgt, %squeeze3A_351, %select_n3A_347 : i32
    %and3A_355 = arith.andi %eq3A_353, %gt3A_354 : i1
    %or3A_356 = arith.ori %lt3A_352, %and3A_355 : i1
    %select_n3A_357 = arith.select %or3A_356, %squeeze3A_349, %select_n3A_346 : f32
    %select_n3A_358 = arith.select %or3A_356, %squeeze3A_351, %select_n3A_347 : i32
    %slice3A_359 = vector.extract_strided_slice %select_n3A_254 {offsets = [10], sizes = [1], strides = [1]} : vector<16xf32> to vector<1xf32>
    %squeeze3A_360 = vector.extract %slice3A_359[0] : f32 from vector<1xf32>
    %slice3A_361 = vector.extract_strided_slice %select_n3A_255 {offsets = [10], sizes = [1], strides = [1]} : vector<16xi32> to vector<1xi32>
    %squeeze3A_362 = vector.extract %slice3A_361[0] : i32 from vector<1xi32>
    %lt3A_363 = arith.cmpf olt, %squeeze3A_360, %select_n3A_357 : f32
    %eq3A_364 = arith.cmpf oeq, %squeeze3A_360, %select_n3A_357 : f32
    %gt3A_365 = arith.cmpi sgt, %squeeze3A_362, %select_n3A_358 : i32
    %and3A_366 = arith.andi %eq3A_364, %gt3A_365 : i1
    %or3A_367 = arith.ori %lt3A_363, %and3A_366 : i1
    %select_n3A_368 = arith.select %or3A_367, %squeeze3A_360, %select_n3A_357 : f32
    %select_n3A_369 = arith.select %or3A_367, %squeeze3A_362, %select_n3A_358 : i32
    %slice3A_370 = vector.extract_strided_slice %select_n3A_254 {offsets = [11], sizes = [1], strides = [1]} : vector<16xf32> to vector<1xf32>
    %squeeze3A_371 = vector.extract %slice3A_370[0] : f32 from vector<1xf32>
    %slice3A_372 = vector.extract_strided_slice %select_n3A_255 {offsets = [11], sizes = [1], strides = [1]} : vector<16xi32> to vector<1xi32>
    %squeeze3A_373 = vector.extract %slice3A_372[0] : i32 from vector<1xi32>
    %lt3A_374 = arith.cmpf olt, %squeeze3A_371, %select_n3A_368 : f32
    %eq3A_375 = arith.cmpf oeq, %squeeze3A_371, %select_n3A_368 : f32
    %gt3A_376 = arith.cmpi sgt, %squeeze3A_373, %select_n3A_369 : i32
    %and3A_377 = arith.andi %eq3A_375, %gt3A_376 : i1
    %or3A_378 = arith.ori %lt3A_374, %and3A_377 : i1
    %select_n3A_379 = arith.select %or3A_378, %squeeze3A_371, %select_n3A_368 : f32
    %select_n3A_380 = arith.select %or3A_378, %squeeze3A_373, %select_n3A_369 : i32
    %slice3A_381 = vector.extract_strided_slice %select_n3A_254 {offsets = [12], sizes = [1], strides = [1]} : vector<16xf32> to vector<1xf32>
    %squeeze3A_382 = vector.extract %slice3A_381[0] : f32 from vector<1xf32>
    %slice3A_383 = vector.extract_strided_slice %select_n3A_255 {offsets = [12], sizes = [1], strides = [1]} : vector<16xi32> to vector<1xi32>
    %squeeze3A_384 = vector.extract %slice3A_383[0] : i32 from vector<1xi32>
    %lt3A_385 = arith.cmpf olt, %squeeze3A_382, %select_n3A_379 : f32
    %eq3A_386 = arith.cmpf oeq, %squeeze3A_382, %select_n3A_379 : f32
    %gt3A_387 = arith.cmpi sgt, %squeeze3A_384, %select_n3A_380 : i32
    %and3A_388 = arith.andi %eq3A_386, %gt3A_387 : i1
    %or3A_389 = arith.ori %lt3A_385, %and3A_388 : i1
    %select_n3A_390 = arith.select %or3A_389, %squeeze3A_382, %select_n3A_379 : f32
    %select_n3A_391 = arith.select %or3A_389, %squeeze3A_384, %select_n3A_380 : i32
    %slice3A_392 = vector.extract_strided_slice %select_n3A_254 {offsets = [13], sizes = [1], strides = [1]} : vector<16xf32> to vector<1xf32>
    %squeeze3A_393 = vector.extract %slice3A_392[0] : f32 from vector<1xf32>
    %slice3A_394 = vector.extract_strided_slice %select_n3A_255 {offsets = [13], sizes = [1], strides = [1]} : vector<16xi32> to vector<1xi32>
    %squeeze3A_395 = vector.extract %slice3A_394[0] : i32 from vector<1xi32>
    %lt3A_396 = arith.cmpf olt, %squeeze3A_393, %select_n3A_390 : f32
    %eq3A_397 = arith.cmpf oeq, %squeeze3A_393, %select_n3A_390 : f32
    %gt3A_398 = arith.cmpi sgt, %squeeze3A_395, %select_n3A_391 : i32
    %and3A_399 = arith.andi %eq3A_397, %gt3A_398 : i1
    %or3A_400 = arith.ori %lt3A_396, %and3A_399 : i1
    %select_n3A_401 = arith.select %or3A_400, %squeeze3A_393, %select_n3A_390 : f32
    %select_n3A_402 = arith.select %or3A_400, %squeeze3A_395, %select_n3A_391 : i32
    %slice3A_403 = vector.extract_strided_slice %select_n3A_254 {offsets = [14], sizes = [1], strides = [1]} : vector<16xf32> to vector<1xf32>
    %squeeze3A_404 = vector.extract %slice3A_403[0] : f32 from vector<1xf32>
    %slice3A_405 = vector.extract_strided_slice %select_n3A_255 {offsets = [14], sizes = [1], strides = [1]} : vector<16xi32> to vector<1xi32>
    %squeeze3A_406 = vector.extract %slice3A_405[0] : i32 from vector<1xi32>
    %lt3A_407 = arith.cmpf olt, %squeeze3A_404, %select_n3A_401 : f32
    %eq3A_408 = arith.cmpf oeq, %squeeze3A_404, %select_n3A_401 : f32
    %gt3A_409 = arith.cmpi sgt, %squeeze3A_406, %select_n3A_402 : i32
    %and3A_410 = arith.andi %eq3A_408, %gt3A_409 : i1
    %or3A_411 = arith.ori %lt3A_407, %and3A_410 : i1
    %select_n3A_412 = arith.select %or3A_411, %squeeze3A_404, %select_n3A_401 : f32
    %select_n3A_413 = arith.select %or3A_411, %squeeze3A_406, %select_n3A_402 : i32
    %slice3A_414 = vector.extract_strided_slice %select_n3A_254 {offsets = [15], sizes = [1], strides = [1]} : vector<16xf32> to vector<1xf32>
    %squeeze3A_415 = vector.extract %slice3A_414[0] : f32 from vector<1xf32>
    %slice3A_416 = vector.extract_strided_slice %select_n3A_255 {offsets = [15], sizes = [1], strides = [1]} : vector<16xi32> to vector<1xi32>
    %squeeze3A_417 = vector.extract %slice3A_416[0] : i32 from vector<1xi32>
    %lt3A_418 = arith.cmpf olt, %squeeze3A_415, %select_n3A_412 : f32
    %eq3A_419 = arith.cmpf oeq, %squeeze3A_415, %select_n3A_412 : f32
    %gt3A_420 = arith.cmpi sgt, %squeeze3A_417, %select_n3A_413 : i32
    %and3A_421 = arith.andi %eq3A_419, %gt3A_420 : i1
    %or3A_422 = arith.ori %lt3A_418, %and3A_421 : i1
    %select_n3A_423 = arith.select %or3A_422, %squeeze3A_415, %select_n3A_412 : f32
    %select_n3A_424 = arith.select %or3A_422, %squeeze3A_417, %select_n3A_413 : i32
    %eq3A_425 = arith.constant 1 : i32
    %eq3A_426 = vector.broadcast %eq3A_425 : i32 to vector<16xi32>
    %eq3A_427 = arith.cmpi eq, %iota3A, %eq3A_426 : vector<16xi32>
    %convert_element_type3A_428 = arith.sitofp %select_n3A_424 : i32 to f32
    %broadcast_in_dim3A_429 = vector.broadcast %convert_element_type3A_428 : f32 to vector<16xf32>
    %select_n3A_430 = arith.select %eq3A_427, %broadcast_in_dim3A_429, %select_n3A_216 : vector<16xi1>, vector<16xf32>
    %eq3A_431 = arith.constant 5 : i32
    %eq3A_432 = vector.broadcast %eq3A_431 : i32 to vector<16xi32>
    %eq3A_433 = arith.cmpi eq, %iota3A, %eq3A_432 : vector<16xi32>
    %broadcast_in_dim3A_434 = vector.broadcast %select_n3A_423 : f32 to vector<16xf32>
    %select_n3A_435 = arith.select %eq3A_433, %broadcast_in_dim3A_434, %select_n3A_430 : vector<16xi1>, vector<16xf32>
    %add3A_436 = arith.constant 2 : i32
    %add3A_437 = arith.addi %mul3A_2, %add3A_436 : i32
    %dma_wait3A_438 = tpu.memref_slice %arg3[%mul3A_224] : memref<262144xf32, #tpu.memory_space<hbm>> -> memref<2048xf32, #tpu.memory_space<hbm>>
    %dma_wait3A_439 = tpu.memref_slice %arg3[%mul3A_224] : memref<262144xf32, #tpu.memory_space<hbm>> -> memref<2048xf32, #tpu.memory_space<hbm>>
    tpu.wait_dma2 semaphore(%arg9 : memref<!tpu.dma_semaphore, #tpu.memory_space<semaphore_mem>>) src(%dma_wait3A_439 : memref<2048xf32, #tpu.memory_space<hbm>>) dst(%arg5 : memref<2048xf32, #tpu.memory_space<vmem>>)
    %add3A_440 = arith.constant 1 : i32
    %add3A_441 = arith.addi %add3A_437, %add3A_440 : i32
    %mul3A_442 = arith.constant 2048 : i32
    %mul3A_443 = arith.muli %add3A_441, %mul3A_442 : i32
    %dma_start3A_444 = tpu.memref_slice %arg3[%mul3A_443] : memref<262144xf32, #tpu.memory_space<hbm>> -> memref<2048xf32, #tpu.memory_space<hbm>>
    %dma_start3A_445 = tpu.memref_slice %arg3[%mul3A_443] : memref<262144xf32, #tpu.memory_space<hbm>> -> memref<2048xf32, #tpu.memory_space<hbm>>
    tpu.enqueue_dma source(%dma_start3A_445 : memref<2048xf32, #tpu.memory_space<hbm>>) target(%arg6 : memref<2048xf32, #tpu.memory_space<vmem>>) target_semaphore(%arg9 : memref<!tpu.dma_semaphore, #tpu.memory_space<semaphore_mem>>)
    %broadcast_in_dim3A_446 = arith.constant 0x7F800000 : f32
    %broadcast_in_dim3A_447 = vector.broadcast %broadcast_in_dim3A_446 : f32 to vector<16xf32>
    %scan3A_448 = arith.constant 0 : i32
    %scan3A_449 = arith.constant 8 : i32
    %scan3A_450 = arith.addi %scan3A_448, %scan3A_449 : i32
    %scan3A_451 = arith.constant 1 : i32
    %scan3A_452:9 = scf.for %scan3A_873 = %scan3A_448 to %scan3A_450 step %scan3A_451 iter_args(%scan3A_874 = %broadcast_in_dim3A_447, %scan3A_875 = %broadcast_in_dim3A_447, %scan3A_876 = %broadcast_in_dim3A_447, %scan3A_877 = %broadcast_in_dim3A_447, %scan3A_878 = %iota3A, %scan3A_879 = %iota3A, %scan3A_880 = %iota3A, %scan3A_881 = %iota3A, %scan3A_882 = %iota3A) -> (vector<16xf32>, vector<16xf32>, vector<16xf32>, vector<16xf32>, vector<16xi32>, vector<16xi32>, vector<16xi32>, vector<16xi32>, vector<16xi32>)  : i32 {
      %mul3A_883 = arith.constant 16 : i32
      %mul3A_884 = arith.muli %scan3A_873, %mul3A_883 : i32
      %add3A_885 = arith.constant 0 : i32
      %add3A_886 = arith.addi %mul3A_884, %add3A_885 : i32
      %mul3A_887 = arith.constant 16 : i32
      %mul3A_888 = arith.muli %add3A_886, %mul3A_887 : i32
      %get3A_889 = arith.index_cast %mul3A_888 : i32 to index
      %get3A_890 = tpu.vector_load %arg5[%get3A_889] {strides = array<i32>} : memref<2048xf32, #tpu.memory_space<vmem>>, vector<16xf32>,
      %get3A_891 = vector.shape_cast %get3A_890 : vector<16xf32> to vector<16xf32>
      %mul3A_892 = arith.mulf %get3A_891, %get3A_7 : vector<16xf32>
      %add3A_893 = arith.constant 0 : i32
      %add3A_894 = vector.broadcast %add3A_893 : i32 to vector<16xi32>
      %add3A_895 = arith.addi %scan3A_882, %add3A_894 : vector<16xi32>
      %le3A = arith.cmpf ole, %mul3A_892, %scan3A_874 : vector<16xf32>
      %select_n3A_896 = arith.select %le3A, %mul3A_892, %scan3A_874 : vector<16xi1>, vector<16xf32>
      %select_n3A_897 = arith.select %le3A, %add3A_895, %scan3A_878 : vector<16xi1>, vector<16xi32>
      %mul3A_898 = arith.constant 16 : i32
      %mul3A_899 = arith.muli %scan3A_873, %mul3A_898 : i32
      %add3A_900 = arith.constant 1 : i32
      %add3A_901 = arith.addi %mul3A_899, %add3A_900 : i32
      %mul3A_902 = arith.constant 16 : i32
      %mul3A_903 = arith.muli %add3A_901, %mul3A_902 : i32
      %get3A_904 = arith.index_cast %mul3A_903 : i32 to index
      %get3A_905 = tpu.vector_load %arg5[%get3A_904] {strides = array<i32>} : memref<2048xf32, #tpu.memory_space<vmem>>, vector<16xf32>,
      %get3A_906 = vector.shape_cast %get3A_905 : vector<16xf32> to vector<16xf32>
      %mul3A_907 = arith.mulf %get3A_906, %get3A_7 : vector<16xf32>
      %add3A_908 = arith.constant 16 : i32
      %add3A_909 = vector.broadcast %add3A_908 : i32 to vector<16xi32>
      %add3A_910 = arith.addi %scan3A_882, %add3A_909 : vector<16xi32>
      %le3A_911 = arith.cmpf ole, %mul3A_907, %scan3A_875 : vector<16xf32>
      %select_n3A_912 = arith.select %le3A_911, %mul3A_907, %scan3A_875 : vector<16xi1>, vector<16xf32>
      %select_n3A_913 = arith.select %le3A_911, %add3A_910, %scan3A_879 : vector<16xi1>, vector<16xi32>
      %mul3A_914 = arith.constant 16 : i32
      %mul3A_915 = arith.muli %scan3A_873, %mul3A_914 : i32
      %add3A_916 = arith.constant 2 : i32
      %add3A_917 = arith.addi %mul3A_915, %add3A_916 : i32
      %mul3A_918 = arith.constant 16 : i32
      %mul3A_919 = arith.muli %add3A_917, %mul3A_918 : i32
      %get3A_920 = arith.index_cast %mul3A_919 : i32 to index
      %get3A_921 = tpu.vector_load %arg5[%get3A_920] {strides = array<i32>} : memref<2048xf32, #tpu.memory_space<vmem>>, vector<16xf32>,
      %get3A_922 = vector.shape_cast %get3A_921 : vector<16xf32> to vector<16xf32>
      %mul3A_923 = arith.mulf %get3A_922, %get3A_7 : vector<16xf32>
      %add3A_924 = arith.constant 32 : i32
      %add3A_925 = vector.broadcast %add3A_924 : i32 to vector<16xi32>
      %add3A_926 = arith.addi %scan3A_882, %add3A_925 : vector<16xi32>
      %le3A_927 = arith.cmpf ole, %mul3A_923, %scan3A_876 : vector<16xf32>
      %select_n3A_928 = arith.select %le3A_927, %mul3A_923, %scan3A_876 : vector<16xi1>, vector<16xf32>
      %select_n3A_929 = arith.select %le3A_927, %add3A_926, %scan3A_880 : vector<16xi1>, vector<16xi32>
      %mul3A_930 = arith.constant 16 : i32
      %mul3A_931 = arith.muli %scan3A_873, %mul3A_930 : i32
      %add3A_932 = arith.constant 3 : i32
      %add3A_933 = arith.addi %mul3A_931, %add3A_932 : i32
      %mul3A_934 = arith.constant 16 : i32
      %mul3A_935 = arith.muli %add3A_933, %mul3A_934 : i32
      %get3A_936 = arith.index_cast %mul3A_935 : i32 to index
      %get3A_937 = tpu.vector_load %arg5[%get3A_936] {strides = array<i32>} : memref<2048xf32, #tpu.memory_space<vmem>>, vector<16xf32>,
      %get3A_938 = vector.shape_cast %get3A_937 : vector<16xf32> to vector<16xf32>
      %mul3A_939 = arith.mulf %get3A_938, %get3A_7 : vector<16xf32>
      %add3A_940 = arith.constant 48 : i32
      %add3A_941 = vector.broadcast %add3A_940 : i32 to vector<16xi32>
      %add3A_942 = arith.addi %scan3A_882, %add3A_941 : vector<16xi32>
      %le3A_943 = arith.cmpf ole, %mul3A_939, %scan3A_877 : vector<16xf32>
      %select_n3A_944 = arith.select %le3A_943, %mul3A_939, %scan3A_877 : vector<16xi1>, vector<16xf32>
      %select_n3A_945 = arith.select %le3A_943, %add3A_942, %scan3A_881 : vector<16xi1>, vector<16xi32>
      %mul3A_946 = arith.constant 16 : i32
      %mul3A_947 = arith.muli %scan3A_873, %mul3A_946 : i32
      %add3A_948 = arith.constant 4 : i32
      %add3A_949 = arith.addi %mul3A_947, %add3A_948 : i32
      %mul3A_950 = arith.constant 16 : i32
      %mul3A_951 = arith.muli %add3A_949, %mul3A_950 : i32
      %get3A_952 = arith.index_cast %mul3A_951 : i32 to index
      %get3A_953 = tpu.vector_load %arg5[%get3A_952] {strides = array<i32>} : memref<2048xf32, #tpu.memory_space<vmem>>, vector<16xf32>,
      %get3A_954 = vector.shape_cast %get3A_953 : vector<16xf32> to vector<16xf32>
      %mul3A_955 = arith.mulf %get3A_954, %get3A_7 : vector<16xf32>
      %add3A_956 = arith.constant 64 : i32
      %add3A_957 = vector.broadcast %add3A_956 : i32 to vector<16xi32>
      %add3A_958 = arith.addi %scan3A_882, %add3A_957 : vector<16xi32>
      %le3A_959 = arith.cmpf ole, %mul3A_955, %select_n3A_896 : vector<16xf32>
      %select_n3A_960 = arith.select %le3A_959, %mul3A_955, %select_n3A_896 : vector<16xi1>, vector<16xf32>
      %select_n3A_961 = arith.select %le3A_959, %add3A_958, %select_n3A_897 : vector<16xi1>, vector<16xi32>
      %mul3A_962 = arith.constant 16 : i32
      %mul3A_963 = arith.muli %scan3A_873, %mul3A_962 : i32
      %add3A_964 = arith.constant 5 : i32
      %add3A_965 = arith.addi %mul3A_963, %add3A_964 : i32
      %mul3A_966 = arith.constant 16 : i32
      %mul3A_967 = arith.muli %add3A_965, %mul3A_966 : i32
      %get3A_968 = arith.index_cast %mul3A_967 : i32 to index
      %get3A_969 = tpu.vector_load %arg5[%get3A_968] {strides = array<i32>} : memref<2048xf32, #tpu.memory_space<vmem>>, vector<16xf32>,
      %get3A_970 = vector.shape_cast %get3A_969 : vector<16xf32> to vector<16xf32>
      %mul3A_971 = arith.mulf %get3A_970, %get3A_7 : vector<16xf32>
      %add3A_972 = arith.constant 80 : i32
      %add3A_973 = vector.broadcast %add3A_972 : i32 to vector<16xi32>
      %add3A_974 = arith.addi %scan3A_882, %add3A_973 : vector<16xi32>
      %le3A_975 = arith.cmpf ole, %mul3A_971, %select_n3A_912 : vector<16xf32>
      %select_n3A_976 = arith.select %le3A_975, %mul3A_971, %select_n3A_912 : vector<16xi1>, vector<16xf32>
      %select_n3A_977 = arith.select %le3A_975, %add3A_974, %select_n3A_913 : vector<16xi1>, vector<16xi32>
      %mul3A_978 = arith.constant 16 : i32
      %mul3A_979 = arith.muli %scan3A_873, %mul3A_978 : i32
      %add3A_980 = arith.constant 6 : i32
      %add3A_981 = arith.addi %mul3A_979, %add3A_980 : i32
      %mul3A_982 = arith.constant 16 : i32
      %mul3A_983 = arith.muli %add3A_981, %mul3A_982 : i32
      %get3A_984 = arith.index_cast %mul3A_983 : i32 to index
      %get3A_985 = tpu.vector_load %arg5[%get3A_984] {strides = array<i32>} : memref<2048xf32, #tpu.memory_space<vmem>>, vector<16xf32>,
      %get3A_986 = vector.shape_cast %get3A_985 : vector<16xf32> to vector<16xf32>
      %mul3A_987 = arith.mulf %get3A_986, %get3A_7 : vector<16xf32>
      %add3A_988 = arith.constant 96 : i32
      %add3A_989 = vector.broadcast %add3A_988 : i32 to vector<16xi32>
      %add3A_990 = arith.addi %scan3A_882, %add3A_989 : vector<16xi32>
      %le3A_991 = arith.cmpf ole, %mul3A_987, %select_n3A_928 : vector<16xf32>
      %select_n3A_992 = arith.select %le3A_991, %mul3A_987, %select_n3A_928 : vector<16xi1>, vector<16xf32>
      %select_n3A_993 = arith.select %le3A_991, %add3A_990, %select_n3A_929 : vector<16xi1>, vector<16xi32>
      %mul3A_994 = arith.constant 16 : i32
      %mul3A_995 = arith.muli %scan3A_873, %mul3A_994 : i32
      %add3A_996 = arith.constant 7 : i32
      %add3A_997 = arith.addi %mul3A_995, %add3A_996 : i32
      %mul3A_998 = arith.constant 16 : i32
      %mul3A_999 = arith.muli %add3A_997, %mul3A_998 : i32
      %get3A_1000 = arith.index_cast %mul3A_999 : i32 to index
      %get3A_1001 = tpu.vector_load %arg5[%get3A_1000] {strides = array<i32>} : memref<2048xf32, #tpu.memory_space<vmem>>, vector<16xf32>,
      %get3A_1002 = vector.shape_cast %get3A_1001 : vector<16xf32> to vector<16xf32>
      %mul3A_1003 = arith.mulf %get3A_1002, %get3A_7 : vector<16xf32>
      %add3A_1004 = arith.constant 112 : i32
      %add3A_1005 = vector.broadcast %add3A_1004 : i32 to vector<16xi32>
      %add3A_1006 = arith.addi %scan3A_882, %add3A_1005 : vector<16xi32>
      %le3A_1007 = arith.cmpf ole, %mul3A_1003, %select_n3A_944 : vector<16xf32>
      %select_n3A_1008 = arith.select %le3A_1007, %mul3A_1003, %select_n3A_944 : vector<16xi1>, vector<16xf32>
      %select_n3A_1009 = arith.select %le3A_1007, %add3A_1006, %select_n3A_945 : vector<16xi1>, vector<16xi32>
      %mul3A_1010 = arith.constant 16 : i32
      %mul3A_1011 = arith.muli %scan3A_873, %mul3A_1010 : i32
      %add3A_1012 = arith.constant 8 : i32
      %add3A_1013 = arith.addi %mul3A_1011, %add3A_1012 : i32
      %mul3A_1014 = arith.constant 16 : i32
      %mul3A_1015 = arith.muli %add3A_1013, %mul3A_1014 : i32
      %get3A_1016 = arith.index_cast %mul3A_1015 : i32 to index
      %get3A_1017 = tpu.vector_load %arg5[%get3A_1016] {strides = array<i32>} : memref<2048xf32, #tpu.memory_space<vmem>>, vector<16xf32>,
      %get3A_1018 = vector.shape_cast %get3A_1017 : vector<16xf32> to vector<16xf32>
      %mul3A_1019 = arith.mulf %get3A_1018, %get3A_7 : vector<16xf32>
      %add3A_1020 = arith.constant 128 : i32
      %add3A_1021 = vector.broadcast %add3A_1020 : i32 to vector<16xi32>
      %add3A_1022 = arith.addi %scan3A_882, %add3A_1021 : vector<16xi32>
      %le3A_1023 = arith.cmpf ole, %mul3A_1019, %select_n3A_960 : vector<16xf32>
      %select_n3A_1024 = arith.select %le3A_1023, %mul3A_1019, %select_n3A_960 : vector<16xi1>, vector<16xf32>
      %select_n3A_1025 = arith.select %le3A_1023, %add3A_1022, %select_n3A_961 : vector<16xi1>, vector<16xi32>
      %mul3A_1026 = arith.constant 16 : i32
      %mul3A_1027 = arith.muli %scan3A_873, %mul3A_1026 : i32
      %add3A_1028 = arith.constant 9 : i32
      %add3A_1029 = arith.addi %mul3A_1027, %add3A_1028 : i32
      %mul3A_1030 = arith.constant 16 : i32
      %mul3A_1031 = arith.muli %add3A_1029, %mul3A_1030 : i32
      %get3A_1032 = arith.index_cast %mul3A_1031 : i32 to index
      %get3A_1033 = tpu.vector_load %arg5[%get3A_1032] {strides = array<i32>} : memref<2048xf32, #tpu.memory_space<vmem>>, vector<16xf32>,
      %get3A_1034 = vector.shape_cast %get3A_1033 : vector<16xf32> to vector<16xf32>
      %mul3A_1035 = arith.mulf %get3A_1034, %get3A_7 : vector<16xf32>
      %add3A_1036 = arith.constant 144 : i32
      %add3A_1037 = vector.broadcast %add3A_1036 : i32 to vector<16xi32>
      %add3A_1038 = arith.addi %scan3A_882, %add3A_1037 : vector<16xi32>
      %le3A_1039 = arith.cmpf ole, %mul3A_1035, %select_n3A_976 : vector<16xf32>
      %select_n3A_1040 = arith.select %le3A_1039, %mul3A_1035, %select_n3A_976 : vector<16xi1>, vector<16xf32>
      %select_n3A_1041 = arith.select %le3A_1039, %add3A_1038, %select_n3A_977 : vector<16xi1>, vector<16xi32>
      %mul3A_1042 = arith.constant 16 : i32
      %mul3A_1043 = arith.muli %scan3A_873, %mul3A_1042 : i32
      %add3A_1044 = arith.constant 10 : i32
      %add3A_1045 = arith.addi %mul3A_1043, %add3A_1044 : i32
      %mul3A_1046 = arith.constant 16 : i32
      %mul3A_1047 = arith.muli %add3A_1045, %mul3A_1046 : i32
      %get3A_1048 = arith.index_cast %mul3A_1047 : i32 to index
      %get3A_1049 = tpu.vector_load %arg5[%get3A_1048] {strides = array<i32>} : memref<2048xf32, #tpu.memory_space<vmem>>, vector<16xf32>,
      %get3A_1050 = vector.shape_cast %get3A_1049 : vector<16xf32> to vector<16xf32>
      %mul3A_1051 = arith.mulf %get3A_1050, %get3A_7 : vector<16xf32>
      %add3A_1052 = arith.constant 160 : i32
      %add3A_1053 = vector.broadcast %add3A_1052 : i32 to vector<16xi32>
      %add3A_1054 = arith.addi %scan3A_882, %add3A_1053 : vector<16xi32>
      %le3A_1055 = arith.cmpf ole, %mul3A_1051, %select_n3A_992 : vector<16xf32>
      %select_n3A_1056 = arith.select %le3A_1055, %mul3A_1051, %select_n3A_992 : vector<16xi1>, vector<16xf32>
      %select_n3A_1057 = arith.select %le3A_1055, %add3A_1054, %select_n3A_993 : vector<16xi1>, vector<16xi32>
      %mul3A_1058 = arith.constant 16 : i32
      %mul3A_1059 = arith.muli %scan3A_873, %mul3A_1058 : i32
      %add3A_1060 = arith.constant 11 : i32
      %add3A_1061 = arith.addi %mul3A_1059, %add3A_1060 : i32
      %mul3A_1062 = arith.constant 16 : i32
      %mul3A_1063 = arith.muli %add3A_1061, %mul3A_1062 : i32
      %get3A_1064 = arith.index_cast %mul3A_1063 : i32 to index
      %get3A_1065 = tpu.vector_load %arg5[%get3A_1064] {strides = array<i32>} : memref<2048xf32, #tpu.memory_space<vmem>>, vector<16xf32>,
      %get3A_1066 = vector.shape_cast %get3A_1065 : vector<16xf32> to vector<16xf32>
      %mul3A_1067 = arith.mulf %get3A_1066, %get3A_7 : vector<16xf32>
      %add3A_1068 = arith.constant 176 : i32
      %add3A_1069 = vector.broadcast %add3A_1068 : i32 to vector<16xi32>
      %add3A_1070 = arith.addi %scan3A_882, %add3A_1069 : vector<16xi32>
      %le3A_1071 = arith.cmpf ole, %mul3A_1067, %select_n3A_1008 : vector<16xf32>
      %select_n3A_1072 = arith.select %le3A_1071, %mul3A_1067, %select_n3A_1008 : vector<16xi1>, vector<16xf32>
      %select_n3A_1073 = arith.select %le3A_1071, %add3A_1070, %select_n3A_1009 : vector<16xi1>, vector<16xi32>
      %mul3A_1074 = arith.constant 16 : i32
      %mul3A_1075 = arith.muli %scan3A_873, %mul3A_1074 : i32
      %add3A_1076 = arith.constant 12 : i32
      %add3A_1077 = arith.addi %mul3A_1075, %add3A_1076 : i32
      %mul3A_1078 = arith.constant 16 : i32
      %mul3A_1079 = arith.muli %add3A_1077, %mul3A_1078 : i32
      %get3A_1080 = arith.index_cast %mul3A_1079 : i32 to index
      %get3A_1081 = tpu.vector_load %arg5[%get3A_1080] {strides = array<i32>} : memref<2048xf32, #tpu.memory_space<vmem>>, vector<16xf32>,
      %get3A_1082 = vector.shape_cast %get3A_1081 : vector<16xf32> to vector<16xf32>
      %mul3A_1083 = arith.mulf %get3A_1082, %get3A_7 : vector<16xf32>
      %add3A_1084 = arith.constant 192 : i32
      %add3A_1085 = vector.broadcast %add3A_1084 : i32 to vector<16xi32>
      %add3A_1086 = arith.addi %scan3A_882, %add3A_1085 : vector<16xi32>
      %le3A_1087 = arith.cmpf ole, %mul3A_1083, %select_n3A_1024 : vector<16xf32>
      %select_n3A_1088 = arith.select %le3A_1087, %mul3A_1083, %select_n3A_1024 : vector<16xi1>, vector<16xf32>
      %select_n3A_1089 = arith.select %le3A_1087, %add3A_1086, %select_n3A_1025 : vector<16xi1>, vector<16xi32>
      %mul3A_1090 = arith.constant 16 : i32
      %mul3A_1091 = arith.muli %scan3A_873, %mul3A_1090 : i32
      %add3A_1092 = arith.constant 13 : i32
      %add3A_1093 = arith.addi %mul3A_1091, %add3A_1092 : i32
      %mul3A_1094 = arith.constant 16 : i32
      %mul3A_1095 = arith.muli %add3A_1093, %mul3A_1094 : i32
      %get3A_1096 = arith.index_cast %mul3A_1095 : i32 to index
      %get3A_1097 = tpu.vector_load %arg5[%get3A_1096] {strides = array<i32>} : memref<2048xf32, #tpu.memory_space<vmem>>, vector<16xf32>,
      %get3A_1098 = vector.shape_cast %get3A_1097 : vector<16xf32> to vector<16xf32>
      %mul3A_1099 = arith.mulf %get3A_1098, %get3A_7 : vector<16xf32>
      %add3A_1100 = arith.constant 208 : i32
      %add3A_1101 = vector.broadcast %add3A_1100 : i32 to vector<16xi32>
      %add3A_1102 = arith.addi %scan3A_882, %add3A_1101 : vector<16xi32>
      %le3A_1103 = arith.cmpf ole, %mul3A_1099, %select_n3A_1040 : vector<16xf32>
      %select_n3A_1104 = arith.select %le3A_1103, %mul3A_1099, %select_n3A_1040 : vector<16xi1>, vector<16xf32>
      %select_n3A_1105 = arith.select %le3A_1103, %add3A_1102, %select_n3A_1041 : vector<16xi1>, vector<16xi32>
      %mul3A_1106 = arith.constant 16 : i32
      %mul3A_1107 = arith.muli %scan3A_873, %mul3A_1106 : i32
      %add3A_1108 = arith.constant 14 : i32
      %add3A_1109 = arith.addi %mul3A_1107, %add3A_1108 : i32
      %mul3A_1110 = arith.constant 16 : i32
      %mul3A_1111 = arith.muli %add3A_1109, %mul3A_1110 : i32
      %get3A_1112 = arith.index_cast %mul3A_1111 : i32 to index
      %get3A_1113 = tpu.vector_load %arg5[%get3A_1112] {strides = array<i32>} : memref<2048xf32, #tpu.memory_space<vmem>>, vector<16xf32>,
      %get3A_1114 = vector.shape_cast %get3A_1113 : vector<16xf32> to vector<16xf32>
      %mul3A_1115 = arith.mulf %get3A_1114, %get3A_7 : vector<16xf32>
      %add3A_1116 = arith.constant 224 : i32
      %add3A_1117 = vector.broadcast %add3A_1116 : i32 to vector<16xi32>
      %add3A_1118 = arith.addi %scan3A_882, %add3A_1117 : vector<16xi32>
      %le3A_1119 = arith.cmpf ole, %mul3A_1115, %select_n3A_1056 : vector<16xf32>
      %select_n3A_1120 = arith.select %le3A_1119, %mul3A_1115, %select_n3A_1056 : vector<16xi1>, vector<16xf32>
      %select_n3A_1121 = arith.select %le3A_1119, %add3A_1118, %select_n3A_1057 : vector<16xi1>, vector<16xi32>
      %mul3A_1122 = arith.constant 16 : i32
      %mul3A_1123 = arith.muli %scan3A_873, %mul3A_1122 : i32
      %add3A_1124 = arith.constant 15 : i32
      %add3A_1125 = arith.addi %mul3A_1123, %add3A_1124 : i32
      %mul3A_1126 = arith.constant 16 : i32
      %mul3A_1127 = arith.muli %add3A_1125, %mul3A_1126 : i32
      %get3A_1128 = arith.index_cast %mul3A_1127 : i32 to index
      %get3A_1129 = tpu.vector_load %arg5[%get3A_1128] {strides = array<i32>} : memref<2048xf32, #tpu.memory_space<vmem>>, vector<16xf32>,
      %get3A_1130 = vector.shape_cast %get3A_1129 : vector<16xf32> to vector<16xf32>
      %mul3A_1131 = arith.mulf %get3A_1130, %get3A_7 : vector<16xf32>
      %add3A_1132 = arith.constant 240 : i32
      %add3A_1133 = vector.broadcast %add3A_1132 : i32 to vector<16xi32>
      %add3A_1134 = arith.addi %scan3A_882, %add3A_1133 : vector<16xi32>
      %le3A_1135 = arith.cmpf ole, %mul3A_1131, %select_n3A_1072 : vector<16xf32>
      %select_n3A_1136 = arith.select %le3A_1135, %mul3A_1131, %select_n3A_1072 : vector<16xi1>, vector<16xf32>
      %select_n3A_1137 = arith.select %le3A_1135, %add3A_1134, %select_n3A_1073 : vector<16xi1>, vector<16xi32>
      %add3A_1138 = arith.constant 256 : i32
      %add3A_1139 = vector.broadcast %add3A_1138 : i32 to vector<16xi32>
      %add3A_1140 = arith.addi %scan3A_882, %add3A_1139 : vector<16xi32>
      scf.yield %select_n3A_1088, %select_n3A_1104, %select_n3A_1120, %select_n3A_1136, %select_n3A_1089, %select_n3A_1105, %select_n3A_1121, %select_n3A_1137, %add3A_1140 : vector<16xf32>, vector<16xf32>, vector<16xf32>, vector<16xf32>, vector<16xi32>, vector<16xi32>, vector<16xi32>, vector<16xi32>, vector<16xi32>
    }
    %scan3A_453 = arith.constant 8 : i32
    %lt3A_454 = arith.cmpf olt, %scan3A_452#1, %scan3A_452#0 : vector<16xf32>
    %eq3A_455 = arith.cmpf oeq, %scan3A_452#1, %scan3A_452#0 : vector<16xf32>
    %gt3A_456 = arith.cmpi sgt, %scan3A_452#5, %scan3A_452#4 : vector<16xi32>
    %and3A_457 = arith.andi %eq3A_455, %gt3A_456 : vector<16xi1>
    %or3A_458 = arith.ori %lt3A_454, %and3A_457 : vector<16xi1>
    %select_n3A_459 = arith.select %or3A_458, %scan3A_452#1, %scan3A_452#0 : vector<16xi1>, vector<16xf32>
    %select_n3A_460 = arith.select %or3A_458, %scan3A_452#5, %scan3A_452#4 : vector<16xi1>, vector<16xi32>
    %lt3A_461 = arith.cmpf olt, %scan3A_452#2, %select_n3A_459 : vector<16xf32>
    %eq3A_462 = arith.cmpf oeq, %scan3A_452#2, %select_n3A_459 : vector<16xf32>
    %gt3A_463 = arith.cmpi sgt, %scan3A_452#6, %select_n3A_460 : vector<16xi32>
    %and3A_464 = arith.andi %eq3A_462, %gt3A_463 : vector<16xi1>
    %or3A_465 = arith.ori %lt3A_461, %and3A_464 : vector<16xi1>
    %select_n3A_466 = arith.select %or3A_465, %scan3A_452#2, %select_n3A_459 : vector<16xi1>, vector<16xf32>
    %select_n3A_467 = arith.select %or3A_465, %scan3A_452#6, %select_n3A_460 : vector<16xi1>, vector<16xi32>
    %lt3A_468 = arith.cmpf olt, %scan3A_452#3, %select_n3A_466 : vector<16xf32>
    %eq3A_469 = arith.cmpf oeq, %scan3A_452#3, %select_n3A_466 : vector<16xf32>
    %gt3A_470 = arith.cmpi sgt, %scan3A_452#7, %select_n3A_467 : vector<16xi32>
    %and3A_471 = arith.andi %eq3A_469, %gt3A_470 : vector<16xi1>
    %or3A_472 = arith.ori %lt3A_468, %and3A_471 : vector<16xi1>
    %select_n3A_473 = arith.select %or3A_472, %scan3A_452#3, %select_n3A_466 : vector<16xi1>, vector<16xf32>
    %select_n3A_474 = arith.select %or3A_472, %scan3A_452#7, %select_n3A_467 : vector<16xi1>, vector<16xi32>
    %slice3A_475 = vector.extract_strided_slice %select_n3A_473 {offsets = [0], sizes = [1], strides = [1]} : vector<16xf32> to vector<1xf32>
    %squeeze3A_476 = vector.extract %slice3A_475[0] : f32 from vector<1xf32>
    %slice3A_477 = vector.extract_strided_slice %select_n3A_474 {offsets = [0], sizes = [1], strides = [1]} : vector<16xi32> to vector<1xi32>
    %squeeze3A_478 = vector.extract %slice3A_477[0] : i32 from vector<1xi32>
    %slice3A_479 = vector.extract_strided_slice %select_n3A_473 {offsets = [1], sizes = [1], strides = [1]} : vector<16xf32> to vector<1xf32>
    %squeeze3A_480 = vector.extract %slice3A_479[0] : f32 from vector<1xf32>
    %slice3A_481 = vector.extract_strided_slice %select_n3A_474 {offsets = [1], sizes = [1], strides = [1]} : vector<16xi32> to vector<1xi32>
    %squeeze3A_482 = vector.extract %slice3A_481[0] : i32 from vector<1xi32>
    %lt3A_483 = arith.cmpf olt, %squeeze3A_480, %squeeze3A_476 : f32
    %eq3A_484 = arith.cmpf oeq, %squeeze3A_480, %squeeze3A_476 : f32
    %gt3A_485 = arith.cmpi sgt, %squeeze3A_482, %squeeze3A_478 : i32
    %and3A_486 = arith.andi %eq3A_484, %gt3A_485 : i1
    %or3A_487 = arith.ori %lt3A_483, %and3A_486 : i1
    %select_n3A_488 = arith.select %or3A_487, %squeeze3A_480, %squeeze3A_476 : f32
    %select_n3A_489 = arith.select %or3A_487, %squeeze3A_482, %squeeze3A_478 : i32
    %slice3A_490 = vector.extract_strided_slice %select_n3A_473 {offsets = [2], sizes = [1], strides = [1]} : vector<16xf32> to vector<1xf32>
    %squeeze3A_491 = vector.extract %slice3A_490[0] : f32 from vector<1xf32>
    %slice3A_492 = vector.extract_strided_slice %select_n3A_474 {offsets = [2], sizes = [1], strides = [1]} : vector<16xi32> to vector<1xi32>
    %squeeze3A_493 = vector.extract %slice3A_492[0] : i32 from vector<1xi32>
    %lt3A_494 = arith.cmpf olt, %squeeze3A_491, %select_n3A_488 : f32
    %eq3A_495 = arith.cmpf oeq, %squeeze3A_491, %select_n3A_488 : f32
    %gt3A_496 = arith.cmpi sgt, %squeeze3A_493, %select_n3A_489 : i32
    %and3A_497 = arith.andi %eq3A_495, %gt3A_496 : i1
    %or3A_498 = arith.ori %lt3A_494, %and3A_497 : i1
    %select_n3A_499 = arith.select %or3A_498, %squeeze3A_491, %select_n3A_488 : f32
    %select_n3A_500 = arith.select %or3A_498, %squeeze3A_493, %select_n3A_489 : i32
    %slice3A_501 = vector.extract_strided_slice %select_n3A_473 {offsets = [3], sizes = [1], strides = [1]} : vector<16xf32> to vector<1xf32>
    %squeeze3A_502 = vector.extract %slice3A_501[0] : f32 from vector<1xf32>
    %slice3A_503 = vector.extract_strided_slice %select_n3A_474 {offsets = [3], sizes = [1], strides = [1]} : vector<16xi32> to vector<1xi32>
    %squeeze3A_504 = vector.extract %slice3A_503[0] : i32 from vector<1xi32>
    %lt3A_505 = arith.cmpf olt, %squeeze3A_502, %select_n3A_499 : f32
    %eq3A_506 = arith.cmpf oeq, %squeeze3A_502, %select_n3A_499 : f32
    %gt3A_507 = arith.cmpi sgt, %squeeze3A_504, %select_n3A_500 : i32
    %and3A_508 = arith.andi %eq3A_506, %gt3A_507 : i1
    %or3A_509 = arith.ori %lt3A_505, %and3A_508 : i1
    %select_n3A_510 = arith.select %or3A_509, %squeeze3A_502, %select_n3A_499 : f32
    %select_n3A_511 = arith.select %or3A_509, %squeeze3A_504, %select_n3A_500 : i32
    %slice3A_512 = vector.extract_strided_slice %select_n3A_473 {offsets = [4], sizes = [1], strides = [1]} : vector<16xf32> to vector<1xf32>
    %squeeze3A_513 = vector.extract %slice3A_512[0] : f32 from vector<1xf32>
    %slice3A_514 = vector.extract_strided_slice %select_n3A_474 {offsets = [4], sizes = [1], strides = [1]} : vector<16xi32> to vector<1xi32>
    %squeeze3A_515 = vector.extract %slice3A_514[0] : i32 from vector<1xi32>
    %lt3A_516 = arith.cmpf olt, %squeeze3A_513, %select_n3A_510 : f32
    %eq3A_517 = arith.cmpf oeq, %squeeze3A_513, %select_n3A_510 : f32
    %gt3A_518 = arith.cmpi sgt, %squeeze3A_515, %select_n3A_511 : i32
    %and3A_519 = arith.andi %eq3A_517, %gt3A_518 : i1
    %or3A_520 = arith.ori %lt3A_516, %and3A_519 : i1
    %select_n3A_521 = arith.select %or3A_520, %squeeze3A_513, %select_n3A_510 : f32
    %select_n3A_522 = arith.select %or3A_520, %squeeze3A_515, %select_n3A_511 : i32
    %slice3A_523 = vector.extract_strided_slice %select_n3A_473 {offsets = [5], sizes = [1], strides = [1]} : vector<16xf32> to vector<1xf32>
    %squeeze3A_524 = vector.extract %slice3A_523[0] : f32 from vector<1xf32>
    %slice3A_525 = vector.extract_strided_slice %select_n3A_474 {offsets = [5], sizes = [1], strides = [1]} : vector<16xi32> to vector<1xi32>
    %squeeze3A_526 = vector.extract %slice3A_525[0] : i32 from vector<1xi32>
    %lt3A_527 = arith.cmpf olt, %squeeze3A_524, %select_n3A_521 : f32
    %eq3A_528 = arith.cmpf oeq, %squeeze3A_524, %select_n3A_521 : f32
    %gt3A_529 = arith.cmpi sgt, %squeeze3A_526, %select_n3A_522 : i32
    %and3A_530 = arith.andi %eq3A_528, %gt3A_529 : i1
    %or3A_531 = arith.ori %lt3A_527, %and3A_530 : i1
    %select_n3A_532 = arith.select %or3A_531, %squeeze3A_524, %select_n3A_521 : f32
    %select_n3A_533 = arith.select %or3A_531, %squeeze3A_526, %select_n3A_522 : i32
    %slice3A_534 = vector.extract_strided_slice %select_n3A_473 {offsets = [6], sizes = [1], strides = [1]} : vector<16xf32> to vector<1xf32>
    %squeeze3A_535 = vector.extract %slice3A_534[0] : f32 from vector<1xf32>
    %slice3A_536 = vector.extract_strided_slice %select_n3A_474 {offsets = [6], sizes = [1], strides = [1]} : vector<16xi32> to vector<1xi32>
    %squeeze3A_537 = vector.extract %slice3A_536[0] : i32 from vector<1xi32>
    %lt3A_538 = arith.cmpf olt, %squeeze3A_535, %select_n3A_532 : f32
    %eq3A_539 = arith.cmpf oeq, %squeeze3A_535, %select_n3A_532 : f32
    %gt3A_540 = arith.cmpi sgt, %squeeze3A_537, %select_n3A_533 : i32
    %and3A_541 = arith.andi %eq3A_539, %gt3A_540 : i1
    %or3A_542 = arith.ori %lt3A_538, %and3A_541 : i1
    %select_n3A_543 = arith.select %or3A_542, %squeeze3A_535, %select_n3A_532 : f32
    %select_n3A_544 = arith.select %or3A_542, %squeeze3A_537, %select_n3A_533 : i32
    %slice3A_545 = vector.extract_strided_slice %select_n3A_473 {offsets = [7], sizes = [1], strides = [1]} : vector<16xf32> to vector<1xf32>
    %squeeze3A_546 = vector.extract %slice3A_545[0] : f32 from vector<1xf32>
    %slice3A_547 = vector.extract_strided_slice %select_n3A_474 {offsets = [7], sizes = [1], strides = [1]} : vector<16xi32> to vector<1xi32>
    %squeeze3A_548 = vector.extract %slice3A_547[0] : i32 from vector<1xi32>
    %lt3A_549 = arith.cmpf olt, %squeeze3A_546, %select_n3A_543 : f32
    %eq3A_550 = arith.cmpf oeq, %squeeze3A_546, %select_n3A_543 : f32
    %gt3A_551 = arith.cmpi sgt, %squeeze3A_548, %select_n3A_544 : i32
    %and3A_552 = arith.andi %eq3A_550, %gt3A_551 : i1
    %or3A_553 = arith.ori %lt3A_549, %and3A_552 : i1
    %select_n3A_554 = arith.select %or3A_553, %squeeze3A_546, %select_n3A_543 : f32
    %select_n3A_555 = arith.select %or3A_553, %squeeze3A_548, %select_n3A_544 : i32
    %slice3A_556 = vector.extract_strided_slice %select_n3A_473 {offsets = [8], sizes = [1], strides = [1]} : vector<16xf32> to vector<1xf32>
    %squeeze3A_557 = vector.extract %slice3A_556[0] : f32 from vector<1xf32>
    %slice3A_558 = vector.extract_strided_slice %select_n3A_474 {offsets = [8], sizes = [1], strides = [1]} : vector<16xi32> to vector<1xi32>
    %squeeze3A_559 = vector.extract %slice3A_558[0] : i32 from vector<1xi32>
    %lt3A_560 = arith.cmpf olt, %squeeze3A_557, %select_n3A_554 : f32
    %eq3A_561 = arith.cmpf oeq, %squeeze3A_557, %select_n3A_554 : f32
    %gt3A_562 = arith.cmpi sgt, %squeeze3A_559, %select_n3A_555 : i32
    %and3A_563 = arith.andi %eq3A_561, %gt3A_562 : i1
    %or3A_564 = arith.ori %lt3A_560, %and3A_563 : i1
    %select_n3A_565 = arith.select %or3A_564, %squeeze3A_557, %select_n3A_554 : f32
    %select_n3A_566 = arith.select %or3A_564, %squeeze3A_559, %select_n3A_555 : i32
    %slice3A_567 = vector.extract_strided_slice %select_n3A_473 {offsets = [9], sizes = [1], strides = [1]} : vector<16xf32> to vector<1xf32>
    %squeeze3A_568 = vector.extract %slice3A_567[0] : f32 from vector<1xf32>
    %slice3A_569 = vector.extract_strided_slice %select_n3A_474 {offsets = [9], sizes = [1], strides = [1]} : vector<16xi32> to vector<1xi32>
    %squeeze3A_570 = vector.extract %slice3A_569[0] : i32 from vector<1xi32>
    %lt3A_571 = arith.cmpf olt, %squeeze3A_568, %select_n3A_565 : f32
    %eq3A_572 = arith.cmpf oeq, %squeeze3A_568, %select_n3A_565 : f32
    %gt3A_573 = arith.cmpi sgt, %squeeze3A_570, %select_n3A_566 : i32
    %and3A_574 = arith.andi %eq3A_572, %gt3A_573 : i1
    %or3A_575 = arith.ori %lt3A_571, %and3A_574 : i1
    %select_n3A_576 = arith.select %or3A_575, %squeeze3A_568, %select_n3A_565 : f32
    %select_n3A_577 = arith.select %or3A_575, %squeeze3A_570, %select_n3A_566 : i32
    %slice3A_578 = vector.extract_strided_slice %select_n3A_473 {offsets = [10], sizes = [1], strides = [1]} : vector<16xf32> to vector<1xf32>
    %squeeze3A_579 = vector.extract %slice3A_578[0] : f32 from vector<1xf32>
    %slice3A_580 = vector.extract_strided_slice %select_n3A_474 {offsets = [10], sizes = [1], strides = [1]} : vector<16xi32> to vector<1xi32>
    %squeeze3A_581 = vector.extract %slice3A_580[0] : i32 from vector<1xi32>
    %lt3A_582 = arith.cmpf olt, %squeeze3A_579, %select_n3A_576 : f32
    %eq3A_583 = arith.cmpf oeq, %squeeze3A_579, %select_n3A_576 : f32
    %gt3A_584 = arith.cmpi sgt, %squeeze3A_581, %select_n3A_577 : i32
    %and3A_585 = arith.andi %eq3A_583, %gt3A_584 : i1
    %or3A_586 = arith.ori %lt3A_582, %and3A_585 : i1
    %select_n3A_587 = arith.select %or3A_586, %squeeze3A_579, %select_n3A_576 : f32
    %select_n3A_588 = arith.select %or3A_586, %squeeze3A_581, %select_n3A_577 : i32
    %slice3A_589 = vector.extract_strided_slice %select_n3A_473 {offsets = [11], sizes = [1], strides = [1]} : vector<16xf32> to vector<1xf32>
    %squeeze3A_590 = vector.extract %slice3A_589[0] : f32 from vector<1xf32>
    %slice3A_591 = vector.extract_strided_slice %select_n3A_474 {offsets = [11], sizes = [1], strides = [1]} : vector<16xi32> to vector<1xi32>
    %squeeze3A_592 = vector.extract %slice3A_591[0] : i32 from vector<1xi32>
    %lt3A_593 = arith.cmpf olt, %squeeze3A_590, %select_n3A_587 : f32
    %eq3A_594 = arith.cmpf oeq, %squeeze3A_590, %select_n3A_587 : f32
    %gt3A_595 = arith.cmpi sgt, %squeeze3A_592, %select_n3A_588 : i32
    %and3A_596 = arith.andi %eq3A_594, %gt3A_595 : i1
    %or3A_597 = arith.ori %lt3A_593, %and3A_596 : i1
    %select_n3A_598 = arith.select %or3A_597, %squeeze3A_590, %select_n3A_587 : f32
    %select_n3A_599 = arith.select %or3A_597, %squeeze3A_592, %select_n3A_588 : i32
    %slice3A_600 = vector.extract_strided_slice %select_n3A_473 {offsets = [12], sizes = [1], strides = [1]} : vector<16xf32> to vector<1xf32>
    %squeeze3A_601 = vector.extract %slice3A_600[0] : f32 from vector<1xf32>
    %slice3A_602 = vector.extract_strided_slice %select_n3A_474 {offsets = [12], sizes = [1], strides = [1]} : vector<16xi32> to vector<1xi32>
    %squeeze3A_603 = vector.extract %slice3A_602[0] : i32 from vector<1xi32>
    %lt3A_604 = arith.cmpf olt, %squeeze3A_601, %select_n3A_598 : f32
    %eq3A_605 = arith.cmpf oeq, %squeeze3A_601, %select_n3A_598 : f32
    %gt3A_606 = arith.cmpi sgt, %squeeze3A_603, %select_n3A_599 : i32
    %and3A_607 = arith.andi %eq3A_605, %gt3A_606 : i1
    %or3A_608 = arith.ori %lt3A_604, %and3A_607 : i1
    %select_n3A_609 = arith.select %or3A_608, %squeeze3A_601, %select_n3A_598 : f32
    %select_n3A_610 = arith.select %or3A_608, %squeeze3A_603, %select_n3A_599 : i32
    %slice3A_611 = vector.extract_strided_slice %select_n3A_473 {offsets = [13], sizes = [1], strides = [1]} : vector<16xf32> to vector<1xf32>
    %squeeze3A_612 = vector.extract %slice3A_611[0] : f32 from vector<1xf32>
    %slice3A_613 = vector.extract_strided_slice %select_n3A_474 {offsets = [13], sizes = [1], strides = [1]} : vector<16xi32> to vector<1xi32>
    %squeeze3A_614 = vector.extract %slice3A_613[0] : i32 from vector<1xi32>
    %lt3A_615 = arith.cmpf olt, %squeeze3A_612, %select_n3A_609 : f32
    %eq3A_616 = arith.cmpf oeq, %squeeze3A_612, %select_n3A_609 : f32
    %gt3A_617 = arith.cmpi sgt, %squeeze3A_614, %select_n3A_610 : i32
    %and3A_618 = arith.andi %eq3A_616, %gt3A_617 : i1
    %or3A_619 = arith.ori %lt3A_615, %and3A_618 : i1
    %select_n3A_620 = arith.select %or3A_619, %squeeze3A_612, %select_n3A_609 : f32
    %select_n3A_621 = arith.select %or3A_619, %squeeze3A_614, %select_n3A_610 : i32
    %slice3A_622 = vector.extract_strided_slice %select_n3A_473 {offsets = [14], sizes = [1], strides = [1]} : vector<16xf32> to vector<1xf32>
    %squeeze3A_623 = vector.extract %slice3A_622[0] : f32 from vector<1xf32>
    %slice3A_624 = vector.extract_strided_slice %select_n3A_474 {offsets = [14], sizes = [1], strides = [1]} : vector<16xi32> to vector<1xi32>
    %squeeze3A_625 = vector.extract %slice3A_624[0] : i32 from vector<1xi32>
    %lt3A_626 = arith.cmpf olt, %squeeze3A_623, %select_n3A_620 : f32
    %eq3A_627 = arith.cmpf oeq, %squeeze3A_623, %select_n3A_620 : f32
    %gt3A_628 = arith.cmpi sgt, %squeeze3A_625, %select_n3A_621 : i32
    %and3A_629 = arith.andi %eq3A_627, %gt3A_628 : i1
    %or3A_630 = arith.ori %lt3A_626, %and3A_629 : i1
    %select_n3A_631 = arith.select %or3A_630, %squeeze3A_623, %select_n3A_620 : f32
    %select_n3A_632 = arith.select %or3A_630, %squeeze3A_625, %select_n3A_621 : i32
    %slice3A_633 = vector.extract_strided_slice %select_n3A_473 {offsets = [15], sizes = [1], strides = [1]} : vector<16xf32> to vector<1xf32>
    %squeeze3A_634 = vector.extract %slice3A_633[0] : f32 from vector<1xf32>
    %slice3A_635 = vector.extract_strided_slice %select_n3A_474 {offsets = [15], sizes = [1], strides = [1]} : vector<16xi32> to vector<1xi32>
    %squeeze3A_636 = vector.extract %slice3A_635[0] : i32 from vector<1xi32>
    %lt3A_637 = arith.cmpf olt, %squeeze3A_634, %select_n3A_631 : f32
    %eq3A_638 = arith.cmpf oeq, %squeeze3A_634, %select_n3A_631 : f32
    %gt3A_639 = arith.cmpi sgt, %squeeze3A_636, %select_n3A_632 : i32
    %and3A_640 = arith.andi %eq3A_638, %gt3A_639 : i1
    %or3A_641 = arith.ori %lt3A_637, %and3A_640 : i1
    %select_n3A_642 = arith.select %or3A_641, %squeeze3A_634, %select_n3A_631 : f32
    %select_n3A_643 = arith.select %or3A_641, %squeeze3A_636, %select_n3A_632 : i32
    %eq3A_644 = arith.constant 2 : i32
    %eq3A_645 = vector.broadcast %eq3A_644 : i32 to vector<16xi32>
    %eq3A_646 = arith.cmpi eq, %iota3A, %eq3A_645 : vector<16xi32>
    %convert_element_type3A_647 = arith.sitofp %select_n3A_643 : i32 to f32
    %broadcast_in_dim3A_648 = vector.broadcast %convert_element_type3A_647 : f32 to vector<16xf32>
    %select_n3A_649 = arith.select %eq3A_646, %broadcast_in_dim3A_648, %select_n3A_435 : vector<16xi1>, vector<16xf32>
    %eq3A_650 = arith.constant 6 : i32
    %eq3A_651 = vector.broadcast %eq3A_650 : i32 to vector<16xi32>
    %eq3A_652 = arith.cmpi eq, %iota3A, %eq3A_651 : vector<16xi32>
    %broadcast_in_dim3A_653 = vector.broadcast %select_n3A_642 : f32 to vector<16xf32>
    %select_n3A_654 = arith.select %eq3A_652, %broadcast_in_dim3A_653, %select_n3A_649 : vector<16xi1>, vector<16xf32>
    %add3A_655 = arith.constant 3 : i32
    %add3A_656 = arith.addi %mul3A_2, %add3A_655 : i32
    %dma_wait3A_657 = tpu.memref_slice %arg3[%mul3A_443] : memref<262144xf32, #tpu.memory_space<hbm>> -> memref<2048xf32, #tpu.memory_space<hbm>>
    %dma_wait3A_658 = tpu.memref_slice %arg3[%mul3A_443] : memref<262144xf32, #tpu.memory_space<hbm>> -> memref<2048xf32, #tpu.memory_space<hbm>>
    tpu.wait_dma2 semaphore(%arg9 : memref<!tpu.dma_semaphore, #tpu.memory_space<semaphore_mem>>) src(%dma_wait3A_658 : memref<2048xf32, #tpu.memory_space<hbm>>) dst(%arg6 : memref<2048xf32, #tpu.memory_space<vmem>>)
    %broadcast_in_dim3A_659 = arith.constant 0x7F800000 : f32
    %broadcast_in_dim3A_660 = vector.broadcast %broadcast_in_dim3A_659 : f32 to vector<16xf32>
    %scan3A_661 = arith.constant 0 : i32
    %scan3A_662 = arith.constant 8 : i32
    %scan3A_663 = arith.addi %scan3A_661, %scan3A_662 : i32
    %scan3A_664 = arith.constant 1 : i32
    %scan3A_665:9 = scf.for %scan3A_873 = %scan3A_661 to %scan3A_663 step %scan3A_664 iter_args(%scan3A_874 = %broadcast_in_dim3A_660, %scan3A_875 = %broadcast_in_dim3A_660, %scan3A_876 = %broadcast_in_dim3A_660, %scan3A_877 = %broadcast_in_dim3A_660, %scan3A_878 = %iota3A, %scan3A_879 = %iota3A, %scan3A_880 = %iota3A, %scan3A_881 = %iota3A, %scan3A_882 = %iota3A) -> (vector<16xf32>, vector<16xf32>, vector<16xf32>, vector<16xf32>, vector<16xi32>, vector<16xi32>, vector<16xi32>, vector<16xi32>, vector<16xi32>)  : i32 {
      %mul3A_883 = arith.constant 16 : i32
      %mul3A_884 = arith.muli %scan3A_873, %mul3A_883 : i32
      %add3A_885 = arith.constant 0 : i32
      %add3A_886 = arith.addi %mul3A_884, %add3A_885 : i32
      %mul3A_887 = arith.constant 16 : i32
      %mul3A_888 = arith.muli %add3A_886, %mul3A_887 : i32
      %get3A_889 = arith.index_cast %mul3A_888 : i32 to index
      %get3A_890 = tpu.vector_load %arg6[%get3A_889] {strides = array<i32>} : memref<2048xf32, #tpu.memory_space<vmem>>, vector<16xf32>,
      %get3A_891 = vector.shape_cast %get3A_890 : vector<16xf32> to vector<16xf32>
      %mul3A_892 = arith.mulf %get3A_891, %get3A_7 : vector<16xf32>
      %add3A_893 = arith.constant 0 : i32
      %add3A_894 = vector.broadcast %add3A_893 : i32 to vector<16xi32>
      %add3A_895 = arith.addi %scan3A_882, %add3A_894 : vector<16xi32>
      %le3A = arith.cmpf ole, %mul3A_892, %scan3A_874 : vector<16xf32>
      %select_n3A_896 = arith.select %le3A, %mul3A_892, %scan3A_874 : vector<16xi1>, vector<16xf32>
      %select_n3A_897 = arith.select %le3A, %add3A_895, %scan3A_878 : vector<16xi1>, vector<16xi32>
      %mul3A_898 = arith.constant 16 : i32
      %mul3A_899 = arith.muli %scan3A_873, %mul3A_898 : i32
      %add3A_900 = arith.constant 1 : i32
      %add3A_901 = arith.addi %mul3A_899, %add3A_900 : i32
      %mul3A_902 = arith.constant 16 : i32
      %mul3A_903 = arith.muli %add3A_901, %mul3A_902 : i32
      %get3A_904 = arith.index_cast %mul3A_903 : i32 to index
      %get3A_905 = tpu.vector_load %arg6[%get3A_904] {strides = array<i32>} : memref<2048xf32, #tpu.memory_space<vmem>>, vector<16xf32>,
      %get3A_906 = vector.shape_cast %get3A_905 : vector<16xf32> to vector<16xf32>
      %mul3A_907 = arith.mulf %get3A_906, %get3A_7 : vector<16xf32>
      %add3A_908 = arith.constant 16 : i32
      %add3A_909 = vector.broadcast %add3A_908 : i32 to vector<16xi32>
      %add3A_910 = arith.addi %scan3A_882, %add3A_909 : vector<16xi32>
      %le3A_911 = arith.cmpf ole, %mul3A_907, %scan3A_875 : vector<16xf32>
      %select_n3A_912 = arith.select %le3A_911, %mul3A_907, %scan3A_875 : vector<16xi1>, vector<16xf32>
      %select_n3A_913 = arith.select %le3A_911, %add3A_910, %scan3A_879 : vector<16xi1>, vector<16xi32>
      %mul3A_914 = arith.constant 16 : i32
      %mul3A_915 = arith.muli %scan3A_873, %mul3A_914 : i32
      %add3A_916 = arith.constant 2 : i32
      %add3A_917 = arith.addi %mul3A_915, %add3A_916 : i32
      %mul3A_918 = arith.constant 16 : i32
      %mul3A_919 = arith.muli %add3A_917, %mul3A_918 : i32
      %get3A_920 = arith.index_cast %mul3A_919 : i32 to index
      %get3A_921 = tpu.vector_load %arg6[%get3A_920] {strides = array<i32>} : memref<2048xf32, #tpu.memory_space<vmem>>, vector<16xf32>,
      %get3A_922 = vector.shape_cast %get3A_921 : vector<16xf32> to vector<16xf32>
      %mul3A_923 = arith.mulf %get3A_922, %get3A_7 : vector<16xf32>
      %add3A_924 = arith.constant 32 : i32
      %add3A_925 = vector.broadcast %add3A_924 : i32 to vector<16xi32>
      %add3A_926 = arith.addi %scan3A_882, %add3A_925 : vector<16xi32>
      %le3A_927 = arith.cmpf ole, %mul3A_923, %scan3A_876 : vector<16xf32>
      %select_n3A_928 = arith.select %le3A_927, %mul3A_923, %scan3A_876 : vector<16xi1>, vector<16xf32>
      %select_n3A_929 = arith.select %le3A_927, %add3A_926, %scan3A_880 : vector<16xi1>, vector<16xi32>
      %mul3A_930 = arith.constant 16 : i32
      %mul3A_931 = arith.muli %scan3A_873, %mul3A_930 : i32
      %add3A_932 = arith.constant 3 : i32
      %add3A_933 = arith.addi %mul3A_931, %add3A_932 : i32
      %mul3A_934 = arith.constant 16 : i32
      %mul3A_935 = arith.muli %add3A_933, %mul3A_934 : i32
      %get3A_936 = arith.index_cast %mul3A_935 : i32 to index
      %get3A_937 = tpu.vector_load %arg6[%get3A_936] {strides = array<i32>} : memref<2048xf32, #tpu.memory_space<vmem>>, vector<16xf32>,
      %get3A_938 = vector.shape_cast %get3A_937 : vector<16xf32> to vector<16xf32>
      %mul3A_939 = arith.mulf %get3A_938, %get3A_7 : vector<16xf32>
      %add3A_940 = arith.constant 48 : i32
      %add3A_941 = vector.broadcast %add3A_940 : i32 to vector<16xi32>
      %add3A_942 = arith.addi %scan3A_882, %add3A_941 : vector<16xi32>
      %le3A_943 = arith.cmpf ole, %mul3A_939, %scan3A_877 : vector<16xf32>
      %select_n3A_944 = arith.select %le3A_943, %mul3A_939, %scan3A_877 : vector<16xi1>, vector<16xf32>
      %select_n3A_945 = arith.select %le3A_943, %add3A_942, %scan3A_881 : vector<16xi1>, vector<16xi32>
      %mul3A_946 = arith.constant 16 : i32
      %mul3A_947 = arith.muli %scan3A_873, %mul3A_946 : i32
      %add3A_948 = arith.constant 4 : i32
      %add3A_949 = arith.addi %mul3A_947, %add3A_948 : i32
      %mul3A_950 = arith.constant 16 : i32
      %mul3A_951 = arith.muli %add3A_949, %mul3A_950 : i32
      %get3A_952 = arith.index_cast %mul3A_951 : i32 to index
      %get3A_953 = tpu.vector_load %arg6[%get3A_952] {strides = array<i32>} : memref<2048xf32, #tpu.memory_space<vmem>>, vector<16xf32>,
      %get3A_954 = vector.shape_cast %get3A_953 : vector<16xf32> to vector<16xf32>
      %mul3A_955 = arith.mulf %get3A_954, %get3A_7 : vector<16xf32>
      %add3A_956 = arith.constant 64 : i32
      %add3A_957 = vector.broadcast %add3A_956 : i32 to vector<16xi32>
      %add3A_958 = arith.addi %scan3A_882, %add3A_957 : vector<16xi32>
      %le3A_959 = arith.cmpf ole, %mul3A_955, %select_n3A_896 : vector<16xf32>
      %select_n3A_960 = arith.select %le3A_959, %mul3A_955, %select_n3A_896 : vector<16xi1>, vector<16xf32>
      %select_n3A_961 = arith.select %le3A_959, %add3A_958, %select_n3A_897 : vector<16xi1>, vector<16xi32>
      %mul3A_962 = arith.constant 16 : i32
      %mul3A_963 = arith.muli %scan3A_873, %mul3A_962 : i32
      %add3A_964 = arith.constant 5 : i32
      %add3A_965 = arith.addi %mul3A_963, %add3A_964 : i32
      %mul3A_966 = arith.constant 16 : i32
      %mul3A_967 = arith.muli %add3A_965, %mul3A_966 : i32
      %get3A_968 = arith.index_cast %mul3A_967 : i32 to index
      %get3A_969 = tpu.vector_load %arg6[%get3A_968] {strides = array<i32>} : memref<2048xf32, #tpu.memory_space<vmem>>, vector<16xf32>,
      %get3A_970 = vector.shape_cast %get3A_969 : vector<16xf32> to vector<16xf32>
      %mul3A_971 = arith.mulf %get3A_970, %get3A_7 : vector<16xf32>
      %add3A_972 = arith.constant 80 : i32
      %add3A_973 = vector.broadcast %add3A_972 : i32 to vector<16xi32>
      %add3A_974 = arith.addi %scan3A_882, %add3A_973 : vector<16xi32>
      %le3A_975 = arith.cmpf ole, %mul3A_971, %select_n3A_912 : vector<16xf32>
      %select_n3A_976 = arith.select %le3A_975, %mul3A_971, %select_n3A_912 : vector<16xi1>, vector<16xf32>
      %select_n3A_977 = arith.select %le3A_975, %add3A_974, %select_n3A_913 : vector<16xi1>, vector<16xi32>
      %mul3A_978 = arith.constant 16 : i32
      %mul3A_979 = arith.muli %scan3A_873, %mul3A_978 : i32
      %add3A_980 = arith.constant 6 : i32
      %add3A_981 = arith.addi %mul3A_979, %add3A_980 : i32
      %mul3A_982 = arith.constant 16 : i32
      %mul3A_983 = arith.muli %add3A_981, %mul3A_982 : i32
      %get3A_984 = arith.index_cast %mul3A_983 : i32 to index
      %get3A_985 = tpu.vector_load %arg6[%get3A_984] {strides = array<i32>} : memref<2048xf32, #tpu.memory_space<vmem>>, vector<16xf32>,
      %get3A_986 = vector.shape_cast %get3A_985 : vector<16xf32> to vector<16xf32>
      %mul3A_987 = arith.mulf %get3A_986, %get3A_7 : vector<16xf32>
      %add3A_988 = arith.constant 96 : i32
      %add3A_989 = vector.broadcast %add3A_988 : i32 to vector<16xi32>
      %add3A_990 = arith.addi %scan3A_882, %add3A_989 : vector<16xi32>
      %le3A_991 = arith.cmpf ole, %mul3A_987, %select_n3A_928 : vector<16xf32>
      %select_n3A_992 = arith.select %le3A_991, %mul3A_987, %select_n3A_928 : vector<16xi1>, vector<16xf32>
      %select_n3A_993 = arith.select %le3A_991, %add3A_990, %select_n3A_929 : vector<16xi1>, vector<16xi32>
      %mul3A_994 = arith.constant 16 : i32
      %mul3A_995 = arith.muli %scan3A_873, %mul3A_994 : i32
      %add3A_996 = arith.constant 7 : i32
      %add3A_997 = arith.addi %mul3A_995, %add3A_996 : i32
      %mul3A_998 = arith.constant 16 : i32
      %mul3A_999 = arith.muli %add3A_997, %mul3A_998 : i32
      %get3A_1000 = arith.index_cast %mul3A_999 : i32 to index
      %get3A_1001 = tpu.vector_load %arg6[%get3A_1000] {strides = array<i32>} : memref<2048xf32, #tpu.memory_space<vmem>>, vector<16xf32>,
      %get3A_1002 = vector.shape_cast %get3A_1001 : vector<16xf32> to vector<16xf32>
      %mul3A_1003 = arith.mulf %get3A_1002, %get3A_7 : vector<16xf32>
      %add3A_1004 = arith.constant 112 : i32
      %add3A_1005 = vector.broadcast %add3A_1004 : i32 to vector<16xi32>
      %add3A_1006 = arith.addi %scan3A_882, %add3A_1005 : vector<16xi32>
      %le3A_1007 = arith.cmpf ole, %mul3A_1003, %select_n3A_944 : vector<16xf32>
      %select_n3A_1008 = arith.select %le3A_1007, %mul3A_1003, %select_n3A_944 : vector<16xi1>, vector<16xf32>
      %select_n3A_1009 = arith.select %le3A_1007, %add3A_1006, %select_n3A_945 : vector<16xi1>, vector<16xi32>
      %mul3A_1010 = arith.constant 16 : i32
      %mul3A_1011 = arith.muli %scan3A_873, %mul3A_1010 : i32
      %add3A_1012 = arith.constant 8 : i32
      %add3A_1013 = arith.addi %mul3A_1011, %add3A_1012 : i32
      %mul3A_1014 = arith.constant 16 : i32
      %mul3A_1015 = arith.muli %add3A_1013, %mul3A_1014 : i32
      %get3A_1016 = arith.index_cast %mul3A_1015 : i32 to index
      %get3A_1017 = tpu.vector_load %arg6[%get3A_1016] {strides = array<i32>} : memref<2048xf32, #tpu.memory_space<vmem>>, vector<16xf32>,
      %get3A_1018 = vector.shape_cast %get3A_1017 : vector<16xf32> to vector<16xf32>
      %mul3A_1019 = arith.mulf %get3A_1018, %get3A_7 : vector<16xf32>
      %add3A_1020 = arith.constant 128 : i32
      %add3A_1021 = vector.broadcast %add3A_1020 : i32 to vector<16xi32>
      %add3A_1022 = arith.addi %scan3A_882, %add3A_1021 : vector<16xi32>
      %le3A_1023 = arith.cmpf ole, %mul3A_1019, %select_n3A_960 : vector<16xf32>
      %select_n3A_1024 = arith.select %le3A_1023, %mul3A_1019, %select_n3A_960 : vector<16xi1>, vector<16xf32>
      %select_n3A_1025 = arith.select %le3A_1023, %add3A_1022, %select_n3A_961 : vector<16xi1>, vector<16xi32>
      %mul3A_1026 = arith.constant 16 : i32
      %mul3A_1027 = arith.muli %scan3A_873, %mul3A_1026 : i32
      %add3A_1028 = arith.constant 9 : i32
      %add3A_1029 = arith.addi %mul3A_1027, %add3A_1028 : i32
      %mul3A_1030 = arith.constant 16 : i32
      %mul3A_1031 = arith.muli %add3A_1029, %mul3A_1030 : i32
      %get3A_1032 = arith.index_cast %mul3A_1031 : i32 to index
      %get3A_1033 = tpu.vector_load %arg6[%get3A_1032] {strides = array<i32>} : memref<2048xf32, #tpu.memory_space<vmem>>, vector<16xf32>,
      %get3A_1034 = vector.shape_cast %get3A_1033 : vector<16xf32> to vector<16xf32>
      %mul3A_1035 = arith.mulf %get3A_1034, %get3A_7 : vector<16xf32>
      %add3A_1036 = arith.constant 144 : i32
      %add3A_1037 = vector.broadcast %add3A_1036 : i32 to vector<16xi32>
      %add3A_1038 = arith.addi %scan3A_882, %add3A_1037 : vector<16xi32>
      %le3A_1039 = arith.cmpf ole, %mul3A_1035, %select_n3A_976 : vector<16xf32>
      %select_n3A_1040 = arith.select %le3A_1039, %mul3A_1035, %select_n3A_976 : vector<16xi1>, vector<16xf32>
      %select_n3A_1041 = arith.select %le3A_1039, %add3A_1038, %select_n3A_977 : vector<16xi1>, vector<16xi32>
      %mul3A_1042 = arith.constant 16 : i32
      %mul3A_1043 = arith.muli %scan3A_873, %mul3A_1042 : i32
      %add3A_1044 = arith.constant 10 : i32
      %add3A_1045 = arith.addi %mul3A_1043, %add3A_1044 : i32
      %mul3A_1046 = arith.constant 16 : i32
      %mul3A_1047 = arith.muli %add3A_1045, %mul3A_1046 : i32
      %get3A_1048 = arith.index_cast %mul3A_1047 : i32 to index
      %get3A_1049 = tpu.vector_load %arg6[%get3A_1048] {strides = array<i32>} : memref<2048xf32, #tpu.memory_space<vmem>>, vector<16xf32>,
      %get3A_1050 = vector.shape_cast %get3A_1049 : vector<16xf32> to vector<16xf32>
      %mul3A_1051 = arith.mulf %get3A_1050, %get3A_7 : vector<16xf32>
      %add3A_1052 = arith.constant 160 : i32
      %add3A_1053 = vector.broadcast %add3A_1052 : i32 to vector<16xi32>
      %add3A_1054 = arith.addi %scan3A_882, %add3A_1053 : vector<16xi32>
      %le3A_1055 = arith.cmpf ole, %mul3A_1051, %select_n3A_992 : vector<16xf32>
      %select_n3A_1056 = arith.select %le3A_1055, %mul3A_1051, %select_n3A_992 : vector<16xi1>, vector<16xf32>
      %select_n3A_1057 = arith.select %le3A_1055, %add3A_1054, %select_n3A_993 : vector<16xi1>, vector<16xi32>
      %mul3A_1058 = arith.constant 16 : i32
      %mul3A_1059 = arith.muli %scan3A_873, %mul3A_1058 : i32
      %add3A_1060 = arith.constant 11 : i32
      %add3A_1061 = arith.addi %mul3A_1059, %add3A_1060 : i32
      %mul3A_1062 = arith.constant 16 : i32
      %mul3A_1063 = arith.muli %add3A_1061, %mul3A_1062 : i32
      %get3A_1064 = arith.index_cast %mul3A_1063 : i32 to index
      %get3A_1065 = tpu.vector_load %arg6[%get3A_1064] {strides = array<i32>} : memref<2048xf32, #tpu.memory_space<vmem>>, vector<16xf32>,
      %get3A_1066 = vector.shape_cast %get3A_1065 : vector<16xf32> to vector<16xf32>
      %mul3A_1067 = arith.mulf %get3A_1066, %get3A_7 : vector<16xf32>
      %add3A_1068 = arith.constant 176 : i32
      %add3A_1069 = vector.broadcast %add3A_1068 : i32 to vector<16xi32>
      %add3A_1070 = arith.addi %scan3A_882, %add3A_1069 : vector<16xi32>
      %le3A_1071 = arith.cmpf ole, %mul3A_1067, %select_n3A_1008 : vector<16xf32>
      %select_n3A_1072 = arith.select %le3A_1071, %mul3A_1067, %select_n3A_1008 : vector<16xi1>, vector<16xf32>
      %select_n3A_1073 = arith.select %le3A_1071, %add3A_1070, %select_n3A_1009 : vector<16xi1>, vector<16xi32>
      %mul3A_1074 = arith.constant 16 : i32
      %mul3A_1075 = arith.muli %scan3A_873, %mul3A_1074 : i32
      %add3A_1076 = arith.constant 12 : i32
      %add3A_1077 = arith.addi %mul3A_1075, %add3A_1076 : i32
      %mul3A_1078 = arith.constant 16 : i32
      %mul3A_1079 = arith.muli %add3A_1077, %mul3A_1078 : i32
      %get3A_1080 = arith.index_cast %mul3A_1079 : i32 to index
      %get3A_1081 = tpu.vector_load %arg6[%get3A_1080] {strides = array<i32>} : memref<2048xf32, #tpu.memory_space<vmem>>, vector<16xf32>,
      %get3A_1082 = vector.shape_cast %get3A_1081 : vector<16xf32> to vector<16xf32>
      %mul3A_1083 = arith.mulf %get3A_1082, %get3A_7 : vector<16xf32>
      %add3A_1084 = arith.constant 192 : i32
      %add3A_1085 = vector.broadcast %add3A_1084 : i32 to vector<16xi32>
      %add3A_1086 = arith.addi %scan3A_882, %add3A_1085 : vector<16xi32>
      %le3A_1087 = arith.cmpf ole, %mul3A_1083, %select_n3A_1024 : vector<16xf32>
      %select_n3A_1088 = arith.select %le3A_1087, %mul3A_1083, %select_n3A_1024 : vector<16xi1>, vector<16xf32>
      %select_n3A_1089 = arith.select %le3A_1087, %add3A_1086, %select_n3A_1025 : vector<16xi1>, vector<16xi32>
      %mul3A_1090 = arith.constant 16 : i32
      %mul3A_1091 = arith.muli %scan3A_873, %mul3A_1090 : i32
      %add3A_1092 = arith.constant 13 : i32
      %add3A_1093 = arith.addi %mul3A_1091, %add3A_1092 : i32
      %mul3A_1094 = arith.constant 16 : i32
      %mul3A_1095 = arith.muli %add3A_1093, %mul3A_1094 : i32
      %get3A_1096 = arith.index_cast %mul3A_1095 : i32 to index
      %get3A_1097 = tpu.vector_load %arg6[%get3A_1096] {strides = array<i32>} : memref<2048xf32, #tpu.memory_space<vmem>>, vector<16xf32>,
      %get3A_1098 = vector.shape_cast %get3A_1097 : vector<16xf32> to vector<16xf32>
      %mul3A_1099 = arith.mulf %get3A_1098, %get3A_7 : vector<16xf32>
      %add3A_1100 = arith.constant 208 : i32
      %add3A_1101 = vector.broadcast %add3A_1100 : i32 to vector<16xi32>
      %add3A_1102 = arith.addi %scan3A_882, %add3A_1101 : vector<16xi32>
      %le3A_1103 = arith.cmpf ole, %mul3A_1099, %select_n3A_1040 : vector<16xf32>
      %select_n3A_1104 = arith.select %le3A_1103, %mul3A_1099, %select_n3A_1040 : vector<16xi1>, vector<16xf32>
      %select_n3A_1105 = arith.select %le3A_1103, %add3A_1102, %select_n3A_1041 : vector<16xi1>, vector<16xi32>
      %mul3A_1106 = arith.constant 16 : i32
      %mul3A_1107 = arith.muli %scan3A_873, %mul3A_1106 : i32
      %add3A_1108 = arith.constant 14 : i32
      %add3A_1109 = arith.addi %mul3A_1107, %add3A_1108 : i32
      %mul3A_1110 = arith.constant 16 : i32
      %mul3A_1111 = arith.muli %add3A_1109, %mul3A_1110 : i32
      %get3A_1112 = arith.index_cast %mul3A_1111 : i32 to index
      %get3A_1113 = tpu.vector_load %arg6[%get3A_1112] {strides = array<i32>} : memref<2048xf32, #tpu.memory_space<vmem>>, vector<16xf32>,
      %get3A_1114 = vector.shape_cast %get3A_1113 : vector<16xf32> to vector<16xf32>
      %mul3A_1115 = arith.mulf %get3A_1114, %get3A_7 : vector<16xf32>
      %add3A_1116 = arith.constant 224 : i32
      %add3A_1117 = vector.broadcast %add3A_1116 : i32 to vector<16xi32>
      %add3A_1118 = arith.addi %scan3A_882, %add3A_1117 : vector<16xi32>
      %le3A_1119 = arith.cmpf ole, %mul3A_1115, %select_n3A_1056 : vector<16xf32>
      %select_n3A_1120 = arith.select %le3A_1119, %mul3A_1115, %select_n3A_1056 : vector<16xi1>, vector<16xf32>
      %select_n3A_1121 = arith.select %le3A_1119, %add3A_1118, %select_n3A_1057 : vector<16xi1>, vector<16xi32>
      %mul3A_1122 = arith.constant 16 : i32
      %mul3A_1123 = arith.muli %scan3A_873, %mul3A_1122 : i32
      %add3A_1124 = arith.constant 15 : i32
      %add3A_1125 = arith.addi %mul3A_1123, %add3A_1124 : i32
      %mul3A_1126 = arith.constant 16 : i32
      %mul3A_1127 = arith.muli %add3A_1125, %mul3A_1126 : i32
      %get3A_1128 = arith.index_cast %mul3A_1127 : i32 to index
      %get3A_1129 = tpu.vector_load %arg6[%get3A_1128] {strides = array<i32>} : memref<2048xf32, #tpu.memory_space<vmem>>, vector<16xf32>,
      %get3A_1130 = vector.shape_cast %get3A_1129 : vector<16xf32> to vector<16xf32>
      %mul3A_1131 = arith.mulf %get3A_1130, %get3A_7 : vector<16xf32>
      %add3A_1132 = arith.constant 240 : i32
      %add3A_1133 = vector.broadcast %add3A_1132 : i32 to vector<16xi32>
      %add3A_1134 = arith.addi %scan3A_882, %add3A_1133 : vector<16xi32>
      %le3A_1135 = arith.cmpf ole, %mul3A_1131, %select_n3A_1072 : vector<16xf32>
      %select_n3A_1136 = arith.select %le3A_1135, %mul3A_1131, %select_n3A_1072 : vector<16xi1>, vector<16xf32>
      %select_n3A_1137 = arith.select %le3A_1135, %add3A_1134, %select_n3A_1073 : vector<16xi1>, vector<16xi32>
      %add3A_1138 = arith.constant 256 : i32
      %add3A_1139 = vector.broadcast %add3A_1138 : i32 to vector<16xi32>
      %add3A_1140 = arith.addi %scan3A_882, %add3A_1139 : vector<16xi32>
      scf.yield %select_n3A_1088, %select_n3A_1104, %select_n3A_1120, %select_n3A_1136, %select_n3A_1089, %select_n3A_1105, %select_n3A_1121, %select_n3A_1137, %add3A_1140 : vector<16xf32>, vector<16xf32>, vector<16xf32>, vector<16xf32>, vector<16xi32>, vector<16xi32>, vector<16xi32>, vector<16xi32>, vector<16xi32>
    }
    %scan3A_666 = arith.constant 8 : i32
    %lt3A_667 = arith.cmpf olt, %scan3A_665#1, %scan3A_665#0 : vector<16xf32>
    %eq3A_668 = arith.cmpf oeq, %scan3A_665#1, %scan3A_665#0 : vector<16xf32>
    %gt3A_669 = arith.cmpi sgt, %scan3A_665#5, %scan3A_665#4 : vector<16xi32>
    %and3A_670 = arith.andi %eq3A_668, %gt3A_669 : vector<16xi1>
    %or3A_671 = arith.ori %lt3A_667, %and3A_670 : vector<16xi1>
    %select_n3A_672 = arith.select %or3A_671, %scan3A_665#1, %scan3A_665#0 : vector<16xi1>, vector<16xf32>
    %select_n3A_673 = arith.select %or3A_671, %scan3A_665#5, %scan3A_665#4 : vector<16xi1>, vector<16xi32>
    %lt3A_674 = arith.cmpf olt, %scan3A_665#2, %select_n3A_672 : vector<16xf32>
    %eq3A_675 = arith.cmpf oeq, %scan3A_665#2, %select_n3A_672 : vector<16xf32>
    %gt3A_676 = arith.cmpi sgt, %scan3A_665#6, %select_n3A_673 : vector<16xi32>
    %and3A_677 = arith.andi %eq3A_675, %gt3A_676 : vector<16xi1>
    %or3A_678 = arith.ori %lt3A_674, %and3A_677 : vector<16xi1>
    %select_n3A_679 = arith.select %or3A_678, %scan3A_665#2, %select_n3A_672 : vector<16xi1>, vector<16xf32>
    %select_n3A_680 = arith.select %or3A_678, %scan3A_665#6, %select_n3A_673 : vector<16xi1>, vector<16xi32>
    %lt3A_681 = arith.cmpf olt, %scan3A_665#3, %select_n3A_679 : vector<16xf32>
    %eq3A_682 = arith.cmpf oeq, %scan3A_665#3, %select_n3A_679 : vector<16xf32>
    %gt3A_683 = arith.cmpi sgt, %scan3A_665#7, %select_n3A_680 : vector<16xi32>
    %and3A_684 = arith.andi %eq3A_682, %gt3A_683 : vector<16xi1>
    %or3A_685 = arith.ori %lt3A_681, %and3A_684 : vector<16xi1>
    %select_n3A_686 = arith.select %or3A_685, %scan3A_665#3, %select_n3A_679 : vector<16xi1>, vector<16xf32>
    %select_n3A_687 = arith.select %or3A_685, %scan3A_665#7, %select_n3A_680 : vector<16xi1>, vector<16xi32>
    %slice3A_688 = vector.extract_strided_slice %select_n3A_686 {offsets = [0], sizes = [1], strides = [1]} : vector<16xf32> to vector<1xf32>
    %squeeze3A_689 = vector.extract %slice3A_688[0] : f32 from vector<1xf32>
    %slice3A_690 = vector.extract_strided_slice %select_n3A_687 {offsets = [0], sizes = [1], strides = [1]} : vector<16xi32> to vector<1xi32>
    %squeeze3A_691 = vector.extract %slice3A_690[0] : i32 from vector<1xi32>
    %slice3A_692 = vector.extract_strided_slice %select_n3A_686 {offsets = [1], sizes = [1], strides = [1]} : vector<16xf32> to vector<1xf32>
    %squeeze3A_693 = vector.extract %slice3A_692[0] : f32 from vector<1xf32>
    %slice3A_694 = vector.extract_strided_slice %select_n3A_687 {offsets = [1], sizes = [1], strides = [1]} : vector<16xi32> to vector<1xi32>
    %squeeze3A_695 = vector.extract %slice3A_694[0] : i32 from vector<1xi32>
    %lt3A_696 = arith.cmpf olt, %squeeze3A_693, %squeeze3A_689 : f32
    %eq3A_697 = arith.cmpf oeq, %squeeze3A_693, %squeeze3A_689 : f32
    %gt3A_698 = arith.cmpi sgt, %squeeze3A_695, %squeeze3A_691 : i32
    %and3A_699 = arith.andi %eq3A_697, %gt3A_698 : i1
    %or3A_700 = arith.ori %lt3A_696, %and3A_699 : i1
    %select_n3A_701 = arith.select %or3A_700, %squeeze3A_693, %squeeze3A_689 : f32
    %select_n3A_702 = arith.select %or3A_700, %squeeze3A_695, %squeeze3A_691 : i32
    %slice3A_703 = vector.extract_strided_slice %select_n3A_686 {offsets = [2], sizes = [1], strides = [1]} : vector<16xf32> to vector<1xf32>
    %squeeze3A_704 = vector.extract %slice3A_703[0] : f32 from vector<1xf32>
    %slice3A_705 = vector.extract_strided_slice %select_n3A_687 {offsets = [2], sizes = [1], strides = [1]} : vector<16xi32> to vector<1xi32>
    %squeeze3A_706 = vector.extract %slice3A_705[0] : i32 from vector<1xi32>
    %lt3A_707 = arith.cmpf olt, %squeeze3A_704, %select_n3A_701 : f32
    %eq3A_708 = arith.cmpf oeq, %squeeze3A_704, %select_n3A_701 : f32
    %gt3A_709 = arith.cmpi sgt, %squeeze3A_706, %select_n3A_702 : i32
    %and3A_710 = arith.andi %eq3A_708, %gt3A_709 : i1
    %or3A_711 = arith.ori %lt3A_707, %and3A_710 : i1
    %select_n3A_712 = arith.select %or3A_711, %squeeze3A_704, %select_n3A_701 : f32
    %select_n3A_713 = arith.select %or3A_711, %squeeze3A_706, %select_n3A_702 : i32
    %slice3A_714 = vector.extract_strided_slice %select_n3A_686 {offsets = [3], sizes = [1], strides = [1]} : vector<16xf32> to vector<1xf32>
    %squeeze3A_715 = vector.extract %slice3A_714[0] : f32 from vector<1xf32>
    %slice3A_716 = vector.extract_strided_slice %select_n3A_687 {offsets = [3], sizes = [1], strides = [1]} : vector<16xi32> to vector<1xi32>
    %squeeze3A_717 = vector.extract %slice3A_716[0] : i32 from vector<1xi32>
    %lt3A_718 = arith.cmpf olt, %squeeze3A_715, %select_n3A_712 : f32
    %eq3A_719 = arith.cmpf oeq, %squeeze3A_715, %select_n3A_712 : f32
    %gt3A_720 = arith.cmpi sgt, %squeeze3A_717, %select_n3A_713 : i32
    %and3A_721 = arith.andi %eq3A_719, %gt3A_720 : i1
    %or3A_722 = arith.ori %lt3A_718, %and3A_721 : i1
    %select_n3A_723 = arith.select %or3A_722, %squeeze3A_715, %select_n3A_712 : f32
    %select_n3A_724 = arith.select %or3A_722, %squeeze3A_717, %select_n3A_713 : i32
    %slice3A_725 = vector.extract_strided_slice %select_n3A_686 {offsets = [4], sizes = [1], strides = [1]} : vector<16xf32> to vector<1xf32>
    %squeeze3A_726 = vector.extract %slice3A_725[0] : f32 from vector<1xf32>
    %slice3A_727 = vector.extract_strided_slice %select_n3A_687 {offsets = [4], sizes = [1], strides = [1]} : vector<16xi32> to vector<1xi32>
    %squeeze3A_728 = vector.extract %slice3A_727[0] : i32 from vector<1xi32>
    %lt3A_729 = arith.cmpf olt, %squeeze3A_726, %select_n3A_723 : f32
    %eq3A_730 = arith.cmpf oeq, %squeeze3A_726, %select_n3A_723 : f32
    %gt3A_731 = arith.cmpi sgt, %squeeze3A_728, %select_n3A_724 : i32
    %and3A_732 = arith.andi %eq3A_730, %gt3A_731 : i1
    %or3A_733 = arith.ori %lt3A_729, %and3A_732 : i1
    %select_n3A_734 = arith.select %or3A_733, %squeeze3A_726, %select_n3A_723 : f32
    %select_n3A_735 = arith.select %or3A_733, %squeeze3A_728, %select_n3A_724 : i32
    %slice3A_736 = vector.extract_strided_slice %select_n3A_686 {offsets = [5], sizes = [1], strides = [1]} : vector<16xf32> to vector<1xf32>
    %squeeze3A_737 = vector.extract %slice3A_736[0] : f32 from vector<1xf32>
    %slice3A_738 = vector.extract_strided_slice %select_n3A_687 {offsets = [5], sizes = [1], strides = [1]} : vector<16xi32> to vector<1xi32>
    %squeeze3A_739 = vector.extract %slice3A_738[0] : i32 from vector<1xi32>
    %lt3A_740 = arith.cmpf olt, %squeeze3A_737, %select_n3A_734 : f32
    %eq3A_741 = arith.cmpf oeq, %squeeze3A_737, %select_n3A_734 : f32
    %gt3A_742 = arith.cmpi sgt, %squeeze3A_739, %select_n3A_735 : i32
    %and3A_743 = arith.andi %eq3A_741, %gt3A_742 : i1
    %or3A_744 = arith.ori %lt3A_740, %and3A_743 : i1
    %select_n3A_745 = arith.select %or3A_744, %squeeze3A_737, %select_n3A_734 : f32
    %select_n3A_746 = arith.select %or3A_744, %squeeze3A_739, %select_n3A_735 : i32
    %slice3A_747 = vector.extract_strided_slice %select_n3A_686 {offsets = [6], sizes = [1], strides = [1]} : vector<16xf32> to vector<1xf32>
    %squeeze3A_748 = vector.extract %slice3A_747[0] : f32 from vector<1xf32>
    %slice3A_749 = vector.extract_strided_slice %select_n3A_687 {offsets = [6], sizes = [1], strides = [1]} : vector<16xi32> to vector<1xi32>
    %squeeze3A_750 = vector.extract %slice3A_749[0] : i32 from vector<1xi32>
    %lt3A_751 = arith.cmpf olt, %squeeze3A_748, %select_n3A_745 : f32
    %eq3A_752 = arith.cmpf oeq, %squeeze3A_748, %select_n3A_745 : f32
    %gt3A_753 = arith.cmpi sgt, %squeeze3A_750, %select_n3A_746 : i32
    %and3A_754 = arith.andi %eq3A_752, %gt3A_753 : i1
    %or3A_755 = arith.ori %lt3A_751, %and3A_754 : i1
    %select_n3A_756 = arith.select %or3A_755, %squeeze3A_748, %select_n3A_745 : f32
    %select_n3A_757 = arith.select %or3A_755, %squeeze3A_750, %select_n3A_746 : i32
    %slice3A_758 = vector.extract_strided_slice %select_n3A_686 {offsets = [7], sizes = [1], strides = [1]} : vector<16xf32> to vector<1xf32>
    %squeeze3A_759 = vector.extract %slice3A_758[0] : f32 from vector<1xf32>
    %slice3A_760 = vector.extract_strided_slice %select_n3A_687 {offsets = [7], sizes = [1], strides = [1]} : vector<16xi32> to vector<1xi32>
    %squeeze3A_761 = vector.extract %slice3A_760[0] : i32 from vector<1xi32>
    %lt3A_762 = arith.cmpf olt, %squeeze3A_759, %select_n3A_756 : f32
    %eq3A_763 = arith.cmpf oeq, %squeeze3A_759, %select_n3A_756 : f32
    %gt3A_764 = arith.cmpi sgt, %squeeze3A_761, %select_n3A_757 : i32
    %and3A_765 = arith.andi %eq3A_763, %gt3A_764 : i1
    %or3A_766 = arith.ori %lt3A_762, %and3A_765 : i1
    %select_n3A_767 = arith.select %or3A_766, %squeeze3A_759, %select_n3A_756 : f32
    %select_n3A_768 = arith.select %or3A_766, %squeeze3A_761, %select_n3A_757 : i32
    %slice3A_769 = vector.extract_strided_slice %select_n3A_686 {offsets = [8], sizes = [1], strides = [1]} : vector<16xf32> to vector<1xf32>
    %squeeze3A_770 = vector.extract %slice3A_769[0] : f32 from vector<1xf32>
    %slice3A_771 = vector.extract_strided_slice %select_n3A_687 {offsets = [8], sizes = [1], strides = [1]} : vector<16xi32> to vector<1xi32>
    %squeeze3A_772 = vector.extract %slice3A_771[0] : i32 from vector<1xi32>
    %lt3A_773 = arith.cmpf olt, %squeeze3A_770, %select_n3A_767 : f32
    %eq3A_774 = arith.cmpf oeq, %squeeze3A_770, %select_n3A_767 : f32
    %gt3A_775 = arith.cmpi sgt, %squeeze3A_772, %select_n3A_768 : i32
    %and3A_776 = arith.andi %eq3A_774, %gt3A_775 : i1
    %or3A_777 = arith.ori %lt3A_773, %and3A_776 : i1
    %select_n3A_778 = arith.select %or3A_777, %squeeze3A_770, %select_n3A_767 : f32
    %select_n3A_779 = arith.select %or3A_777, %squeeze3A_772, %select_n3A_768 : i32
    %slice3A_780 = vector.extract_strided_slice %select_n3A_686 {offsets = [9], sizes = [1], strides = [1]} : vector<16xf32> to vector<1xf32>
    %squeeze3A_781 = vector.extract %slice3A_780[0] : f32 from vector<1xf32>
    %slice3A_782 = vector.extract_strided_slice %select_n3A_687 {offsets = [9], sizes = [1], strides = [1]} : vector<16xi32> to vector<1xi32>
    %squeeze3A_783 = vector.extract %slice3A_782[0] : i32 from vector<1xi32>
    %lt3A_784 = arith.cmpf olt, %squeeze3A_781, %select_n3A_778 : f32
    %eq3A_785 = arith.cmpf oeq, %squeeze3A_781, %select_n3A_778 : f32
    %gt3A_786 = arith.cmpi sgt, %squeeze3A_783, %select_n3A_779 : i32
    %and3A_787 = arith.andi %eq3A_785, %gt3A_786 : i1
    %or3A_788 = arith.ori %lt3A_784, %and3A_787 : i1
    %select_n3A_789 = arith.select %or3A_788, %squeeze3A_781, %select_n3A_778 : f32
    %select_n3A_790 = arith.select %or3A_788, %squeeze3A_783, %select_n3A_779 : i32
    %slice3A_791 = vector.extract_strided_slice %select_n3A_686 {offsets = [10], sizes = [1], strides = [1]} : vector<16xf32> to vector<1xf32>
    %squeeze3A_792 = vector.extract %slice3A_791[0] : f32 from vector<1xf32>
    %slice3A_793 = vector.extract_strided_slice %select_n3A_687 {offsets = [10], sizes = [1], strides = [1]} : vector<16xi32> to vector<1xi32>
    %squeeze3A_794 = vector.extract %slice3A_793[0] : i32 from vector<1xi32>
    %lt3A_795 = arith.cmpf olt, %squeeze3A_792, %select_n3A_789 : f32
    %eq3A_796 = arith.cmpf oeq, %squeeze3A_792, %select_n3A_789 : f32
    %gt3A_797 = arith.cmpi sgt, %squeeze3A_794, %select_n3A_790 : i32
    %and3A_798 = arith.andi %eq3A_796, %gt3A_797 : i1
    %or3A_799 = arith.ori %lt3A_795, %and3A_798 : i1
    %select_n3A_800 = arith.select %or3A_799, %squeeze3A_792, %select_n3A_789 : f32
    %select_n3A_801 = arith.select %or3A_799, %squeeze3A_794, %select_n3A_790 : i32
    %slice3A_802 = vector.extract_strided_slice %select_n3A_686 {offsets = [11], sizes = [1], strides = [1]} : vector<16xf32> to vector<1xf32>
    %squeeze3A_803 = vector.extract %slice3A_802[0] : f32 from vector<1xf32>
    %slice3A_804 = vector.extract_strided_slice %select_n3A_687 {offsets = [11], sizes = [1], strides = [1]} : vector<16xi32> to vector<1xi32>
    %squeeze3A_805 = vector.extract %slice3A_804[0] : i32 from vector<1xi32>
    %lt3A_806 = arith.cmpf olt, %squeeze3A_803, %select_n3A_800 : f32
    %eq3A_807 = arith.cmpf oeq, %squeeze3A_803, %select_n3A_800 : f32
    %gt3A_808 = arith.cmpi sgt, %squeeze3A_805, %select_n3A_801 : i32
    %and3A_809 = arith.andi %eq3A_807, %gt3A_808 : i1
    %or3A_810 = arith.ori %lt3A_806, %and3A_809 : i1
    %select_n3A_811 = arith.select %or3A_810, %squeeze3A_803, %select_n3A_800 : f32
    %select_n3A_812 = arith.select %or3A_810, %squeeze3A_805, %select_n3A_801 : i32
    %slice3A_813 = vector.extract_strided_slice %select_n3A_686 {offsets = [12], sizes = [1], strides = [1]} : vector<16xf32> to vector<1xf32>
    %squeeze3A_814 = vector.extract %slice3A_813[0] : f32 from vector<1xf32>
    %slice3A_815 = vector.extract_strided_slice %select_n3A_687 {offsets = [12], sizes = [1], strides = [1]} : vector<16xi32> to vector<1xi32>
    %squeeze3A_816 = vector.extract %slice3A_815[0] : i32 from vector<1xi32>
    %lt3A_817 = arith.cmpf olt, %squeeze3A_814, %select_n3A_811 : f32
    %eq3A_818 = arith.cmpf oeq, %squeeze3A_814, %select_n3A_811 : f32
    %gt3A_819 = arith.cmpi sgt, %squeeze3A_816, %select_n3A_812 : i32
    %and3A_820 = arith.andi %eq3A_818, %gt3A_819 : i1
    %or3A_821 = arith.ori %lt3A_817, %and3A_820 : i1
    %select_n3A_822 = arith.select %or3A_821, %squeeze3A_814, %select_n3A_811 : f32
    %select_n3A_823 = arith.select %or3A_821, %squeeze3A_816, %select_n3A_812 : i32
    %slice3A_824 = vector.extract_strided_slice %select_n3A_686 {offsets = [13], sizes = [1], strides = [1]} : vector<16xf32> to vector<1xf32>
    %squeeze3A_825 = vector.extract %slice3A_824[0] : f32 from vector<1xf32>
    %slice3A_826 = vector.extract_strided_slice %select_n3A_687 {offsets = [13], sizes = [1], strides = [1]} : vector<16xi32> to vector<1xi32>
    %squeeze3A_827 = vector.extract %slice3A_826[0] : i32 from vector<1xi32>
    %lt3A_828 = arith.cmpf olt, %squeeze3A_825, %select_n3A_822 : f32
    %eq3A_829 = arith.cmpf oeq, %squeeze3A_825, %select_n3A_822 : f32
    %gt3A_830 = arith.cmpi sgt, %squeeze3A_827, %select_n3A_823 : i32
    %and3A_831 = arith.andi %eq3A_829, %gt3A_830 : i1
    %or3A_832 = arith.ori %lt3A_828, %and3A_831 : i1
    %select_n3A_833 = arith.select %or3A_832, %squeeze3A_825, %select_n3A_822 : f32
    %select_n3A_834 = arith.select %or3A_832, %squeeze3A_827, %select_n3A_823 : i32
    %slice3A_835 = vector.extract_strided_slice %select_n3A_686 {offsets = [14], sizes = [1], strides = [1]} : vector<16xf32> to vector<1xf32>
    %squeeze3A_836 = vector.extract %slice3A_835[0] : f32 from vector<1xf32>
    %slice3A_837 = vector.extract_strided_slice %select_n3A_687 {offsets = [14], sizes = [1], strides = [1]} : vector<16xi32> to vector<1xi32>
    %squeeze3A_838 = vector.extract %slice3A_837[0] : i32 from vector<1xi32>
    %lt3A_839 = arith.cmpf olt, %squeeze3A_836, %select_n3A_833 : f32
    %eq3A_840 = arith.cmpf oeq, %squeeze3A_836, %select_n3A_833 : f32
    %gt3A_841 = arith.cmpi sgt, %squeeze3A_838, %select_n3A_834 : i32
    %and3A_842 = arith.andi %eq3A_840, %gt3A_841 : i1
    %or3A_843 = arith.ori %lt3A_839, %and3A_842 : i1
    %select_n3A_844 = arith.select %or3A_843, %squeeze3A_836, %select_n3A_833 : f32
    %select_n3A_845 = arith.select %or3A_843, %squeeze3A_838, %select_n3A_834 : i32
    %slice3A_846 = vector.extract_strided_slice %select_n3A_686 {offsets = [15], sizes = [1], strides = [1]} : vector<16xf32> to vector<1xf32>
    %squeeze3A_847 = vector.extract %slice3A_846[0] : f32 from vector<1xf32>
    %slice3A_848 = vector.extract_strided_slice %select_n3A_687 {offsets = [15], sizes = [1], strides = [1]} : vector<16xi32> to vector<1xi32>
    %squeeze3A_849 = vector.extract %slice3A_848[0] : i32 from vector<1xi32>
    %lt3A_850 = arith.cmpf olt, %squeeze3A_847, %select_n3A_844 : f32
    %eq3A_851 = arith.cmpf oeq, %squeeze3A_847, %select_n3A_844 : f32
    %gt3A_852 = arith.cmpi sgt, %squeeze3A_849, %select_n3A_845 : i32
    %and3A_853 = arith.andi %eq3A_851, %gt3A_852 : i1
    %or3A_854 = arith.ori %lt3A_850, %and3A_853 : i1
    %select_n3A_855 = arith.select %or3A_854, %squeeze3A_847, %select_n3A_844 : f32
    %select_n3A_856 = arith.select %or3A_854, %squeeze3A_849, %select_n3A_845 : i32
    %eq3A_857 = arith.constant 3 : i32
    %eq3A_858 = vector.broadcast %eq3A_857 : i32 to vector<16xi32>
    %eq3A_859 = arith.cmpi eq, %iota3A, %eq3A_858 : vector<16xi32>
    %convert_element_type3A_860 = arith.sitofp %select_n3A_856 : i32 to f32
    %broadcast_in_dim3A_861 = vector.broadcast %convert_element_type3A_860 : f32 to vector<16xf32>
    %select_n3A_862 = arith.select %eq3A_859, %broadcast_in_dim3A_861, %select_n3A_654 : vector<16xi1>, vector<16xf32>
    %eq3A_863 = arith.constant 7 : i32
    %eq3A_864 = vector.broadcast %eq3A_863 : i32 to vector<16xi32>
    %eq3A_865 = arith.cmpi eq, %iota3A, %eq3A_864 : vector<16xi32>
    %broadcast_in_dim3A_866 = vector.broadcast %select_n3A_855 : f32 to vector<16xf32>
    %select_n3A_867 = arith.select %eq3A_865, %broadcast_in_dim3A_866, %select_n3A_862 : vector<16xi1>, vector<16xf32>
    %swap3A = arith.constant 0 : index
    %swap3A_868 = tpu.vector_load %arg8[%swap3A] {strides = array<i32>} : memref<16xf32, #tpu.memory_space<vmem>>, vector<16xf32>,
    %swap3A_869 = vector.shape_cast %swap3A_868 : vector<16xf32> to vector<16xf32>
    %swap3A_870 = vector.shape_cast %select_n3A_867 : vector<16xf32> to vector<16xf32>
    tpu.vector_store %arg8[%swap3A], %swap3A_870 {strides = array<i32>} : memref<16xf32, #tpu.memory_space<vmem>>, vector<16xf32>,
    %mul3A_871 = arith.constant 16 : i32
    %mul3A_872 = arith.muli %add3A, %mul3A_871 : i32
    "tpu.region"() ({
      %run_scoped3A = tpu.sem_alloc : memref<!tpu.dma_semaphore, #tpu.memory_space<semaphore_mem>>
      %dma_start3A_873 = tpu.memref_slice %arg4[%mul3A_872] : memref<512xf32, #tpu.memory_space<hbm>> -> memref<16xf32, #tpu.memory_space<hbm>>
      %dma_start3A_874 = tpu.memref_slice %arg4[%mul3A_872] : memref<512xf32, #tpu.memory_space<hbm>> -> memref<16xf32, #tpu.memory_space<hbm>>
      tpu.enqueue_dma source(%arg8 : memref<16xf32, #tpu.memory_space<vmem>>) target(%dma_start3A_874 : memref<16xf32, #tpu.memory_space<hbm>>) target_semaphore(%run_scoped3A : memref<!tpu.dma_semaphore, #tpu.memory_space<semaphore_mem>>)
      %dma_wait3A_875 = tpu.memref_slice %arg4[%mul3A_872] : memref<512xf32, #tpu.memory_space<hbm>> -> memref<16xf32, #tpu.memory_space<hbm>>
      %dma_wait3A_876 = tpu.memref_slice %arg4[%mul3A_872] : memref<512xf32, #tpu.memory_space<hbm>> -> memref<16xf32, #tpu.memory_space<hbm>>
      tpu.wait_dma2 semaphore(%run_scoped3A : memref<!tpu.dma_semaphore, #tpu.memory_space<semaphore_mem>>) src(%arg8 : memref<16xf32, #tpu.memory_space<vmem>>) dst(%dma_wait3A_876 : memref<16xf32, #tpu.memory_space<hbm>>)
      tpu.yield
    }) : () -> ()
    return
  }
}

module attributes {stable_mosaic.version = 14 : i64} {
  func.func @_tc_body(%arg0: i32, %arg1: memref<512xf32, #tpu.memory_space<smem>>, %arg2: memref<1xf32, #tpu.memory_space<smem>>, %arg3: memref<64x6144xf32, #tpu.memory_space<vmem>>, %arg4: memref<64x8192xi32, #tpu.memory_space<vmem>>, %arg5: memref<64x8192xi32, #tpu.memory_space<vmem>>, %arg6: memref<64x8192xi32, #tpu.memory_space<vmem>>) attributes {dimension_semantics = [#tpu.dimension_semantics<arbitrary>], iteration_bounds = array<i64: 2>, scalar_prefetch = 0 : i64, scratch_operands = 0 : i64, tpu.core_type = #tpu.core_type<tc>, window_params = [{transform_indices = @transform_0, window_bounds = array<i64: 512>}, {transform_indices = @transform_1, window_bounds = array<i64: 1>}, {transform_indices = @transform_2, window_bounds = array<i64: 64, 6144>}, {transform_indices = @transform_3, window_bounds = array<i64: 64, 8192>}, {transform_indices = @transform_4, window_bounds = array<i64: 64, 8192>}, {transform_indices = @transform_5, window_bounds = array<i64: 64, 8192>}]} {
    %iota3A = tpu.iota {dimensions = array<i32: 0>} : vector<64x1xi32>
    %broadcast_in_dim3A = arith.constant 0.000000e+00 : f32
    %broadcast_in_dim3A_0 = vector.broadcast %broadcast_in_dim3A : f32 to vector<64x1xf32>
    %broadcast_in_dim3A_1 = arith.constant 0.000000e+00 : f32
    %broadcast_in_dim3A_2 = vector.broadcast %broadcast_in_dim3A_1 : f32 to vector<64x1xf32>
    %mul3A = arith.constant 64 : i32
    %mul3A_3 = arith.muli %arg0, %mul3A : i32
    %add3A = arith.constant 0 : i32
    %add3A_4 = arith.addi %mul3A_3, %add3A : i32
    %jit3A = arith.constant 4 : i32
    %div3A = arith.divsi %add3A_4, %jit3A : i32
    %sign3A = arith.constant 0 : i32
    %sign3A_5 = arith.cmpi sgt, %add3A_4, %sign3A : i32
    %sign3A_6 = arith.extui %sign3A_5 : i1 to i32
    %sign3A_7 = arith.constant 0 : i32
    %sign3A_8 = arith.cmpi slt, %add3A_4, %sign3A_7 : i32
    %sign3A_9 = arith.extui %sign3A_8 : i1 to i32
    %sign3A_10 = arith.subi %sign3A_6, %sign3A_9 : i32
    %sign3A_11 = arith.constant 0 : i32
    %sign3A_12 = arith.cmpi sgt, %jit3A, %sign3A_11 : i32
    %sign3A_13 = arith.extui %sign3A_12 : i1 to i32
    %sign3A_14 = arith.constant 0 : i32
    %sign3A_15 = arith.cmpi slt, %jit3A, %sign3A_14 : i32
    %sign3A_16 = arith.extui %sign3A_15 : i1 to i32
    %sign3A_17 = arith.subi %sign3A_13, %sign3A_16 : i32
    %ne3A = arith.cmpi ne, %sign3A_10, %sign3A_17 : i32
    %rem3A = arith.remsi %add3A_4, %jit3A : i32
    %ne3A_18 = arith.constant 0 : i32
    %ne3A_19 = arith.cmpi ne, %rem3A, %ne3A_18 : i32
    %and3A = arith.andi %ne3A, %ne3A_19 : i1
    %sub3A = arith.constant 1 : i32
    %sub3A_20 = arith.subi %div3A, %sub3A : i32
    %select_n3A = arith.select %and3A, %sub3A_20, %div3A : i32
    %jit3A_21 = arith.constant 4 : i32
    %eq3A = arith.constant 0 : i32
    %eq3A_22 = arith.cmpi eq, %jit3A_21, %eq3A : i32
    %jit3A_23 = arith.constant 1 : i32
    %select_n3A_24 = arith.select %eq3A_22, %jit3A_23, %jit3A_21 : i32
    %rem3A_25 = arith.remsi %add3A_4, %select_n3A_24 : i32
    %ne3A_26 = arith.constant 0 : i32
    %ne3A_27 = arith.cmpi ne, %rem3A_25, %ne3A_26 : i32
    %lt3A = arith.constant 0 : i32
    %lt3A_28 = arith.cmpi slt, %rem3A_25, %lt3A : i32
    %lt3A_29 = arith.constant 0 : i32
    %lt3A_30 = arith.cmpi slt, %select_n3A_24, %lt3A_29 : i32
    %ne3A_31 = arith.xori %lt3A_28, %lt3A_30 : i1
    %and3A_32 = arith.andi %ne3A_31, %ne3A_27 : i1
    %add3A_33 = arith.addi %rem3A_25, %select_n3A_24 : i32
    %select_n3A_34 = arith.select %and3A_32, %add3A_33, %rem3A_25 : i32
    %eq3A_35 = arith.constant 0 : i32
    %eq3A_36 = vector.broadcast %eq3A_35 : i32 to vector<64x1xi32>
    %eq3A_37 = arith.cmpi eq, %iota3A, %eq3A_36 : vector<64x1xi32>
    %mul3A_38 = arith.constant 16 : i32
    %mul3A_39 = arith.muli %select_n3A, %mul3A_38 : i32
    %add3A_40 = arith.addi %mul3A_39, %select_n3A_34 : i32
    %get3A = arith.index_cast %add3A_40 : i32 to index
    %get3A_41 = memref.load %arg1[%get3A] : memref<512xf32, #tpu.memory_space<smem>>
    %broadcast_in_dim3A_42 = vector.broadcast %get3A_41 : f32 to vector<64x1xf32>
    %select_n3A_43 = arith.select %eq3A_37, %broadcast_in_dim3A_42, %broadcast_in_dim3A_0 : vector<64x1xi1>, vector<64x1xf32>
    %mul3A_44 = arith.constant 16 : i32
    %mul3A_45 = arith.muli %select_n3A, %mul3A_44 : i32
    %add3A_46 = arith.constant 4 : i32
    %add3A_47 = arith.addi %mul3A_45, %add3A_46 : i32
    %add3A_48 = arith.addi %add3A_47, %select_n3A_34 : i32
    %get3A_49 = arith.index_cast %add3A_48 : i32 to index
    %get3A_50 = memref.load %arg1[%get3A_49] : memref<512xf32, #tpu.memory_space<smem>>
    %broadcast_in_dim3A_51 = vector.broadcast %get3A_50 : f32 to vector<64x1xf32>
    %select_n3A_52 = arith.select %eq3A_37, %broadcast_in_dim3A_51, %broadcast_in_dim3A_2 : vector<64x1xi1>, vector<64x1xf32>
    %mul3A_53 = arith.constant 64 : i32
    %mul3A_54 = arith.muli %arg0, %mul3A_53 : i32
    %add3A_55 = arith.constant 1 : i32
    %add3A_56 = arith.addi %mul3A_54, %add3A_55 : i32
    %jit3A_57 = arith.constant 4 : i32
    %div3A_58 = arith.divsi %add3A_56, %jit3A_57 : i32
    %sign3A_59 = arith.constant 0 : i32
    %sign3A_60 = arith.cmpi sgt, %add3A_56, %sign3A_59 : i32
    %sign3A_61 = arith.extui %sign3A_60 : i1 to i32
    %sign3A_62 = arith.constant 0 : i32
    %sign3A_63 = arith.cmpi slt, %add3A_56, %sign3A_62 : i32
    %sign3A_64 = arith.extui %sign3A_63 : i1 to i32
    %sign3A_65 = arith.subi %sign3A_61, %sign3A_64 : i32
    %sign3A_66 = arith.constant 0 : i32
    %sign3A_67 = arith.cmpi sgt, %jit3A_57, %sign3A_66 : i32
    %sign3A_68 = arith.extui %sign3A_67 : i1 to i32
    %sign3A_69 = arith.constant 0 : i32
    %sign3A_70 = arith.cmpi slt, %jit3A_57, %sign3A_69 : i32
    %sign3A_71 = arith.extui %sign3A_70 : i1 to i32
    %sign3A_72 = arith.subi %sign3A_68, %sign3A_71 : i32
    %ne3A_73 = arith.cmpi ne, %sign3A_65, %sign3A_72 : i32
    %rem3A_74 = arith.remsi %add3A_56, %jit3A_57 : i32
    %ne3A_75 = arith.constant 0 : i32
    %ne3A_76 = arith.cmpi ne, %rem3A_74, %ne3A_75 : i32
    %and3A_77 = arith.andi %ne3A_73, %ne3A_76 : i1
    %sub3A_78 = arith.constant 1 : i32
    %sub3A_79 = arith.subi %div3A_58, %sub3A_78 : i32
    %select_n3A_80 = arith.select %and3A_77, %sub3A_79, %div3A_58 : i32
    %jit3A_81 = arith.constant 4 : i32
    %eq3A_82 = arith.constant 0 : i32
    %eq3A_83 = arith.cmpi eq, %jit3A_81, %eq3A_82 : i32
    %jit3A_84 = arith.constant 1 : i32
    %select_n3A_85 = arith.select %eq3A_83, %jit3A_84, %jit3A_81 : i32
    %rem3A_86 = arith.remsi %add3A_56, %select_n3A_85 : i32
    %ne3A_87 = arith.constant 0 : i32
    %ne3A_88 = arith.cmpi ne, %rem3A_86, %ne3A_87 : i32
    %lt3A_89 = arith.constant 0 : i32
    %lt3A_90 = arith.cmpi slt, %rem3A_86, %lt3A_89 : i32
    %lt3A_91 = arith.constant 0 : i32
    %lt3A_92 = arith.cmpi slt, %select_n3A_85, %lt3A_91 : i32
    %ne3A_93 = arith.xori %lt3A_90, %lt3A_92 : i1
    %and3A_94 = arith.andi %ne3A_93, %ne3A_88 : i1
    %add3A_95 = arith.addi %rem3A_86, %select_n3A_85 : i32
    %select_n3A_96 = arith.select %and3A_94, %add3A_95, %rem3A_86 : i32
    %eq3A_97 = arith.constant 1 : i32
    %eq3A_98 = vector.broadcast %eq3A_97 : i32 to vector<64x1xi32>
    %eq3A_99 = arith.cmpi eq, %iota3A, %eq3A_98 : vector<64x1xi32>
    %mul3A_100 = arith.constant 16 : i32
    %mul3A_101 = arith.muli %select_n3A_80, %mul3A_100 : i32
    %add3A_102 = arith.addi %mul3A_101, %select_n3A_96 : i32
    %get3A_103 = arith.index_cast %add3A_102 : i32 to index
    %get3A_104 = memref.load %arg1[%get3A_103] : memref<512xf32, #tpu.memory_space<smem>>
    %broadcast_in_dim3A_105 = vector.broadcast %get3A_104 : f32 to vector<64x1xf32>
    %select_n3A_106 = arith.select %eq3A_99, %broadcast_in_dim3A_105, %select_n3A_43 : vector<64x1xi1>, vector<64x1xf32>
    %mul3A_107 = arith.constant 16 : i32
    %mul3A_108 = arith.muli %select_n3A_80, %mul3A_107 : i32
    %add3A_109 = arith.constant 4 : i32
    %add3A_110 = arith.addi %mul3A_108, %add3A_109 : i32
    %add3A_111 = arith.addi %add3A_110, %select_n3A_96 : i32
    %get3A_112 = arith.index_cast %add3A_111 : i32 to index
    %get3A_113 = memref.load %arg1[%get3A_112] : memref<512xf32, #tpu.memory_space<smem>>
    %broadcast_in_dim3A_114 = vector.broadcast %get3A_113 : f32 to vector<64x1xf32>
    %select_n3A_115 = arith.select %eq3A_99, %broadcast_in_dim3A_114, %select_n3A_52 : vector<64x1xi1>, vector<64x1xf32>
    %mul3A_116 = arith.constant 64 : i32
    %mul3A_117 = arith.muli %arg0, %mul3A_116 : i32
    %add3A_118 = arith.constant 2 : i32
    %add3A_119 = arith.addi %mul3A_117, %add3A_118 : i32
    %jit3A_120 = arith.constant 4 : i32
    %div3A_121 = arith.divsi %add3A_119, %jit3A_120 : i32
    %sign3A_122 = arith.constant 0 : i32
    %sign3A_123 = arith.cmpi sgt, %add3A_119, %sign3A_122 : i32
    %sign3A_124 = arith.extui %sign3A_123 : i1 to i32
    %sign3A_125 = arith.constant 0 : i32
    %sign3A_126 = arith.cmpi slt, %add3A_119, %sign3A_125 : i32
    %sign3A_127 = arith.extui %sign3A_126 : i1 to i32
    %sign3A_128 = arith.subi %sign3A_124, %sign3A_127 : i32
    %sign3A_129 = arith.constant 0 : i32
    %sign3A_130 = arith.cmpi sgt, %jit3A_120, %sign3A_129 : i32
    %sign3A_131 = arith.extui %sign3A_130 : i1 to i32
    %sign3A_132 = arith.constant 0 : i32
    %sign3A_133 = arith.cmpi slt, %jit3A_120, %sign3A_132 : i32
    %sign3A_134 = arith.extui %sign3A_133 : i1 to i32
    %sign3A_135 = arith.subi %sign3A_131, %sign3A_134 : i32
    %ne3A_136 = arith.cmpi ne, %sign3A_128, %sign3A_135 : i32
    %rem3A_137 = arith.remsi %add3A_119, %jit3A_120 : i32
    %ne3A_138 = arith.constant 0 : i32
    %ne3A_139 = arith.cmpi ne, %rem3A_137, %ne3A_138 : i32
    %and3A_140 = arith.andi %ne3A_136, %ne3A_139 : i1
    %sub3A_141 = arith.constant 1 : i32
    %sub3A_142 = arith.subi %div3A_121, %sub3A_141 : i32
    %select_n3A_143 = arith.select %and3A_140, %sub3A_142, %div3A_121 : i32
    %jit3A_144 = arith.constant 4 : i32
    %eq3A_145 = arith.constant 0 : i32
    %eq3A_146 = arith.cmpi eq, %jit3A_144, %eq3A_145 : i32
    %jit3A_147 = arith.constant 1 : i32
    %select_n3A_148 = arith.select %eq3A_146, %jit3A_147, %jit3A_144 : i32
    %rem3A_149 = arith.remsi %add3A_119, %select_n3A_148 : i32
    %ne3A_150 = arith.constant 0 : i32
    %ne3A_151 = arith.cmpi ne, %rem3A_149, %ne3A_150 : i32
    %lt3A_152 = arith.constant 0 : i32
    %lt3A_153 = arith.cmpi slt, %rem3A_149, %lt3A_152 : i32
    %lt3A_154 = arith.constant 0 : i32
    %lt3A_155 = arith.cmpi slt, %select_n3A_148, %lt3A_154 : i32
    %ne3A_156 = arith.xori %lt3A_153, %lt3A_155 : i1
    %and3A_157 = arith.andi %ne3A_156, %ne3A_151 : i1
    %add3A_158 = arith.addi %rem3A_149, %select_n3A_148 : i32
    %select_n3A_159 = arith.select %and3A_157, %add3A_158, %rem3A_149 : i32
    %eq3A_160 = arith.constant 2 : i32
    %eq3A_161 = vector.broadcast %eq3A_160 : i32 to vector<64x1xi32>
    %eq3A_162 = arith.cmpi eq, %iota3A, %eq3A_161 : vector<64x1xi32>
    %mul3A_163 = arith.constant 16 : i32
    %mul3A_164 = arith.muli %select_n3A_143, %mul3A_163 : i32
    %add3A_165 = arith.addi %mul3A_164, %select_n3A_159 : i32
    %get3A_166 = arith.index_cast %add3A_165 : i32 to index
    %get3A_167 = memref.load %arg1[%get3A_166] : memref<512xf32, #tpu.memory_space<smem>>
    %broadcast_in_dim3A_168 = vector.broadcast %get3A_167 : f32 to vector<64x1xf32>
    %select_n3A_169 = arith.select %eq3A_162, %broadcast_in_dim3A_168, %select_n3A_106 : vector<64x1xi1>, vector<64x1xf32>
    %mul3A_170 = arith.constant 16 : i32
    %mul3A_171 = arith.muli %select_n3A_143, %mul3A_170 : i32
    %add3A_172 = arith.constant 4 : i32
    %add3A_173 = arith.addi %mul3A_171, %add3A_172 : i32
    %add3A_174 = arith.addi %add3A_173, %select_n3A_159 : i32
    %get3A_175 = arith.index_cast %add3A_174 : i32 to index
    %get3A_176 = memref.load %arg1[%get3A_175] : memref<512xf32, #tpu.memory_space<smem>>
    %broadcast_in_dim3A_177 = vector.broadcast %get3A_176 : f32 to vector<64x1xf32>
    %select_n3A_178 = arith.select %eq3A_162, %broadcast_in_dim3A_177, %select_n3A_115 : vector<64x1xi1>, vector<64x1xf32>
    %mul3A_179 = arith.constant 64 : i32
    %mul3A_180 = arith.muli %arg0, %mul3A_179 : i32
    %add3A_181 = arith.constant 3 : i32
    %add3A_182 = arith.addi %mul3A_180, %add3A_181 : i32
    %jit3A_183 = arith.constant 4 : i32
    %div3A_184 = arith.divsi %add3A_182, %jit3A_183 : i32
    %sign3A_185 = arith.constant 0 : i32
    %sign3A_186 = arith.cmpi sgt, %add3A_182, %sign3A_185 : i32
    %sign3A_187 = arith.extui %sign3A_186 : i1 to i32
    %sign3A_188 = arith.constant 0 : i32
    %sign3A_189 = arith.cmpi slt, %add3A_182, %sign3A_188 : i32
    %sign3A_190 = arith.extui %sign3A_189 : i1 to i32
    %sign3A_191 = arith.subi %sign3A_187, %sign3A_190 : i32
    %sign3A_192 = arith.constant 0 : i32
    %sign3A_193 = arith.cmpi sgt, %jit3A_183, %sign3A_192 : i32
    %sign3A_194 = arith.extui %sign3A_193 : i1 to i32
    %sign3A_195 = arith.constant 0 : i32
    %sign3A_196 = arith.cmpi slt, %jit3A_183, %sign3A_195 : i32
    %sign3A_197 = arith.extui %sign3A_196 : i1 to i32
    %sign3A_198 = arith.subi %sign3A_194, %sign3A_197 : i32
    %ne3A_199 = arith.cmpi ne, %sign3A_191, %sign3A_198 : i32
    %rem3A_200 = arith.remsi %add3A_182, %jit3A_183 : i32
    %ne3A_201 = arith.constant 0 : i32
    %ne3A_202 = arith.cmpi ne, %rem3A_200, %ne3A_201 : i32
    %and3A_203 = arith.andi %ne3A_199, %ne3A_202 : i1
    %sub3A_204 = arith.constant 1 : i32
    %sub3A_205 = arith.subi %div3A_184, %sub3A_204 : i32
    %select_n3A_206 = arith.select %and3A_203, %sub3A_205, %div3A_184 : i32
    %jit3A_207 = arith.constant 4 : i32
    %eq3A_208 = arith.constant 0 : i32
    %eq3A_209 = arith.cmpi eq, %jit3A_207, %eq3A_208 : i32
    %jit3A_210 = arith.constant 1 : i32
    %select_n3A_211 = arith.select %eq3A_209, %jit3A_210, %jit3A_207 : i32
    %rem3A_212 = arith.remsi %add3A_182, %select_n3A_211 : i32
    %ne3A_213 = arith.constant 0 : i32
    %ne3A_214 = arith.cmpi ne, %rem3A_212, %ne3A_213 : i32
    %lt3A_215 = arith.constant 0 : i32
    %lt3A_216 = arith.cmpi slt, %rem3A_212, %lt3A_215 : i32
    %lt3A_217 = arith.constant 0 : i32
    %lt3A_218 = arith.cmpi slt, %select_n3A_211, %lt3A_217 : i32
    %ne3A_219 = arith.xori %lt3A_216, %lt3A_218 : i1
    %and3A_220 = arith.andi %ne3A_219, %ne3A_214 : i1
    %add3A_221 = arith.addi %rem3A_212, %select_n3A_211 : i32
    %select_n3A_222 = arith.select %and3A_220, %add3A_221, %rem3A_212 : i32
    %eq3A_223 = arith.constant 3 : i32
    %eq3A_224 = vector.broadcast %eq3A_223 : i32 to vector<64x1xi32>
    %eq3A_225 = arith.cmpi eq, %iota3A, %eq3A_224 : vector<64x1xi32>
    %mul3A_226 = arith.constant 16 : i32
    %mul3A_227 = arith.muli %select_n3A_206, %mul3A_226 : i32
    %add3A_228 = arith.addi %mul3A_227, %select_n3A_222 : i32
    %get3A_229 = arith.index_cast %add3A_228 : i32 to index
    %get3A_230 = memref.load %arg1[%get3A_229] : memref<512xf32, #tpu.memory_space<smem>>
    %broadcast_in_dim3A_231 = vector.broadcast %get3A_230 : f32 to vector<64x1xf32>
    %select_n3A_232 = arith.select %eq3A_225, %broadcast_in_dim3A_231, %select_n3A_169 : vector<64x1xi1>, vector<64x1xf32>
    %mul3A_233 = arith.constant 16 : i32
    %mul3A_234 = arith.muli %select_n3A_206, %mul3A_233 : i32
    %add3A_235 = arith.constant 4 : i32
    %add3A_236 = arith.addi %mul3A_234, %add3A_235 : i32
    %add3A_237 = arith.addi %add3A_236, %select_n3A_222 : i32
    %get3A_238 = arith.index_cast %add3A_237 : i32 to index
    %get3A_239 = memref.load %arg1[%get3A_238] : memref<512xf32, #tpu.memory_space<smem>>
    %broadcast_in_dim3A_240 = vector.broadcast %get3A_239 : f32 to vector<64x1xf32>
    %select_n3A_241 = arith.select %eq3A_225, %broadcast_in_dim3A_240, %select_n3A_178 : vector<64x1xi1>, vector<64x1xf32>
    %mul3A_242 = arith.constant 64 : i32
    %mul3A_243 = arith.muli %arg0, %mul3A_242 : i32
    %add3A_244 = arith.constant 4 : i32
    %add3A_245 = arith.addi %mul3A_243, %add3A_244 : i32
    %jit3A_246 = arith.constant 4 : i32
    %div3A_247 = arith.divsi %add3A_245, %jit3A_246 : i32
    %sign3A_248 = arith.constant 0 : i32
    %sign3A_249 = arith.cmpi sgt, %add3A_245, %sign3A_248 : i32
    %sign3A_250 = arith.extui %sign3A_249 : i1 to i32
    %sign3A_251 = arith.constant 0 : i32
    %sign3A_252 = arith.cmpi slt, %add3A_245, %sign3A_251 : i32
    %sign3A_253 = arith.extui %sign3A_252 : i1 to i32
    %sign3A_254 = arith.subi %sign3A_250, %sign3A_253 : i32
    %sign3A_255 = arith.constant 0 : i32
    %sign3A_256 = arith.cmpi sgt, %jit3A_246, %sign3A_255 : i32
    %sign3A_257 = arith.extui %sign3A_256 : i1 to i32
    %sign3A_258 = arith.constant 0 : i32
    %sign3A_259 = arith.cmpi slt, %jit3A_246, %sign3A_258 : i32
    %sign3A_260 = arith.extui %sign3A_259 : i1 to i32
    %sign3A_261 = arith.subi %sign3A_257, %sign3A_260 : i32
    %ne3A_262 = arith.cmpi ne, %sign3A_254, %sign3A_261 : i32
    %rem3A_263 = arith.remsi %add3A_245, %jit3A_246 : i32
    %ne3A_264 = arith.constant 0 : i32
    %ne3A_265 = arith.cmpi ne, %rem3A_263, %ne3A_264 : i32
    %and3A_266 = arith.andi %ne3A_262, %ne3A_265 : i1
    %sub3A_267 = arith.constant 1 : i32
    %sub3A_268 = arith.subi %div3A_247, %sub3A_267 : i32
    %select_n3A_269 = arith.select %and3A_266, %sub3A_268, %div3A_247 : i32
    %jit3A_270 = arith.constant 4 : i32
    %eq3A_271 = arith.constant 0 : i32
    %eq3A_272 = arith.cmpi eq, %jit3A_270, %eq3A_271 : i32
    %jit3A_273 = arith.constant 1 : i32
    %select_n3A_274 = arith.select %eq3A_272, %jit3A_273, %jit3A_270 : i32
    %rem3A_275 = arith.remsi %add3A_245, %select_n3A_274 : i32
    %ne3A_276 = arith.constant 0 : i32
    %ne3A_277 = arith.cmpi ne, %rem3A_275, %ne3A_276 : i32
    %lt3A_278 = arith.constant 0 : i32
    %lt3A_279 = arith.cmpi slt, %rem3A_275, %lt3A_278 : i32
    %lt3A_280 = arith.constant 0 : i32
    %lt3A_281 = arith.cmpi slt, %select_n3A_274, %lt3A_280 : i32
    %ne3A_282 = arith.xori %lt3A_279, %lt3A_281 : i1
    %and3A_283 = arith.andi %ne3A_282, %ne3A_277 : i1
    %add3A_284 = arith.addi %rem3A_275, %select_n3A_274 : i32
    %select_n3A_285 = arith.select %and3A_283, %add3A_284, %rem3A_275 : i32
    %eq3A_286 = arith.constant 4 : i32
    %eq3A_287 = vector.broadcast %eq3A_286 : i32 to vector<64x1xi32>
    %eq3A_288 = arith.cmpi eq, %iota3A, %eq3A_287 : vector<64x1xi32>
    %mul3A_289 = arith.constant 16 : i32
    %mul3A_290 = arith.muli %select_n3A_269, %mul3A_289 : i32
    %add3A_291 = arith.addi %mul3A_290, %select_n3A_285 : i32
    %get3A_292 = arith.index_cast %add3A_291 : i32 to index
    %get3A_293 = memref.load %arg1[%get3A_292] : memref<512xf32, #tpu.memory_space<smem>>
    %broadcast_in_dim3A_294 = vector.broadcast %get3A_293 : f32 to vector<64x1xf32>
    %select_n3A_295 = arith.select %eq3A_288, %broadcast_in_dim3A_294, %select_n3A_232 : vector<64x1xi1>, vector<64x1xf32>
    %mul3A_296 = arith.constant 16 : i32
    %mul3A_297 = arith.muli %select_n3A_269, %mul3A_296 : i32
    %add3A_298 = arith.constant 4 : i32
    %add3A_299 = arith.addi %mul3A_297, %add3A_298 : i32
    %add3A_300 = arith.addi %add3A_299, %select_n3A_285 : i32
    %get3A_301 = arith.index_cast %add3A_300 : i32 to index
    %get3A_302 = memref.load %arg1[%get3A_301] : memref<512xf32, #tpu.memory_space<smem>>
    %broadcast_in_dim3A_303 = vector.broadcast %get3A_302 : f32 to vector<64x1xf32>
    %select_n3A_304 = arith.select %eq3A_288, %broadcast_in_dim3A_303, %select_n3A_241 : vector<64x1xi1>, vector<64x1xf32>
    %mul3A_305 = arith.constant 64 : i32
    %mul3A_306 = arith.muli %arg0, %mul3A_305 : i32
    %add3A_307 = arith.constant 5 : i32
    %add3A_308 = arith.addi %mul3A_306, %add3A_307 : i32
    %jit3A_309 = arith.constant 4 : i32
    %div3A_310 = arith.divsi %add3A_308, %jit3A_309 : i32
    %sign3A_311 = arith.constant 0 : i32
    %sign3A_312 = arith.cmpi sgt, %add3A_308, %sign3A_311 : i32
    %sign3A_313 = arith.extui %sign3A_312 : i1 to i32
    %sign3A_314 = arith.constant 0 : i32
    %sign3A_315 = arith.cmpi slt, %add3A_308, %sign3A_314 : i32
    %sign3A_316 = arith.extui %sign3A_315 : i1 to i32
    %sign3A_317 = arith.subi %sign3A_313, %sign3A_316 : i32
    %sign3A_318 = arith.constant 0 : i32
    %sign3A_319 = arith.cmpi sgt, %jit3A_309, %sign3A_318 : i32
    %sign3A_320 = arith.extui %sign3A_319 : i1 to i32
    %sign3A_321 = arith.constant 0 : i32
    %sign3A_322 = arith.cmpi slt, %jit3A_309, %sign3A_321 : i32
    %sign3A_323 = arith.extui %sign3A_322 : i1 to i32
    %sign3A_324 = arith.subi %sign3A_320, %sign3A_323 : i32
    %ne3A_325 = arith.cmpi ne, %sign3A_317, %sign3A_324 : i32
    %rem3A_326 = arith.remsi %add3A_308, %jit3A_309 : i32
    %ne3A_327 = arith.constant 0 : i32
    %ne3A_328 = arith.cmpi ne, %rem3A_326, %ne3A_327 : i32
    %and3A_329 = arith.andi %ne3A_325, %ne3A_328 : i1
    %sub3A_330 = arith.constant 1 : i32
    %sub3A_331 = arith.subi %div3A_310, %sub3A_330 : i32
    %select_n3A_332 = arith.select %and3A_329, %sub3A_331, %div3A_310 : i32
    %jit3A_333 = arith.constant 4 : i32
    %eq3A_334 = arith.constant 0 : i32
    %eq3A_335 = arith.cmpi eq, %jit3A_333, %eq3A_334 : i32
    %jit3A_336 = arith.constant 1 : i32
    %select_n3A_337 = arith.select %eq3A_335, %jit3A_336, %jit3A_333 : i32
    %rem3A_338 = arith.remsi %add3A_308, %select_n3A_337 : i32
    %ne3A_339 = arith.constant 0 : i32
    %ne3A_340 = arith.cmpi ne, %rem3A_338, %ne3A_339 : i32
    %lt3A_341 = arith.constant 0 : i32
    %lt3A_342 = arith.cmpi slt, %rem3A_338, %lt3A_341 : i32
    %lt3A_343 = arith.constant 0 : i32
    %lt3A_344 = arith.cmpi slt, %select_n3A_337, %lt3A_343 : i32
    %ne3A_345 = arith.xori %lt3A_342, %lt3A_344 : i1
    %and3A_346 = arith.andi %ne3A_345, %ne3A_340 : i1
    %add3A_347 = arith.addi %rem3A_338, %select_n3A_337 : i32
    %select_n3A_348 = arith.select %and3A_346, %add3A_347, %rem3A_338 : i32
    %eq3A_349 = arith.constant 5 : i32
    %eq3A_350 = vector.broadcast %eq3A_349 : i32 to vector<64x1xi32>
    %eq3A_351 = arith.cmpi eq, %iota3A, %eq3A_350 : vector<64x1xi32>
    %mul3A_352 = arith.constant 16 : i32
    %mul3A_353 = arith.muli %select_n3A_332, %mul3A_352 : i32
    %add3A_354 = arith.addi %mul3A_353, %select_n3A_348 : i32
    %get3A_355 = arith.index_cast %add3A_354 : i32 to index
    %get3A_356 = memref.load %arg1[%get3A_355] : memref<512xf32, #tpu.memory_space<smem>>
    %broadcast_in_dim3A_357 = vector.broadcast %get3A_356 : f32 to vector<64x1xf32>
    %select_n3A_358 = arith.select %eq3A_351, %broadcast_in_dim3A_357, %select_n3A_295 : vector<64x1xi1>, vector<64x1xf32>
    %mul3A_359 = arith.constant 16 : i32
    %mul3A_360 = arith.muli %select_n3A_332, %mul3A_359 : i32
    %add3A_361 = arith.constant 4 : i32
    %add3A_362 = arith.addi %mul3A_360, %add3A_361 : i32
    %add3A_363 = arith.addi %add3A_362, %select_n3A_348 : i32
    %get3A_364 = arith.index_cast %add3A_363 : i32 to index
    %get3A_365 = memref.load %arg1[%get3A_364] : memref<512xf32, #tpu.memory_space<smem>>
    %broadcast_in_dim3A_366 = vector.broadcast %get3A_365 : f32 to vector<64x1xf32>
    %select_n3A_367 = arith.select %eq3A_351, %broadcast_in_dim3A_366, %select_n3A_304 : vector<64x1xi1>, vector<64x1xf32>
    %mul3A_368 = arith.constant 64 : i32
    %mul3A_369 = arith.muli %arg0, %mul3A_368 : i32
    %add3A_370 = arith.constant 6 : i32
    %add3A_371 = arith.addi %mul3A_369, %add3A_370 : i32
    %jit3A_372 = arith.constant 4 : i32
    %div3A_373 = arith.divsi %add3A_371, %jit3A_372 : i32
    %sign3A_374 = arith.constant 0 : i32
    %sign3A_375 = arith.cmpi sgt, %add3A_371, %sign3A_374 : i32
    %sign3A_376 = arith.extui %sign3A_375 : i1 to i32
    %sign3A_377 = arith.constant 0 : i32
    %sign3A_378 = arith.cmpi slt, %add3A_371, %sign3A_377 : i32
    %sign3A_379 = arith.extui %sign3A_378 : i1 to i32
    %sign3A_380 = arith.subi %sign3A_376, %sign3A_379 : i32
    %sign3A_381 = arith.constant 0 : i32
    %sign3A_382 = arith.cmpi sgt, %jit3A_372, %sign3A_381 : i32
    %sign3A_383 = arith.extui %sign3A_382 : i1 to i32
    %sign3A_384 = arith.constant 0 : i32
    %sign3A_385 = arith.cmpi slt, %jit3A_372, %sign3A_384 : i32
    %sign3A_386 = arith.extui %sign3A_385 : i1 to i32
    %sign3A_387 = arith.subi %sign3A_383, %sign3A_386 : i32
    %ne3A_388 = arith.cmpi ne, %sign3A_380, %sign3A_387 : i32
    %rem3A_389 = arith.remsi %add3A_371, %jit3A_372 : i32
    %ne3A_390 = arith.constant 0 : i32
    %ne3A_391 = arith.cmpi ne, %rem3A_389, %ne3A_390 : i32
    %and3A_392 = arith.andi %ne3A_388, %ne3A_391 : i1
    %sub3A_393 = arith.constant 1 : i32
    %sub3A_394 = arith.subi %div3A_373, %sub3A_393 : i32
    %select_n3A_395 = arith.select %and3A_392, %sub3A_394, %div3A_373 : i32
    %jit3A_396 = arith.constant 4 : i32
    %eq3A_397 = arith.constant 0 : i32
    %eq3A_398 = arith.cmpi eq, %jit3A_396, %eq3A_397 : i32
    %jit3A_399 = arith.constant 1 : i32
    %select_n3A_400 = arith.select %eq3A_398, %jit3A_399, %jit3A_396 : i32
    %rem3A_401 = arith.remsi %add3A_371, %select_n3A_400 : i32
    %ne3A_402 = arith.constant 0 : i32
    %ne3A_403 = arith.cmpi ne, %rem3A_401, %ne3A_402 : i32
    %lt3A_404 = arith.constant 0 : i32
    %lt3A_405 = arith.cmpi slt, %rem3A_401, %lt3A_404 : i32
    %lt3A_406 = arith.constant 0 : i32
    %lt3A_407 = arith.cmpi slt, %select_n3A_400, %lt3A_406 : i32
    %ne3A_408 = arith.xori %lt3A_405, %lt3A_407 : i1
    %and3A_409 = arith.andi %ne3A_408, %ne3A_403 : i1
    %add3A_410 = arith.addi %rem3A_401, %select_n3A_400 : i32
    %select_n3A_411 = arith.select %and3A_409, %add3A_410, %rem3A_401 : i32
    %eq3A_412 = arith.constant 6 : i32
    %eq3A_413 = vector.broadcast %eq3A_412 : i32 to vector<64x1xi32>
    %eq3A_414 = arith.cmpi eq, %iota3A, %eq3A_413 : vector<64x1xi32>
    %mul3A_415 = arith.constant 16 : i32
    %mul3A_416 = arith.muli %select_n3A_395, %mul3A_415 : i32
    %add3A_417 = arith.addi %mul3A_416, %select_n3A_411 : i32
    %get3A_418 = arith.index_cast %add3A_417 : i32 to index
    %get3A_419 = memref.load %arg1[%get3A_418] : memref<512xf32, #tpu.memory_space<smem>>
    %broadcast_in_dim3A_420 = vector.broadcast %get3A_419 : f32 to vector<64x1xf32>
    %select_n3A_421 = arith.select %eq3A_414, %broadcast_in_dim3A_420, %select_n3A_358 : vector<64x1xi1>, vector<64x1xf32>
    %mul3A_422 = arith.constant 16 : i32
    %mul3A_423 = arith.muli %select_n3A_395, %mul3A_422 : i32
    %add3A_424 = arith.constant 4 : i32
    %add3A_425 = arith.addi %mul3A_423, %add3A_424 : i32
    %add3A_426 = arith.addi %add3A_425, %select_n3A_411 : i32
    %get3A_427 = arith.index_cast %add3A_426 : i32 to index
    %get3A_428 = memref.load %arg1[%get3A_427] : memref<512xf32, #tpu.memory_space<smem>>
    %broadcast_in_dim3A_429 = vector.broadcast %get3A_428 : f32 to vector<64x1xf32>
    %select_n3A_430 = arith.select %eq3A_414, %broadcast_in_dim3A_429, %select_n3A_367 : vector<64x1xi1>, vector<64x1xf32>
    %mul3A_431 = arith.constant 64 : i32
    %mul3A_432 = arith.muli %arg0, %mul3A_431 : i32
    %add3A_433 = arith.constant 7 : i32
    %add3A_434 = arith.addi %mul3A_432, %add3A_433 : i32
    %jit3A_435 = arith.constant 4 : i32
    %div3A_436 = arith.divsi %add3A_434, %jit3A_435 : i32
    %sign3A_437 = arith.constant 0 : i32
    %sign3A_438 = arith.cmpi sgt, %add3A_434, %sign3A_437 : i32
    %sign3A_439 = arith.extui %sign3A_438 : i1 to i32
    %sign3A_440 = arith.constant 0 : i32
    %sign3A_441 = arith.cmpi slt, %add3A_434, %sign3A_440 : i32
    %sign3A_442 = arith.extui %sign3A_441 : i1 to i32
    %sign3A_443 = arith.subi %sign3A_439, %sign3A_442 : i32
    %sign3A_444 = arith.constant 0 : i32
    %sign3A_445 = arith.cmpi sgt, %jit3A_435, %sign3A_444 : i32
    %sign3A_446 = arith.extui %sign3A_445 : i1 to i32
    %sign3A_447 = arith.constant 0 : i32
    %sign3A_448 = arith.cmpi slt, %jit3A_435, %sign3A_447 : i32
    %sign3A_449 = arith.extui %sign3A_448 : i1 to i32
    %sign3A_450 = arith.subi %sign3A_446, %sign3A_449 : i32
    %ne3A_451 = arith.cmpi ne, %sign3A_443, %sign3A_450 : i32
    %rem3A_452 = arith.remsi %add3A_434, %jit3A_435 : i32
    %ne3A_453 = arith.constant 0 : i32
    %ne3A_454 = arith.cmpi ne, %rem3A_452, %ne3A_453 : i32
    %and3A_455 = arith.andi %ne3A_451, %ne3A_454 : i1
    %sub3A_456 = arith.constant 1 : i32
    %sub3A_457 = arith.subi %div3A_436, %sub3A_456 : i32
    %select_n3A_458 = arith.select %and3A_455, %sub3A_457, %div3A_436 : i32
    %jit3A_459 = arith.constant 4 : i32
    %eq3A_460 = arith.constant 0 : i32
    %eq3A_461 = arith.cmpi eq, %jit3A_459, %eq3A_460 : i32
    %jit3A_462 = arith.constant 1 : i32
    %select_n3A_463 = arith.select %eq3A_461, %jit3A_462, %jit3A_459 : i32
    %rem3A_464 = arith.remsi %add3A_434, %select_n3A_463 : i32
    %ne3A_465 = arith.constant 0 : i32
    %ne3A_466 = arith.cmpi ne, %rem3A_464, %ne3A_465 : i32
    %lt3A_467 = arith.constant 0 : i32
    %lt3A_468 = arith.cmpi slt, %rem3A_464, %lt3A_467 : i32
    %lt3A_469 = arith.constant 0 : i32
    %lt3A_470 = arith.cmpi slt, %select_n3A_463, %lt3A_469 : i32
    %ne3A_471 = arith.xori %lt3A_468, %lt3A_470 : i1
    %and3A_472 = arith.andi %ne3A_471, %ne3A_466 : i1
    %add3A_473 = arith.addi %rem3A_464, %select_n3A_463 : i32
    %select_n3A_474 = arith.select %and3A_472, %add3A_473, %rem3A_464 : i32
    %eq3A_475 = arith.constant 7 : i32
    %eq3A_476 = vector.broadcast %eq3A_475 : i32 to vector<64x1xi32>
    %eq3A_477 = arith.cmpi eq, %iota3A, %eq3A_476 : vector<64x1xi32>
    %mul3A_478 = arith.constant 16 : i32
    %mul3A_479 = arith.muli %select_n3A_458, %mul3A_478 : i32
    %add3A_480 = arith.addi %mul3A_479, %select_n3A_474 : i32
    %get3A_481 = arith.index_cast %add3A_480 : i32 to index
    %get3A_482 = memref.load %arg1[%get3A_481] : memref<512xf32, #tpu.memory_space<smem>>
    %broadcast_in_dim3A_483 = vector.broadcast %get3A_482 : f32 to vector<64x1xf32>
    %select_n3A_484 = arith.select %eq3A_477, %broadcast_in_dim3A_483, %select_n3A_421 : vector<64x1xi1>, vector<64x1xf32>
    %mul3A_485 = arith.constant 16 : i32
    %mul3A_486 = arith.muli %select_n3A_458, %mul3A_485 : i32
    %add3A_487 = arith.constant 4 : i32
    %add3A_488 = arith.addi %mul3A_486, %add3A_487 : i32
    %add3A_489 = arith.addi %add3A_488, %select_n3A_474 : i32
    %get3A_490 = arith.index_cast %add3A_489 : i32 to index
    %get3A_491 = memref.load %arg1[%get3A_490] : memref<512xf32, #tpu.memory_space<smem>>
    %broadcast_in_dim3A_492 = vector.broadcast %get3A_491 : f32 to vector<64x1xf32>
    %select_n3A_493 = arith.select %eq3A_477, %broadcast_in_dim3A_492, %select_n3A_430 : vector<64x1xi1>, vector<64x1xf32>
    %mul3A_494 = arith.constant 64 : i32
    %mul3A_495 = arith.muli %arg0, %mul3A_494 : i32
    %add3A_496 = arith.constant 8 : i32
    %add3A_497 = arith.addi %mul3A_495, %add3A_496 : i32
    %jit3A_498 = arith.constant 4 : i32
    %div3A_499 = arith.divsi %add3A_497, %jit3A_498 : i32
    %sign3A_500 = arith.constant 0 : i32
    %sign3A_501 = arith.cmpi sgt, %add3A_497, %sign3A_500 : i32
    %sign3A_502 = arith.extui %sign3A_501 : i1 to i32
    %sign3A_503 = arith.constant 0 : i32
    %sign3A_504 = arith.cmpi slt, %add3A_497, %sign3A_503 : i32
    %sign3A_505 = arith.extui %sign3A_504 : i1 to i32
    %sign3A_506 = arith.subi %sign3A_502, %sign3A_505 : i32
    %sign3A_507 = arith.constant 0 : i32
    %sign3A_508 = arith.cmpi sgt, %jit3A_498, %sign3A_507 : i32
    %sign3A_509 = arith.extui %sign3A_508 : i1 to i32
    %sign3A_510 = arith.constant 0 : i32
    %sign3A_511 = arith.cmpi slt, %jit3A_498, %sign3A_510 : i32
    %sign3A_512 = arith.extui %sign3A_511 : i1 to i32
    %sign3A_513 = arith.subi %sign3A_509, %sign3A_512 : i32
    %ne3A_514 = arith.cmpi ne, %sign3A_506, %sign3A_513 : i32
    %rem3A_515 = arith.remsi %add3A_497, %jit3A_498 : i32
    %ne3A_516 = arith.constant 0 : i32
    %ne3A_517 = arith.cmpi ne, %rem3A_515, %ne3A_516 : i32
    %and3A_518 = arith.andi %ne3A_514, %ne3A_517 : i1
    %sub3A_519 = arith.constant 1 : i32
    %sub3A_520 = arith.subi %div3A_499, %sub3A_519 : i32
    %select_n3A_521 = arith.select %and3A_518, %sub3A_520, %div3A_499 : i32
    %jit3A_522 = arith.constant 4 : i32
    %eq3A_523 = arith.constant 0 : i32
    %eq3A_524 = arith.cmpi eq, %jit3A_522, %eq3A_523 : i32
    %jit3A_525 = arith.constant 1 : i32
    %select_n3A_526 = arith.select %eq3A_524, %jit3A_525, %jit3A_522 : i32
    %rem3A_527 = arith.remsi %add3A_497, %select_n3A_526 : i32
    %ne3A_528 = arith.constant 0 : i32
    %ne3A_529 = arith.cmpi ne, %rem3A_527, %ne3A_528 : i32
    %lt3A_530 = arith.constant 0 : i32
    %lt3A_531 = arith.cmpi slt, %rem3A_527, %lt3A_530 : i32
    %lt3A_532 = arith.constant 0 : i32
    %lt3A_533 = arith.cmpi slt, %select_n3A_526, %lt3A_532 : i32
    %ne3A_534 = arith.xori %lt3A_531, %lt3A_533 : i1
    %and3A_535 = arith.andi %ne3A_534, %ne3A_529 : i1
    %add3A_536 = arith.addi %rem3A_527, %select_n3A_526 : i32
    %select_n3A_537 = arith.select %and3A_535, %add3A_536, %rem3A_527 : i32
    %eq3A_538 = arith.constant 8 : i32
    %eq3A_539 = vector.broadcast %eq3A_538 : i32 to vector<64x1xi32>
    %eq3A_540 = arith.cmpi eq, %iota3A, %eq3A_539 : vector<64x1xi32>
    %mul3A_541 = arith.constant 16 : i32
    %mul3A_542 = arith.muli %select_n3A_521, %mul3A_541 : i32
    %add3A_543 = arith.addi %mul3A_542, %select_n3A_537 : i32
    %get3A_544 = arith.index_cast %add3A_543 : i32 to index
    %get3A_545 = memref.load %arg1[%get3A_544] : memref<512xf32, #tpu.memory_space<smem>>
    %broadcast_in_dim3A_546 = vector.broadcast %get3A_545 : f32 to vector<64x1xf32>
    %select_n3A_547 = arith.select %eq3A_540, %broadcast_in_dim3A_546, %select_n3A_484 : vector<64x1xi1>, vector<64x1xf32>
    %mul3A_548 = arith.constant 16 : i32
    %mul3A_549 = arith.muli %select_n3A_521, %mul3A_548 : i32
    %add3A_550 = arith.constant 4 : i32
    %add3A_551 = arith.addi %mul3A_549, %add3A_550 : i32
    %add3A_552 = arith.addi %add3A_551, %select_n3A_537 : i32
    %get3A_553 = arith.index_cast %add3A_552 : i32 to index
    %get3A_554 = memref.load %arg1[%get3A_553] : memref<512xf32, #tpu.memory_space<smem>>
    %broadcast_in_dim3A_555 = vector.broadcast %get3A_554 : f32 to vector<64x1xf32>
    %select_n3A_556 = arith.select %eq3A_540, %broadcast_in_dim3A_555, %select_n3A_493 : vector<64x1xi1>, vector<64x1xf32>
    %mul3A_557 = arith.constant 64 : i32
    %mul3A_558 = arith.muli %arg0, %mul3A_557 : i32
    %add3A_559 = arith.constant 9 : i32
    %add3A_560 = arith.addi %mul3A_558, %add3A_559 : i32
    %jit3A_561 = arith.constant 4 : i32
    %div3A_562 = arith.divsi %add3A_560, %jit3A_561 : i32
    %sign3A_563 = arith.constant 0 : i32
    %sign3A_564 = arith.cmpi sgt, %add3A_560, %sign3A_563 : i32
    %sign3A_565 = arith.extui %sign3A_564 : i1 to i32
    %sign3A_566 = arith.constant 0 : i32
    %sign3A_567 = arith.cmpi slt, %add3A_560, %sign3A_566 : i32
    %sign3A_568 = arith.extui %sign3A_567 : i1 to i32
    %sign3A_569 = arith.subi %sign3A_565, %sign3A_568 : i32
    %sign3A_570 = arith.constant 0 : i32
    %sign3A_571 = arith.cmpi sgt, %jit3A_561, %sign3A_570 : i32
    %sign3A_572 = arith.extui %sign3A_571 : i1 to i32
    %sign3A_573 = arith.constant 0 : i32
    %sign3A_574 = arith.cmpi slt, %jit3A_561, %sign3A_573 : i32
    %sign3A_575 = arith.extui %sign3A_574 : i1 to i32
    %sign3A_576 = arith.subi %sign3A_572, %sign3A_575 : i32
    %ne3A_577 = arith.cmpi ne, %sign3A_569, %sign3A_576 : i32
    %rem3A_578 = arith.remsi %add3A_560, %jit3A_561 : i32
    %ne3A_579 = arith.constant 0 : i32
    %ne3A_580 = arith.cmpi ne, %rem3A_578, %ne3A_579 : i32
    %and3A_581 = arith.andi %ne3A_577, %ne3A_580 : i1
    %sub3A_582 = arith.constant 1 : i32
    %sub3A_583 = arith.subi %div3A_562, %sub3A_582 : i32
    %select_n3A_584 = arith.select %and3A_581, %sub3A_583, %div3A_562 : i32
    %jit3A_585 = arith.constant 4 : i32
    %eq3A_586 = arith.constant 0 : i32
    %eq3A_587 = arith.cmpi eq, %jit3A_585, %eq3A_586 : i32
    %jit3A_588 = arith.constant 1 : i32
    %select_n3A_589 = arith.select %eq3A_587, %jit3A_588, %jit3A_585 : i32
    %rem3A_590 = arith.remsi %add3A_560, %select_n3A_589 : i32
    %ne3A_591 = arith.constant 0 : i32
    %ne3A_592 = arith.cmpi ne, %rem3A_590, %ne3A_591 : i32
    %lt3A_593 = arith.constant 0 : i32
    %lt3A_594 = arith.cmpi slt, %rem3A_590, %lt3A_593 : i32
    %lt3A_595 = arith.constant 0 : i32
    %lt3A_596 = arith.cmpi slt, %select_n3A_589, %lt3A_595 : i32
    %ne3A_597 = arith.xori %lt3A_594, %lt3A_596 : i1
    %and3A_598 = arith.andi %ne3A_597, %ne3A_592 : i1
    %add3A_599 = arith.addi %rem3A_590, %select_n3A_589 : i32
    %select_n3A_600 = arith.select %and3A_598, %add3A_599, %rem3A_590 : i32
    %eq3A_601 = arith.constant 9 : i32
    %eq3A_602 = vector.broadcast %eq3A_601 : i32 to vector<64x1xi32>
    %eq3A_603 = arith.cmpi eq, %iota3A, %eq3A_602 : vector<64x1xi32>
    %mul3A_604 = arith.constant 16 : i32
    %mul3A_605 = arith.muli %select_n3A_584, %mul3A_604 : i32
    %add3A_606 = arith.addi %mul3A_605, %select_n3A_600 : i32
    %get3A_607 = arith.index_cast %add3A_606 : i32 to index
    %get3A_608 = memref.load %arg1[%get3A_607] : memref<512xf32, #tpu.memory_space<smem>>
    %broadcast_in_dim3A_609 = vector.broadcast %get3A_608 : f32 to vector<64x1xf32>
    %select_n3A_610 = arith.select %eq3A_603, %broadcast_in_dim3A_609, %select_n3A_547 : vector<64x1xi1>, vector<64x1xf32>
    %mul3A_611 = arith.constant 16 : i32
    %mul3A_612 = arith.muli %select_n3A_584, %mul3A_611 : i32
    %add3A_613 = arith.constant 4 : i32
    %add3A_614 = arith.addi %mul3A_612, %add3A_613 : i32
    %add3A_615 = arith.addi %add3A_614, %select_n3A_600 : i32
    %get3A_616 = arith.index_cast %add3A_615 : i32 to index
    %get3A_617 = memref.load %arg1[%get3A_616] : memref<512xf32, #tpu.memory_space<smem>>
    %broadcast_in_dim3A_618 = vector.broadcast %get3A_617 : f32 to vector<64x1xf32>
    %select_n3A_619 = arith.select %eq3A_603, %broadcast_in_dim3A_618, %select_n3A_556 : vector<64x1xi1>, vector<64x1xf32>
    %mul3A_620 = arith.constant 64 : i32
    %mul3A_621 = arith.muli %arg0, %mul3A_620 : i32
    %add3A_622 = arith.constant 10 : i32
    %add3A_623 = arith.addi %mul3A_621, %add3A_622 : i32
    %jit3A_624 = arith.constant 4 : i32
    %div3A_625 = arith.divsi %add3A_623, %jit3A_624 : i32
    %sign3A_626 = arith.constant 0 : i32
    %sign3A_627 = arith.cmpi sgt, %add3A_623, %sign3A_626 : i32
    %sign3A_628 = arith.extui %sign3A_627 : i1 to i32
    %sign3A_629 = arith.constant 0 : i32
    %sign3A_630 = arith.cmpi slt, %add3A_623, %sign3A_629 : i32
    %sign3A_631 = arith.extui %sign3A_630 : i1 to i32
    %sign3A_632 = arith.subi %sign3A_628, %sign3A_631 : i32
    %sign3A_633 = arith.constant 0 : i32
    %sign3A_634 = arith.cmpi sgt, %jit3A_624, %sign3A_633 : i32
    %sign3A_635 = arith.extui %sign3A_634 : i1 to i32
    %sign3A_636 = arith.constant 0 : i32
    %sign3A_637 = arith.cmpi slt, %jit3A_624, %sign3A_636 : i32
    %sign3A_638 = arith.extui %sign3A_637 : i1 to i32
    %sign3A_639 = arith.subi %sign3A_635, %sign3A_638 : i32
    %ne3A_640 = arith.cmpi ne, %sign3A_632, %sign3A_639 : i32
    %rem3A_641 = arith.remsi %add3A_623, %jit3A_624 : i32
    %ne3A_642 = arith.constant 0 : i32
    %ne3A_643 = arith.cmpi ne, %rem3A_641, %ne3A_642 : i32
    %and3A_644 = arith.andi %ne3A_640, %ne3A_643 : i1
    %sub3A_645 = arith.constant 1 : i32
    %sub3A_646 = arith.subi %div3A_625, %sub3A_645 : i32
    %select_n3A_647 = arith.select %and3A_644, %sub3A_646, %div3A_625 : i32
    %jit3A_648 = arith.constant 4 : i32
    %eq3A_649 = arith.constant 0 : i32
    %eq3A_650 = arith.cmpi eq, %jit3A_648, %eq3A_649 : i32
    %jit3A_651 = arith.constant 1 : i32
    %select_n3A_652 = arith.select %eq3A_650, %jit3A_651, %jit3A_648 : i32
    %rem3A_653 = arith.remsi %add3A_623, %select_n3A_652 : i32
    %ne3A_654 = arith.constant 0 : i32
    %ne3A_655 = arith.cmpi ne, %rem3A_653, %ne3A_654 : i32
    %lt3A_656 = arith.constant 0 : i32
    %lt3A_657 = arith.cmpi slt, %rem3A_653, %lt3A_656 : i32
    %lt3A_658 = arith.constant 0 : i32
    %lt3A_659 = arith.cmpi slt, %select_n3A_652, %lt3A_658 : i32
    %ne3A_660 = arith.xori %lt3A_657, %lt3A_659 : i1
    %and3A_661 = arith.andi %ne3A_660, %ne3A_655 : i1
    %add3A_662 = arith.addi %rem3A_653, %select_n3A_652 : i32
    %select_n3A_663 = arith.select %and3A_661, %add3A_662, %rem3A_653 : i32
    %eq3A_664 = arith.constant 10 : i32
    %eq3A_665 = vector.broadcast %eq3A_664 : i32 to vector<64x1xi32>
    %eq3A_666 = arith.cmpi eq, %iota3A, %eq3A_665 : vector<64x1xi32>
    %mul3A_667 = arith.constant 16 : i32
    %mul3A_668 = arith.muli %select_n3A_647, %mul3A_667 : i32
    %add3A_669 = arith.addi %mul3A_668, %select_n3A_663 : i32
    %get3A_670 = arith.index_cast %add3A_669 : i32 to index
    %get3A_671 = memref.load %arg1[%get3A_670] : memref<512xf32, #tpu.memory_space<smem>>
    %broadcast_in_dim3A_672 = vector.broadcast %get3A_671 : f32 to vector<64x1xf32>
    %select_n3A_673 = arith.select %eq3A_666, %broadcast_in_dim3A_672, %select_n3A_610 : vector<64x1xi1>, vector<64x1xf32>
    %mul3A_674 = arith.constant 16 : i32
    %mul3A_675 = arith.muli %select_n3A_647, %mul3A_674 : i32
    %add3A_676 = arith.constant 4 : i32
    %add3A_677 = arith.addi %mul3A_675, %add3A_676 : i32
    %add3A_678 = arith.addi %add3A_677, %select_n3A_663 : i32
    %get3A_679 = arith.index_cast %add3A_678 : i32 to index
    %get3A_680 = memref.load %arg1[%get3A_679] : memref<512xf32, #tpu.memory_space<smem>>
    %broadcast_in_dim3A_681 = vector.broadcast %get3A_680 : f32 to vector<64x1xf32>
    %select_n3A_682 = arith.select %eq3A_666, %broadcast_in_dim3A_681, %select_n3A_619 : vector<64x1xi1>, vector<64x1xf32>
    %mul3A_683 = arith.constant 64 : i32
    %mul3A_684 = arith.muli %arg0, %mul3A_683 : i32
    %add3A_685 = arith.constant 11 : i32
    %add3A_686 = arith.addi %mul3A_684, %add3A_685 : i32
    %jit3A_687 = arith.constant 4 : i32
    %div3A_688 = arith.divsi %add3A_686, %jit3A_687 : i32
    %sign3A_689 = arith.constant 0 : i32
    %sign3A_690 = arith.cmpi sgt, %add3A_686, %sign3A_689 : i32
    %sign3A_691 = arith.extui %sign3A_690 : i1 to i32
    %sign3A_692 = arith.constant 0 : i32
    %sign3A_693 = arith.cmpi slt, %add3A_686, %sign3A_692 : i32
    %sign3A_694 = arith.extui %sign3A_693 : i1 to i32
    %sign3A_695 = arith.subi %sign3A_691, %sign3A_694 : i32
    %sign3A_696 = arith.constant 0 : i32
    %sign3A_697 = arith.cmpi sgt, %jit3A_687, %sign3A_696 : i32
    %sign3A_698 = arith.extui %sign3A_697 : i1 to i32
    %sign3A_699 = arith.constant 0 : i32
    %sign3A_700 = arith.cmpi slt, %jit3A_687, %sign3A_699 : i32
    %sign3A_701 = arith.extui %sign3A_700 : i1 to i32
    %sign3A_702 = arith.subi %sign3A_698, %sign3A_701 : i32
    %ne3A_703 = arith.cmpi ne, %sign3A_695, %sign3A_702 : i32
    %rem3A_704 = arith.remsi %add3A_686, %jit3A_687 : i32
    %ne3A_705 = arith.constant 0 : i32
    %ne3A_706 = arith.cmpi ne, %rem3A_704, %ne3A_705 : i32
    %and3A_707 = arith.andi %ne3A_703, %ne3A_706 : i1
    %sub3A_708 = arith.constant 1 : i32
    %sub3A_709 = arith.subi %div3A_688, %sub3A_708 : i32
    %select_n3A_710 = arith.select %and3A_707, %sub3A_709, %div3A_688 : i32
    %jit3A_711 = arith.constant 4 : i32
    %eq3A_712 = arith.constant 0 : i32
    %eq3A_713 = arith.cmpi eq, %jit3A_711, %eq3A_712 : i32
    %jit3A_714 = arith.constant 1 : i32
    %select_n3A_715 = arith.select %eq3A_713, %jit3A_714, %jit3A_711 : i32
    %rem3A_716 = arith.remsi %add3A_686, %select_n3A_715 : i32
    %ne3A_717 = arith.constant 0 : i32
    %ne3A_718 = arith.cmpi ne, %rem3A_716, %ne3A_717 : i32
    %lt3A_719 = arith.constant 0 : i32
    %lt3A_720 = arith.cmpi slt, %rem3A_716, %lt3A_719 : i32
    %lt3A_721 = arith.constant 0 : i32
    %lt3A_722 = arith.cmpi slt, %select_n3A_715, %lt3A_721 : i32
    %ne3A_723 = arith.xori %lt3A_720, %lt3A_722 : i1
    %and3A_724 = arith.andi %ne3A_723, %ne3A_718 : i1
    %add3A_725 = arith.addi %rem3A_716, %select_n3A_715 : i32
    %select_n3A_726 = arith.select %and3A_724, %add3A_725, %rem3A_716 : i32
    %eq3A_727 = arith.constant 11 : i32
    %eq3A_728 = vector.broadcast %eq3A_727 : i32 to vector<64x1xi32>
    %eq3A_729 = arith.cmpi eq, %iota3A, %eq3A_728 : vector<64x1xi32>
    %mul3A_730 = arith.constant 16 : i32
    %mul3A_731 = arith.muli %select_n3A_710, %mul3A_730 : i32
    %add3A_732 = arith.addi %mul3A_731, %select_n3A_726 : i32
    %get3A_733 = arith.index_cast %add3A_732 : i32 to index
    %get3A_734 = memref.load %arg1[%get3A_733] : memref<512xf32, #tpu.memory_space<smem>>
    %broadcast_in_dim3A_735 = vector.broadcast %get3A_734 : f32 to vector<64x1xf32>
    %select_n3A_736 = arith.select %eq3A_729, %broadcast_in_dim3A_735, %select_n3A_673 : vector<64x1xi1>, vector<64x1xf32>
    %mul3A_737 = arith.constant 16 : i32
    %mul3A_738 = arith.muli %select_n3A_710, %mul3A_737 : i32
    %add3A_739 = arith.constant 4 : i32
    %add3A_740 = arith.addi %mul3A_738, %add3A_739 : i32
    %add3A_741 = arith.addi %add3A_740, %select_n3A_726 : i32
    %get3A_742 = arith.index_cast %add3A_741 : i32 to index
    %get3A_743 = memref.load %arg1[%get3A_742] : memref<512xf32, #tpu.memory_space<smem>>
    %broadcast_in_dim3A_744 = vector.broadcast %get3A_743 : f32 to vector<64x1xf32>
    %select_n3A_745 = arith.select %eq3A_729, %broadcast_in_dim3A_744, %select_n3A_682 : vector<64x1xi1>, vector<64x1xf32>
    %mul3A_746 = arith.constant 64 : i32
    %mul3A_747 = arith.muli %arg0, %mul3A_746 : i32
    %add3A_748 = arith.constant 12 : i32
    %add3A_749 = arith.addi %mul3A_747, %add3A_748 : i32
    %jit3A_750 = arith.constant 4 : i32
    %div3A_751 = arith.divsi %add3A_749, %jit3A_750 : i32
    %sign3A_752 = arith.constant 0 : i32
    %sign3A_753 = arith.cmpi sgt, %add3A_749, %sign3A_752 : i32
    %sign3A_754 = arith.extui %sign3A_753 : i1 to i32
    %sign3A_755 = arith.constant 0 : i32
    %sign3A_756 = arith.cmpi slt, %add3A_749, %sign3A_755 : i32
    %sign3A_757 = arith.extui %sign3A_756 : i1 to i32
    %sign3A_758 = arith.subi %sign3A_754, %sign3A_757 : i32
    %sign3A_759 = arith.constant 0 : i32
    %sign3A_760 = arith.cmpi sgt, %jit3A_750, %sign3A_759 : i32
    %sign3A_761 = arith.extui %sign3A_760 : i1 to i32
    %sign3A_762 = arith.constant 0 : i32
    %sign3A_763 = arith.cmpi slt, %jit3A_750, %sign3A_762 : i32
    %sign3A_764 = arith.extui %sign3A_763 : i1 to i32
    %sign3A_765 = arith.subi %sign3A_761, %sign3A_764 : i32
    %ne3A_766 = arith.cmpi ne, %sign3A_758, %sign3A_765 : i32
    %rem3A_767 = arith.remsi %add3A_749, %jit3A_750 : i32
    %ne3A_768 = arith.constant 0 : i32
    %ne3A_769 = arith.cmpi ne, %rem3A_767, %ne3A_768 : i32
    %and3A_770 = arith.andi %ne3A_766, %ne3A_769 : i1
    %sub3A_771 = arith.constant 1 : i32
    %sub3A_772 = arith.subi %div3A_751, %sub3A_771 : i32
    %select_n3A_773 = arith.select %and3A_770, %sub3A_772, %div3A_751 : i32
    %jit3A_774 = arith.constant 4 : i32
    %eq3A_775 = arith.constant 0 : i32
    %eq3A_776 = arith.cmpi eq, %jit3A_774, %eq3A_775 : i32
    %jit3A_777 = arith.constant 1 : i32
    %select_n3A_778 = arith.select %eq3A_776, %jit3A_777, %jit3A_774 : i32
    %rem3A_779 = arith.remsi %add3A_749, %select_n3A_778 : i32
    %ne3A_780 = arith.constant 0 : i32
    %ne3A_781 = arith.cmpi ne, %rem3A_779, %ne3A_780 : i32
    %lt3A_782 = arith.constant 0 : i32
    %lt3A_783 = arith.cmpi slt, %rem3A_779, %lt3A_782 : i32
    %lt3A_784 = arith.constant 0 : i32
    %lt3A_785 = arith.cmpi slt, %select_n3A_778, %lt3A_784 : i32
    %ne3A_786 = arith.xori %lt3A_783, %lt3A_785 : i1
    %and3A_787 = arith.andi %ne3A_786, %ne3A_781 : i1
    %add3A_788 = arith.addi %rem3A_779, %select_n3A_778 : i32
    %select_n3A_789 = arith.select %and3A_787, %add3A_788, %rem3A_779 : i32
    %eq3A_790 = arith.constant 12 : i32
    %eq3A_791 = vector.broadcast %eq3A_790 : i32 to vector<64x1xi32>
    %eq3A_792 = arith.cmpi eq, %iota3A, %eq3A_791 : vector<64x1xi32>
    %mul3A_793 = arith.constant 16 : i32
    %mul3A_794 = arith.muli %select_n3A_773, %mul3A_793 : i32
    %add3A_795 = arith.addi %mul3A_794, %select_n3A_789 : i32
    %get3A_796 = arith.index_cast %add3A_795 : i32 to index
    %get3A_797 = memref.load %arg1[%get3A_796] : memref<512xf32, #tpu.memory_space<smem>>
    %broadcast_in_dim3A_798 = vector.broadcast %get3A_797 : f32 to vector<64x1xf32>
    %select_n3A_799 = arith.select %eq3A_792, %broadcast_in_dim3A_798, %select_n3A_736 : vector<64x1xi1>, vector<64x1xf32>
    %mul3A_800 = arith.constant 16 : i32
    %mul3A_801 = arith.muli %select_n3A_773, %mul3A_800 : i32
    %add3A_802 = arith.constant 4 : i32
    %add3A_803 = arith.addi %mul3A_801, %add3A_802 : i32
    %add3A_804 = arith.addi %add3A_803, %select_n3A_789 : i32
    %get3A_805 = arith.index_cast %add3A_804 : i32 to index
    %get3A_806 = memref.load %arg1[%get3A_805] : memref<512xf32, #tpu.memory_space<smem>>
    %broadcast_in_dim3A_807 = vector.broadcast %get3A_806 : f32 to vector<64x1xf32>
    %select_n3A_808 = arith.select %eq3A_792, %broadcast_in_dim3A_807, %select_n3A_745 : vector<64x1xi1>, vector<64x1xf32>
    %mul3A_809 = arith.constant 64 : i32
    %mul3A_810 = arith.muli %arg0, %mul3A_809 : i32
    %add3A_811 = arith.constant 13 : i32
    %add3A_812 = arith.addi %mul3A_810, %add3A_811 : i32
    %jit3A_813 = arith.constant 4 : i32
    %div3A_814 = arith.divsi %add3A_812, %jit3A_813 : i32
    %sign3A_815 = arith.constant 0 : i32
    %sign3A_816 = arith.cmpi sgt, %add3A_812, %sign3A_815 : i32
    %sign3A_817 = arith.extui %sign3A_816 : i1 to i32
    %sign3A_818 = arith.constant 0 : i32
    %sign3A_819 = arith.cmpi slt, %add3A_812, %sign3A_818 : i32
    %sign3A_820 = arith.extui %sign3A_819 : i1 to i32
    %sign3A_821 = arith.subi %sign3A_817, %sign3A_820 : i32
    %sign3A_822 = arith.constant 0 : i32
    %sign3A_823 = arith.cmpi sgt, %jit3A_813, %sign3A_822 : i32
    %sign3A_824 = arith.extui %sign3A_823 : i1 to i32
    %sign3A_825 = arith.constant 0 : i32
    %sign3A_826 = arith.cmpi slt, %jit3A_813, %sign3A_825 : i32
    %sign3A_827 = arith.extui %sign3A_826 : i1 to i32
    %sign3A_828 = arith.subi %sign3A_824, %sign3A_827 : i32
    %ne3A_829 = arith.cmpi ne, %sign3A_821, %sign3A_828 : i32
    %rem3A_830 = arith.remsi %add3A_812, %jit3A_813 : i32
    %ne3A_831 = arith.constant 0 : i32
    %ne3A_832 = arith.cmpi ne, %rem3A_830, %ne3A_831 : i32
    %and3A_833 = arith.andi %ne3A_829, %ne3A_832 : i1
    %sub3A_834 = arith.constant 1 : i32
    %sub3A_835 = arith.subi %div3A_814, %sub3A_834 : i32
    %select_n3A_836 = arith.select %and3A_833, %sub3A_835, %div3A_814 : i32
    %jit3A_837 = arith.constant 4 : i32
    %eq3A_838 = arith.constant 0 : i32
    %eq3A_839 = arith.cmpi eq, %jit3A_837, %eq3A_838 : i32
    %jit3A_840 = arith.constant 1 : i32
    %select_n3A_841 = arith.select %eq3A_839, %jit3A_840, %jit3A_837 : i32
    %rem3A_842 = arith.remsi %add3A_812, %select_n3A_841 : i32
    %ne3A_843 = arith.constant 0 : i32
    %ne3A_844 = arith.cmpi ne, %rem3A_842, %ne3A_843 : i32
    %lt3A_845 = arith.constant 0 : i32
    %lt3A_846 = arith.cmpi slt, %rem3A_842, %lt3A_845 : i32
    %lt3A_847 = arith.constant 0 : i32
    %lt3A_848 = arith.cmpi slt, %select_n3A_841, %lt3A_847 : i32
    %ne3A_849 = arith.xori %lt3A_846, %lt3A_848 : i1
    %and3A_850 = arith.andi %ne3A_849, %ne3A_844 : i1
    %add3A_851 = arith.addi %rem3A_842, %select_n3A_841 : i32
    %select_n3A_852 = arith.select %and3A_850, %add3A_851, %rem3A_842 : i32
    %eq3A_853 = arith.constant 13 : i32
    %eq3A_854 = vector.broadcast %eq3A_853 : i32 to vector<64x1xi32>
    %eq3A_855 = arith.cmpi eq, %iota3A, %eq3A_854 : vector<64x1xi32>
    %mul3A_856 = arith.constant 16 : i32
    %mul3A_857 = arith.muli %select_n3A_836, %mul3A_856 : i32
    %add3A_858 = arith.addi %mul3A_857, %select_n3A_852 : i32
    %get3A_859 = arith.index_cast %add3A_858 : i32 to index
    %get3A_860 = memref.load %arg1[%get3A_859] : memref<512xf32, #tpu.memory_space<smem>>
    %broadcast_in_dim3A_861 = vector.broadcast %get3A_860 : f32 to vector<64x1xf32>
    %select_n3A_862 = arith.select %eq3A_855, %broadcast_in_dim3A_861, %select_n3A_799 : vector<64x1xi1>, vector<64x1xf32>
    %mul3A_863 = arith.constant 16 : i32
    %mul3A_864 = arith.muli %select_n3A_836, %mul3A_863 : i32
    %add3A_865 = arith.constant 4 : i32
    %add3A_866 = arith.addi %mul3A_864, %add3A_865 : i32
    %add3A_867 = arith.addi %add3A_866, %select_n3A_852 : i32
    %get3A_868 = arith.index_cast %add3A_867 : i32 to index
    %get3A_869 = memref.load %arg1[%get3A_868] : memref<512xf32, #tpu.memory_space<smem>>
    %broadcast_in_dim3A_870 = vector.broadcast %get3A_869 : f32 to vector<64x1xf32>
    %select_n3A_871 = arith.select %eq3A_855, %broadcast_in_dim3A_870, %select_n3A_808 : vector<64x1xi1>, vector<64x1xf32>
    %mul3A_872 = arith.constant 64 : i32
    %mul3A_873 = arith.muli %arg0, %mul3A_872 : i32
    %add3A_874 = arith.constant 14 : i32
    %add3A_875 = arith.addi %mul3A_873, %add3A_874 : i32
    %jit3A_876 = arith.constant 4 : i32
    %div3A_877 = arith.divsi %add3A_875, %jit3A_876 : i32
    %sign3A_878 = arith.constant 0 : i32
    %sign3A_879 = arith.cmpi sgt, %add3A_875, %sign3A_878 : i32
    %sign3A_880 = arith.extui %sign3A_879 : i1 to i32
    %sign3A_881 = arith.constant 0 : i32
    %sign3A_882 = arith.cmpi slt, %add3A_875, %sign3A_881 : i32
    %sign3A_883 = arith.extui %sign3A_882 : i1 to i32
    %sign3A_884 = arith.subi %sign3A_880, %sign3A_883 : i32
    %sign3A_885 = arith.constant 0 : i32
    %sign3A_886 = arith.cmpi sgt, %jit3A_876, %sign3A_885 : i32
    %sign3A_887 = arith.extui %sign3A_886 : i1 to i32
    %sign3A_888 = arith.constant 0 : i32
    %sign3A_889 = arith.cmpi slt, %jit3A_876, %sign3A_888 : i32
    %sign3A_890 = arith.extui %sign3A_889 : i1 to i32
    %sign3A_891 = arith.subi %sign3A_887, %sign3A_890 : i32
    %ne3A_892 = arith.cmpi ne, %sign3A_884, %sign3A_891 : i32
    %rem3A_893 = arith.remsi %add3A_875, %jit3A_876 : i32
    %ne3A_894 = arith.constant 0 : i32
    %ne3A_895 = arith.cmpi ne, %rem3A_893, %ne3A_894 : i32
    %and3A_896 = arith.andi %ne3A_892, %ne3A_895 : i1
    %sub3A_897 = arith.constant 1 : i32
    %sub3A_898 = arith.subi %div3A_877, %sub3A_897 : i32
    %select_n3A_899 = arith.select %and3A_896, %sub3A_898, %div3A_877 : i32
    %jit3A_900 = arith.constant 4 : i32
    %eq3A_901 = arith.constant 0 : i32
    %eq3A_902 = arith.cmpi eq, %jit3A_900, %eq3A_901 : i32
    %jit3A_903 = arith.constant 1 : i32
    %select_n3A_904 = arith.select %eq3A_902, %jit3A_903, %jit3A_900 : i32
    %rem3A_905 = arith.remsi %add3A_875, %select_n3A_904 : i32
    %ne3A_906 = arith.constant 0 : i32
    %ne3A_907 = arith.cmpi ne, %rem3A_905, %ne3A_906 : i32
    %lt3A_908 = arith.constant 0 : i32
    %lt3A_909 = arith.cmpi slt, %rem3A_905, %lt3A_908 : i32
    %lt3A_910 = arith.constant 0 : i32
    %lt3A_911 = arith.cmpi slt, %select_n3A_904, %lt3A_910 : i32
    %ne3A_912 = arith.xori %lt3A_909, %lt3A_911 : i1
    %and3A_913 = arith.andi %ne3A_912, %ne3A_907 : i1
    %add3A_914 = arith.addi %rem3A_905, %select_n3A_904 : i32
    %select_n3A_915 = arith.select %and3A_913, %add3A_914, %rem3A_905 : i32
    %eq3A_916 = arith.constant 14 : i32
    %eq3A_917 = vector.broadcast %eq3A_916 : i32 to vector<64x1xi32>
    %eq3A_918 = arith.cmpi eq, %iota3A, %eq3A_917 : vector<64x1xi32>
    %mul3A_919 = arith.constant 16 : i32
    %mul3A_920 = arith.muli %select_n3A_899, %mul3A_919 : i32
    %add3A_921 = arith.addi %mul3A_920, %select_n3A_915 : i32
    %get3A_922 = arith.index_cast %add3A_921 : i32 to index
    %get3A_923 = memref.load %arg1[%get3A_922] : memref<512xf32, #tpu.memory_space<smem>>
    %broadcast_in_dim3A_924 = vector.broadcast %get3A_923 : f32 to vector<64x1xf32>
    %select_n3A_925 = arith.select %eq3A_918, %broadcast_in_dim3A_924, %select_n3A_862 : vector<64x1xi1>, vector<64x1xf32>
    %mul3A_926 = arith.constant 16 : i32
    %mul3A_927 = arith.muli %select_n3A_899, %mul3A_926 : i32
    %add3A_928 = arith.constant 4 : i32
    %add3A_929 = arith.addi %mul3A_927, %add3A_928 : i32
    %add3A_930 = arith.addi %add3A_929, %select_n3A_915 : i32
    %get3A_931 = arith.index_cast %add3A_930 : i32 to index
    %get3A_932 = memref.load %arg1[%get3A_931] : memref<512xf32, #tpu.memory_space<smem>>
    %broadcast_in_dim3A_933 = vector.broadcast %get3A_932 : f32 to vector<64x1xf32>
    %select_n3A_934 = arith.select %eq3A_918, %broadcast_in_dim3A_933, %select_n3A_871 : vector<64x1xi1>, vector<64x1xf32>
    %mul3A_935 = arith.constant 64 : i32
    %mul3A_936 = arith.muli %arg0, %mul3A_935 : i32
    %add3A_937 = arith.constant 15 : i32
    %add3A_938 = arith.addi %mul3A_936, %add3A_937 : i32
    %jit3A_939 = arith.constant 4 : i32
    %div3A_940 = arith.divsi %add3A_938, %jit3A_939 : i32
    %sign3A_941 = arith.constant 0 : i32
    %sign3A_942 = arith.cmpi sgt, %add3A_938, %sign3A_941 : i32
    %sign3A_943 = arith.extui %sign3A_942 : i1 to i32
    %sign3A_944 = arith.constant 0 : i32
    %sign3A_945 = arith.cmpi slt, %add3A_938, %sign3A_944 : i32
    %sign3A_946 = arith.extui %sign3A_945 : i1 to i32
    %sign3A_947 = arith.subi %sign3A_943, %sign3A_946 : i32
    %sign3A_948 = arith.constant 0 : i32
    %sign3A_949 = arith.cmpi sgt, %jit3A_939, %sign3A_948 : i32
    %sign3A_950 = arith.extui %sign3A_949 : i1 to i32
    %sign3A_951 = arith.constant 0 : i32
    %sign3A_952 = arith.cmpi slt, %jit3A_939, %sign3A_951 : i32
    %sign3A_953 = arith.extui %sign3A_952 : i1 to i32
    %sign3A_954 = arith.subi %sign3A_950, %sign3A_953 : i32
    %ne3A_955 = arith.cmpi ne, %sign3A_947, %sign3A_954 : i32
    %rem3A_956 = arith.remsi %add3A_938, %jit3A_939 : i32
    %ne3A_957 = arith.constant 0 : i32
    %ne3A_958 = arith.cmpi ne, %rem3A_956, %ne3A_957 : i32
    %and3A_959 = arith.andi %ne3A_955, %ne3A_958 : i1
    %sub3A_960 = arith.constant 1 : i32
    %sub3A_961 = arith.subi %div3A_940, %sub3A_960 : i32
    %select_n3A_962 = arith.select %and3A_959, %sub3A_961, %div3A_940 : i32
    %jit3A_963 = arith.constant 4 : i32
    %eq3A_964 = arith.constant 0 : i32
    %eq3A_965 = arith.cmpi eq, %jit3A_963, %eq3A_964 : i32
    %jit3A_966 = arith.constant 1 : i32
    %select_n3A_967 = arith.select %eq3A_965, %jit3A_966, %jit3A_963 : i32
    %rem3A_968 = arith.remsi %add3A_938, %select_n3A_967 : i32
    %ne3A_969 = arith.constant 0 : i32
    %ne3A_970 = arith.cmpi ne, %rem3A_968, %ne3A_969 : i32
    %lt3A_971 = arith.constant 0 : i32
    %lt3A_972 = arith.cmpi slt, %rem3A_968, %lt3A_971 : i32
    %lt3A_973 = arith.constant 0 : i32
    %lt3A_974 = arith.cmpi slt, %select_n3A_967, %lt3A_973 : i32
    %ne3A_975 = arith.xori %lt3A_972, %lt3A_974 : i1
    %and3A_976 = arith.andi %ne3A_975, %ne3A_970 : i1
    %add3A_977 = arith.addi %rem3A_968, %select_n3A_967 : i32
    %select_n3A_978 = arith.select %and3A_976, %add3A_977, %rem3A_968 : i32
    %eq3A_979 = arith.constant 15 : i32
    %eq3A_980 = vector.broadcast %eq3A_979 : i32 to vector<64x1xi32>
    %eq3A_981 = arith.cmpi eq, %iota3A, %eq3A_980 : vector<64x1xi32>
    %mul3A_982 = arith.constant 16 : i32
    %mul3A_983 = arith.muli %select_n3A_962, %mul3A_982 : i32
    %add3A_984 = arith.addi %mul3A_983, %select_n3A_978 : i32
    %get3A_985 = arith.index_cast %add3A_984 : i32 to index
    %get3A_986 = memref.load %arg1[%get3A_985] : memref<512xf32, #tpu.memory_space<smem>>
    %broadcast_in_dim3A_987 = vector.broadcast %get3A_986 : f32 to vector<64x1xf32>
    %select_n3A_988 = arith.select %eq3A_981, %broadcast_in_dim3A_987, %select_n3A_925 : vector<64x1xi1>, vector<64x1xf32>
    %mul3A_989 = arith.constant 16 : i32
    %mul3A_990 = arith.muli %select_n3A_962, %mul3A_989 : i32
    %add3A_991 = arith.constant 4 : i32
    %add3A_992 = arith.addi %mul3A_990, %add3A_991 : i32
    %add3A_993 = arith.addi %add3A_992, %select_n3A_978 : i32
    %get3A_994 = arith.index_cast %add3A_993 : i32 to index
    %get3A_995 = memref.load %arg1[%get3A_994] : memref<512xf32, #tpu.memory_space<smem>>
    %broadcast_in_dim3A_996 = vector.broadcast %get3A_995 : f32 to vector<64x1xf32>
    %select_n3A_997 = arith.select %eq3A_981, %broadcast_in_dim3A_996, %select_n3A_934 : vector<64x1xi1>, vector<64x1xf32>
    %mul3A_998 = arith.constant 64 : i32
    %mul3A_999 = arith.muli %arg0, %mul3A_998 : i32
    %add3A_1000 = arith.constant 16 : i32
    %add3A_1001 = arith.addi %mul3A_999, %add3A_1000 : i32
    %jit3A_1002 = arith.constant 4 : i32
    %div3A_1003 = arith.divsi %add3A_1001, %jit3A_1002 : i32
    %sign3A_1004 = arith.constant 0 : i32
    %sign3A_1005 = arith.cmpi sgt, %add3A_1001, %sign3A_1004 : i32
    %sign3A_1006 = arith.extui %sign3A_1005 : i1 to i32
    %sign3A_1007 = arith.constant 0 : i32
    %sign3A_1008 = arith.cmpi slt, %add3A_1001, %sign3A_1007 : i32
    %sign3A_1009 = arith.extui %sign3A_1008 : i1 to i32
    %sign3A_1010 = arith.subi %sign3A_1006, %sign3A_1009 : i32
    %sign3A_1011 = arith.constant 0 : i32
    %sign3A_1012 = arith.cmpi sgt, %jit3A_1002, %sign3A_1011 : i32
    %sign3A_1013 = arith.extui %sign3A_1012 : i1 to i32
    %sign3A_1014 = arith.constant 0 : i32
    %sign3A_1015 = arith.cmpi slt, %jit3A_1002, %sign3A_1014 : i32
    %sign3A_1016 = arith.extui %sign3A_1015 : i1 to i32
    %sign3A_1017 = arith.subi %sign3A_1013, %sign3A_1016 : i32
    %ne3A_1018 = arith.cmpi ne, %sign3A_1010, %sign3A_1017 : i32
    %rem3A_1019 = arith.remsi %add3A_1001, %jit3A_1002 : i32
    %ne3A_1020 = arith.constant 0 : i32
    %ne3A_1021 = arith.cmpi ne, %rem3A_1019, %ne3A_1020 : i32
    %and3A_1022 = arith.andi %ne3A_1018, %ne3A_1021 : i1
    %sub3A_1023 = arith.constant 1 : i32
    %sub3A_1024 = arith.subi %div3A_1003, %sub3A_1023 : i32
    %select_n3A_1025 = arith.select %and3A_1022, %sub3A_1024, %div3A_1003 : i32
    %jit3A_1026 = arith.constant 4 : i32
    %eq3A_1027 = arith.constant 0 : i32
    %eq3A_1028 = arith.cmpi eq, %jit3A_1026, %eq3A_1027 : i32
    %jit3A_1029 = arith.constant 1 : i32
    %select_n3A_1030 = arith.select %eq3A_1028, %jit3A_1029, %jit3A_1026 : i32
    %rem3A_1031 = arith.remsi %add3A_1001, %select_n3A_1030 : i32
    %ne3A_1032 = arith.constant 0 : i32
    %ne3A_1033 = arith.cmpi ne, %rem3A_1031, %ne3A_1032 : i32
    %lt3A_1034 = arith.constant 0 : i32
    %lt3A_1035 = arith.cmpi slt, %rem3A_1031, %lt3A_1034 : i32
    %lt3A_1036 = arith.constant 0 : i32
    %lt3A_1037 = arith.cmpi slt, %select_n3A_1030, %lt3A_1036 : i32
    %ne3A_1038 = arith.xori %lt3A_1035, %lt3A_1037 : i1
    %and3A_1039 = arith.andi %ne3A_1038, %ne3A_1033 : i1
    %add3A_1040 = arith.addi %rem3A_1031, %select_n3A_1030 : i32
    %select_n3A_1041 = arith.select %and3A_1039, %add3A_1040, %rem3A_1031 : i32
    %eq3A_1042 = arith.constant 16 : i32
    %eq3A_1043 = vector.broadcast %eq3A_1042 : i32 to vector<64x1xi32>
    %eq3A_1044 = arith.cmpi eq, %iota3A, %eq3A_1043 : vector<64x1xi32>
    %mul3A_1045 = arith.constant 16 : i32
    %mul3A_1046 = arith.muli %select_n3A_1025, %mul3A_1045 : i32
    %add3A_1047 = arith.addi %mul3A_1046, %select_n3A_1041 : i32
    %get3A_1048 = arith.index_cast %add3A_1047 : i32 to index
    %get3A_1049 = memref.load %arg1[%get3A_1048] : memref<512xf32, #tpu.memory_space<smem>>
    %broadcast_in_dim3A_1050 = vector.broadcast %get3A_1049 : f32 to vector<64x1xf32>
    %select_n3A_1051 = arith.select %eq3A_1044, %broadcast_in_dim3A_1050, %select_n3A_988 : vector<64x1xi1>, vector<64x1xf32>
    %mul3A_1052 = arith.constant 16 : i32
    %mul3A_1053 = arith.muli %select_n3A_1025, %mul3A_1052 : i32
    %add3A_1054 = arith.constant 4 : i32
    %add3A_1055 = arith.addi %mul3A_1053, %add3A_1054 : i32
    %add3A_1056 = arith.addi %add3A_1055, %select_n3A_1041 : i32
    %get3A_1057 = arith.index_cast %add3A_1056 : i32 to index
    %get3A_1058 = memref.load %arg1[%get3A_1057] : memref<512xf32, #tpu.memory_space<smem>>
    %broadcast_in_dim3A_1059 = vector.broadcast %get3A_1058 : f32 to vector<64x1xf32>
    %select_n3A_1060 = arith.select %eq3A_1044, %broadcast_in_dim3A_1059, %select_n3A_997 : vector<64x1xi1>, vector<64x1xf32>
    %mul3A_1061 = arith.constant 64 : i32
    %mul3A_1062 = arith.muli %arg0, %mul3A_1061 : i32
    %add3A_1063 = arith.constant 17 : i32
    %add3A_1064 = arith.addi %mul3A_1062, %add3A_1063 : i32
    %jit3A_1065 = arith.constant 4 : i32
    %div3A_1066 = arith.divsi %add3A_1064, %jit3A_1065 : i32
    %sign3A_1067 = arith.constant 0 : i32
    %sign3A_1068 = arith.cmpi sgt, %add3A_1064, %sign3A_1067 : i32
    %sign3A_1069 = arith.extui %sign3A_1068 : i1 to i32
    %sign3A_1070 = arith.constant 0 : i32
    %sign3A_1071 = arith.cmpi slt, %add3A_1064, %sign3A_1070 : i32
    %sign3A_1072 = arith.extui %sign3A_1071 : i1 to i32
    %sign3A_1073 = arith.subi %sign3A_1069, %sign3A_1072 : i32
    %sign3A_1074 = arith.constant 0 : i32
    %sign3A_1075 = arith.cmpi sgt, %jit3A_1065, %sign3A_1074 : i32
    %sign3A_1076 = arith.extui %sign3A_1075 : i1 to i32
    %sign3A_1077 = arith.constant 0 : i32
    %sign3A_1078 = arith.cmpi slt, %jit3A_1065, %sign3A_1077 : i32
    %sign3A_1079 = arith.extui %sign3A_1078 : i1 to i32
    %sign3A_1080 = arith.subi %sign3A_1076, %sign3A_1079 : i32
    %ne3A_1081 = arith.cmpi ne, %sign3A_1073, %sign3A_1080 : i32
    %rem3A_1082 = arith.remsi %add3A_1064, %jit3A_1065 : i32
    %ne3A_1083 = arith.constant 0 : i32
    %ne3A_1084 = arith.cmpi ne, %rem3A_1082, %ne3A_1083 : i32
    %and3A_1085 = arith.andi %ne3A_1081, %ne3A_1084 : i1
    %sub3A_1086 = arith.constant 1 : i32
    %sub3A_1087 = arith.subi %div3A_1066, %sub3A_1086 : i32
    %select_n3A_1088 = arith.select %and3A_1085, %sub3A_1087, %div3A_1066 : i32
    %jit3A_1089 = arith.constant 4 : i32
    %eq3A_1090 = arith.constant 0 : i32
    %eq3A_1091 = arith.cmpi eq, %jit3A_1089, %eq3A_1090 : i32
    %jit3A_1092 = arith.constant 1 : i32
    %select_n3A_1093 = arith.select %eq3A_1091, %jit3A_1092, %jit3A_1089 : i32
    %rem3A_1094 = arith.remsi %add3A_1064, %select_n3A_1093 : i32
    %ne3A_1095 = arith.constant 0 : i32
    %ne3A_1096 = arith.cmpi ne, %rem3A_1094, %ne3A_1095 : i32
    %lt3A_1097 = arith.constant 0 : i32
    %lt3A_1098 = arith.cmpi slt, %rem3A_1094, %lt3A_1097 : i32
    %lt3A_1099 = arith.constant 0 : i32
    %lt3A_1100 = arith.cmpi slt, %select_n3A_1093, %lt3A_1099 : i32
    %ne3A_1101 = arith.xori %lt3A_1098, %lt3A_1100 : i1
    %and3A_1102 = arith.andi %ne3A_1101, %ne3A_1096 : i1
    %add3A_1103 = arith.addi %rem3A_1094, %select_n3A_1093 : i32
    %select_n3A_1104 = arith.select %and3A_1102, %add3A_1103, %rem3A_1094 : i32
    %eq3A_1105 = arith.constant 17 : i32
    %eq3A_1106 = vector.broadcast %eq3A_1105 : i32 to vector<64x1xi32>
    %eq3A_1107 = arith.cmpi eq, %iota3A, %eq3A_1106 : vector<64x1xi32>
    %mul3A_1108 = arith.constant 16 : i32
    %mul3A_1109 = arith.muli %select_n3A_1088, %mul3A_1108 : i32
    %add3A_1110 = arith.addi %mul3A_1109, %select_n3A_1104 : i32
    %get3A_1111 = arith.index_cast %add3A_1110 : i32 to index
    %get3A_1112 = memref.load %arg1[%get3A_1111] : memref<512xf32, #tpu.memory_space<smem>>
    %broadcast_in_dim3A_1113 = vector.broadcast %get3A_1112 : f32 to vector<64x1xf32>
    %select_n3A_1114 = arith.select %eq3A_1107, %broadcast_in_dim3A_1113, %select_n3A_1051 : vector<64x1xi1>, vector<64x1xf32>
    %mul3A_1115 = arith.constant 16 : i32
    %mul3A_1116 = arith.muli %select_n3A_1088, %mul3A_1115 : i32
    %add3A_1117 = arith.constant 4 : i32
    %add3A_1118 = arith.addi %mul3A_1116, %add3A_1117 : i32
    %add3A_1119 = arith.addi %add3A_1118, %select_n3A_1104 : i32
    %get3A_1120 = arith.index_cast %add3A_1119 : i32 to index
    %get3A_1121 = memref.load %arg1[%get3A_1120] : memref<512xf32, #tpu.memory_space<smem>>
    %broadcast_in_dim3A_1122 = vector.broadcast %get3A_1121 : f32 to vector<64x1xf32>
    %select_n3A_1123 = arith.select %eq3A_1107, %broadcast_in_dim3A_1122, %select_n3A_1060 : vector<64x1xi1>, vector<64x1xf32>
    %mul3A_1124 = arith.constant 64 : i32
    %mul3A_1125 = arith.muli %arg0, %mul3A_1124 : i32
    %add3A_1126 = arith.constant 18 : i32
    %add3A_1127 = arith.addi %mul3A_1125, %add3A_1126 : i32
    %jit3A_1128 = arith.constant 4 : i32
    %div3A_1129 = arith.divsi %add3A_1127, %jit3A_1128 : i32
    %sign3A_1130 = arith.constant 0 : i32
    %sign3A_1131 = arith.cmpi sgt, %add3A_1127, %sign3A_1130 : i32
    %sign3A_1132 = arith.extui %sign3A_1131 : i1 to i32
    %sign3A_1133 = arith.constant 0 : i32
    %sign3A_1134 = arith.cmpi slt, %add3A_1127, %sign3A_1133 : i32
    %sign3A_1135 = arith.extui %sign3A_1134 : i1 to i32
    %sign3A_1136 = arith.subi %sign3A_1132, %sign3A_1135 : i32
    %sign3A_1137 = arith.constant 0 : i32
    %sign3A_1138 = arith.cmpi sgt, %jit3A_1128, %sign3A_1137 : i32
    %sign3A_1139 = arith.extui %sign3A_1138 : i1 to i32
    %sign3A_1140 = arith.constant 0 : i32
    %sign3A_1141 = arith.cmpi slt, %jit3A_1128, %sign3A_1140 : i32
    %sign3A_1142 = arith.extui %sign3A_1141 : i1 to i32
    %sign3A_1143 = arith.subi %sign3A_1139, %sign3A_1142 : i32
    %ne3A_1144 = arith.cmpi ne, %sign3A_1136, %sign3A_1143 : i32
    %rem3A_1145 = arith.remsi %add3A_1127, %jit3A_1128 : i32
    %ne3A_1146 = arith.constant 0 : i32
    %ne3A_1147 = arith.cmpi ne, %rem3A_1145, %ne3A_1146 : i32
    %and3A_1148 = arith.andi %ne3A_1144, %ne3A_1147 : i1
    %sub3A_1149 = arith.constant 1 : i32
    %sub3A_1150 = arith.subi %div3A_1129, %sub3A_1149 : i32
    %select_n3A_1151 = arith.select %and3A_1148, %sub3A_1150, %div3A_1129 : i32
    %jit3A_1152 = arith.constant 4 : i32
    %eq3A_1153 = arith.constant 0 : i32
    %eq3A_1154 = arith.cmpi eq, %jit3A_1152, %eq3A_1153 : i32
    %jit3A_1155 = arith.constant 1 : i32
    %select_n3A_1156 = arith.select %eq3A_1154, %jit3A_1155, %jit3A_1152 : i32
    %rem3A_1157 = arith.remsi %add3A_1127, %select_n3A_1156 : i32
    %ne3A_1158 = arith.constant 0 : i32
    %ne3A_1159 = arith.cmpi ne, %rem3A_1157, %ne3A_1158 : i32
    %lt3A_1160 = arith.constant 0 : i32
    %lt3A_1161 = arith.cmpi slt, %rem3A_1157, %lt3A_1160 : i32
    %lt3A_1162 = arith.constant 0 : i32
    %lt3A_1163 = arith.cmpi slt, %select_n3A_1156, %lt3A_1162 : i32
    %ne3A_1164 = arith.xori %lt3A_1161, %lt3A_1163 : i1
    %and3A_1165 = arith.andi %ne3A_1164, %ne3A_1159 : i1
    %add3A_1166 = arith.addi %rem3A_1157, %select_n3A_1156 : i32
    %select_n3A_1167 = arith.select %and3A_1165, %add3A_1166, %rem3A_1157 : i32
    %eq3A_1168 = arith.constant 18 : i32
    %eq3A_1169 = vector.broadcast %eq3A_1168 : i32 to vector<64x1xi32>
    %eq3A_1170 = arith.cmpi eq, %iota3A, %eq3A_1169 : vector<64x1xi32>
    %mul3A_1171 = arith.constant 16 : i32
    %mul3A_1172 = arith.muli %select_n3A_1151, %mul3A_1171 : i32
    %add3A_1173 = arith.addi %mul3A_1172, %select_n3A_1167 : i32
    %get3A_1174 = arith.index_cast %add3A_1173 : i32 to index
    %get3A_1175 = memref.load %arg1[%get3A_1174] : memref<512xf32, #tpu.memory_space<smem>>
    %broadcast_in_dim3A_1176 = vector.broadcast %get3A_1175 : f32 to vector<64x1xf32>
    %select_n3A_1177 = arith.select %eq3A_1170, %broadcast_in_dim3A_1176, %select_n3A_1114 : vector<64x1xi1>, vector<64x1xf32>
    %mul3A_1178 = arith.constant 16 : i32
    %mul3A_1179 = arith.muli %select_n3A_1151, %mul3A_1178 : i32
    %add3A_1180 = arith.constant 4 : i32
    %add3A_1181 = arith.addi %mul3A_1179, %add3A_1180 : i32
    %add3A_1182 = arith.addi %add3A_1181, %select_n3A_1167 : i32
    %get3A_1183 = arith.index_cast %add3A_1182 : i32 to index
    %get3A_1184 = memref.load %arg1[%get3A_1183] : memref<512xf32, #tpu.memory_space<smem>>
    %broadcast_in_dim3A_1185 = vector.broadcast %get3A_1184 : f32 to vector<64x1xf32>
    %select_n3A_1186 = arith.select %eq3A_1170, %broadcast_in_dim3A_1185, %select_n3A_1123 : vector<64x1xi1>, vector<64x1xf32>
    %mul3A_1187 = arith.constant 64 : i32
    %mul3A_1188 = arith.muli %arg0, %mul3A_1187 : i32
    %add3A_1189 = arith.constant 19 : i32
    %add3A_1190 = arith.addi %mul3A_1188, %add3A_1189 : i32
    %jit3A_1191 = arith.constant 4 : i32
    %div3A_1192 = arith.divsi %add3A_1190, %jit3A_1191 : i32
    %sign3A_1193 = arith.constant 0 : i32
    %sign3A_1194 = arith.cmpi sgt, %add3A_1190, %sign3A_1193 : i32
    %sign3A_1195 = arith.extui %sign3A_1194 : i1 to i32
    %sign3A_1196 = arith.constant 0 : i32
    %sign3A_1197 = arith.cmpi slt, %add3A_1190, %sign3A_1196 : i32
    %sign3A_1198 = arith.extui %sign3A_1197 : i1 to i32
    %sign3A_1199 = arith.subi %sign3A_1195, %sign3A_1198 : i32
    %sign3A_1200 = arith.constant 0 : i32
    %sign3A_1201 = arith.cmpi sgt, %jit3A_1191, %sign3A_1200 : i32
    %sign3A_1202 = arith.extui %sign3A_1201 : i1 to i32
    %sign3A_1203 = arith.constant 0 : i32
    %sign3A_1204 = arith.cmpi slt, %jit3A_1191, %sign3A_1203 : i32
    %sign3A_1205 = arith.extui %sign3A_1204 : i1 to i32
    %sign3A_1206 = arith.subi %sign3A_1202, %sign3A_1205 : i32
    %ne3A_1207 = arith.cmpi ne, %sign3A_1199, %sign3A_1206 : i32
    %rem3A_1208 = arith.remsi %add3A_1190, %jit3A_1191 : i32
    %ne3A_1209 = arith.constant 0 : i32
    %ne3A_1210 = arith.cmpi ne, %rem3A_1208, %ne3A_1209 : i32
    %and3A_1211 = arith.andi %ne3A_1207, %ne3A_1210 : i1
    %sub3A_1212 = arith.constant 1 : i32
    %sub3A_1213 = arith.subi %div3A_1192, %sub3A_1212 : i32
    %select_n3A_1214 = arith.select %and3A_1211, %sub3A_1213, %div3A_1192 : i32
    %jit3A_1215 = arith.constant 4 : i32
    %eq3A_1216 = arith.constant 0 : i32
    %eq3A_1217 = arith.cmpi eq, %jit3A_1215, %eq3A_1216 : i32
    %jit3A_1218 = arith.constant 1 : i32
    %select_n3A_1219 = arith.select %eq3A_1217, %jit3A_1218, %jit3A_1215 : i32
    %rem3A_1220 = arith.remsi %add3A_1190, %select_n3A_1219 : i32
    %ne3A_1221 = arith.constant 0 : i32
    %ne3A_1222 = arith.cmpi ne, %rem3A_1220, %ne3A_1221 : i32
    %lt3A_1223 = arith.constant 0 : i32
    %lt3A_1224 = arith.cmpi slt, %rem3A_1220, %lt3A_1223 : i32
    %lt3A_1225 = arith.constant 0 : i32
    %lt3A_1226 = arith.cmpi slt, %select_n3A_1219, %lt3A_1225 : i32
    %ne3A_1227 = arith.xori %lt3A_1224, %lt3A_1226 : i1
    %and3A_1228 = arith.andi %ne3A_1227, %ne3A_1222 : i1
    %add3A_1229 = arith.addi %rem3A_1220, %select_n3A_1219 : i32
    %select_n3A_1230 = arith.select %and3A_1228, %add3A_1229, %rem3A_1220 : i32
    %eq3A_1231 = arith.constant 19 : i32
    %eq3A_1232 = vector.broadcast %eq3A_1231 : i32 to vector<64x1xi32>
    %eq3A_1233 = arith.cmpi eq, %iota3A, %eq3A_1232 : vector<64x1xi32>
    %mul3A_1234 = arith.constant 16 : i32
    %mul3A_1235 = arith.muli %select_n3A_1214, %mul3A_1234 : i32
    %add3A_1236 = arith.addi %mul3A_1235, %select_n3A_1230 : i32
    %get3A_1237 = arith.index_cast %add3A_1236 : i32 to index
    %get3A_1238 = memref.load %arg1[%get3A_1237] : memref<512xf32, #tpu.memory_space<smem>>
    %broadcast_in_dim3A_1239 = vector.broadcast %get3A_1238 : f32 to vector<64x1xf32>
    %select_n3A_1240 = arith.select %eq3A_1233, %broadcast_in_dim3A_1239, %select_n3A_1177 : vector<64x1xi1>, vector<64x1xf32>
    %mul3A_1241 = arith.constant 16 : i32
    %mul3A_1242 = arith.muli %select_n3A_1214, %mul3A_1241 : i32
    %add3A_1243 = arith.constant 4 : i32
    %add3A_1244 = arith.addi %mul3A_1242, %add3A_1243 : i32
    %add3A_1245 = arith.addi %add3A_1244, %select_n3A_1230 : i32
    %get3A_1246 = arith.index_cast %add3A_1245 : i32 to index
    %get3A_1247 = memref.load %arg1[%get3A_1246] : memref<512xf32, #tpu.memory_space<smem>>
    %broadcast_in_dim3A_1248 = vector.broadcast %get3A_1247 : f32 to vector<64x1xf32>
    %select_n3A_1249 = arith.select %eq3A_1233, %broadcast_in_dim3A_1248, %select_n3A_1186 : vector<64x1xi1>, vector<64x1xf32>
    %mul3A_1250 = arith.constant 64 : i32
    %mul3A_1251 = arith.muli %arg0, %mul3A_1250 : i32
    %add3A_1252 = arith.constant 20 : i32
    %add3A_1253 = arith.addi %mul3A_1251, %add3A_1252 : i32
    %jit3A_1254 = arith.constant 4 : i32
    %div3A_1255 = arith.divsi %add3A_1253, %jit3A_1254 : i32
    %sign3A_1256 = arith.constant 0 : i32
    %sign3A_1257 = arith.cmpi sgt, %add3A_1253, %sign3A_1256 : i32
    %sign3A_1258 = arith.extui %sign3A_1257 : i1 to i32
    %sign3A_1259 = arith.constant 0 : i32
    %sign3A_1260 = arith.cmpi slt, %add3A_1253, %sign3A_1259 : i32
    %sign3A_1261 = arith.extui %sign3A_1260 : i1 to i32
    %sign3A_1262 = arith.subi %sign3A_1258, %sign3A_1261 : i32
    %sign3A_1263 = arith.constant 0 : i32
    %sign3A_1264 = arith.cmpi sgt, %jit3A_1254, %sign3A_1263 : i32
    %sign3A_1265 = arith.extui %sign3A_1264 : i1 to i32
    %sign3A_1266 = arith.constant 0 : i32
    %sign3A_1267 = arith.cmpi slt, %jit3A_1254, %sign3A_1266 : i32
    %sign3A_1268 = arith.extui %sign3A_1267 : i1 to i32
    %sign3A_1269 = arith.subi %sign3A_1265, %sign3A_1268 : i32
    %ne3A_1270 = arith.cmpi ne, %sign3A_1262, %sign3A_1269 : i32
    %rem3A_1271 = arith.remsi %add3A_1253, %jit3A_1254 : i32
    %ne3A_1272 = arith.constant 0 : i32
    %ne3A_1273 = arith.cmpi ne, %rem3A_1271, %ne3A_1272 : i32
    %and3A_1274 = arith.andi %ne3A_1270, %ne3A_1273 : i1
    %sub3A_1275 = arith.constant 1 : i32
    %sub3A_1276 = arith.subi %div3A_1255, %sub3A_1275 : i32
    %select_n3A_1277 = arith.select %and3A_1274, %sub3A_1276, %div3A_1255 : i32
    %jit3A_1278 = arith.constant 4 : i32
    %eq3A_1279 = arith.constant 0 : i32
    %eq3A_1280 = arith.cmpi eq, %jit3A_1278, %eq3A_1279 : i32
    %jit3A_1281 = arith.constant 1 : i32
    %select_n3A_1282 = arith.select %eq3A_1280, %jit3A_1281, %jit3A_1278 : i32
    %rem3A_1283 = arith.remsi %add3A_1253, %select_n3A_1282 : i32
    %ne3A_1284 = arith.constant 0 : i32
    %ne3A_1285 = arith.cmpi ne, %rem3A_1283, %ne3A_1284 : i32
    %lt3A_1286 = arith.constant 0 : i32
    %lt3A_1287 = arith.cmpi slt, %rem3A_1283, %lt3A_1286 : i32
    %lt3A_1288 = arith.constant 0 : i32
    %lt3A_1289 = arith.cmpi slt, %select_n3A_1282, %lt3A_1288 : i32
    %ne3A_1290 = arith.xori %lt3A_1287, %lt3A_1289 : i1
    %and3A_1291 = arith.andi %ne3A_1290, %ne3A_1285 : i1
    %add3A_1292 = arith.addi %rem3A_1283, %select_n3A_1282 : i32
    %select_n3A_1293 = arith.select %and3A_1291, %add3A_1292, %rem3A_1283 : i32
    %eq3A_1294 = arith.constant 20 : i32
    %eq3A_1295 = vector.broadcast %eq3A_1294 : i32 to vector<64x1xi32>
    %eq3A_1296 = arith.cmpi eq, %iota3A, %eq3A_1295 : vector<64x1xi32>
    %mul3A_1297 = arith.constant 16 : i32
    %mul3A_1298 = arith.muli %select_n3A_1277, %mul3A_1297 : i32
    %add3A_1299 = arith.addi %mul3A_1298, %select_n3A_1293 : i32
    %get3A_1300 = arith.index_cast %add3A_1299 : i32 to index
    %get3A_1301 = memref.load %arg1[%get3A_1300] : memref<512xf32, #tpu.memory_space<smem>>
    %broadcast_in_dim3A_1302 = vector.broadcast %get3A_1301 : f32 to vector<64x1xf32>
    %select_n3A_1303 = arith.select %eq3A_1296, %broadcast_in_dim3A_1302, %select_n3A_1240 : vector<64x1xi1>, vector<64x1xf32>
    %mul3A_1304 = arith.constant 16 : i32
    %mul3A_1305 = arith.muli %select_n3A_1277, %mul3A_1304 : i32
    %add3A_1306 = arith.constant 4 : i32
    %add3A_1307 = arith.addi %mul3A_1305, %add3A_1306 : i32
    %add3A_1308 = arith.addi %add3A_1307, %select_n3A_1293 : i32
    %get3A_1309 = arith.index_cast %add3A_1308 : i32 to index
    %get3A_1310 = memref.load %arg1[%get3A_1309] : memref<512xf32, #tpu.memory_space<smem>>
    %broadcast_in_dim3A_1311 = vector.broadcast %get3A_1310 : f32 to vector<64x1xf32>
    %select_n3A_1312 = arith.select %eq3A_1296, %broadcast_in_dim3A_1311, %select_n3A_1249 : vector<64x1xi1>, vector<64x1xf32>
    %mul3A_1313 = arith.constant 64 : i32
    %mul3A_1314 = arith.muli %arg0, %mul3A_1313 : i32
    %add3A_1315 = arith.constant 21 : i32
    %add3A_1316 = arith.addi %mul3A_1314, %add3A_1315 : i32
    %jit3A_1317 = arith.constant 4 : i32
    %div3A_1318 = arith.divsi %add3A_1316, %jit3A_1317 : i32
    %sign3A_1319 = arith.constant 0 : i32
    %sign3A_1320 = arith.cmpi sgt, %add3A_1316, %sign3A_1319 : i32
    %sign3A_1321 = arith.extui %sign3A_1320 : i1 to i32
    %sign3A_1322 = arith.constant 0 : i32
    %sign3A_1323 = arith.cmpi slt, %add3A_1316, %sign3A_1322 : i32
    %sign3A_1324 = arith.extui %sign3A_1323 : i1 to i32
    %sign3A_1325 = arith.subi %sign3A_1321, %sign3A_1324 : i32
    %sign3A_1326 = arith.constant 0 : i32
    %sign3A_1327 = arith.cmpi sgt, %jit3A_1317, %sign3A_1326 : i32
    %sign3A_1328 = arith.extui %sign3A_1327 : i1 to i32
    %sign3A_1329 = arith.constant 0 : i32
    %sign3A_1330 = arith.cmpi slt, %jit3A_1317, %sign3A_1329 : i32
    %sign3A_1331 = arith.extui %sign3A_1330 : i1 to i32
    %sign3A_1332 = arith.subi %sign3A_1328, %sign3A_1331 : i32
    %ne3A_1333 = arith.cmpi ne, %sign3A_1325, %sign3A_1332 : i32
    %rem3A_1334 = arith.remsi %add3A_1316, %jit3A_1317 : i32
    %ne3A_1335 = arith.constant 0 : i32
    %ne3A_1336 = arith.cmpi ne, %rem3A_1334, %ne3A_1335 : i32
    %and3A_1337 = arith.andi %ne3A_1333, %ne3A_1336 : i1
    %sub3A_1338 = arith.constant 1 : i32
    %sub3A_1339 = arith.subi %div3A_1318, %sub3A_1338 : i32
    %select_n3A_1340 = arith.select %and3A_1337, %sub3A_1339, %div3A_1318 : i32
    %jit3A_1341 = arith.constant 4 : i32
    %eq3A_1342 = arith.constant 0 : i32
    %eq3A_1343 = arith.cmpi eq, %jit3A_1341, %eq3A_1342 : i32
    %jit3A_1344 = arith.constant 1 : i32
    %select_n3A_1345 = arith.select %eq3A_1343, %jit3A_1344, %jit3A_1341 : i32
    %rem3A_1346 = arith.remsi %add3A_1316, %select_n3A_1345 : i32
    %ne3A_1347 = arith.constant 0 : i32
    %ne3A_1348 = arith.cmpi ne, %rem3A_1346, %ne3A_1347 : i32
    %lt3A_1349 = arith.constant 0 : i32
    %lt3A_1350 = arith.cmpi slt, %rem3A_1346, %lt3A_1349 : i32
    %lt3A_1351 = arith.constant 0 : i32
    %lt3A_1352 = arith.cmpi slt, %select_n3A_1345, %lt3A_1351 : i32
    %ne3A_1353 = arith.xori %lt3A_1350, %lt3A_1352 : i1
    %and3A_1354 = arith.andi %ne3A_1353, %ne3A_1348 : i1
    %add3A_1355 = arith.addi %rem3A_1346, %select_n3A_1345 : i32
    %select_n3A_1356 = arith.select %and3A_1354, %add3A_1355, %rem3A_1346 : i32
    %eq3A_1357 = arith.constant 21 : i32
    %eq3A_1358 = vector.broadcast %eq3A_1357 : i32 to vector<64x1xi32>
    %eq3A_1359 = arith.cmpi eq, %iota3A, %eq3A_1358 : vector<64x1xi32>
    %mul3A_1360 = arith.constant 16 : i32
    %mul3A_1361 = arith.muli %select_n3A_1340, %mul3A_1360 : i32
    %add3A_1362 = arith.addi %mul3A_1361, %select_n3A_1356 : i32
    %get3A_1363 = arith.index_cast %add3A_1362 : i32 to index
    %get3A_1364 = memref.load %arg1[%get3A_1363] : memref<512xf32, #tpu.memory_space<smem>>
    %broadcast_in_dim3A_1365 = vector.broadcast %get3A_1364 : f32 to vector<64x1xf32>
    %select_n3A_1366 = arith.select %eq3A_1359, %broadcast_in_dim3A_1365, %select_n3A_1303 : vector<64x1xi1>, vector<64x1xf32>
    %mul3A_1367 = arith.constant 16 : i32
    %mul3A_1368 = arith.muli %select_n3A_1340, %mul3A_1367 : i32
    %add3A_1369 = arith.constant 4 : i32
    %add3A_1370 = arith.addi %mul3A_1368, %add3A_1369 : i32
    %add3A_1371 = arith.addi %add3A_1370, %select_n3A_1356 : i32
    %get3A_1372 = arith.index_cast %add3A_1371 : i32 to index
    %get3A_1373 = memref.load %arg1[%get3A_1372] : memref<512xf32, #tpu.memory_space<smem>>
    %broadcast_in_dim3A_1374 = vector.broadcast %get3A_1373 : f32 to vector<64x1xf32>
    %select_n3A_1375 = arith.select %eq3A_1359, %broadcast_in_dim3A_1374, %select_n3A_1312 : vector<64x1xi1>, vector<64x1xf32>
    %mul3A_1376 = arith.constant 64 : i32
    %mul3A_1377 = arith.muli %arg0, %mul3A_1376 : i32
    %add3A_1378 = arith.constant 22 : i32
    %add3A_1379 = arith.addi %mul3A_1377, %add3A_1378 : i32
    %jit3A_1380 = arith.constant 4 : i32
    %div3A_1381 = arith.divsi %add3A_1379, %jit3A_1380 : i32
    %sign3A_1382 = arith.constant 0 : i32
    %sign3A_1383 = arith.cmpi sgt, %add3A_1379, %sign3A_1382 : i32
    %sign3A_1384 = arith.extui %sign3A_1383 : i1 to i32
    %sign3A_1385 = arith.constant 0 : i32
    %sign3A_1386 = arith.cmpi slt, %add3A_1379, %sign3A_1385 : i32
    %sign3A_1387 = arith.extui %sign3A_1386 : i1 to i32
    %sign3A_1388 = arith.subi %sign3A_1384, %sign3A_1387 : i32
    %sign3A_1389 = arith.constant 0 : i32
    %sign3A_1390 = arith.cmpi sgt, %jit3A_1380, %sign3A_1389 : i32
    %sign3A_1391 = arith.extui %sign3A_1390 : i1 to i32
    %sign3A_1392 = arith.constant 0 : i32
    %sign3A_1393 = arith.cmpi slt, %jit3A_1380, %sign3A_1392 : i32
    %sign3A_1394 = arith.extui %sign3A_1393 : i1 to i32
    %sign3A_1395 = arith.subi %sign3A_1391, %sign3A_1394 : i32
    %ne3A_1396 = arith.cmpi ne, %sign3A_1388, %sign3A_1395 : i32
    %rem3A_1397 = arith.remsi %add3A_1379, %jit3A_1380 : i32
    %ne3A_1398 = arith.constant 0 : i32
    %ne3A_1399 = arith.cmpi ne, %rem3A_1397, %ne3A_1398 : i32
    %and3A_1400 = arith.andi %ne3A_1396, %ne3A_1399 : i1
    %sub3A_1401 = arith.constant 1 : i32
    %sub3A_1402 = arith.subi %div3A_1381, %sub3A_1401 : i32
    %select_n3A_1403 = arith.select %and3A_1400, %sub3A_1402, %div3A_1381 : i32
    %jit3A_1404 = arith.constant 4 : i32
    %eq3A_1405 = arith.constant 0 : i32
    %eq3A_1406 = arith.cmpi eq, %jit3A_1404, %eq3A_1405 : i32
    %jit3A_1407 = arith.constant 1 : i32
    %select_n3A_1408 = arith.select %eq3A_1406, %jit3A_1407, %jit3A_1404 : i32
    %rem3A_1409 = arith.remsi %add3A_1379, %select_n3A_1408 : i32
    %ne3A_1410 = arith.constant 0 : i32
    %ne3A_1411 = arith.cmpi ne, %rem3A_1409, %ne3A_1410 : i32
    %lt3A_1412 = arith.constant 0 : i32
    %lt3A_1413 = arith.cmpi slt, %rem3A_1409, %lt3A_1412 : i32
    %lt3A_1414 = arith.constant 0 : i32
    %lt3A_1415 = arith.cmpi slt, %select_n3A_1408, %lt3A_1414 : i32
    %ne3A_1416 = arith.xori %lt3A_1413, %lt3A_1415 : i1
    %and3A_1417 = arith.andi %ne3A_1416, %ne3A_1411 : i1
    %add3A_1418 = arith.addi %rem3A_1409, %select_n3A_1408 : i32
    %select_n3A_1419 = arith.select %and3A_1417, %add3A_1418, %rem3A_1409 : i32
    %eq3A_1420 = arith.constant 22 : i32
    %eq3A_1421 = vector.broadcast %eq3A_1420 : i32 to vector<64x1xi32>
    %eq3A_1422 = arith.cmpi eq, %iota3A, %eq3A_1421 : vector<64x1xi32>
    %mul3A_1423 = arith.constant 16 : i32
    %mul3A_1424 = arith.muli %select_n3A_1403, %mul3A_1423 : i32
    %add3A_1425 = arith.addi %mul3A_1424, %select_n3A_1419 : i32
    %get3A_1426 = arith.index_cast %add3A_1425 : i32 to index
    %get3A_1427 = memref.load %arg1[%get3A_1426] : memref<512xf32, #tpu.memory_space<smem>>
    %broadcast_in_dim3A_1428 = vector.broadcast %get3A_1427 : f32 to vector<64x1xf32>
    %select_n3A_1429 = arith.select %eq3A_1422, %broadcast_in_dim3A_1428, %select_n3A_1366 : vector<64x1xi1>, vector<64x1xf32>
    %mul3A_1430 = arith.constant 16 : i32
    %mul3A_1431 = arith.muli %select_n3A_1403, %mul3A_1430 : i32
    %add3A_1432 = arith.constant 4 : i32
    %add3A_1433 = arith.addi %mul3A_1431, %add3A_1432 : i32
    %add3A_1434 = arith.addi %add3A_1433, %select_n3A_1419 : i32
    %get3A_1435 = arith.index_cast %add3A_1434 : i32 to index
    %get3A_1436 = memref.load %arg1[%get3A_1435] : memref<512xf32, #tpu.memory_space<smem>>
    %broadcast_in_dim3A_1437 = vector.broadcast %get3A_1436 : f32 to vector<64x1xf32>
    %select_n3A_1438 = arith.select %eq3A_1422, %broadcast_in_dim3A_1437, %select_n3A_1375 : vector<64x1xi1>, vector<64x1xf32>
    %mul3A_1439 = arith.constant 64 : i32
    %mul3A_1440 = arith.muli %arg0, %mul3A_1439 : i32
    %add3A_1441 = arith.constant 23 : i32
    %add3A_1442 = arith.addi %mul3A_1440, %add3A_1441 : i32
    %jit3A_1443 = arith.constant 4 : i32
    %div3A_1444 = arith.divsi %add3A_1442, %jit3A_1443 : i32
    %sign3A_1445 = arith.constant 0 : i32
    %sign3A_1446 = arith.cmpi sgt, %add3A_1442, %sign3A_1445 : i32
    %sign3A_1447 = arith.extui %sign3A_1446 : i1 to i32
    %sign3A_1448 = arith.constant 0 : i32
    %sign3A_1449 = arith.cmpi slt, %add3A_1442, %sign3A_1448 : i32
    %sign3A_1450 = arith.extui %sign3A_1449 : i1 to i32
    %sign3A_1451 = arith.subi %sign3A_1447, %sign3A_1450 : i32
    %sign3A_1452 = arith.constant 0 : i32
    %sign3A_1453 = arith.cmpi sgt, %jit3A_1443, %sign3A_1452 : i32
    %sign3A_1454 = arith.extui %sign3A_1453 : i1 to i32
    %sign3A_1455 = arith.constant 0 : i32
    %sign3A_1456 = arith.cmpi slt, %jit3A_1443, %sign3A_1455 : i32
    %sign3A_1457 = arith.extui %sign3A_1456 : i1 to i32
    %sign3A_1458 = arith.subi %sign3A_1454, %sign3A_1457 : i32
    %ne3A_1459 = arith.cmpi ne, %sign3A_1451, %sign3A_1458 : i32
    %rem3A_1460 = arith.remsi %add3A_1442, %jit3A_1443 : i32
    %ne3A_1461 = arith.constant 0 : i32
    %ne3A_1462 = arith.cmpi ne, %rem3A_1460, %ne3A_1461 : i32
    %and3A_1463 = arith.andi %ne3A_1459, %ne3A_1462 : i1
    %sub3A_1464 = arith.constant 1 : i32
    %sub3A_1465 = arith.subi %div3A_1444, %sub3A_1464 : i32
    %select_n3A_1466 = arith.select %and3A_1463, %sub3A_1465, %div3A_1444 : i32
    %jit3A_1467 = arith.constant 4 : i32
    %eq3A_1468 = arith.constant 0 : i32
    %eq3A_1469 = arith.cmpi eq, %jit3A_1467, %eq3A_1468 : i32
    %jit3A_1470 = arith.constant 1 : i32
    %select_n3A_1471 = arith.select %eq3A_1469, %jit3A_1470, %jit3A_1467 : i32
    %rem3A_1472 = arith.remsi %add3A_1442, %select_n3A_1471 : i32
    %ne3A_1473 = arith.constant 0 : i32
    %ne3A_1474 = arith.cmpi ne, %rem3A_1472, %ne3A_1473 : i32
    %lt3A_1475 = arith.constant 0 : i32
    %lt3A_1476 = arith.cmpi slt, %rem3A_1472, %lt3A_1475 : i32
    %lt3A_1477 = arith.constant 0 : i32
    %lt3A_1478 = arith.cmpi slt, %select_n3A_1471, %lt3A_1477 : i32
    %ne3A_1479 = arith.xori %lt3A_1476, %lt3A_1478 : i1
    %and3A_1480 = arith.andi %ne3A_1479, %ne3A_1474 : i1
    %add3A_1481 = arith.addi %rem3A_1472, %select_n3A_1471 : i32
    %select_n3A_1482 = arith.select %and3A_1480, %add3A_1481, %rem3A_1472 : i32
    %eq3A_1483 = arith.constant 23 : i32
    %eq3A_1484 = vector.broadcast %eq3A_1483 : i32 to vector<64x1xi32>
    %eq3A_1485 = arith.cmpi eq, %iota3A, %eq3A_1484 : vector<64x1xi32>
    %mul3A_1486 = arith.constant 16 : i32
    %mul3A_1487 = arith.muli %select_n3A_1466, %mul3A_1486 : i32
    %add3A_1488 = arith.addi %mul3A_1487, %select_n3A_1482 : i32
    %get3A_1489 = arith.index_cast %add3A_1488 : i32 to index
    %get3A_1490 = memref.load %arg1[%get3A_1489] : memref<512xf32, #tpu.memory_space<smem>>
    %broadcast_in_dim3A_1491 = vector.broadcast %get3A_1490 : f32 to vector<64x1xf32>
    %select_n3A_1492 = arith.select %eq3A_1485, %broadcast_in_dim3A_1491, %select_n3A_1429 : vector<64x1xi1>, vector<64x1xf32>
    %mul3A_1493 = arith.constant 16 : i32
    %mul3A_1494 = arith.muli %select_n3A_1466, %mul3A_1493 : i32
    %add3A_1495 = arith.constant 4 : i32
    %add3A_1496 = arith.addi %mul3A_1494, %add3A_1495 : i32
    %add3A_1497 = arith.addi %add3A_1496, %select_n3A_1482 : i32
    %get3A_1498 = arith.index_cast %add3A_1497 : i32 to index
    %get3A_1499 = memref.load %arg1[%get3A_1498] : memref<512xf32, #tpu.memory_space<smem>>
    %broadcast_in_dim3A_1500 = vector.broadcast %get3A_1499 : f32 to vector<64x1xf32>
    %select_n3A_1501 = arith.select %eq3A_1485, %broadcast_in_dim3A_1500, %select_n3A_1438 : vector<64x1xi1>, vector<64x1xf32>
    %mul3A_1502 = arith.constant 64 : i32
    %mul3A_1503 = arith.muli %arg0, %mul3A_1502 : i32
    %add3A_1504 = arith.constant 24 : i32
    %add3A_1505 = arith.addi %mul3A_1503, %add3A_1504 : i32
    %jit3A_1506 = arith.constant 4 : i32
    %div3A_1507 = arith.divsi %add3A_1505, %jit3A_1506 : i32
    %sign3A_1508 = arith.constant 0 : i32
    %sign3A_1509 = arith.cmpi sgt, %add3A_1505, %sign3A_1508 : i32
    %sign3A_1510 = arith.extui %sign3A_1509 : i1 to i32
    %sign3A_1511 = arith.constant 0 : i32
    %sign3A_1512 = arith.cmpi slt, %add3A_1505, %sign3A_1511 : i32
    %sign3A_1513 = arith.extui %sign3A_1512 : i1 to i32
    %sign3A_1514 = arith.subi %sign3A_1510, %sign3A_1513 : i32
    %sign3A_1515 = arith.constant 0 : i32
    %sign3A_1516 = arith.cmpi sgt, %jit3A_1506, %sign3A_1515 : i32
    %sign3A_1517 = arith.extui %sign3A_1516 : i1 to i32
    %sign3A_1518 = arith.constant 0 : i32
    %sign3A_1519 = arith.cmpi slt, %jit3A_1506, %sign3A_1518 : i32
    %sign3A_1520 = arith.extui %sign3A_1519 : i1 to i32
    %sign3A_1521 = arith.subi %sign3A_1517, %sign3A_1520 : i32
    %ne3A_1522 = arith.cmpi ne, %sign3A_1514, %sign3A_1521 : i32
    %rem3A_1523 = arith.remsi %add3A_1505, %jit3A_1506 : i32
    %ne3A_1524 = arith.constant 0 : i32
    %ne3A_1525 = arith.cmpi ne, %rem3A_1523, %ne3A_1524 : i32
    %and3A_1526 = arith.andi %ne3A_1522, %ne3A_1525 : i1
    %sub3A_1527 = arith.constant 1 : i32
    %sub3A_1528 = arith.subi %div3A_1507, %sub3A_1527 : i32
    %select_n3A_1529 = arith.select %and3A_1526, %sub3A_1528, %div3A_1507 : i32
    %jit3A_1530 = arith.constant 4 : i32
    %eq3A_1531 = arith.constant 0 : i32
    %eq3A_1532 = arith.cmpi eq, %jit3A_1530, %eq3A_1531 : i32
    %jit3A_1533 = arith.constant 1 : i32
    %select_n3A_1534 = arith.select %eq3A_1532, %jit3A_1533, %jit3A_1530 : i32
    %rem3A_1535 = arith.remsi %add3A_1505, %select_n3A_1534 : i32
    %ne3A_1536 = arith.constant 0 : i32
    %ne3A_1537 = arith.cmpi ne, %rem3A_1535, %ne3A_1536 : i32
    %lt3A_1538 = arith.constant 0 : i32
    %lt3A_1539 = arith.cmpi slt, %rem3A_1535, %lt3A_1538 : i32
    %lt3A_1540 = arith.constant 0 : i32
    %lt3A_1541 = arith.cmpi slt, %select_n3A_1534, %lt3A_1540 : i32
    %ne3A_1542 = arith.xori %lt3A_1539, %lt3A_1541 : i1
    %and3A_1543 = arith.andi %ne3A_1542, %ne3A_1537 : i1
    %add3A_1544 = arith.addi %rem3A_1535, %select_n3A_1534 : i32
    %select_n3A_1545 = arith.select %and3A_1543, %add3A_1544, %rem3A_1535 : i32
    %eq3A_1546 = arith.constant 24 : i32
    %eq3A_1547 = vector.broadcast %eq3A_1546 : i32 to vector<64x1xi32>
    %eq3A_1548 = arith.cmpi eq, %iota3A, %eq3A_1547 : vector<64x1xi32>
    %mul3A_1549 = arith.constant 16 : i32
    %mul3A_1550 = arith.muli %select_n3A_1529, %mul3A_1549 : i32
    %add3A_1551 = arith.addi %mul3A_1550, %select_n3A_1545 : i32
    %get3A_1552 = arith.index_cast %add3A_1551 : i32 to index
    %get3A_1553 = memref.load %arg1[%get3A_1552] : memref<512xf32, #tpu.memory_space<smem>>
    %broadcast_in_dim3A_1554 = vector.broadcast %get3A_1553 : f32 to vector<64x1xf32>
    %select_n3A_1555 = arith.select %eq3A_1548, %broadcast_in_dim3A_1554, %select_n3A_1492 : vector<64x1xi1>, vector<64x1xf32>
    %mul3A_1556 = arith.constant 16 : i32
    %mul3A_1557 = arith.muli %select_n3A_1529, %mul3A_1556 : i32
    %add3A_1558 = arith.constant 4 : i32
    %add3A_1559 = arith.addi %mul3A_1557, %add3A_1558 : i32
    %add3A_1560 = arith.addi %add3A_1559, %select_n3A_1545 : i32
    %get3A_1561 = arith.index_cast %add3A_1560 : i32 to index
    %get3A_1562 = memref.load %arg1[%get3A_1561] : memref<512xf32, #tpu.memory_space<smem>>
    %broadcast_in_dim3A_1563 = vector.broadcast %get3A_1562 : f32 to vector<64x1xf32>
    %select_n3A_1564 = arith.select %eq3A_1548, %broadcast_in_dim3A_1563, %select_n3A_1501 : vector<64x1xi1>, vector<64x1xf32>
    %mul3A_1565 = arith.constant 64 : i32
    %mul3A_1566 = arith.muli %arg0, %mul3A_1565 : i32
    %add3A_1567 = arith.constant 25 : i32
    %add3A_1568 = arith.addi %mul3A_1566, %add3A_1567 : i32
    %jit3A_1569 = arith.constant 4 : i32
    %div3A_1570 = arith.divsi %add3A_1568, %jit3A_1569 : i32
    %sign3A_1571 = arith.constant 0 : i32
    %sign3A_1572 = arith.cmpi sgt, %add3A_1568, %sign3A_1571 : i32
    %sign3A_1573 = arith.extui %sign3A_1572 : i1 to i32
    %sign3A_1574 = arith.constant 0 : i32
    %sign3A_1575 = arith.cmpi slt, %add3A_1568, %sign3A_1574 : i32
    %sign3A_1576 = arith.extui %sign3A_1575 : i1 to i32
    %sign3A_1577 = arith.subi %sign3A_1573, %sign3A_1576 : i32
    %sign3A_1578 = arith.constant 0 : i32
    %sign3A_1579 = arith.cmpi sgt, %jit3A_1569, %sign3A_1578 : i32
    %sign3A_1580 = arith.extui %sign3A_1579 : i1 to i32
    %sign3A_1581 = arith.constant 0 : i32
    %sign3A_1582 = arith.cmpi slt, %jit3A_1569, %sign3A_1581 : i32
    %sign3A_1583 = arith.extui %sign3A_1582 : i1 to i32
    %sign3A_1584 = arith.subi %sign3A_1580, %sign3A_1583 : i32
    %ne3A_1585 = arith.cmpi ne, %sign3A_1577, %sign3A_1584 : i32
    %rem3A_1586 = arith.remsi %add3A_1568, %jit3A_1569 : i32
    %ne3A_1587 = arith.constant 0 : i32
    %ne3A_1588 = arith.cmpi ne, %rem3A_1586, %ne3A_1587 : i32
    %and3A_1589 = arith.andi %ne3A_1585, %ne3A_1588 : i1
    %sub3A_1590 = arith.constant 1 : i32
    %sub3A_1591 = arith.subi %div3A_1570, %sub3A_1590 : i32
    %select_n3A_1592 = arith.select %and3A_1589, %sub3A_1591, %div3A_1570 : i32
    %jit3A_1593 = arith.constant 4 : i32
    %eq3A_1594 = arith.constant 0 : i32
    %eq3A_1595 = arith.cmpi eq, %jit3A_1593, %eq3A_1594 : i32
    %jit3A_1596 = arith.constant 1 : i32
    %select_n3A_1597 = arith.select %eq3A_1595, %jit3A_1596, %jit3A_1593 : i32
    %rem3A_1598 = arith.remsi %add3A_1568, %select_n3A_1597 : i32
    %ne3A_1599 = arith.constant 0 : i32
    %ne3A_1600 = arith.cmpi ne, %rem3A_1598, %ne3A_1599 : i32
    %lt3A_1601 = arith.constant 0 : i32
    %lt3A_1602 = arith.cmpi slt, %rem3A_1598, %lt3A_1601 : i32
    %lt3A_1603 = arith.constant 0 : i32
    %lt3A_1604 = arith.cmpi slt, %select_n3A_1597, %lt3A_1603 : i32
    %ne3A_1605 = arith.xori %lt3A_1602, %lt3A_1604 : i1
    %and3A_1606 = arith.andi %ne3A_1605, %ne3A_1600 : i1
    %add3A_1607 = arith.addi %rem3A_1598, %select_n3A_1597 : i32
    %select_n3A_1608 = arith.select %and3A_1606, %add3A_1607, %rem3A_1598 : i32
    %eq3A_1609 = arith.constant 25 : i32
    %eq3A_1610 = vector.broadcast %eq3A_1609 : i32 to vector<64x1xi32>
    %eq3A_1611 = arith.cmpi eq, %iota3A, %eq3A_1610 : vector<64x1xi32>
    %mul3A_1612 = arith.constant 16 : i32
    %mul3A_1613 = arith.muli %select_n3A_1592, %mul3A_1612 : i32
    %add3A_1614 = arith.addi %mul3A_1613, %select_n3A_1608 : i32
    %get3A_1615 = arith.index_cast %add3A_1614 : i32 to index
    %get3A_1616 = memref.load %arg1[%get3A_1615] : memref<512xf32, #tpu.memory_space<smem>>
    %broadcast_in_dim3A_1617 = vector.broadcast %get3A_1616 : f32 to vector<64x1xf32>
    %select_n3A_1618 = arith.select %eq3A_1611, %broadcast_in_dim3A_1617, %select_n3A_1555 : vector<64x1xi1>, vector<64x1xf32>
    %mul3A_1619 = arith.constant 16 : i32
    %mul3A_1620 = arith.muli %select_n3A_1592, %mul3A_1619 : i32
    %add3A_1621 = arith.constant 4 : i32
    %add3A_1622 = arith.addi %mul3A_1620, %add3A_1621 : i32
    %add3A_1623 = arith.addi %add3A_1622, %select_n3A_1608 : i32
    %get3A_1624 = arith.index_cast %add3A_1623 : i32 to index
    %get3A_1625 = memref.load %arg1[%get3A_1624] : memref<512xf32, #tpu.memory_space<smem>>
    %broadcast_in_dim3A_1626 = vector.broadcast %get3A_1625 : f32 to vector<64x1xf32>
    %select_n3A_1627 = arith.select %eq3A_1611, %broadcast_in_dim3A_1626, %select_n3A_1564 : vector<64x1xi1>, vector<64x1xf32>
    %mul3A_1628 = arith.constant 64 : i32
    %mul3A_1629 = arith.muli %arg0, %mul3A_1628 : i32
    %add3A_1630 = arith.constant 26 : i32
    %add3A_1631 = arith.addi %mul3A_1629, %add3A_1630 : i32
    %jit3A_1632 = arith.constant 4 : i32
    %div3A_1633 = arith.divsi %add3A_1631, %jit3A_1632 : i32
    %sign3A_1634 = arith.constant 0 : i32
    %sign3A_1635 = arith.cmpi sgt, %add3A_1631, %sign3A_1634 : i32
    %sign3A_1636 = arith.extui %sign3A_1635 : i1 to i32
    %sign3A_1637 = arith.constant 0 : i32
    %sign3A_1638 = arith.cmpi slt, %add3A_1631, %sign3A_1637 : i32
    %sign3A_1639 = arith.extui %sign3A_1638 : i1 to i32
    %sign3A_1640 = arith.subi %sign3A_1636, %sign3A_1639 : i32
    %sign3A_1641 = arith.constant 0 : i32
    %sign3A_1642 = arith.cmpi sgt, %jit3A_1632, %sign3A_1641 : i32
    %sign3A_1643 = arith.extui %sign3A_1642 : i1 to i32
    %sign3A_1644 = arith.constant 0 : i32
    %sign3A_1645 = arith.cmpi slt, %jit3A_1632, %sign3A_1644 : i32
    %sign3A_1646 = arith.extui %sign3A_1645 : i1 to i32
    %sign3A_1647 = arith.subi %sign3A_1643, %sign3A_1646 : i32
    %ne3A_1648 = arith.cmpi ne, %sign3A_1640, %sign3A_1647 : i32
    %rem3A_1649 = arith.remsi %add3A_1631, %jit3A_1632 : i32
    %ne3A_1650 = arith.constant 0 : i32
    %ne3A_1651 = arith.cmpi ne, %rem3A_1649, %ne3A_1650 : i32
    %and3A_1652 = arith.andi %ne3A_1648, %ne3A_1651 : i1
    %sub3A_1653 = arith.constant 1 : i32
    %sub3A_1654 = arith.subi %div3A_1633, %sub3A_1653 : i32
    %select_n3A_1655 = arith.select %and3A_1652, %sub3A_1654, %div3A_1633 : i32
    %jit3A_1656 = arith.constant 4 : i32
    %eq3A_1657 = arith.constant 0 : i32
    %eq3A_1658 = arith.cmpi eq, %jit3A_1656, %eq3A_1657 : i32
    %jit3A_1659 = arith.constant 1 : i32
    %select_n3A_1660 = arith.select %eq3A_1658, %jit3A_1659, %jit3A_1656 : i32
    %rem3A_1661 = arith.remsi %add3A_1631, %select_n3A_1660 : i32
    %ne3A_1662 = arith.constant 0 : i32
    %ne3A_1663 = arith.cmpi ne, %rem3A_1661, %ne3A_1662 : i32
    %lt3A_1664 = arith.constant 0 : i32
    %lt3A_1665 = arith.cmpi slt, %rem3A_1661, %lt3A_1664 : i32
    %lt3A_1666 = arith.constant 0 : i32
    %lt3A_1667 = arith.cmpi slt, %select_n3A_1660, %lt3A_1666 : i32
    %ne3A_1668 = arith.xori %lt3A_1665, %lt3A_1667 : i1
    %and3A_1669 = arith.andi %ne3A_1668, %ne3A_1663 : i1
    %add3A_1670 = arith.addi %rem3A_1661, %select_n3A_1660 : i32
    %select_n3A_1671 = arith.select %and3A_1669, %add3A_1670, %rem3A_1661 : i32
    %eq3A_1672 = arith.constant 26 : i32
    %eq3A_1673 = vector.broadcast %eq3A_1672 : i32 to vector<64x1xi32>
    %eq3A_1674 = arith.cmpi eq, %iota3A, %eq3A_1673 : vector<64x1xi32>
    %mul3A_1675 = arith.constant 16 : i32
    %mul3A_1676 = arith.muli %select_n3A_1655, %mul3A_1675 : i32
    %add3A_1677 = arith.addi %mul3A_1676, %select_n3A_1671 : i32
    %get3A_1678 = arith.index_cast %add3A_1677 : i32 to index
    %get3A_1679 = memref.load %arg1[%get3A_1678] : memref<512xf32, #tpu.memory_space<smem>>
    %broadcast_in_dim3A_1680 = vector.broadcast %get3A_1679 : f32 to vector<64x1xf32>
    %select_n3A_1681 = arith.select %eq3A_1674, %broadcast_in_dim3A_1680, %select_n3A_1618 : vector<64x1xi1>, vector<64x1xf32>
    %mul3A_1682 = arith.constant 16 : i32
    %mul3A_1683 = arith.muli %select_n3A_1655, %mul3A_1682 : i32
    %add3A_1684 = arith.constant 4 : i32
    %add3A_1685 = arith.addi %mul3A_1683, %add3A_1684 : i32
    %add3A_1686 = arith.addi %add3A_1685, %select_n3A_1671 : i32
    %get3A_1687 = arith.index_cast %add3A_1686 : i32 to index
    %get3A_1688 = memref.load %arg1[%get3A_1687] : memref<512xf32, #tpu.memory_space<smem>>
    %broadcast_in_dim3A_1689 = vector.broadcast %get3A_1688 : f32 to vector<64x1xf32>
    %select_n3A_1690 = arith.select %eq3A_1674, %broadcast_in_dim3A_1689, %select_n3A_1627 : vector<64x1xi1>, vector<64x1xf32>
    %mul3A_1691 = arith.constant 64 : i32
    %mul3A_1692 = arith.muli %arg0, %mul3A_1691 : i32
    %add3A_1693 = arith.constant 27 : i32
    %add3A_1694 = arith.addi %mul3A_1692, %add3A_1693 : i32
    %jit3A_1695 = arith.constant 4 : i32
    %div3A_1696 = arith.divsi %add3A_1694, %jit3A_1695 : i32
    %sign3A_1697 = arith.constant 0 : i32
    %sign3A_1698 = arith.cmpi sgt, %add3A_1694, %sign3A_1697 : i32
    %sign3A_1699 = arith.extui %sign3A_1698 : i1 to i32
    %sign3A_1700 = arith.constant 0 : i32
    %sign3A_1701 = arith.cmpi slt, %add3A_1694, %sign3A_1700 : i32
    %sign3A_1702 = arith.extui %sign3A_1701 : i1 to i32
    %sign3A_1703 = arith.subi %sign3A_1699, %sign3A_1702 : i32
    %sign3A_1704 = arith.constant 0 : i32
    %sign3A_1705 = arith.cmpi sgt, %jit3A_1695, %sign3A_1704 : i32
    %sign3A_1706 = arith.extui %sign3A_1705 : i1 to i32
    %sign3A_1707 = arith.constant 0 : i32
    %sign3A_1708 = arith.cmpi slt, %jit3A_1695, %sign3A_1707 : i32
    %sign3A_1709 = arith.extui %sign3A_1708 : i1 to i32
    %sign3A_1710 = arith.subi %sign3A_1706, %sign3A_1709 : i32
    %ne3A_1711 = arith.cmpi ne, %sign3A_1703, %sign3A_1710 : i32
    %rem3A_1712 = arith.remsi %add3A_1694, %jit3A_1695 : i32
    %ne3A_1713 = arith.constant 0 : i32
    %ne3A_1714 = arith.cmpi ne, %rem3A_1712, %ne3A_1713 : i32
    %and3A_1715 = arith.andi %ne3A_1711, %ne3A_1714 : i1
    %sub3A_1716 = arith.constant 1 : i32
    %sub3A_1717 = arith.subi %div3A_1696, %sub3A_1716 : i32
    %select_n3A_1718 = arith.select %and3A_1715, %sub3A_1717, %div3A_1696 : i32
    %jit3A_1719 = arith.constant 4 : i32
    %eq3A_1720 = arith.constant 0 : i32
    %eq3A_1721 = arith.cmpi eq, %jit3A_1719, %eq3A_1720 : i32
    %jit3A_1722 = arith.constant 1 : i32
    %select_n3A_1723 = arith.select %eq3A_1721, %jit3A_1722, %jit3A_1719 : i32
    %rem3A_1724 = arith.remsi %add3A_1694, %select_n3A_1723 : i32
    %ne3A_1725 = arith.constant 0 : i32
    %ne3A_1726 = arith.cmpi ne, %rem3A_1724, %ne3A_1725 : i32
    %lt3A_1727 = arith.constant 0 : i32
    %lt3A_1728 = arith.cmpi slt, %rem3A_1724, %lt3A_1727 : i32
    %lt3A_1729 = arith.constant 0 : i32
    %lt3A_1730 = arith.cmpi slt, %select_n3A_1723, %lt3A_1729 : i32
    %ne3A_1731 = arith.xori %lt3A_1728, %lt3A_1730 : i1
    %and3A_1732 = arith.andi %ne3A_1731, %ne3A_1726 : i1
    %add3A_1733 = arith.addi %rem3A_1724, %select_n3A_1723 : i32
    %select_n3A_1734 = arith.select %and3A_1732, %add3A_1733, %rem3A_1724 : i32
    %eq3A_1735 = arith.constant 27 : i32
    %eq3A_1736 = vector.broadcast %eq3A_1735 : i32 to vector<64x1xi32>
    %eq3A_1737 = arith.cmpi eq, %iota3A, %eq3A_1736 : vector<64x1xi32>
    %mul3A_1738 = arith.constant 16 : i32
    %mul3A_1739 = arith.muli %select_n3A_1718, %mul3A_1738 : i32
    %add3A_1740 = arith.addi %mul3A_1739, %select_n3A_1734 : i32
    %get3A_1741 = arith.index_cast %add3A_1740 : i32 to index
    %get3A_1742 = memref.load %arg1[%get3A_1741] : memref<512xf32, #tpu.memory_space<smem>>
    %broadcast_in_dim3A_1743 = vector.broadcast %get3A_1742 : f32 to vector<64x1xf32>
    %select_n3A_1744 = arith.select %eq3A_1737, %broadcast_in_dim3A_1743, %select_n3A_1681 : vector<64x1xi1>, vector<64x1xf32>
    %mul3A_1745 = arith.constant 16 : i32
    %mul3A_1746 = arith.muli %select_n3A_1718, %mul3A_1745 : i32
    %add3A_1747 = arith.constant 4 : i32
    %add3A_1748 = arith.addi %mul3A_1746, %add3A_1747 : i32
    %add3A_1749 = arith.addi %add3A_1748, %select_n3A_1734 : i32
    %get3A_1750 = arith.index_cast %add3A_1749 : i32 to index
    %get3A_1751 = memref.load %arg1[%get3A_1750] : memref<512xf32, #tpu.memory_space<smem>>
    %broadcast_in_dim3A_1752 = vector.broadcast %get3A_1751 : f32 to vector<64x1xf32>
    %select_n3A_1753 = arith.select %eq3A_1737, %broadcast_in_dim3A_1752, %select_n3A_1690 : vector<64x1xi1>, vector<64x1xf32>
    %mul3A_1754 = arith.constant 64 : i32
    %mul3A_1755 = arith.muli %arg0, %mul3A_1754 : i32
    %add3A_1756 = arith.constant 28 : i32
    %add3A_1757 = arith.addi %mul3A_1755, %add3A_1756 : i32
    %jit3A_1758 = arith.constant 4 : i32
    %div3A_1759 = arith.divsi %add3A_1757, %jit3A_1758 : i32
    %sign3A_1760 = arith.constant 0 : i32
    %sign3A_1761 = arith.cmpi sgt, %add3A_1757, %sign3A_1760 : i32
    %sign3A_1762 = arith.extui %sign3A_1761 : i1 to i32
    %sign3A_1763 = arith.constant 0 : i32
    %sign3A_1764 = arith.cmpi slt, %add3A_1757, %sign3A_1763 : i32
    %sign3A_1765 = arith.extui %sign3A_1764 : i1 to i32
    %sign3A_1766 = arith.subi %sign3A_1762, %sign3A_1765 : i32
    %sign3A_1767 = arith.constant 0 : i32
    %sign3A_1768 = arith.cmpi sgt, %jit3A_1758, %sign3A_1767 : i32
    %sign3A_1769 = arith.extui %sign3A_1768 : i1 to i32
    %sign3A_1770 = arith.constant 0 : i32
    %sign3A_1771 = arith.cmpi slt, %jit3A_1758, %sign3A_1770 : i32
    %sign3A_1772 = arith.extui %sign3A_1771 : i1 to i32
    %sign3A_1773 = arith.subi %sign3A_1769, %sign3A_1772 : i32
    %ne3A_1774 = arith.cmpi ne, %sign3A_1766, %sign3A_1773 : i32
    %rem3A_1775 = arith.remsi %add3A_1757, %jit3A_1758 : i32
    %ne3A_1776 = arith.constant 0 : i32
    %ne3A_1777 = arith.cmpi ne, %rem3A_1775, %ne3A_1776 : i32
    %and3A_1778 = arith.andi %ne3A_1774, %ne3A_1777 : i1
    %sub3A_1779 = arith.constant 1 : i32
    %sub3A_1780 = arith.subi %div3A_1759, %sub3A_1779 : i32
    %select_n3A_1781 = arith.select %and3A_1778, %sub3A_1780, %div3A_1759 : i32
    %jit3A_1782 = arith.constant 4 : i32
    %eq3A_1783 = arith.constant 0 : i32
    %eq3A_1784 = arith.cmpi eq, %jit3A_1782, %eq3A_1783 : i32
    %jit3A_1785 = arith.constant 1 : i32
    %select_n3A_1786 = arith.select %eq3A_1784, %jit3A_1785, %jit3A_1782 : i32
    %rem3A_1787 = arith.remsi %add3A_1757, %select_n3A_1786 : i32
    %ne3A_1788 = arith.constant 0 : i32
    %ne3A_1789 = arith.cmpi ne, %rem3A_1787, %ne3A_1788 : i32
    %lt3A_1790 = arith.constant 0 : i32
    %lt3A_1791 = arith.cmpi slt, %rem3A_1787, %lt3A_1790 : i32
    %lt3A_1792 = arith.constant 0 : i32
    %lt3A_1793 = arith.cmpi slt, %select_n3A_1786, %lt3A_1792 : i32
    %ne3A_1794 = arith.xori %lt3A_1791, %lt3A_1793 : i1
    %and3A_1795 = arith.andi %ne3A_1794, %ne3A_1789 : i1
    %add3A_1796 = arith.addi %rem3A_1787, %select_n3A_1786 : i32
    %select_n3A_1797 = arith.select %and3A_1795, %add3A_1796, %rem3A_1787 : i32
    %eq3A_1798 = arith.constant 28 : i32
    %eq3A_1799 = vector.broadcast %eq3A_1798 : i32 to vector<64x1xi32>
    %eq3A_1800 = arith.cmpi eq, %iota3A, %eq3A_1799 : vector<64x1xi32>
    %mul3A_1801 = arith.constant 16 : i32
    %mul3A_1802 = arith.muli %select_n3A_1781, %mul3A_1801 : i32
    %add3A_1803 = arith.addi %mul3A_1802, %select_n3A_1797 : i32
    %get3A_1804 = arith.index_cast %add3A_1803 : i32 to index
    %get3A_1805 = memref.load %arg1[%get3A_1804] : memref<512xf32, #tpu.memory_space<smem>>
    %broadcast_in_dim3A_1806 = vector.broadcast %get3A_1805 : f32 to vector<64x1xf32>
    %select_n3A_1807 = arith.select %eq3A_1800, %broadcast_in_dim3A_1806, %select_n3A_1744 : vector<64x1xi1>, vector<64x1xf32>
    %mul3A_1808 = arith.constant 16 : i32
    %mul3A_1809 = arith.muli %select_n3A_1781, %mul3A_1808 : i32
    %add3A_1810 = arith.constant 4 : i32
    %add3A_1811 = arith.addi %mul3A_1809, %add3A_1810 : i32
    %add3A_1812 = arith.addi %add3A_1811, %select_n3A_1797 : i32
    %get3A_1813 = arith.index_cast %add3A_1812 : i32 to index
    %get3A_1814 = memref.load %arg1[%get3A_1813] : memref<512xf32, #tpu.memory_space<smem>>
    %broadcast_in_dim3A_1815 = vector.broadcast %get3A_1814 : f32 to vector<64x1xf32>
    %select_n3A_1816 = arith.select %eq3A_1800, %broadcast_in_dim3A_1815, %select_n3A_1753 : vector<64x1xi1>, vector<64x1xf32>
    %mul3A_1817 = arith.constant 64 : i32
    %mul3A_1818 = arith.muli %arg0, %mul3A_1817 : i32
    %add3A_1819 = arith.constant 29 : i32
    %add3A_1820 = arith.addi %mul3A_1818, %add3A_1819 : i32
    %jit3A_1821 = arith.constant 4 : i32
    %div3A_1822 = arith.divsi %add3A_1820, %jit3A_1821 : i32
    %sign3A_1823 = arith.constant 0 : i32
    %sign3A_1824 = arith.cmpi sgt, %add3A_1820, %sign3A_1823 : i32
    %sign3A_1825 = arith.extui %sign3A_1824 : i1 to i32
    %sign3A_1826 = arith.constant 0 : i32
    %sign3A_1827 = arith.cmpi slt, %add3A_1820, %sign3A_1826 : i32
    %sign3A_1828 = arith.extui %sign3A_1827 : i1 to i32
    %sign3A_1829 = arith.subi %sign3A_1825, %sign3A_1828 : i32
    %sign3A_1830 = arith.constant 0 : i32
    %sign3A_1831 = arith.cmpi sgt, %jit3A_1821, %sign3A_1830 : i32
    %sign3A_1832 = arith.extui %sign3A_1831 : i1 to i32
    %sign3A_1833 = arith.constant 0 : i32
    %sign3A_1834 = arith.cmpi slt, %jit3A_1821, %sign3A_1833 : i32
    %sign3A_1835 = arith.extui %sign3A_1834 : i1 to i32
    %sign3A_1836 = arith.subi %sign3A_1832, %sign3A_1835 : i32
    %ne3A_1837 = arith.cmpi ne, %sign3A_1829, %sign3A_1836 : i32
    %rem3A_1838 = arith.remsi %add3A_1820, %jit3A_1821 : i32
    %ne3A_1839 = arith.constant 0 : i32
    %ne3A_1840 = arith.cmpi ne, %rem3A_1838, %ne3A_1839 : i32
    %and3A_1841 = arith.andi %ne3A_1837, %ne3A_1840 : i1
    %sub3A_1842 = arith.constant 1 : i32
    %sub3A_1843 = arith.subi %div3A_1822, %sub3A_1842 : i32
    %select_n3A_1844 = arith.select %and3A_1841, %sub3A_1843, %div3A_1822 : i32
    %jit3A_1845 = arith.constant 4 : i32
    %eq3A_1846 = arith.constant 0 : i32
    %eq3A_1847 = arith.cmpi eq, %jit3A_1845, %eq3A_1846 : i32
    %jit3A_1848 = arith.constant 1 : i32
    %select_n3A_1849 = arith.select %eq3A_1847, %jit3A_1848, %jit3A_1845 : i32
    %rem3A_1850 = arith.remsi %add3A_1820, %select_n3A_1849 : i32
    %ne3A_1851 = arith.constant 0 : i32
    %ne3A_1852 = arith.cmpi ne, %rem3A_1850, %ne3A_1851 : i32
    %lt3A_1853 = arith.constant 0 : i32
    %lt3A_1854 = arith.cmpi slt, %rem3A_1850, %lt3A_1853 : i32
    %lt3A_1855 = arith.constant 0 : i32
    %lt3A_1856 = arith.cmpi slt, %select_n3A_1849, %lt3A_1855 : i32
    %ne3A_1857 = arith.xori %lt3A_1854, %lt3A_1856 : i1
    %and3A_1858 = arith.andi %ne3A_1857, %ne3A_1852 : i1
    %add3A_1859 = arith.addi %rem3A_1850, %select_n3A_1849 : i32
    %select_n3A_1860 = arith.select %and3A_1858, %add3A_1859, %rem3A_1850 : i32
    %eq3A_1861 = arith.constant 29 : i32
    %eq3A_1862 = vector.broadcast %eq3A_1861 : i32 to vector<64x1xi32>
    %eq3A_1863 = arith.cmpi eq, %iota3A, %eq3A_1862 : vector<64x1xi32>
    %mul3A_1864 = arith.constant 16 : i32
    %mul3A_1865 = arith.muli %select_n3A_1844, %mul3A_1864 : i32
    %add3A_1866 = arith.addi %mul3A_1865, %select_n3A_1860 : i32
    %get3A_1867 = arith.index_cast %add3A_1866 : i32 to index
    %get3A_1868 = memref.load %arg1[%get3A_1867] : memref<512xf32, #tpu.memory_space<smem>>
    %broadcast_in_dim3A_1869 = vector.broadcast %get3A_1868 : f32 to vector<64x1xf32>
    %select_n3A_1870 = arith.select %eq3A_1863, %broadcast_in_dim3A_1869, %select_n3A_1807 : vector<64x1xi1>, vector<64x1xf32>
    %mul3A_1871 = arith.constant 16 : i32
    %mul3A_1872 = arith.muli %select_n3A_1844, %mul3A_1871 : i32
    %add3A_1873 = arith.constant 4 : i32
    %add3A_1874 = arith.addi %mul3A_1872, %add3A_1873 : i32
    %add3A_1875 = arith.addi %add3A_1874, %select_n3A_1860 : i32
    %get3A_1876 = arith.index_cast %add3A_1875 : i32 to index
    %get3A_1877 = memref.load %arg1[%get3A_1876] : memref<512xf32, #tpu.memory_space<smem>>
    %broadcast_in_dim3A_1878 = vector.broadcast %get3A_1877 : f32 to vector<64x1xf32>
    %select_n3A_1879 = arith.select %eq3A_1863, %broadcast_in_dim3A_1878, %select_n3A_1816 : vector<64x1xi1>, vector<64x1xf32>
    %mul3A_1880 = arith.constant 64 : i32
    %mul3A_1881 = arith.muli %arg0, %mul3A_1880 : i32
    %add3A_1882 = arith.constant 30 : i32
    %add3A_1883 = arith.addi %mul3A_1881, %add3A_1882 : i32
    %jit3A_1884 = arith.constant 4 : i32
    %div3A_1885 = arith.divsi %add3A_1883, %jit3A_1884 : i32
    %sign3A_1886 = arith.constant 0 : i32
    %sign3A_1887 = arith.cmpi sgt, %add3A_1883, %sign3A_1886 : i32
    %sign3A_1888 = arith.extui %sign3A_1887 : i1 to i32
    %sign3A_1889 = arith.constant 0 : i32
    %sign3A_1890 = arith.cmpi slt, %add3A_1883, %sign3A_1889 : i32
    %sign3A_1891 = arith.extui %sign3A_1890 : i1 to i32
    %sign3A_1892 = arith.subi %sign3A_1888, %sign3A_1891 : i32
    %sign3A_1893 = arith.constant 0 : i32
    %sign3A_1894 = arith.cmpi sgt, %jit3A_1884, %sign3A_1893 : i32
    %sign3A_1895 = arith.extui %sign3A_1894 : i1 to i32
    %sign3A_1896 = arith.constant 0 : i32
    %sign3A_1897 = arith.cmpi slt, %jit3A_1884, %sign3A_1896 : i32
    %sign3A_1898 = arith.extui %sign3A_1897 : i1 to i32
    %sign3A_1899 = arith.subi %sign3A_1895, %sign3A_1898 : i32
    %ne3A_1900 = arith.cmpi ne, %sign3A_1892, %sign3A_1899 : i32
    %rem3A_1901 = arith.remsi %add3A_1883, %jit3A_1884 : i32
    %ne3A_1902 = arith.constant 0 : i32
    %ne3A_1903 = arith.cmpi ne, %rem3A_1901, %ne3A_1902 : i32
    %and3A_1904 = arith.andi %ne3A_1900, %ne3A_1903 : i1
    %sub3A_1905 = arith.constant 1 : i32
    %sub3A_1906 = arith.subi %div3A_1885, %sub3A_1905 : i32
    %select_n3A_1907 = arith.select %and3A_1904, %sub3A_1906, %div3A_1885 : i32
    %jit3A_1908 = arith.constant 4 : i32
    %eq3A_1909 = arith.constant 0 : i32
    %eq3A_1910 = arith.cmpi eq, %jit3A_1908, %eq3A_1909 : i32
    %jit3A_1911 = arith.constant 1 : i32
    %select_n3A_1912 = arith.select %eq3A_1910, %jit3A_1911, %jit3A_1908 : i32
    %rem3A_1913 = arith.remsi %add3A_1883, %select_n3A_1912 : i32
    %ne3A_1914 = arith.constant 0 : i32
    %ne3A_1915 = arith.cmpi ne, %rem3A_1913, %ne3A_1914 : i32
    %lt3A_1916 = arith.constant 0 : i32
    %lt3A_1917 = arith.cmpi slt, %rem3A_1913, %lt3A_1916 : i32
    %lt3A_1918 = arith.constant 0 : i32
    %lt3A_1919 = arith.cmpi slt, %select_n3A_1912, %lt3A_1918 : i32
    %ne3A_1920 = arith.xori %lt3A_1917, %lt3A_1919 : i1
    %and3A_1921 = arith.andi %ne3A_1920, %ne3A_1915 : i1
    %add3A_1922 = arith.addi %rem3A_1913, %select_n3A_1912 : i32
    %select_n3A_1923 = arith.select %and3A_1921, %add3A_1922, %rem3A_1913 : i32
    %eq3A_1924 = arith.constant 30 : i32
    %eq3A_1925 = vector.broadcast %eq3A_1924 : i32 to vector<64x1xi32>
    %eq3A_1926 = arith.cmpi eq, %iota3A, %eq3A_1925 : vector<64x1xi32>
    %mul3A_1927 = arith.constant 16 : i32
    %mul3A_1928 = arith.muli %select_n3A_1907, %mul3A_1927 : i32
    %add3A_1929 = arith.addi %mul3A_1928, %select_n3A_1923 : i32
    %get3A_1930 = arith.index_cast %add3A_1929 : i32 to index
    %get3A_1931 = memref.load %arg1[%get3A_1930] : memref<512xf32, #tpu.memory_space<smem>>
    %broadcast_in_dim3A_1932 = vector.broadcast %get3A_1931 : f32 to vector<64x1xf32>
    %select_n3A_1933 = arith.select %eq3A_1926, %broadcast_in_dim3A_1932, %select_n3A_1870 : vector<64x1xi1>, vector<64x1xf32>
    %mul3A_1934 = arith.constant 16 : i32
    %mul3A_1935 = arith.muli %select_n3A_1907, %mul3A_1934 : i32
    %add3A_1936 = arith.constant 4 : i32
    %add3A_1937 = arith.addi %mul3A_1935, %add3A_1936 : i32
    %add3A_1938 = arith.addi %add3A_1937, %select_n3A_1923 : i32
    %get3A_1939 = arith.index_cast %add3A_1938 : i32 to index
    %get3A_1940 = memref.load %arg1[%get3A_1939] : memref<512xf32, #tpu.memory_space<smem>>
    %broadcast_in_dim3A_1941 = vector.broadcast %get3A_1940 : f32 to vector<64x1xf32>
    %select_n3A_1942 = arith.select %eq3A_1926, %broadcast_in_dim3A_1941, %select_n3A_1879 : vector<64x1xi1>, vector<64x1xf32>
    %mul3A_1943 = arith.constant 64 : i32
    %mul3A_1944 = arith.muli %arg0, %mul3A_1943 : i32
    %add3A_1945 = arith.constant 31 : i32
    %add3A_1946 = arith.addi %mul3A_1944, %add3A_1945 : i32
    %jit3A_1947 = arith.constant 4 : i32
    %div3A_1948 = arith.divsi %add3A_1946, %jit3A_1947 : i32
    %sign3A_1949 = arith.constant 0 : i32
    %sign3A_1950 = arith.cmpi sgt, %add3A_1946, %sign3A_1949 : i32
    %sign3A_1951 = arith.extui %sign3A_1950 : i1 to i32
    %sign3A_1952 = arith.constant 0 : i32
    %sign3A_1953 = arith.cmpi slt, %add3A_1946, %sign3A_1952 : i32
    %sign3A_1954 = arith.extui %sign3A_1953 : i1 to i32
    %sign3A_1955 = arith.subi %sign3A_1951, %sign3A_1954 : i32
    %sign3A_1956 = arith.constant 0 : i32
    %sign3A_1957 = arith.cmpi sgt, %jit3A_1947, %sign3A_1956 : i32
    %sign3A_1958 = arith.extui %sign3A_1957 : i1 to i32
    %sign3A_1959 = arith.constant 0 : i32
    %sign3A_1960 = arith.cmpi slt, %jit3A_1947, %sign3A_1959 : i32
    %sign3A_1961 = arith.extui %sign3A_1960 : i1 to i32
    %sign3A_1962 = arith.subi %sign3A_1958, %sign3A_1961 : i32
    %ne3A_1963 = arith.cmpi ne, %sign3A_1955, %sign3A_1962 : i32
    %rem3A_1964 = arith.remsi %add3A_1946, %jit3A_1947 : i32
    %ne3A_1965 = arith.constant 0 : i32
    %ne3A_1966 = arith.cmpi ne, %rem3A_1964, %ne3A_1965 : i32
    %and3A_1967 = arith.andi %ne3A_1963, %ne3A_1966 : i1
    %sub3A_1968 = arith.constant 1 : i32
    %sub3A_1969 = arith.subi %div3A_1948, %sub3A_1968 : i32
    %select_n3A_1970 = arith.select %and3A_1967, %sub3A_1969, %div3A_1948 : i32
    %jit3A_1971 = arith.constant 4 : i32
    %eq3A_1972 = arith.constant 0 : i32
    %eq3A_1973 = arith.cmpi eq, %jit3A_1971, %eq3A_1972 : i32
    %jit3A_1974 = arith.constant 1 : i32
    %select_n3A_1975 = arith.select %eq3A_1973, %jit3A_1974, %jit3A_1971 : i32
    %rem3A_1976 = arith.remsi %add3A_1946, %select_n3A_1975 : i32
    %ne3A_1977 = arith.constant 0 : i32
    %ne3A_1978 = arith.cmpi ne, %rem3A_1976, %ne3A_1977 : i32
    %lt3A_1979 = arith.constant 0 : i32
    %lt3A_1980 = arith.cmpi slt, %rem3A_1976, %lt3A_1979 : i32
    %lt3A_1981 = arith.constant 0 : i32
    %lt3A_1982 = arith.cmpi slt, %select_n3A_1975, %lt3A_1981 : i32
    %ne3A_1983 = arith.xori %lt3A_1980, %lt3A_1982 : i1
    %and3A_1984 = arith.andi %ne3A_1983, %ne3A_1978 : i1
    %add3A_1985 = arith.addi %rem3A_1976, %select_n3A_1975 : i32
    %select_n3A_1986 = arith.select %and3A_1984, %add3A_1985, %rem3A_1976 : i32
    %eq3A_1987 = arith.constant 31 : i32
    %eq3A_1988 = vector.broadcast %eq3A_1987 : i32 to vector<64x1xi32>
    %eq3A_1989 = arith.cmpi eq, %iota3A, %eq3A_1988 : vector<64x1xi32>
    %mul3A_1990 = arith.constant 16 : i32
    %mul3A_1991 = arith.muli %select_n3A_1970, %mul3A_1990 : i32
    %add3A_1992 = arith.addi %mul3A_1991, %select_n3A_1986 : i32
    %get3A_1993 = arith.index_cast %add3A_1992 : i32 to index
    %get3A_1994 = memref.load %arg1[%get3A_1993] : memref<512xf32, #tpu.memory_space<smem>>
    %broadcast_in_dim3A_1995 = vector.broadcast %get3A_1994 : f32 to vector<64x1xf32>
    %select_n3A_1996 = arith.select %eq3A_1989, %broadcast_in_dim3A_1995, %select_n3A_1933 : vector<64x1xi1>, vector<64x1xf32>
    %mul3A_1997 = arith.constant 16 : i32
    %mul3A_1998 = arith.muli %select_n3A_1970, %mul3A_1997 : i32
    %add3A_1999 = arith.constant 4 : i32
    %add3A_2000 = arith.addi %mul3A_1998, %add3A_1999 : i32
    %add3A_2001 = arith.addi %add3A_2000, %select_n3A_1986 : i32
    %get3A_2002 = arith.index_cast %add3A_2001 : i32 to index
    %get3A_2003 = memref.load %arg1[%get3A_2002] : memref<512xf32, #tpu.memory_space<smem>>
    %broadcast_in_dim3A_2004 = vector.broadcast %get3A_2003 : f32 to vector<64x1xf32>
    %select_n3A_2005 = arith.select %eq3A_1989, %broadcast_in_dim3A_2004, %select_n3A_1942 : vector<64x1xi1>, vector<64x1xf32>
    %mul3A_2006 = arith.constant 64 : i32
    %mul3A_2007 = arith.muli %arg0, %mul3A_2006 : i32
    %add3A_2008 = arith.constant 32 : i32
    %add3A_2009 = arith.addi %mul3A_2007, %add3A_2008 : i32
    %jit3A_2010 = arith.constant 4 : i32
    %div3A_2011 = arith.divsi %add3A_2009, %jit3A_2010 : i32
    %sign3A_2012 = arith.constant 0 : i32
    %sign3A_2013 = arith.cmpi sgt, %add3A_2009, %sign3A_2012 : i32
    %sign3A_2014 = arith.extui %sign3A_2013 : i1 to i32
    %sign3A_2015 = arith.constant 0 : i32
    %sign3A_2016 = arith.cmpi slt, %add3A_2009, %sign3A_2015 : i32
    %sign3A_2017 = arith.extui %sign3A_2016 : i1 to i32
    %sign3A_2018 = arith.subi %sign3A_2014, %sign3A_2017 : i32
    %sign3A_2019 = arith.constant 0 : i32
    %sign3A_2020 = arith.cmpi sgt, %jit3A_2010, %sign3A_2019 : i32
    %sign3A_2021 = arith.extui %sign3A_2020 : i1 to i32
    %sign3A_2022 = arith.constant 0 : i32
    %sign3A_2023 = arith.cmpi slt, %jit3A_2010, %sign3A_2022 : i32
    %sign3A_2024 = arith.extui %sign3A_2023 : i1 to i32
    %sign3A_2025 = arith.subi %sign3A_2021, %sign3A_2024 : i32
    %ne3A_2026 = arith.cmpi ne, %sign3A_2018, %sign3A_2025 : i32
    %rem3A_2027 = arith.remsi %add3A_2009, %jit3A_2010 : i32
    %ne3A_2028 = arith.constant 0 : i32
    %ne3A_2029 = arith.cmpi ne, %rem3A_2027, %ne3A_2028 : i32
    %and3A_2030 = arith.andi %ne3A_2026, %ne3A_2029 : i1
    %sub3A_2031 = arith.constant 1 : i32
    %sub3A_2032 = arith.subi %div3A_2011, %sub3A_2031 : i32
    %select_n3A_2033 = arith.select %and3A_2030, %sub3A_2032, %div3A_2011 : i32
    %jit3A_2034 = arith.constant 4 : i32
    %eq3A_2035 = arith.constant 0 : i32
    %eq3A_2036 = arith.cmpi eq, %jit3A_2034, %eq3A_2035 : i32
    %jit3A_2037 = arith.constant 1 : i32
    %select_n3A_2038 = arith.select %eq3A_2036, %jit3A_2037, %jit3A_2034 : i32
    %rem3A_2039 = arith.remsi %add3A_2009, %select_n3A_2038 : i32
    %ne3A_2040 = arith.constant 0 : i32
    %ne3A_2041 = arith.cmpi ne, %rem3A_2039, %ne3A_2040 : i32
    %lt3A_2042 = arith.constant 0 : i32
    %lt3A_2043 = arith.cmpi slt, %rem3A_2039, %lt3A_2042 : i32
    %lt3A_2044 = arith.constant 0 : i32
    %lt3A_2045 = arith.cmpi slt, %select_n3A_2038, %lt3A_2044 : i32
    %ne3A_2046 = arith.xori %lt3A_2043, %lt3A_2045 : i1
    %and3A_2047 = arith.andi %ne3A_2046, %ne3A_2041 : i1
    %add3A_2048 = arith.addi %rem3A_2039, %select_n3A_2038 : i32
    %select_n3A_2049 = arith.select %and3A_2047, %add3A_2048, %rem3A_2039 : i32
    %eq3A_2050 = arith.constant 32 : i32
    %eq3A_2051 = vector.broadcast %eq3A_2050 : i32 to vector<64x1xi32>
    %eq3A_2052 = arith.cmpi eq, %iota3A, %eq3A_2051 : vector<64x1xi32>
    %mul3A_2053 = arith.constant 16 : i32
    %mul3A_2054 = arith.muli %select_n3A_2033, %mul3A_2053 : i32
    %add3A_2055 = arith.addi %mul3A_2054, %select_n3A_2049 : i32
    %get3A_2056 = arith.index_cast %add3A_2055 : i32 to index
    %get3A_2057 = memref.load %arg1[%get3A_2056] : memref<512xf32, #tpu.memory_space<smem>>
    %broadcast_in_dim3A_2058 = vector.broadcast %get3A_2057 : f32 to vector<64x1xf32>
    %select_n3A_2059 = arith.select %eq3A_2052, %broadcast_in_dim3A_2058, %select_n3A_1996 : vector<64x1xi1>, vector<64x1xf32>
    %mul3A_2060 = arith.constant 16 : i32
    %mul3A_2061 = arith.muli %select_n3A_2033, %mul3A_2060 : i32
    %add3A_2062 = arith.constant 4 : i32
    %add3A_2063 = arith.addi %mul3A_2061, %add3A_2062 : i32
    %add3A_2064 = arith.addi %add3A_2063, %select_n3A_2049 : i32
    %get3A_2065 = arith.index_cast %add3A_2064 : i32 to index
    %get3A_2066 = memref.load %arg1[%get3A_2065] : memref<512xf32, #tpu.memory_space<smem>>
    %broadcast_in_dim3A_2067 = vector.broadcast %get3A_2066 : f32 to vector<64x1xf32>
    %select_n3A_2068 = arith.select %eq3A_2052, %broadcast_in_dim3A_2067, %select_n3A_2005 : vector<64x1xi1>, vector<64x1xf32>
    %mul3A_2069 = arith.constant 64 : i32
    %mul3A_2070 = arith.muli %arg0, %mul3A_2069 : i32
    %add3A_2071 = arith.constant 33 : i32
    %add3A_2072 = arith.addi %mul3A_2070, %add3A_2071 : i32
    %jit3A_2073 = arith.constant 4 : i32
    %div3A_2074 = arith.divsi %add3A_2072, %jit3A_2073 : i32
    %sign3A_2075 = arith.constant 0 : i32
    %sign3A_2076 = arith.cmpi sgt, %add3A_2072, %sign3A_2075 : i32
    %sign3A_2077 = arith.extui %sign3A_2076 : i1 to i32
    %sign3A_2078 = arith.constant 0 : i32
    %sign3A_2079 = arith.cmpi slt, %add3A_2072, %sign3A_2078 : i32
    %sign3A_2080 = arith.extui %sign3A_2079 : i1 to i32
    %sign3A_2081 = arith.subi %sign3A_2077, %sign3A_2080 : i32
    %sign3A_2082 = arith.constant 0 : i32
    %sign3A_2083 = arith.cmpi sgt, %jit3A_2073, %sign3A_2082 : i32
    %sign3A_2084 = arith.extui %sign3A_2083 : i1 to i32
    %sign3A_2085 = arith.constant 0 : i32
    %sign3A_2086 = arith.cmpi slt, %jit3A_2073, %sign3A_2085 : i32
    %sign3A_2087 = arith.extui %sign3A_2086 : i1 to i32
    %sign3A_2088 = arith.subi %sign3A_2084, %sign3A_2087 : i32
    %ne3A_2089 = arith.cmpi ne, %sign3A_2081, %sign3A_2088 : i32
    %rem3A_2090 = arith.remsi %add3A_2072, %jit3A_2073 : i32
    %ne3A_2091 = arith.constant 0 : i32
    %ne3A_2092 = arith.cmpi ne, %rem3A_2090, %ne3A_2091 : i32
    %and3A_2093 = arith.andi %ne3A_2089, %ne3A_2092 : i1
    %sub3A_2094 = arith.constant 1 : i32
    %sub3A_2095 = arith.subi %div3A_2074, %sub3A_2094 : i32
    %select_n3A_2096 = arith.select %and3A_2093, %sub3A_2095, %div3A_2074 : i32
    %jit3A_2097 = arith.constant 4 : i32
    %eq3A_2098 = arith.constant 0 : i32
    %eq3A_2099 = arith.cmpi eq, %jit3A_2097, %eq3A_2098 : i32
    %jit3A_2100 = arith.constant 1 : i32
    %select_n3A_2101 = arith.select %eq3A_2099, %jit3A_2100, %jit3A_2097 : i32
    %rem3A_2102 = arith.remsi %add3A_2072, %select_n3A_2101 : i32
    %ne3A_2103 = arith.constant 0 : i32
    %ne3A_2104 = arith.cmpi ne, %rem3A_2102, %ne3A_2103 : i32
    %lt3A_2105 = arith.constant 0 : i32
    %lt3A_2106 = arith.cmpi slt, %rem3A_2102, %lt3A_2105 : i32
    %lt3A_2107 = arith.constant 0 : i32
    %lt3A_2108 = arith.cmpi slt, %select_n3A_2101, %lt3A_2107 : i32
    %ne3A_2109 = arith.xori %lt3A_2106, %lt3A_2108 : i1
    %and3A_2110 = arith.andi %ne3A_2109, %ne3A_2104 : i1
    %add3A_2111 = arith.addi %rem3A_2102, %select_n3A_2101 : i32
    %select_n3A_2112 = arith.select %and3A_2110, %add3A_2111, %rem3A_2102 : i32
    %eq3A_2113 = arith.constant 33 : i32
    %eq3A_2114 = vector.broadcast %eq3A_2113 : i32 to vector<64x1xi32>
    %eq3A_2115 = arith.cmpi eq, %iota3A, %eq3A_2114 : vector<64x1xi32>
    %mul3A_2116 = arith.constant 16 : i32
    %mul3A_2117 = arith.muli %select_n3A_2096, %mul3A_2116 : i32
    %add3A_2118 = arith.addi %mul3A_2117, %select_n3A_2112 : i32
    %get3A_2119 = arith.index_cast %add3A_2118 : i32 to index
    %get3A_2120 = memref.load %arg1[%get3A_2119] : memref<512xf32, #tpu.memory_space<smem>>
    %broadcast_in_dim3A_2121 = vector.broadcast %get3A_2120 : f32 to vector<64x1xf32>
    %select_n3A_2122 = arith.select %eq3A_2115, %broadcast_in_dim3A_2121, %select_n3A_2059 : vector<64x1xi1>, vector<64x1xf32>
    %mul3A_2123 = arith.constant 16 : i32
    %mul3A_2124 = arith.muli %select_n3A_2096, %mul3A_2123 : i32
    %add3A_2125 = arith.constant 4 : i32
    %add3A_2126 = arith.addi %mul3A_2124, %add3A_2125 : i32
    %add3A_2127 = arith.addi %add3A_2126, %select_n3A_2112 : i32
    %get3A_2128 = arith.index_cast %add3A_2127 : i32 to index
    %get3A_2129 = memref.load %arg1[%get3A_2128] : memref<512xf32, #tpu.memory_space<smem>>
    %broadcast_in_dim3A_2130 = vector.broadcast %get3A_2129 : f32 to vector<64x1xf32>
    %select_n3A_2131 = arith.select %eq3A_2115, %broadcast_in_dim3A_2130, %select_n3A_2068 : vector<64x1xi1>, vector<64x1xf32>
    %mul3A_2132 = arith.constant 64 : i32
    %mul3A_2133 = arith.muli %arg0, %mul3A_2132 : i32
    %add3A_2134 = arith.constant 34 : i32
    %add3A_2135 = arith.addi %mul3A_2133, %add3A_2134 : i32
    %jit3A_2136 = arith.constant 4 : i32
    %div3A_2137 = arith.divsi %add3A_2135, %jit3A_2136 : i32
    %sign3A_2138 = arith.constant 0 : i32
    %sign3A_2139 = arith.cmpi sgt, %add3A_2135, %sign3A_2138 : i32
    %sign3A_2140 = arith.extui %sign3A_2139 : i1 to i32
    %sign3A_2141 = arith.constant 0 : i32
    %sign3A_2142 = arith.cmpi slt, %add3A_2135, %sign3A_2141 : i32
    %sign3A_2143 = arith.extui %sign3A_2142 : i1 to i32
    %sign3A_2144 = arith.subi %sign3A_2140, %sign3A_2143 : i32
    %sign3A_2145 = arith.constant 0 : i32
    %sign3A_2146 = arith.cmpi sgt, %jit3A_2136, %sign3A_2145 : i32
    %sign3A_2147 = arith.extui %sign3A_2146 : i1 to i32
    %sign3A_2148 = arith.constant 0 : i32
    %sign3A_2149 = arith.cmpi slt, %jit3A_2136, %sign3A_2148 : i32
    %sign3A_2150 = arith.extui %sign3A_2149 : i1 to i32
    %sign3A_2151 = arith.subi %sign3A_2147, %sign3A_2150 : i32
    %ne3A_2152 = arith.cmpi ne, %sign3A_2144, %sign3A_2151 : i32
    %rem3A_2153 = arith.remsi %add3A_2135, %jit3A_2136 : i32
    %ne3A_2154 = arith.constant 0 : i32
    %ne3A_2155 = arith.cmpi ne, %rem3A_2153, %ne3A_2154 : i32
    %and3A_2156 = arith.andi %ne3A_2152, %ne3A_2155 : i1
    %sub3A_2157 = arith.constant 1 : i32
    %sub3A_2158 = arith.subi %div3A_2137, %sub3A_2157 : i32
    %select_n3A_2159 = arith.select %and3A_2156, %sub3A_2158, %div3A_2137 : i32
    %jit3A_2160 = arith.constant 4 : i32
    %eq3A_2161 = arith.constant 0 : i32
    %eq3A_2162 = arith.cmpi eq, %jit3A_2160, %eq3A_2161 : i32
    %jit3A_2163 = arith.constant 1 : i32
    %select_n3A_2164 = arith.select %eq3A_2162, %jit3A_2163, %jit3A_2160 : i32
    %rem3A_2165 = arith.remsi %add3A_2135, %select_n3A_2164 : i32
    %ne3A_2166 = arith.constant 0 : i32
    %ne3A_2167 = arith.cmpi ne, %rem3A_2165, %ne3A_2166 : i32
    %lt3A_2168 = arith.constant 0 : i32
    %lt3A_2169 = arith.cmpi slt, %rem3A_2165, %lt3A_2168 : i32
    %lt3A_2170 = arith.constant 0 : i32
    %lt3A_2171 = arith.cmpi slt, %select_n3A_2164, %lt3A_2170 : i32
    %ne3A_2172 = arith.xori %lt3A_2169, %lt3A_2171 : i1
    %and3A_2173 = arith.andi %ne3A_2172, %ne3A_2167 : i1
    %add3A_2174 = arith.addi %rem3A_2165, %select_n3A_2164 : i32
    %select_n3A_2175 = arith.select %and3A_2173, %add3A_2174, %rem3A_2165 : i32
    %eq3A_2176 = arith.constant 34 : i32
    %eq3A_2177 = vector.broadcast %eq3A_2176 : i32 to vector<64x1xi32>
    %eq3A_2178 = arith.cmpi eq, %iota3A, %eq3A_2177 : vector<64x1xi32>
    %mul3A_2179 = arith.constant 16 : i32
    %mul3A_2180 = arith.muli %select_n3A_2159, %mul3A_2179 : i32
    %add3A_2181 = arith.addi %mul3A_2180, %select_n3A_2175 : i32
    %get3A_2182 = arith.index_cast %add3A_2181 : i32 to index
    %get3A_2183 = memref.load %arg1[%get3A_2182] : memref<512xf32, #tpu.memory_space<smem>>
    %broadcast_in_dim3A_2184 = vector.broadcast %get3A_2183 : f32 to vector<64x1xf32>
    %select_n3A_2185 = arith.select %eq3A_2178, %broadcast_in_dim3A_2184, %select_n3A_2122 : vector<64x1xi1>, vector<64x1xf32>
    %mul3A_2186 = arith.constant 16 : i32
    %mul3A_2187 = arith.muli %select_n3A_2159, %mul3A_2186 : i32
    %add3A_2188 = arith.constant 4 : i32
    %add3A_2189 = arith.addi %mul3A_2187, %add3A_2188 : i32
    %add3A_2190 = arith.addi %add3A_2189, %select_n3A_2175 : i32
    %get3A_2191 = arith.index_cast %add3A_2190 : i32 to index
    %get3A_2192 = memref.load %arg1[%get3A_2191] : memref<512xf32, #tpu.memory_space<smem>>
    %broadcast_in_dim3A_2193 = vector.broadcast %get3A_2192 : f32 to vector<64x1xf32>
    %select_n3A_2194 = arith.select %eq3A_2178, %broadcast_in_dim3A_2193, %select_n3A_2131 : vector<64x1xi1>, vector<64x1xf32>
    %mul3A_2195 = arith.constant 64 : i32
    %mul3A_2196 = arith.muli %arg0, %mul3A_2195 : i32
    %add3A_2197 = arith.constant 35 : i32
    %add3A_2198 = arith.addi %mul3A_2196, %add3A_2197 : i32
    %jit3A_2199 = arith.constant 4 : i32
    %div3A_2200 = arith.divsi %add3A_2198, %jit3A_2199 : i32
    %sign3A_2201 = arith.constant 0 : i32
    %sign3A_2202 = arith.cmpi sgt, %add3A_2198, %sign3A_2201 : i32
    %sign3A_2203 = arith.extui %sign3A_2202 : i1 to i32
    %sign3A_2204 = arith.constant 0 : i32
    %sign3A_2205 = arith.cmpi slt, %add3A_2198, %sign3A_2204 : i32
    %sign3A_2206 = arith.extui %sign3A_2205 : i1 to i32
    %sign3A_2207 = arith.subi %sign3A_2203, %sign3A_2206 : i32
    %sign3A_2208 = arith.constant 0 : i32
    %sign3A_2209 = arith.cmpi sgt, %jit3A_2199, %sign3A_2208 : i32
    %sign3A_2210 = arith.extui %sign3A_2209 : i1 to i32
    %sign3A_2211 = arith.constant 0 : i32
    %sign3A_2212 = arith.cmpi slt, %jit3A_2199, %sign3A_2211 : i32
    %sign3A_2213 = arith.extui %sign3A_2212 : i1 to i32
    %sign3A_2214 = arith.subi %sign3A_2210, %sign3A_2213 : i32
    %ne3A_2215 = arith.cmpi ne, %sign3A_2207, %sign3A_2214 : i32
    %rem3A_2216 = arith.remsi %add3A_2198, %jit3A_2199 : i32
    %ne3A_2217 = arith.constant 0 : i32
    %ne3A_2218 = arith.cmpi ne, %rem3A_2216, %ne3A_2217 : i32
    %and3A_2219 = arith.andi %ne3A_2215, %ne3A_2218 : i1
    %sub3A_2220 = arith.constant 1 : i32
    %sub3A_2221 = arith.subi %div3A_2200, %sub3A_2220 : i32
    %select_n3A_2222 = arith.select %and3A_2219, %sub3A_2221, %div3A_2200 : i32
    %jit3A_2223 = arith.constant 4 : i32
    %eq3A_2224 = arith.constant 0 : i32
    %eq3A_2225 = arith.cmpi eq, %jit3A_2223, %eq3A_2224 : i32
    %jit3A_2226 = arith.constant 1 : i32
    %select_n3A_2227 = arith.select %eq3A_2225, %jit3A_2226, %jit3A_2223 : i32
    %rem3A_2228 = arith.remsi %add3A_2198, %select_n3A_2227 : i32
    %ne3A_2229 = arith.constant 0 : i32
    %ne3A_2230 = arith.cmpi ne, %rem3A_2228, %ne3A_2229 : i32
    %lt3A_2231 = arith.constant 0 : i32
    %lt3A_2232 = arith.cmpi slt, %rem3A_2228, %lt3A_2231 : i32
    %lt3A_2233 = arith.constant 0 : i32
    %lt3A_2234 = arith.cmpi slt, %select_n3A_2227, %lt3A_2233 : i32
    %ne3A_2235 = arith.xori %lt3A_2232, %lt3A_2234 : i1
    %and3A_2236 = arith.andi %ne3A_2235, %ne3A_2230 : i1
    %add3A_2237 = arith.addi %rem3A_2228, %select_n3A_2227 : i32
    %select_n3A_2238 = arith.select %and3A_2236, %add3A_2237, %rem3A_2228 : i32
    %eq3A_2239 = arith.constant 35 : i32
    %eq3A_2240 = vector.broadcast %eq3A_2239 : i32 to vector<64x1xi32>
    %eq3A_2241 = arith.cmpi eq, %iota3A, %eq3A_2240 : vector<64x1xi32>
    %mul3A_2242 = arith.constant 16 : i32
    %mul3A_2243 = arith.muli %select_n3A_2222, %mul3A_2242 : i32
    %add3A_2244 = arith.addi %mul3A_2243, %select_n3A_2238 : i32
    %get3A_2245 = arith.index_cast %add3A_2244 : i32 to index
    %get3A_2246 = memref.load %arg1[%get3A_2245] : memref<512xf32, #tpu.memory_space<smem>>
    %broadcast_in_dim3A_2247 = vector.broadcast %get3A_2246 : f32 to vector<64x1xf32>
    %select_n3A_2248 = arith.select %eq3A_2241, %broadcast_in_dim3A_2247, %select_n3A_2185 : vector<64x1xi1>, vector<64x1xf32>
    %mul3A_2249 = arith.constant 16 : i32
    %mul3A_2250 = arith.muli %select_n3A_2222, %mul3A_2249 : i32
    %add3A_2251 = arith.constant 4 : i32
    %add3A_2252 = arith.addi %mul3A_2250, %add3A_2251 : i32
    %add3A_2253 = arith.addi %add3A_2252, %select_n3A_2238 : i32
    %get3A_2254 = arith.index_cast %add3A_2253 : i32 to index
    %get3A_2255 = memref.load %arg1[%get3A_2254] : memref<512xf32, #tpu.memory_space<smem>>
    %broadcast_in_dim3A_2256 = vector.broadcast %get3A_2255 : f32 to vector<64x1xf32>
    %select_n3A_2257 = arith.select %eq3A_2241, %broadcast_in_dim3A_2256, %select_n3A_2194 : vector<64x1xi1>, vector<64x1xf32>
    %mul3A_2258 = arith.constant 64 : i32
    %mul3A_2259 = arith.muli %arg0, %mul3A_2258 : i32
    %add3A_2260 = arith.constant 36 : i32
    %add3A_2261 = arith.addi %mul3A_2259, %add3A_2260 : i32
    %jit3A_2262 = arith.constant 4 : i32
    %div3A_2263 = arith.divsi %add3A_2261, %jit3A_2262 : i32
    %sign3A_2264 = arith.constant 0 : i32
    %sign3A_2265 = arith.cmpi sgt, %add3A_2261, %sign3A_2264 : i32
    %sign3A_2266 = arith.extui %sign3A_2265 : i1 to i32
    %sign3A_2267 = arith.constant 0 : i32
    %sign3A_2268 = arith.cmpi slt, %add3A_2261, %sign3A_2267 : i32
    %sign3A_2269 = arith.extui %sign3A_2268 : i1 to i32
    %sign3A_2270 = arith.subi %sign3A_2266, %sign3A_2269 : i32
    %sign3A_2271 = arith.constant 0 : i32
    %sign3A_2272 = arith.cmpi sgt, %jit3A_2262, %sign3A_2271 : i32
    %sign3A_2273 = arith.extui %sign3A_2272 : i1 to i32
    %sign3A_2274 = arith.constant 0 : i32
    %sign3A_2275 = arith.cmpi slt, %jit3A_2262, %sign3A_2274 : i32
    %sign3A_2276 = arith.extui %sign3A_2275 : i1 to i32
    %sign3A_2277 = arith.subi %sign3A_2273, %sign3A_2276 : i32
    %ne3A_2278 = arith.cmpi ne, %sign3A_2270, %sign3A_2277 : i32
    %rem3A_2279 = arith.remsi %add3A_2261, %jit3A_2262 : i32
    %ne3A_2280 = arith.constant 0 : i32
    %ne3A_2281 = arith.cmpi ne, %rem3A_2279, %ne3A_2280 : i32
    %and3A_2282 = arith.andi %ne3A_2278, %ne3A_2281 : i1
    %sub3A_2283 = arith.constant 1 : i32
    %sub3A_2284 = arith.subi %div3A_2263, %sub3A_2283 : i32
    %select_n3A_2285 = arith.select %and3A_2282, %sub3A_2284, %div3A_2263 : i32
    %jit3A_2286 = arith.constant 4 : i32
    %eq3A_2287 = arith.constant 0 : i32
    %eq3A_2288 = arith.cmpi eq, %jit3A_2286, %eq3A_2287 : i32
    %jit3A_2289 = arith.constant 1 : i32
    %select_n3A_2290 = arith.select %eq3A_2288, %jit3A_2289, %jit3A_2286 : i32
    %rem3A_2291 = arith.remsi %add3A_2261, %select_n3A_2290 : i32
    %ne3A_2292 = arith.constant 0 : i32
    %ne3A_2293 = arith.cmpi ne, %rem3A_2291, %ne3A_2292 : i32
    %lt3A_2294 = arith.constant 0 : i32
    %lt3A_2295 = arith.cmpi slt, %rem3A_2291, %lt3A_2294 : i32
    %lt3A_2296 = arith.constant 0 : i32
    %lt3A_2297 = arith.cmpi slt, %select_n3A_2290, %lt3A_2296 : i32
    %ne3A_2298 = arith.xori %lt3A_2295, %lt3A_2297 : i1
    %and3A_2299 = arith.andi %ne3A_2298, %ne3A_2293 : i1
    %add3A_2300 = arith.addi %rem3A_2291, %select_n3A_2290 : i32
    %select_n3A_2301 = arith.select %and3A_2299, %add3A_2300, %rem3A_2291 : i32
    %eq3A_2302 = arith.constant 36 : i32
    %eq3A_2303 = vector.broadcast %eq3A_2302 : i32 to vector<64x1xi32>
    %eq3A_2304 = arith.cmpi eq, %iota3A, %eq3A_2303 : vector<64x1xi32>
    %mul3A_2305 = arith.constant 16 : i32
    %mul3A_2306 = arith.muli %select_n3A_2285, %mul3A_2305 : i32
    %add3A_2307 = arith.addi %mul3A_2306, %select_n3A_2301 : i32
    %get3A_2308 = arith.index_cast %add3A_2307 : i32 to index
    %get3A_2309 = memref.load %arg1[%get3A_2308] : memref<512xf32, #tpu.memory_space<smem>>
    %broadcast_in_dim3A_2310 = vector.broadcast %get3A_2309 : f32 to vector<64x1xf32>
    %select_n3A_2311 = arith.select %eq3A_2304, %broadcast_in_dim3A_2310, %select_n3A_2248 : vector<64x1xi1>, vector<64x1xf32>
    %mul3A_2312 = arith.constant 16 : i32
    %mul3A_2313 = arith.muli %select_n3A_2285, %mul3A_2312 : i32
    %add3A_2314 = arith.constant 4 : i32
    %add3A_2315 = arith.addi %mul3A_2313, %add3A_2314 : i32
    %add3A_2316 = arith.addi %add3A_2315, %select_n3A_2301 : i32
    %get3A_2317 = arith.index_cast %add3A_2316 : i32 to index
    %get3A_2318 = memref.load %arg1[%get3A_2317] : memref<512xf32, #tpu.memory_space<smem>>
    %broadcast_in_dim3A_2319 = vector.broadcast %get3A_2318 : f32 to vector<64x1xf32>
    %select_n3A_2320 = arith.select %eq3A_2304, %broadcast_in_dim3A_2319, %select_n3A_2257 : vector<64x1xi1>, vector<64x1xf32>
    %mul3A_2321 = arith.constant 64 : i32
    %mul3A_2322 = arith.muli %arg0, %mul3A_2321 : i32
    %add3A_2323 = arith.constant 37 : i32
    %add3A_2324 = arith.addi %mul3A_2322, %add3A_2323 : i32
    %jit3A_2325 = arith.constant 4 : i32
    %div3A_2326 = arith.divsi %add3A_2324, %jit3A_2325 : i32
    %sign3A_2327 = arith.constant 0 : i32
    %sign3A_2328 = arith.cmpi sgt, %add3A_2324, %sign3A_2327 : i32
    %sign3A_2329 = arith.extui %sign3A_2328 : i1 to i32
    %sign3A_2330 = arith.constant 0 : i32
    %sign3A_2331 = arith.cmpi slt, %add3A_2324, %sign3A_2330 : i32
    %sign3A_2332 = arith.extui %sign3A_2331 : i1 to i32
    %sign3A_2333 = arith.subi %sign3A_2329, %sign3A_2332 : i32
    %sign3A_2334 = arith.constant 0 : i32
    %sign3A_2335 = arith.cmpi sgt, %jit3A_2325, %sign3A_2334 : i32
    %sign3A_2336 = arith.extui %sign3A_2335 : i1 to i32
    %sign3A_2337 = arith.constant 0 : i32
    %sign3A_2338 = arith.cmpi slt, %jit3A_2325, %sign3A_2337 : i32
    %sign3A_2339 = arith.extui %sign3A_2338 : i1 to i32
    %sign3A_2340 = arith.subi %sign3A_2336, %sign3A_2339 : i32
    %ne3A_2341 = arith.cmpi ne, %sign3A_2333, %sign3A_2340 : i32
    %rem3A_2342 = arith.remsi %add3A_2324, %jit3A_2325 : i32
    %ne3A_2343 = arith.constant 0 : i32
    %ne3A_2344 = arith.cmpi ne, %rem3A_2342, %ne3A_2343 : i32
    %and3A_2345 = arith.andi %ne3A_2341, %ne3A_2344 : i1
    %sub3A_2346 = arith.constant 1 : i32
    %sub3A_2347 = arith.subi %div3A_2326, %sub3A_2346 : i32
    %select_n3A_2348 = arith.select %and3A_2345, %sub3A_2347, %div3A_2326 : i32
    %jit3A_2349 = arith.constant 4 : i32
    %eq3A_2350 = arith.constant 0 : i32
    %eq3A_2351 = arith.cmpi eq, %jit3A_2349, %eq3A_2350 : i32
    %jit3A_2352 = arith.constant 1 : i32
    %select_n3A_2353 = arith.select %eq3A_2351, %jit3A_2352, %jit3A_2349 : i32
    %rem3A_2354 = arith.remsi %add3A_2324, %select_n3A_2353 : i32
    %ne3A_2355 = arith.constant 0 : i32
    %ne3A_2356 = arith.cmpi ne, %rem3A_2354, %ne3A_2355 : i32
    %lt3A_2357 = arith.constant 0 : i32
    %lt3A_2358 = arith.cmpi slt, %rem3A_2354, %lt3A_2357 : i32
    %lt3A_2359 = arith.constant 0 : i32
    %lt3A_2360 = arith.cmpi slt, %select_n3A_2353, %lt3A_2359 : i32
    %ne3A_2361 = arith.xori %lt3A_2358, %lt3A_2360 : i1
    %and3A_2362 = arith.andi %ne3A_2361, %ne3A_2356 : i1
    %add3A_2363 = arith.addi %rem3A_2354, %select_n3A_2353 : i32
    %select_n3A_2364 = arith.select %and3A_2362, %add3A_2363, %rem3A_2354 : i32
    %eq3A_2365 = arith.constant 37 : i32
    %eq3A_2366 = vector.broadcast %eq3A_2365 : i32 to vector<64x1xi32>
    %eq3A_2367 = arith.cmpi eq, %iota3A, %eq3A_2366 : vector<64x1xi32>
    %mul3A_2368 = arith.constant 16 : i32
    %mul3A_2369 = arith.muli %select_n3A_2348, %mul3A_2368 : i32
    %add3A_2370 = arith.addi %mul3A_2369, %select_n3A_2364 : i32
    %get3A_2371 = arith.index_cast %add3A_2370 : i32 to index
    %get3A_2372 = memref.load %arg1[%get3A_2371] : memref<512xf32, #tpu.memory_space<smem>>
    %broadcast_in_dim3A_2373 = vector.broadcast %get3A_2372 : f32 to vector<64x1xf32>
    %select_n3A_2374 = arith.select %eq3A_2367, %broadcast_in_dim3A_2373, %select_n3A_2311 : vector<64x1xi1>, vector<64x1xf32>
    %mul3A_2375 = arith.constant 16 : i32
    %mul3A_2376 = arith.muli %select_n3A_2348, %mul3A_2375 : i32
    %add3A_2377 = arith.constant 4 : i32
    %add3A_2378 = arith.addi %mul3A_2376, %add3A_2377 : i32
    %add3A_2379 = arith.addi %add3A_2378, %select_n3A_2364 : i32
    %get3A_2380 = arith.index_cast %add3A_2379 : i32 to index
    %get3A_2381 = memref.load %arg1[%get3A_2380] : memref<512xf32, #tpu.memory_space<smem>>
    %broadcast_in_dim3A_2382 = vector.broadcast %get3A_2381 : f32 to vector<64x1xf32>
    %select_n3A_2383 = arith.select %eq3A_2367, %broadcast_in_dim3A_2382, %select_n3A_2320 : vector<64x1xi1>, vector<64x1xf32>
    %mul3A_2384 = arith.constant 64 : i32
    %mul3A_2385 = arith.muli %arg0, %mul3A_2384 : i32
    %add3A_2386 = arith.constant 38 : i32
    %add3A_2387 = arith.addi %mul3A_2385, %add3A_2386 : i32
    %jit3A_2388 = arith.constant 4 : i32
    %div3A_2389 = arith.divsi %add3A_2387, %jit3A_2388 : i32
    %sign3A_2390 = arith.constant 0 : i32
    %sign3A_2391 = arith.cmpi sgt, %add3A_2387, %sign3A_2390 : i32
    %sign3A_2392 = arith.extui %sign3A_2391 : i1 to i32
    %sign3A_2393 = arith.constant 0 : i32
    %sign3A_2394 = arith.cmpi slt, %add3A_2387, %sign3A_2393 : i32
    %sign3A_2395 = arith.extui %sign3A_2394 : i1 to i32
    %sign3A_2396 = arith.subi %sign3A_2392, %sign3A_2395 : i32
    %sign3A_2397 = arith.constant 0 : i32
    %sign3A_2398 = arith.cmpi sgt, %jit3A_2388, %sign3A_2397 : i32
    %sign3A_2399 = arith.extui %sign3A_2398 : i1 to i32
    %sign3A_2400 = arith.constant 0 : i32
    %sign3A_2401 = arith.cmpi slt, %jit3A_2388, %sign3A_2400 : i32
    %sign3A_2402 = arith.extui %sign3A_2401 : i1 to i32
    %sign3A_2403 = arith.subi %sign3A_2399, %sign3A_2402 : i32
    %ne3A_2404 = arith.cmpi ne, %sign3A_2396, %sign3A_2403 : i32
    %rem3A_2405 = arith.remsi %add3A_2387, %jit3A_2388 : i32
    %ne3A_2406 = arith.constant 0 : i32
    %ne3A_2407 = arith.cmpi ne, %rem3A_2405, %ne3A_2406 : i32
    %and3A_2408 = arith.andi %ne3A_2404, %ne3A_2407 : i1
    %sub3A_2409 = arith.constant 1 : i32
    %sub3A_2410 = arith.subi %div3A_2389, %sub3A_2409 : i32
    %select_n3A_2411 = arith.select %and3A_2408, %sub3A_2410, %div3A_2389 : i32
    %jit3A_2412 = arith.constant 4 : i32
    %eq3A_2413 = arith.constant 0 : i32
    %eq3A_2414 = arith.cmpi eq, %jit3A_2412, %eq3A_2413 : i32
    %jit3A_2415 = arith.constant 1 : i32
    %select_n3A_2416 = arith.select %eq3A_2414, %jit3A_2415, %jit3A_2412 : i32
    %rem3A_2417 = arith.remsi %add3A_2387, %select_n3A_2416 : i32
    %ne3A_2418 = arith.constant 0 : i32
    %ne3A_2419 = arith.cmpi ne, %rem3A_2417, %ne3A_2418 : i32
    %lt3A_2420 = arith.constant 0 : i32
    %lt3A_2421 = arith.cmpi slt, %rem3A_2417, %lt3A_2420 : i32
    %lt3A_2422 = arith.constant 0 : i32
    %lt3A_2423 = arith.cmpi slt, %select_n3A_2416, %lt3A_2422 : i32
    %ne3A_2424 = arith.xori %lt3A_2421, %lt3A_2423 : i1
    %and3A_2425 = arith.andi %ne3A_2424, %ne3A_2419 : i1
    %add3A_2426 = arith.addi %rem3A_2417, %select_n3A_2416 : i32
    %select_n3A_2427 = arith.select %and3A_2425, %add3A_2426, %rem3A_2417 : i32
    %eq3A_2428 = arith.constant 38 : i32
    %eq3A_2429 = vector.broadcast %eq3A_2428 : i32 to vector<64x1xi32>
    %eq3A_2430 = arith.cmpi eq, %iota3A, %eq3A_2429 : vector<64x1xi32>
    %mul3A_2431 = arith.constant 16 : i32
    %mul3A_2432 = arith.muli %select_n3A_2411, %mul3A_2431 : i32
    %add3A_2433 = arith.addi %mul3A_2432, %select_n3A_2427 : i32
    %get3A_2434 = arith.index_cast %add3A_2433 : i32 to index
    %get3A_2435 = memref.load %arg1[%get3A_2434] : memref<512xf32, #tpu.memory_space<smem>>
    %broadcast_in_dim3A_2436 = vector.broadcast %get3A_2435 : f32 to vector<64x1xf32>
    %select_n3A_2437 = arith.select %eq3A_2430, %broadcast_in_dim3A_2436, %select_n3A_2374 : vector<64x1xi1>, vector<64x1xf32>
    %mul3A_2438 = arith.constant 16 : i32
    %mul3A_2439 = arith.muli %select_n3A_2411, %mul3A_2438 : i32
    %add3A_2440 = arith.constant 4 : i32
    %add3A_2441 = arith.addi %mul3A_2439, %add3A_2440 : i32
    %add3A_2442 = arith.addi %add3A_2441, %select_n3A_2427 : i32
    %get3A_2443 = arith.index_cast %add3A_2442 : i32 to index
    %get3A_2444 = memref.load %arg1[%get3A_2443] : memref<512xf32, #tpu.memory_space<smem>>
    %broadcast_in_dim3A_2445 = vector.broadcast %get3A_2444 : f32 to vector<64x1xf32>
    %select_n3A_2446 = arith.select %eq3A_2430, %broadcast_in_dim3A_2445, %select_n3A_2383 : vector<64x1xi1>, vector<64x1xf32>
    %mul3A_2447 = arith.constant 64 : i32
    %mul3A_2448 = arith.muli %arg0, %mul3A_2447 : i32
    %add3A_2449 = arith.constant 39 : i32
    %add3A_2450 = arith.addi %mul3A_2448, %add3A_2449 : i32
    %jit3A_2451 = arith.constant 4 : i32
    %div3A_2452 = arith.divsi %add3A_2450, %jit3A_2451 : i32
    %sign3A_2453 = arith.constant 0 : i32
    %sign3A_2454 = arith.cmpi sgt, %add3A_2450, %sign3A_2453 : i32
    %sign3A_2455 = arith.extui %sign3A_2454 : i1 to i32
    %sign3A_2456 = arith.constant 0 : i32
    %sign3A_2457 = arith.cmpi slt, %add3A_2450, %sign3A_2456 : i32
    %sign3A_2458 = arith.extui %sign3A_2457 : i1 to i32
    %sign3A_2459 = arith.subi %sign3A_2455, %sign3A_2458 : i32
    %sign3A_2460 = arith.constant 0 : i32
    %sign3A_2461 = arith.cmpi sgt, %jit3A_2451, %sign3A_2460 : i32
    %sign3A_2462 = arith.extui %sign3A_2461 : i1 to i32
    %sign3A_2463 = arith.constant 0 : i32
    %sign3A_2464 = arith.cmpi slt, %jit3A_2451, %sign3A_2463 : i32
    %sign3A_2465 = arith.extui %sign3A_2464 : i1 to i32
    %sign3A_2466 = arith.subi %sign3A_2462, %sign3A_2465 : i32
    %ne3A_2467 = arith.cmpi ne, %sign3A_2459, %sign3A_2466 : i32
    %rem3A_2468 = arith.remsi %add3A_2450, %jit3A_2451 : i32
    %ne3A_2469 = arith.constant 0 : i32
    %ne3A_2470 = arith.cmpi ne, %rem3A_2468, %ne3A_2469 : i32
    %and3A_2471 = arith.andi %ne3A_2467, %ne3A_2470 : i1
    %sub3A_2472 = arith.constant 1 : i32
    %sub3A_2473 = arith.subi %div3A_2452, %sub3A_2472 : i32
    %select_n3A_2474 = arith.select %and3A_2471, %sub3A_2473, %div3A_2452 : i32
    %jit3A_2475 = arith.constant 4 : i32
    %eq3A_2476 = arith.constant 0 : i32
    %eq3A_2477 = arith.cmpi eq, %jit3A_2475, %eq3A_2476 : i32
    %jit3A_2478 = arith.constant 1 : i32
    %select_n3A_2479 = arith.select %eq3A_2477, %jit3A_2478, %jit3A_2475 : i32
    %rem3A_2480 = arith.remsi %add3A_2450, %select_n3A_2479 : i32
    %ne3A_2481 = arith.constant 0 : i32
    %ne3A_2482 = arith.cmpi ne, %rem3A_2480, %ne3A_2481 : i32
    %lt3A_2483 = arith.constant 0 : i32
    %lt3A_2484 = arith.cmpi slt, %rem3A_2480, %lt3A_2483 : i32
    %lt3A_2485 = arith.constant 0 : i32
    %lt3A_2486 = arith.cmpi slt, %select_n3A_2479, %lt3A_2485 : i32
    %ne3A_2487 = arith.xori %lt3A_2484, %lt3A_2486 : i1
    %and3A_2488 = arith.andi %ne3A_2487, %ne3A_2482 : i1
    %add3A_2489 = arith.addi %rem3A_2480, %select_n3A_2479 : i32
    %select_n3A_2490 = arith.select %and3A_2488, %add3A_2489, %rem3A_2480 : i32
    %eq3A_2491 = arith.constant 39 : i32
    %eq3A_2492 = vector.broadcast %eq3A_2491 : i32 to vector<64x1xi32>
    %eq3A_2493 = arith.cmpi eq, %iota3A, %eq3A_2492 : vector<64x1xi32>
    %mul3A_2494 = arith.constant 16 : i32
    %mul3A_2495 = arith.muli %select_n3A_2474, %mul3A_2494 : i32
    %add3A_2496 = arith.addi %mul3A_2495, %select_n3A_2490 : i32
    %get3A_2497 = arith.index_cast %add3A_2496 : i32 to index
    %get3A_2498 = memref.load %arg1[%get3A_2497] : memref<512xf32, #tpu.memory_space<smem>>
    %broadcast_in_dim3A_2499 = vector.broadcast %get3A_2498 : f32 to vector<64x1xf32>
    %select_n3A_2500 = arith.select %eq3A_2493, %broadcast_in_dim3A_2499, %select_n3A_2437 : vector<64x1xi1>, vector<64x1xf32>
    %mul3A_2501 = arith.constant 16 : i32
    %mul3A_2502 = arith.muli %select_n3A_2474, %mul3A_2501 : i32
    %add3A_2503 = arith.constant 4 : i32
    %add3A_2504 = arith.addi %mul3A_2502, %add3A_2503 : i32
    %add3A_2505 = arith.addi %add3A_2504, %select_n3A_2490 : i32
    %get3A_2506 = arith.index_cast %add3A_2505 : i32 to index
    %get3A_2507 = memref.load %arg1[%get3A_2506] : memref<512xf32, #tpu.memory_space<smem>>
    %broadcast_in_dim3A_2508 = vector.broadcast %get3A_2507 : f32 to vector<64x1xf32>
    %select_n3A_2509 = arith.select %eq3A_2493, %broadcast_in_dim3A_2508, %select_n3A_2446 : vector<64x1xi1>, vector<64x1xf32>
    %mul3A_2510 = arith.constant 64 : i32
    %mul3A_2511 = arith.muli %arg0, %mul3A_2510 : i32
    %add3A_2512 = arith.constant 40 : i32
    %add3A_2513 = arith.addi %mul3A_2511, %add3A_2512 : i32
    %jit3A_2514 = arith.constant 4 : i32
    %div3A_2515 = arith.divsi %add3A_2513, %jit3A_2514 : i32
    %sign3A_2516 = arith.constant 0 : i32
    %sign3A_2517 = arith.cmpi sgt, %add3A_2513, %sign3A_2516 : i32
    %sign3A_2518 = arith.extui %sign3A_2517 : i1 to i32
    %sign3A_2519 = arith.constant 0 : i32
    %sign3A_2520 = arith.cmpi slt, %add3A_2513, %sign3A_2519 : i32
    %sign3A_2521 = arith.extui %sign3A_2520 : i1 to i32
    %sign3A_2522 = arith.subi %sign3A_2518, %sign3A_2521 : i32
    %sign3A_2523 = arith.constant 0 : i32
    %sign3A_2524 = arith.cmpi sgt, %jit3A_2514, %sign3A_2523 : i32
    %sign3A_2525 = arith.extui %sign3A_2524 : i1 to i32
    %sign3A_2526 = arith.constant 0 : i32
    %sign3A_2527 = arith.cmpi slt, %jit3A_2514, %sign3A_2526 : i32
    %sign3A_2528 = arith.extui %sign3A_2527 : i1 to i32
    %sign3A_2529 = arith.subi %sign3A_2525, %sign3A_2528 : i32
    %ne3A_2530 = arith.cmpi ne, %sign3A_2522, %sign3A_2529 : i32
    %rem3A_2531 = arith.remsi %add3A_2513, %jit3A_2514 : i32
    %ne3A_2532 = arith.constant 0 : i32
    %ne3A_2533 = arith.cmpi ne, %rem3A_2531, %ne3A_2532 : i32
    %and3A_2534 = arith.andi %ne3A_2530, %ne3A_2533 : i1
    %sub3A_2535 = arith.constant 1 : i32
    %sub3A_2536 = arith.subi %div3A_2515, %sub3A_2535 : i32
    %select_n3A_2537 = arith.select %and3A_2534, %sub3A_2536, %div3A_2515 : i32
    %jit3A_2538 = arith.constant 4 : i32
    %eq3A_2539 = arith.constant 0 : i32
    %eq3A_2540 = arith.cmpi eq, %jit3A_2538, %eq3A_2539 : i32
    %jit3A_2541 = arith.constant 1 : i32
    %select_n3A_2542 = arith.select %eq3A_2540, %jit3A_2541, %jit3A_2538 : i32
    %rem3A_2543 = arith.remsi %add3A_2513, %select_n3A_2542 : i32
    %ne3A_2544 = arith.constant 0 : i32
    %ne3A_2545 = arith.cmpi ne, %rem3A_2543, %ne3A_2544 : i32
    %lt3A_2546 = arith.constant 0 : i32
    %lt3A_2547 = arith.cmpi slt, %rem3A_2543, %lt3A_2546 : i32
    %lt3A_2548 = arith.constant 0 : i32
    %lt3A_2549 = arith.cmpi slt, %select_n3A_2542, %lt3A_2548 : i32
    %ne3A_2550 = arith.xori %lt3A_2547, %lt3A_2549 : i1
    %and3A_2551 = arith.andi %ne3A_2550, %ne3A_2545 : i1
    %add3A_2552 = arith.addi %rem3A_2543, %select_n3A_2542 : i32
    %select_n3A_2553 = arith.select %and3A_2551, %add3A_2552, %rem3A_2543 : i32
    %eq3A_2554 = arith.constant 40 : i32
    %eq3A_2555 = vector.broadcast %eq3A_2554 : i32 to vector<64x1xi32>
    %eq3A_2556 = arith.cmpi eq, %iota3A, %eq3A_2555 : vector<64x1xi32>
    %mul3A_2557 = arith.constant 16 : i32
    %mul3A_2558 = arith.muli %select_n3A_2537, %mul3A_2557 : i32
    %add3A_2559 = arith.addi %mul3A_2558, %select_n3A_2553 : i32
    %get3A_2560 = arith.index_cast %add3A_2559 : i32 to index
    %get3A_2561 = memref.load %arg1[%get3A_2560] : memref<512xf32, #tpu.memory_space<smem>>
    %broadcast_in_dim3A_2562 = vector.broadcast %get3A_2561 : f32 to vector<64x1xf32>
    %select_n3A_2563 = arith.select %eq3A_2556, %broadcast_in_dim3A_2562, %select_n3A_2500 : vector<64x1xi1>, vector<64x1xf32>
    %mul3A_2564 = arith.constant 16 : i32
    %mul3A_2565 = arith.muli %select_n3A_2537, %mul3A_2564 : i32
    %add3A_2566 = arith.constant 4 : i32
    %add3A_2567 = arith.addi %mul3A_2565, %add3A_2566 : i32
    %add3A_2568 = arith.addi %add3A_2567, %select_n3A_2553 : i32
    %get3A_2569 = arith.index_cast %add3A_2568 : i32 to index
    %get3A_2570 = memref.load %arg1[%get3A_2569] : memref<512xf32, #tpu.memory_space<smem>>
    %broadcast_in_dim3A_2571 = vector.broadcast %get3A_2570 : f32 to vector<64x1xf32>
    %select_n3A_2572 = arith.select %eq3A_2556, %broadcast_in_dim3A_2571, %select_n3A_2509 : vector<64x1xi1>, vector<64x1xf32>
    %mul3A_2573 = arith.constant 64 : i32
    %mul3A_2574 = arith.muli %arg0, %mul3A_2573 : i32
    %add3A_2575 = arith.constant 41 : i32
    %add3A_2576 = arith.addi %mul3A_2574, %add3A_2575 : i32
    %jit3A_2577 = arith.constant 4 : i32
    %div3A_2578 = arith.divsi %add3A_2576, %jit3A_2577 : i32
    %sign3A_2579 = arith.constant 0 : i32
    %sign3A_2580 = arith.cmpi sgt, %add3A_2576, %sign3A_2579 : i32
    %sign3A_2581 = arith.extui %sign3A_2580 : i1 to i32
    %sign3A_2582 = arith.constant 0 : i32
    %sign3A_2583 = arith.cmpi slt, %add3A_2576, %sign3A_2582 : i32
    %sign3A_2584 = arith.extui %sign3A_2583 : i1 to i32
    %sign3A_2585 = arith.subi %sign3A_2581, %sign3A_2584 : i32
    %sign3A_2586 = arith.constant 0 : i32
    %sign3A_2587 = arith.cmpi sgt, %jit3A_2577, %sign3A_2586 : i32
    %sign3A_2588 = arith.extui %sign3A_2587 : i1 to i32
    %sign3A_2589 = arith.constant 0 : i32
    %sign3A_2590 = arith.cmpi slt, %jit3A_2577, %sign3A_2589 : i32
    %sign3A_2591 = arith.extui %sign3A_2590 : i1 to i32
    %sign3A_2592 = arith.subi %sign3A_2588, %sign3A_2591 : i32
    %ne3A_2593 = arith.cmpi ne, %sign3A_2585, %sign3A_2592 : i32
    %rem3A_2594 = arith.remsi %add3A_2576, %jit3A_2577 : i32
    %ne3A_2595 = arith.constant 0 : i32
    %ne3A_2596 = arith.cmpi ne, %rem3A_2594, %ne3A_2595 : i32
    %and3A_2597 = arith.andi %ne3A_2593, %ne3A_2596 : i1
    %sub3A_2598 = arith.constant 1 : i32
    %sub3A_2599 = arith.subi %div3A_2578, %sub3A_2598 : i32
    %select_n3A_2600 = arith.select %and3A_2597, %sub3A_2599, %div3A_2578 : i32
    %jit3A_2601 = arith.constant 4 : i32
    %eq3A_2602 = arith.constant 0 : i32
    %eq3A_2603 = arith.cmpi eq, %jit3A_2601, %eq3A_2602 : i32
    %jit3A_2604 = arith.constant 1 : i32
    %select_n3A_2605 = arith.select %eq3A_2603, %jit3A_2604, %jit3A_2601 : i32
    %rem3A_2606 = arith.remsi %add3A_2576, %select_n3A_2605 : i32
    %ne3A_2607 = arith.constant 0 : i32
    %ne3A_2608 = arith.cmpi ne, %rem3A_2606, %ne3A_2607 : i32
    %lt3A_2609 = arith.constant 0 : i32
    %lt3A_2610 = arith.cmpi slt, %rem3A_2606, %lt3A_2609 : i32
    %lt3A_2611 = arith.constant 0 : i32
    %lt3A_2612 = arith.cmpi slt, %select_n3A_2605, %lt3A_2611 : i32
    %ne3A_2613 = arith.xori %lt3A_2610, %lt3A_2612 : i1
    %and3A_2614 = arith.andi %ne3A_2613, %ne3A_2608 : i1
    %add3A_2615 = arith.addi %rem3A_2606, %select_n3A_2605 : i32
    %select_n3A_2616 = arith.select %and3A_2614, %add3A_2615, %rem3A_2606 : i32
    %eq3A_2617 = arith.constant 41 : i32
    %eq3A_2618 = vector.broadcast %eq3A_2617 : i32 to vector<64x1xi32>
    %eq3A_2619 = arith.cmpi eq, %iota3A, %eq3A_2618 : vector<64x1xi32>
    %mul3A_2620 = arith.constant 16 : i32
    %mul3A_2621 = arith.muli %select_n3A_2600, %mul3A_2620 : i32
    %add3A_2622 = arith.addi %mul3A_2621, %select_n3A_2616 : i32
    %get3A_2623 = arith.index_cast %add3A_2622 : i32 to index
    %get3A_2624 = memref.load %arg1[%get3A_2623] : memref<512xf32, #tpu.memory_space<smem>>
    %broadcast_in_dim3A_2625 = vector.broadcast %get3A_2624 : f32 to vector<64x1xf32>
    %select_n3A_2626 = arith.select %eq3A_2619, %broadcast_in_dim3A_2625, %select_n3A_2563 : vector<64x1xi1>, vector<64x1xf32>
    %mul3A_2627 = arith.constant 16 : i32
    %mul3A_2628 = arith.muli %select_n3A_2600, %mul3A_2627 : i32
    %add3A_2629 = arith.constant 4 : i32
    %add3A_2630 = arith.addi %mul3A_2628, %add3A_2629 : i32
    %add3A_2631 = arith.addi %add3A_2630, %select_n3A_2616 : i32
    %get3A_2632 = arith.index_cast %add3A_2631 : i32 to index
    %get3A_2633 = memref.load %arg1[%get3A_2632] : memref<512xf32, #tpu.memory_space<smem>>
    %broadcast_in_dim3A_2634 = vector.broadcast %get3A_2633 : f32 to vector<64x1xf32>
    %select_n3A_2635 = arith.select %eq3A_2619, %broadcast_in_dim3A_2634, %select_n3A_2572 : vector<64x1xi1>, vector<64x1xf32>
    %mul3A_2636 = arith.constant 64 : i32
    %mul3A_2637 = arith.muli %arg0, %mul3A_2636 : i32
    %add3A_2638 = arith.constant 42 : i32
    %add3A_2639 = arith.addi %mul3A_2637, %add3A_2638 : i32
    %jit3A_2640 = arith.constant 4 : i32
    %div3A_2641 = arith.divsi %add3A_2639, %jit3A_2640 : i32
    %sign3A_2642 = arith.constant 0 : i32
    %sign3A_2643 = arith.cmpi sgt, %add3A_2639, %sign3A_2642 : i32
    %sign3A_2644 = arith.extui %sign3A_2643 : i1 to i32
    %sign3A_2645 = arith.constant 0 : i32
    %sign3A_2646 = arith.cmpi slt, %add3A_2639, %sign3A_2645 : i32
    %sign3A_2647 = arith.extui %sign3A_2646 : i1 to i32
    %sign3A_2648 = arith.subi %sign3A_2644, %sign3A_2647 : i32
    %sign3A_2649 = arith.constant 0 : i32
    %sign3A_2650 = arith.cmpi sgt, %jit3A_2640, %sign3A_2649 : i32
    %sign3A_2651 = arith.extui %sign3A_2650 : i1 to i32
    %sign3A_2652 = arith.constant 0 : i32
    %sign3A_2653 = arith.cmpi slt, %jit3A_2640, %sign3A_2652 : i32
    %sign3A_2654 = arith.extui %sign3A_2653 : i1 to i32
    %sign3A_2655 = arith.subi %sign3A_2651, %sign3A_2654 : i32
    %ne3A_2656 = arith.cmpi ne, %sign3A_2648, %sign3A_2655 : i32
    %rem3A_2657 = arith.remsi %add3A_2639, %jit3A_2640 : i32
    %ne3A_2658 = arith.constant 0 : i32
    %ne3A_2659 = arith.cmpi ne, %rem3A_2657, %ne3A_2658 : i32
    %and3A_2660 = arith.andi %ne3A_2656, %ne3A_2659 : i1
    %sub3A_2661 = arith.constant 1 : i32
    %sub3A_2662 = arith.subi %div3A_2641, %sub3A_2661 : i32
    %select_n3A_2663 = arith.select %and3A_2660, %sub3A_2662, %div3A_2641 : i32
    %jit3A_2664 = arith.constant 4 : i32
    %eq3A_2665 = arith.constant 0 : i32
    %eq3A_2666 = arith.cmpi eq, %jit3A_2664, %eq3A_2665 : i32
    %jit3A_2667 = arith.constant 1 : i32
    %select_n3A_2668 = arith.select %eq3A_2666, %jit3A_2667, %jit3A_2664 : i32
    %rem3A_2669 = arith.remsi %add3A_2639, %select_n3A_2668 : i32
    %ne3A_2670 = arith.constant 0 : i32
    %ne3A_2671 = arith.cmpi ne, %rem3A_2669, %ne3A_2670 : i32
    %lt3A_2672 = arith.constant 0 : i32
    %lt3A_2673 = arith.cmpi slt, %rem3A_2669, %lt3A_2672 : i32
    %lt3A_2674 = arith.constant 0 : i32
    %lt3A_2675 = arith.cmpi slt, %select_n3A_2668, %lt3A_2674 : i32
    %ne3A_2676 = arith.xori %lt3A_2673, %lt3A_2675 : i1
    %and3A_2677 = arith.andi %ne3A_2676, %ne3A_2671 : i1
    %add3A_2678 = arith.addi %rem3A_2669, %select_n3A_2668 : i32
    %select_n3A_2679 = arith.select %and3A_2677, %add3A_2678, %rem3A_2669 : i32
    %eq3A_2680 = arith.constant 42 : i32
    %eq3A_2681 = vector.broadcast %eq3A_2680 : i32 to vector<64x1xi32>
    %eq3A_2682 = arith.cmpi eq, %iota3A, %eq3A_2681 : vector<64x1xi32>
    %mul3A_2683 = arith.constant 16 : i32
    %mul3A_2684 = arith.muli %select_n3A_2663, %mul3A_2683 : i32
    %add3A_2685 = arith.addi %mul3A_2684, %select_n3A_2679 : i32
    %get3A_2686 = arith.index_cast %add3A_2685 : i32 to index
    %get3A_2687 = memref.load %arg1[%get3A_2686] : memref<512xf32, #tpu.memory_space<smem>>
    %broadcast_in_dim3A_2688 = vector.broadcast %get3A_2687 : f32 to vector<64x1xf32>
    %select_n3A_2689 = arith.select %eq3A_2682, %broadcast_in_dim3A_2688, %select_n3A_2626 : vector<64x1xi1>, vector<64x1xf32>
    %mul3A_2690 = arith.constant 16 : i32
    %mul3A_2691 = arith.muli %select_n3A_2663, %mul3A_2690 : i32
    %add3A_2692 = arith.constant 4 : i32
    %add3A_2693 = arith.addi %mul3A_2691, %add3A_2692 : i32
    %add3A_2694 = arith.addi %add3A_2693, %select_n3A_2679 : i32
    %get3A_2695 = arith.index_cast %add3A_2694 : i32 to index
    %get3A_2696 = memref.load %arg1[%get3A_2695] : memref<512xf32, #tpu.memory_space<smem>>
    %broadcast_in_dim3A_2697 = vector.broadcast %get3A_2696 : f32 to vector<64x1xf32>
    %select_n3A_2698 = arith.select %eq3A_2682, %broadcast_in_dim3A_2697, %select_n3A_2635 : vector<64x1xi1>, vector<64x1xf32>
    %mul3A_2699 = arith.constant 64 : i32
    %mul3A_2700 = arith.muli %arg0, %mul3A_2699 : i32
    %add3A_2701 = arith.constant 43 : i32
    %add3A_2702 = arith.addi %mul3A_2700, %add3A_2701 : i32
    %jit3A_2703 = arith.constant 4 : i32
    %div3A_2704 = arith.divsi %add3A_2702, %jit3A_2703 : i32
    %sign3A_2705 = arith.constant 0 : i32
    %sign3A_2706 = arith.cmpi sgt, %add3A_2702, %sign3A_2705 : i32
    %sign3A_2707 = arith.extui %sign3A_2706 : i1 to i32
    %sign3A_2708 = arith.constant 0 : i32
    %sign3A_2709 = arith.cmpi slt, %add3A_2702, %sign3A_2708 : i32
    %sign3A_2710 = arith.extui %sign3A_2709 : i1 to i32
    %sign3A_2711 = arith.subi %sign3A_2707, %sign3A_2710 : i32
    %sign3A_2712 = arith.constant 0 : i32
    %sign3A_2713 = arith.cmpi sgt, %jit3A_2703, %sign3A_2712 : i32
    %sign3A_2714 = arith.extui %sign3A_2713 : i1 to i32
    %sign3A_2715 = arith.constant 0 : i32
    %sign3A_2716 = arith.cmpi slt, %jit3A_2703, %sign3A_2715 : i32
    %sign3A_2717 = arith.extui %sign3A_2716 : i1 to i32
    %sign3A_2718 = arith.subi %sign3A_2714, %sign3A_2717 : i32
    %ne3A_2719 = arith.cmpi ne, %sign3A_2711, %sign3A_2718 : i32
    %rem3A_2720 = arith.remsi %add3A_2702, %jit3A_2703 : i32
    %ne3A_2721 = arith.constant 0 : i32
    %ne3A_2722 = arith.cmpi ne, %rem3A_2720, %ne3A_2721 : i32
    %and3A_2723 = arith.andi %ne3A_2719, %ne3A_2722 : i1
    %sub3A_2724 = arith.constant 1 : i32
    %sub3A_2725 = arith.subi %div3A_2704, %sub3A_2724 : i32
    %select_n3A_2726 = arith.select %and3A_2723, %sub3A_2725, %div3A_2704 : i32
    %jit3A_2727 = arith.constant 4 : i32
    %eq3A_2728 = arith.constant 0 : i32
    %eq3A_2729 = arith.cmpi eq, %jit3A_2727, %eq3A_2728 : i32
    %jit3A_2730 = arith.constant 1 : i32
    %select_n3A_2731 = arith.select %eq3A_2729, %jit3A_2730, %jit3A_2727 : i32
    %rem3A_2732 = arith.remsi %add3A_2702, %select_n3A_2731 : i32
    %ne3A_2733 = arith.constant 0 : i32
    %ne3A_2734 = arith.cmpi ne, %rem3A_2732, %ne3A_2733 : i32
    %lt3A_2735 = arith.constant 0 : i32
    %lt3A_2736 = arith.cmpi slt, %rem3A_2732, %lt3A_2735 : i32
    %lt3A_2737 = arith.constant 0 : i32
    %lt3A_2738 = arith.cmpi slt, %select_n3A_2731, %lt3A_2737 : i32
    %ne3A_2739 = arith.xori %lt3A_2736, %lt3A_2738 : i1
    %and3A_2740 = arith.andi %ne3A_2739, %ne3A_2734 : i1
    %add3A_2741 = arith.addi %rem3A_2732, %select_n3A_2731 : i32
    %select_n3A_2742 = arith.select %and3A_2740, %add3A_2741, %rem3A_2732 : i32
    %eq3A_2743 = arith.constant 43 : i32
    %eq3A_2744 = vector.broadcast %eq3A_2743 : i32 to vector<64x1xi32>
    %eq3A_2745 = arith.cmpi eq, %iota3A, %eq3A_2744 : vector<64x1xi32>
    %mul3A_2746 = arith.constant 16 : i32
    %mul3A_2747 = arith.muli %select_n3A_2726, %mul3A_2746 : i32
    %add3A_2748 = arith.addi %mul3A_2747, %select_n3A_2742 : i32
    %get3A_2749 = arith.index_cast %add3A_2748 : i32 to index
    %get3A_2750 = memref.load %arg1[%get3A_2749] : memref<512xf32, #tpu.memory_space<smem>>
    %broadcast_in_dim3A_2751 = vector.broadcast %get3A_2750 : f32 to vector<64x1xf32>
    %select_n3A_2752 = arith.select %eq3A_2745, %broadcast_in_dim3A_2751, %select_n3A_2689 : vector<64x1xi1>, vector<64x1xf32>
    %mul3A_2753 = arith.constant 16 : i32
    %mul3A_2754 = arith.muli %select_n3A_2726, %mul3A_2753 : i32
    %add3A_2755 = arith.constant 4 : i32
    %add3A_2756 = arith.addi %mul3A_2754, %add3A_2755 : i32
    %add3A_2757 = arith.addi %add3A_2756, %select_n3A_2742 : i32
    %get3A_2758 = arith.index_cast %add3A_2757 : i32 to index
    %get3A_2759 = memref.load %arg1[%get3A_2758] : memref<512xf32, #tpu.memory_space<smem>>
    %broadcast_in_dim3A_2760 = vector.broadcast %get3A_2759 : f32 to vector<64x1xf32>
    %select_n3A_2761 = arith.select %eq3A_2745, %broadcast_in_dim3A_2760, %select_n3A_2698 : vector<64x1xi1>, vector<64x1xf32>
    %mul3A_2762 = arith.constant 64 : i32
    %mul3A_2763 = arith.muli %arg0, %mul3A_2762 : i32
    %add3A_2764 = arith.constant 44 : i32
    %add3A_2765 = arith.addi %mul3A_2763, %add3A_2764 : i32
    %jit3A_2766 = arith.constant 4 : i32
    %div3A_2767 = arith.divsi %add3A_2765, %jit3A_2766 : i32
    %sign3A_2768 = arith.constant 0 : i32
    %sign3A_2769 = arith.cmpi sgt, %add3A_2765, %sign3A_2768 : i32
    %sign3A_2770 = arith.extui %sign3A_2769 : i1 to i32
    %sign3A_2771 = arith.constant 0 : i32
    %sign3A_2772 = arith.cmpi slt, %add3A_2765, %sign3A_2771 : i32
    %sign3A_2773 = arith.extui %sign3A_2772 : i1 to i32
    %sign3A_2774 = arith.subi %sign3A_2770, %sign3A_2773 : i32
    %sign3A_2775 = arith.constant 0 : i32
    %sign3A_2776 = arith.cmpi sgt, %jit3A_2766, %sign3A_2775 : i32
    %sign3A_2777 = arith.extui %sign3A_2776 : i1 to i32
    %sign3A_2778 = arith.constant 0 : i32
    %sign3A_2779 = arith.cmpi slt, %jit3A_2766, %sign3A_2778 : i32
    %sign3A_2780 = arith.extui %sign3A_2779 : i1 to i32
    %sign3A_2781 = arith.subi %sign3A_2777, %sign3A_2780 : i32
    %ne3A_2782 = arith.cmpi ne, %sign3A_2774, %sign3A_2781 : i32
    %rem3A_2783 = arith.remsi %add3A_2765, %jit3A_2766 : i32
    %ne3A_2784 = arith.constant 0 : i32
    %ne3A_2785 = arith.cmpi ne, %rem3A_2783, %ne3A_2784 : i32
    %and3A_2786 = arith.andi %ne3A_2782, %ne3A_2785 : i1
    %sub3A_2787 = arith.constant 1 : i32
    %sub3A_2788 = arith.subi %div3A_2767, %sub3A_2787 : i32
    %select_n3A_2789 = arith.select %and3A_2786, %sub3A_2788, %div3A_2767 : i32
    %jit3A_2790 = arith.constant 4 : i32
    %eq3A_2791 = arith.constant 0 : i32
    %eq3A_2792 = arith.cmpi eq, %jit3A_2790, %eq3A_2791 : i32
    %jit3A_2793 = arith.constant 1 : i32
    %select_n3A_2794 = arith.select %eq3A_2792, %jit3A_2793, %jit3A_2790 : i32
    %rem3A_2795 = arith.remsi %add3A_2765, %select_n3A_2794 : i32
    %ne3A_2796 = arith.constant 0 : i32
    %ne3A_2797 = arith.cmpi ne, %rem3A_2795, %ne3A_2796 : i32
    %lt3A_2798 = arith.constant 0 : i32
    %lt3A_2799 = arith.cmpi slt, %rem3A_2795, %lt3A_2798 : i32
    %lt3A_2800 = arith.constant 0 : i32
    %lt3A_2801 = arith.cmpi slt, %select_n3A_2794, %lt3A_2800 : i32
    %ne3A_2802 = arith.xori %lt3A_2799, %lt3A_2801 : i1
    %and3A_2803 = arith.andi %ne3A_2802, %ne3A_2797 : i1
    %add3A_2804 = arith.addi %rem3A_2795, %select_n3A_2794 : i32
    %select_n3A_2805 = arith.select %and3A_2803, %add3A_2804, %rem3A_2795 : i32
    %eq3A_2806 = arith.constant 44 : i32
    %eq3A_2807 = vector.broadcast %eq3A_2806 : i32 to vector<64x1xi32>
    %eq3A_2808 = arith.cmpi eq, %iota3A, %eq3A_2807 : vector<64x1xi32>
    %mul3A_2809 = arith.constant 16 : i32
    %mul3A_2810 = arith.muli %select_n3A_2789, %mul3A_2809 : i32
    %add3A_2811 = arith.addi %mul3A_2810, %select_n3A_2805 : i32
    %get3A_2812 = arith.index_cast %add3A_2811 : i32 to index
    %get3A_2813 = memref.load %arg1[%get3A_2812] : memref<512xf32, #tpu.memory_space<smem>>
    %broadcast_in_dim3A_2814 = vector.broadcast %get3A_2813 : f32 to vector<64x1xf32>
    %select_n3A_2815 = arith.select %eq3A_2808, %broadcast_in_dim3A_2814, %select_n3A_2752 : vector<64x1xi1>, vector<64x1xf32>
    %mul3A_2816 = arith.constant 16 : i32
    %mul3A_2817 = arith.muli %select_n3A_2789, %mul3A_2816 : i32
    %add3A_2818 = arith.constant 4 : i32
    %add3A_2819 = arith.addi %mul3A_2817, %add3A_2818 : i32
    %add3A_2820 = arith.addi %add3A_2819, %select_n3A_2805 : i32
    %get3A_2821 = arith.index_cast %add3A_2820 : i32 to index
    %get3A_2822 = memref.load %arg1[%get3A_2821] : memref<512xf32, #tpu.memory_space<smem>>
    %broadcast_in_dim3A_2823 = vector.broadcast %get3A_2822 : f32 to vector<64x1xf32>
    %select_n3A_2824 = arith.select %eq3A_2808, %broadcast_in_dim3A_2823, %select_n3A_2761 : vector<64x1xi1>, vector<64x1xf32>
    %mul3A_2825 = arith.constant 64 : i32
    %mul3A_2826 = arith.muli %arg0, %mul3A_2825 : i32
    %add3A_2827 = arith.constant 45 : i32
    %add3A_2828 = arith.addi %mul3A_2826, %add3A_2827 : i32
    %jit3A_2829 = arith.constant 4 : i32
    %div3A_2830 = arith.divsi %add3A_2828, %jit3A_2829 : i32
    %sign3A_2831 = arith.constant 0 : i32
    %sign3A_2832 = arith.cmpi sgt, %add3A_2828, %sign3A_2831 : i32
    %sign3A_2833 = arith.extui %sign3A_2832 : i1 to i32
    %sign3A_2834 = arith.constant 0 : i32
    %sign3A_2835 = arith.cmpi slt, %add3A_2828, %sign3A_2834 : i32
    %sign3A_2836 = arith.extui %sign3A_2835 : i1 to i32
    %sign3A_2837 = arith.subi %sign3A_2833, %sign3A_2836 : i32
    %sign3A_2838 = arith.constant 0 : i32
    %sign3A_2839 = arith.cmpi sgt, %jit3A_2829, %sign3A_2838 : i32
    %sign3A_2840 = arith.extui %sign3A_2839 : i1 to i32
    %sign3A_2841 = arith.constant 0 : i32
    %sign3A_2842 = arith.cmpi slt, %jit3A_2829, %sign3A_2841 : i32
    %sign3A_2843 = arith.extui %sign3A_2842 : i1 to i32
    %sign3A_2844 = arith.subi %sign3A_2840, %sign3A_2843 : i32
    %ne3A_2845 = arith.cmpi ne, %sign3A_2837, %sign3A_2844 : i32
    %rem3A_2846 = arith.remsi %add3A_2828, %jit3A_2829 : i32
    %ne3A_2847 = arith.constant 0 : i32
    %ne3A_2848 = arith.cmpi ne, %rem3A_2846, %ne3A_2847 : i32
    %and3A_2849 = arith.andi %ne3A_2845, %ne3A_2848 : i1
    %sub3A_2850 = arith.constant 1 : i32
    %sub3A_2851 = arith.subi %div3A_2830, %sub3A_2850 : i32
    %select_n3A_2852 = arith.select %and3A_2849, %sub3A_2851, %div3A_2830 : i32
    %jit3A_2853 = arith.constant 4 : i32
    %eq3A_2854 = arith.constant 0 : i32
    %eq3A_2855 = arith.cmpi eq, %jit3A_2853, %eq3A_2854 : i32
    %jit3A_2856 = arith.constant 1 : i32
    %select_n3A_2857 = arith.select %eq3A_2855, %jit3A_2856, %jit3A_2853 : i32
    %rem3A_2858 = arith.remsi %add3A_2828, %select_n3A_2857 : i32
    %ne3A_2859 = arith.constant 0 : i32
    %ne3A_2860 = arith.cmpi ne, %rem3A_2858, %ne3A_2859 : i32
    %lt3A_2861 = arith.constant 0 : i32
    %lt3A_2862 = arith.cmpi slt, %rem3A_2858, %lt3A_2861 : i32
    %lt3A_2863 = arith.constant 0 : i32
    %lt3A_2864 = arith.cmpi slt, %select_n3A_2857, %lt3A_2863 : i32
    %ne3A_2865 = arith.xori %lt3A_2862, %lt3A_2864 : i1
    %and3A_2866 = arith.andi %ne3A_2865, %ne3A_2860 : i1
    %add3A_2867 = arith.addi %rem3A_2858, %select_n3A_2857 : i32
    %select_n3A_2868 = arith.select %and3A_2866, %add3A_2867, %rem3A_2858 : i32
    %eq3A_2869 = arith.constant 45 : i32
    %eq3A_2870 = vector.broadcast %eq3A_2869 : i32 to vector<64x1xi32>
    %eq3A_2871 = arith.cmpi eq, %iota3A, %eq3A_2870 : vector<64x1xi32>
    %mul3A_2872 = arith.constant 16 : i32
    %mul3A_2873 = arith.muli %select_n3A_2852, %mul3A_2872 : i32
    %add3A_2874 = arith.addi %mul3A_2873, %select_n3A_2868 : i32
    %get3A_2875 = arith.index_cast %add3A_2874 : i32 to index
    %get3A_2876 = memref.load %arg1[%get3A_2875] : memref<512xf32, #tpu.memory_space<smem>>
    %broadcast_in_dim3A_2877 = vector.broadcast %get3A_2876 : f32 to vector<64x1xf32>
    %select_n3A_2878 = arith.select %eq3A_2871, %broadcast_in_dim3A_2877, %select_n3A_2815 : vector<64x1xi1>, vector<64x1xf32>
    %mul3A_2879 = arith.constant 16 : i32
    %mul3A_2880 = arith.muli %select_n3A_2852, %mul3A_2879 : i32
    %add3A_2881 = arith.constant 4 : i32
    %add3A_2882 = arith.addi %mul3A_2880, %add3A_2881 : i32
    %add3A_2883 = arith.addi %add3A_2882, %select_n3A_2868 : i32
    %get3A_2884 = arith.index_cast %add3A_2883 : i32 to index
    %get3A_2885 = memref.load %arg1[%get3A_2884] : memref<512xf32, #tpu.memory_space<smem>>
    %broadcast_in_dim3A_2886 = vector.broadcast %get3A_2885 : f32 to vector<64x1xf32>
    %select_n3A_2887 = arith.select %eq3A_2871, %broadcast_in_dim3A_2886, %select_n3A_2824 : vector<64x1xi1>, vector<64x1xf32>
    %mul3A_2888 = arith.constant 64 : i32
    %mul3A_2889 = arith.muli %arg0, %mul3A_2888 : i32
    %add3A_2890 = arith.constant 46 : i32
    %add3A_2891 = arith.addi %mul3A_2889, %add3A_2890 : i32
    %jit3A_2892 = arith.constant 4 : i32
    %div3A_2893 = arith.divsi %add3A_2891, %jit3A_2892 : i32
    %sign3A_2894 = arith.constant 0 : i32
    %sign3A_2895 = arith.cmpi sgt, %add3A_2891, %sign3A_2894 : i32
    %sign3A_2896 = arith.extui %sign3A_2895 : i1 to i32
    %sign3A_2897 = arith.constant 0 : i32
    %sign3A_2898 = arith.cmpi slt, %add3A_2891, %sign3A_2897 : i32
    %sign3A_2899 = arith.extui %sign3A_2898 : i1 to i32
    %sign3A_2900 = arith.subi %sign3A_2896, %sign3A_2899 : i32
    %sign3A_2901 = arith.constant 0 : i32
    %sign3A_2902 = arith.cmpi sgt, %jit3A_2892, %sign3A_2901 : i32
    %sign3A_2903 = arith.extui %sign3A_2902 : i1 to i32
    %sign3A_2904 = arith.constant 0 : i32
    %sign3A_2905 = arith.cmpi slt, %jit3A_2892, %sign3A_2904 : i32
    %sign3A_2906 = arith.extui %sign3A_2905 : i1 to i32
    %sign3A_2907 = arith.subi %sign3A_2903, %sign3A_2906 : i32
    %ne3A_2908 = arith.cmpi ne, %sign3A_2900, %sign3A_2907 : i32
    %rem3A_2909 = arith.remsi %add3A_2891, %jit3A_2892 : i32
    %ne3A_2910 = arith.constant 0 : i32
    %ne3A_2911 = arith.cmpi ne, %rem3A_2909, %ne3A_2910 : i32
    %and3A_2912 = arith.andi %ne3A_2908, %ne3A_2911 : i1
    %sub3A_2913 = arith.constant 1 : i32
    %sub3A_2914 = arith.subi %div3A_2893, %sub3A_2913 : i32
    %select_n3A_2915 = arith.select %and3A_2912, %sub3A_2914, %div3A_2893 : i32
    %jit3A_2916 = arith.constant 4 : i32
    %eq3A_2917 = arith.constant 0 : i32
    %eq3A_2918 = arith.cmpi eq, %jit3A_2916, %eq3A_2917 : i32
    %jit3A_2919 = arith.constant 1 : i32
    %select_n3A_2920 = arith.select %eq3A_2918, %jit3A_2919, %jit3A_2916 : i32
    %rem3A_2921 = arith.remsi %add3A_2891, %select_n3A_2920 : i32
    %ne3A_2922 = arith.constant 0 : i32
    %ne3A_2923 = arith.cmpi ne, %rem3A_2921, %ne3A_2922 : i32
    %lt3A_2924 = arith.constant 0 : i32
    %lt3A_2925 = arith.cmpi slt, %rem3A_2921, %lt3A_2924 : i32
    %lt3A_2926 = arith.constant 0 : i32
    %lt3A_2927 = arith.cmpi slt, %select_n3A_2920, %lt3A_2926 : i32
    %ne3A_2928 = arith.xori %lt3A_2925, %lt3A_2927 : i1
    %and3A_2929 = arith.andi %ne3A_2928, %ne3A_2923 : i1
    %add3A_2930 = arith.addi %rem3A_2921, %select_n3A_2920 : i32
    %select_n3A_2931 = arith.select %and3A_2929, %add3A_2930, %rem3A_2921 : i32
    %eq3A_2932 = arith.constant 46 : i32
    %eq3A_2933 = vector.broadcast %eq3A_2932 : i32 to vector<64x1xi32>
    %eq3A_2934 = arith.cmpi eq, %iota3A, %eq3A_2933 : vector<64x1xi32>
    %mul3A_2935 = arith.constant 16 : i32
    %mul3A_2936 = arith.muli %select_n3A_2915, %mul3A_2935 : i32
    %add3A_2937 = arith.addi %mul3A_2936, %select_n3A_2931 : i32
    %get3A_2938 = arith.index_cast %add3A_2937 : i32 to index
    %get3A_2939 = memref.load %arg1[%get3A_2938] : memref<512xf32, #tpu.memory_space<smem>>
    %broadcast_in_dim3A_2940 = vector.broadcast %get3A_2939 : f32 to vector<64x1xf32>
    %select_n3A_2941 = arith.select %eq3A_2934, %broadcast_in_dim3A_2940, %select_n3A_2878 : vector<64x1xi1>, vector<64x1xf32>
    %mul3A_2942 = arith.constant 16 : i32
    %mul3A_2943 = arith.muli %select_n3A_2915, %mul3A_2942 : i32
    %add3A_2944 = arith.constant 4 : i32
    %add3A_2945 = arith.addi %mul3A_2943, %add3A_2944 : i32
    %add3A_2946 = arith.addi %add3A_2945, %select_n3A_2931 : i32
    %get3A_2947 = arith.index_cast %add3A_2946 : i32 to index
    %get3A_2948 = memref.load %arg1[%get3A_2947] : memref<512xf32, #tpu.memory_space<smem>>
    %broadcast_in_dim3A_2949 = vector.broadcast %get3A_2948 : f32 to vector<64x1xf32>
    %select_n3A_2950 = arith.select %eq3A_2934, %broadcast_in_dim3A_2949, %select_n3A_2887 : vector<64x1xi1>, vector<64x1xf32>
    %mul3A_2951 = arith.constant 64 : i32
    %mul3A_2952 = arith.muli %arg0, %mul3A_2951 : i32
    %add3A_2953 = arith.constant 47 : i32
    %add3A_2954 = arith.addi %mul3A_2952, %add3A_2953 : i32
    %jit3A_2955 = arith.constant 4 : i32
    %div3A_2956 = arith.divsi %add3A_2954, %jit3A_2955 : i32
    %sign3A_2957 = arith.constant 0 : i32
    %sign3A_2958 = arith.cmpi sgt, %add3A_2954, %sign3A_2957 : i32
    %sign3A_2959 = arith.extui %sign3A_2958 : i1 to i32
    %sign3A_2960 = arith.constant 0 : i32
    %sign3A_2961 = arith.cmpi slt, %add3A_2954, %sign3A_2960 : i32
    %sign3A_2962 = arith.extui %sign3A_2961 : i1 to i32
    %sign3A_2963 = arith.subi %sign3A_2959, %sign3A_2962 : i32
    %sign3A_2964 = arith.constant 0 : i32
    %sign3A_2965 = arith.cmpi sgt, %jit3A_2955, %sign3A_2964 : i32
    %sign3A_2966 = arith.extui %sign3A_2965 : i1 to i32
    %sign3A_2967 = arith.constant 0 : i32
    %sign3A_2968 = arith.cmpi slt, %jit3A_2955, %sign3A_2967 : i32
    %sign3A_2969 = arith.extui %sign3A_2968 : i1 to i32
    %sign3A_2970 = arith.subi %sign3A_2966, %sign3A_2969 : i32
    %ne3A_2971 = arith.cmpi ne, %sign3A_2963, %sign3A_2970 : i32
    %rem3A_2972 = arith.remsi %add3A_2954, %jit3A_2955 : i32
    %ne3A_2973 = arith.constant 0 : i32
    %ne3A_2974 = arith.cmpi ne, %rem3A_2972, %ne3A_2973 : i32
    %and3A_2975 = arith.andi %ne3A_2971, %ne3A_2974 : i1
    %sub3A_2976 = arith.constant 1 : i32
    %sub3A_2977 = arith.subi %div3A_2956, %sub3A_2976 : i32
    %select_n3A_2978 = arith.select %and3A_2975, %sub3A_2977, %div3A_2956 : i32
    %jit3A_2979 = arith.constant 4 : i32
    %eq3A_2980 = arith.constant 0 : i32
    %eq3A_2981 = arith.cmpi eq, %jit3A_2979, %eq3A_2980 : i32
    %jit3A_2982 = arith.constant 1 : i32
    %select_n3A_2983 = arith.select %eq3A_2981, %jit3A_2982, %jit3A_2979 : i32
    %rem3A_2984 = arith.remsi %add3A_2954, %select_n3A_2983 : i32
    %ne3A_2985 = arith.constant 0 : i32
    %ne3A_2986 = arith.cmpi ne, %rem3A_2984, %ne3A_2985 : i32
    %lt3A_2987 = arith.constant 0 : i32
    %lt3A_2988 = arith.cmpi slt, %rem3A_2984, %lt3A_2987 : i32
    %lt3A_2989 = arith.constant 0 : i32
    %lt3A_2990 = arith.cmpi slt, %select_n3A_2983, %lt3A_2989 : i32
    %ne3A_2991 = arith.xori %lt3A_2988, %lt3A_2990 : i1
    %and3A_2992 = arith.andi %ne3A_2991, %ne3A_2986 : i1
    %add3A_2993 = arith.addi %rem3A_2984, %select_n3A_2983 : i32
    %select_n3A_2994 = arith.select %and3A_2992, %add3A_2993, %rem3A_2984 : i32
    %eq3A_2995 = arith.constant 47 : i32
    %eq3A_2996 = vector.broadcast %eq3A_2995 : i32 to vector<64x1xi32>
    %eq3A_2997 = arith.cmpi eq, %iota3A, %eq3A_2996 : vector<64x1xi32>
    %mul3A_2998 = arith.constant 16 : i32
    %mul3A_2999 = arith.muli %select_n3A_2978, %mul3A_2998 : i32
    %add3A_3000 = arith.addi %mul3A_2999, %select_n3A_2994 : i32
    %get3A_3001 = arith.index_cast %add3A_3000 : i32 to index
    %get3A_3002 = memref.load %arg1[%get3A_3001] : memref<512xf32, #tpu.memory_space<smem>>
    %broadcast_in_dim3A_3003 = vector.broadcast %get3A_3002 : f32 to vector<64x1xf32>
    %select_n3A_3004 = arith.select %eq3A_2997, %broadcast_in_dim3A_3003, %select_n3A_2941 : vector<64x1xi1>, vector<64x1xf32>
    %mul3A_3005 = arith.constant 16 : i32
    %mul3A_3006 = arith.muli %select_n3A_2978, %mul3A_3005 : i32
    %add3A_3007 = arith.constant 4 : i32
    %add3A_3008 = arith.addi %mul3A_3006, %add3A_3007 : i32
    %add3A_3009 = arith.addi %add3A_3008, %select_n3A_2994 : i32
    %get3A_3010 = arith.index_cast %add3A_3009 : i32 to index
    %get3A_3011 = memref.load %arg1[%get3A_3010] : memref<512xf32, #tpu.memory_space<smem>>
    %broadcast_in_dim3A_3012 = vector.broadcast %get3A_3011 : f32 to vector<64x1xf32>
    %select_n3A_3013 = arith.select %eq3A_2997, %broadcast_in_dim3A_3012, %select_n3A_2950 : vector<64x1xi1>, vector<64x1xf32>
    %mul3A_3014 = arith.constant 64 : i32
    %mul3A_3015 = arith.muli %arg0, %mul3A_3014 : i32
    %add3A_3016 = arith.constant 48 : i32
    %add3A_3017 = arith.addi %mul3A_3015, %add3A_3016 : i32
    %jit3A_3018 = arith.constant 4 : i32
    %div3A_3019 = arith.divsi %add3A_3017, %jit3A_3018 : i32
    %sign3A_3020 = arith.constant 0 : i32
    %sign3A_3021 = arith.cmpi sgt, %add3A_3017, %sign3A_3020 : i32
    %sign3A_3022 = arith.extui %sign3A_3021 : i1 to i32
    %sign3A_3023 = arith.constant 0 : i32
    %sign3A_3024 = arith.cmpi slt, %add3A_3017, %sign3A_3023 : i32
    %sign3A_3025 = arith.extui %sign3A_3024 : i1 to i32
    %sign3A_3026 = arith.subi %sign3A_3022, %sign3A_3025 : i32
    %sign3A_3027 = arith.constant 0 : i32
    %sign3A_3028 = arith.cmpi sgt, %jit3A_3018, %sign3A_3027 : i32
    %sign3A_3029 = arith.extui %sign3A_3028 : i1 to i32
    %sign3A_3030 = arith.constant 0 : i32
    %sign3A_3031 = arith.cmpi slt, %jit3A_3018, %sign3A_3030 : i32
    %sign3A_3032 = arith.extui %sign3A_3031 : i1 to i32
    %sign3A_3033 = arith.subi %sign3A_3029, %sign3A_3032 : i32
    %ne3A_3034 = arith.cmpi ne, %sign3A_3026, %sign3A_3033 : i32
    %rem3A_3035 = arith.remsi %add3A_3017, %jit3A_3018 : i32
    %ne3A_3036 = arith.constant 0 : i32
    %ne3A_3037 = arith.cmpi ne, %rem3A_3035, %ne3A_3036 : i32
    %and3A_3038 = arith.andi %ne3A_3034, %ne3A_3037 : i1
    %sub3A_3039 = arith.constant 1 : i32
    %sub3A_3040 = arith.subi %div3A_3019, %sub3A_3039 : i32
    %select_n3A_3041 = arith.select %and3A_3038, %sub3A_3040, %div3A_3019 : i32
    %jit3A_3042 = arith.constant 4 : i32
    %eq3A_3043 = arith.constant 0 : i32
    %eq3A_3044 = arith.cmpi eq, %jit3A_3042, %eq3A_3043 : i32
    %jit3A_3045 = arith.constant 1 : i32
    %select_n3A_3046 = arith.select %eq3A_3044, %jit3A_3045, %jit3A_3042 : i32
    %rem3A_3047 = arith.remsi %add3A_3017, %select_n3A_3046 : i32
    %ne3A_3048 = arith.constant 0 : i32
    %ne3A_3049 = arith.cmpi ne, %rem3A_3047, %ne3A_3048 : i32
    %lt3A_3050 = arith.constant 0 : i32
    %lt3A_3051 = arith.cmpi slt, %rem3A_3047, %lt3A_3050 : i32
    %lt3A_3052 = arith.constant 0 : i32
    %lt3A_3053 = arith.cmpi slt, %select_n3A_3046, %lt3A_3052 : i32
    %ne3A_3054 = arith.xori %lt3A_3051, %lt3A_3053 : i1
    %and3A_3055 = arith.andi %ne3A_3054, %ne3A_3049 : i1
    %add3A_3056 = arith.addi %rem3A_3047, %select_n3A_3046 : i32
    %select_n3A_3057 = arith.select %and3A_3055, %add3A_3056, %rem3A_3047 : i32
    %eq3A_3058 = arith.constant 48 : i32
    %eq3A_3059 = vector.broadcast %eq3A_3058 : i32 to vector<64x1xi32>
    %eq3A_3060 = arith.cmpi eq, %iota3A, %eq3A_3059 : vector<64x1xi32>
    %mul3A_3061 = arith.constant 16 : i32
    %mul3A_3062 = arith.muli %select_n3A_3041, %mul3A_3061 : i32
    %add3A_3063 = arith.addi %mul3A_3062, %select_n3A_3057 : i32
    %get3A_3064 = arith.index_cast %add3A_3063 : i32 to index
    %get3A_3065 = memref.load %arg1[%get3A_3064] : memref<512xf32, #tpu.memory_space<smem>>
    %broadcast_in_dim3A_3066 = vector.broadcast %get3A_3065 : f32 to vector<64x1xf32>
    %select_n3A_3067 = arith.select %eq3A_3060, %broadcast_in_dim3A_3066, %select_n3A_3004 : vector<64x1xi1>, vector<64x1xf32>
    %mul3A_3068 = arith.constant 16 : i32
    %mul3A_3069 = arith.muli %select_n3A_3041, %mul3A_3068 : i32
    %add3A_3070 = arith.constant 4 : i32
    %add3A_3071 = arith.addi %mul3A_3069, %add3A_3070 : i32
    %add3A_3072 = arith.addi %add3A_3071, %select_n3A_3057 : i32
    %get3A_3073 = arith.index_cast %add3A_3072 : i32 to index
    %get3A_3074 = memref.load %arg1[%get3A_3073] : memref<512xf32, #tpu.memory_space<smem>>
    %broadcast_in_dim3A_3075 = vector.broadcast %get3A_3074 : f32 to vector<64x1xf32>
    %select_n3A_3076 = arith.select %eq3A_3060, %broadcast_in_dim3A_3075, %select_n3A_3013 : vector<64x1xi1>, vector<64x1xf32>
    %mul3A_3077 = arith.constant 64 : i32
    %mul3A_3078 = arith.muli %arg0, %mul3A_3077 : i32
    %add3A_3079 = arith.constant 49 : i32
    %add3A_3080 = arith.addi %mul3A_3078, %add3A_3079 : i32
    %jit3A_3081 = arith.constant 4 : i32
    %div3A_3082 = arith.divsi %add3A_3080, %jit3A_3081 : i32
    %sign3A_3083 = arith.constant 0 : i32
    %sign3A_3084 = arith.cmpi sgt, %add3A_3080, %sign3A_3083 : i32
    %sign3A_3085 = arith.extui %sign3A_3084 : i1 to i32
    %sign3A_3086 = arith.constant 0 : i32
    %sign3A_3087 = arith.cmpi slt, %add3A_3080, %sign3A_3086 : i32
    %sign3A_3088 = arith.extui %sign3A_3087 : i1 to i32
    %sign3A_3089 = arith.subi %sign3A_3085, %sign3A_3088 : i32
    %sign3A_3090 = arith.constant 0 : i32
    %sign3A_3091 = arith.cmpi sgt, %jit3A_3081, %sign3A_3090 : i32
    %sign3A_3092 = arith.extui %sign3A_3091 : i1 to i32
    %sign3A_3093 = arith.constant 0 : i32
    %sign3A_3094 = arith.cmpi slt, %jit3A_3081, %sign3A_3093 : i32
    %sign3A_3095 = arith.extui %sign3A_3094 : i1 to i32
    %sign3A_3096 = arith.subi %sign3A_3092, %sign3A_3095 : i32
    %ne3A_3097 = arith.cmpi ne, %sign3A_3089, %sign3A_3096 : i32
    %rem3A_3098 = arith.remsi %add3A_3080, %jit3A_3081 : i32
    %ne3A_3099 = arith.constant 0 : i32
    %ne3A_3100 = arith.cmpi ne, %rem3A_3098, %ne3A_3099 : i32
    %and3A_3101 = arith.andi %ne3A_3097, %ne3A_3100 : i1
    %sub3A_3102 = arith.constant 1 : i32
    %sub3A_3103 = arith.subi %div3A_3082, %sub3A_3102 : i32
    %select_n3A_3104 = arith.select %and3A_3101, %sub3A_3103, %div3A_3082 : i32
    %jit3A_3105 = arith.constant 4 : i32
    %eq3A_3106 = arith.constant 0 : i32
    %eq3A_3107 = arith.cmpi eq, %jit3A_3105, %eq3A_3106 : i32
    %jit3A_3108 = arith.constant 1 : i32
    %select_n3A_3109 = arith.select %eq3A_3107, %jit3A_3108, %jit3A_3105 : i32
    %rem3A_3110 = arith.remsi %add3A_3080, %select_n3A_3109 : i32
    %ne3A_3111 = arith.constant 0 : i32
    %ne3A_3112 = arith.cmpi ne, %rem3A_3110, %ne3A_3111 : i32
    %lt3A_3113 = arith.constant 0 : i32
    %lt3A_3114 = arith.cmpi slt, %rem3A_3110, %lt3A_3113 : i32
    %lt3A_3115 = arith.constant 0 : i32
    %lt3A_3116 = arith.cmpi slt, %select_n3A_3109, %lt3A_3115 : i32
    %ne3A_3117 = arith.xori %lt3A_3114, %lt3A_3116 : i1
    %and3A_3118 = arith.andi %ne3A_3117, %ne3A_3112 : i1
    %add3A_3119 = arith.addi %rem3A_3110, %select_n3A_3109 : i32
    %select_n3A_3120 = arith.select %and3A_3118, %add3A_3119, %rem3A_3110 : i32
    %eq3A_3121 = arith.constant 49 : i32
    %eq3A_3122 = vector.broadcast %eq3A_3121 : i32 to vector<64x1xi32>
    %eq3A_3123 = arith.cmpi eq, %iota3A, %eq3A_3122 : vector<64x1xi32>
    %mul3A_3124 = arith.constant 16 : i32
    %mul3A_3125 = arith.muli %select_n3A_3104, %mul3A_3124 : i32
    %add3A_3126 = arith.addi %mul3A_3125, %select_n3A_3120 : i32
    %get3A_3127 = arith.index_cast %add3A_3126 : i32 to index
    %get3A_3128 = memref.load %arg1[%get3A_3127] : memref<512xf32, #tpu.memory_space<smem>>
    %broadcast_in_dim3A_3129 = vector.broadcast %get3A_3128 : f32 to vector<64x1xf32>
    %select_n3A_3130 = arith.select %eq3A_3123, %broadcast_in_dim3A_3129, %select_n3A_3067 : vector<64x1xi1>, vector<64x1xf32>
    %mul3A_3131 = arith.constant 16 : i32
    %mul3A_3132 = arith.muli %select_n3A_3104, %mul3A_3131 : i32
    %add3A_3133 = arith.constant 4 : i32
    %add3A_3134 = arith.addi %mul3A_3132, %add3A_3133 : i32
    %add3A_3135 = arith.addi %add3A_3134, %select_n3A_3120 : i32
    %get3A_3136 = arith.index_cast %add3A_3135 : i32 to index
    %get3A_3137 = memref.load %arg1[%get3A_3136] : memref<512xf32, #tpu.memory_space<smem>>
    %broadcast_in_dim3A_3138 = vector.broadcast %get3A_3137 : f32 to vector<64x1xf32>
    %select_n3A_3139 = arith.select %eq3A_3123, %broadcast_in_dim3A_3138, %select_n3A_3076 : vector<64x1xi1>, vector<64x1xf32>
    %mul3A_3140 = arith.constant 64 : i32
    %mul3A_3141 = arith.muli %arg0, %mul3A_3140 : i32
    %add3A_3142 = arith.constant 50 : i32
    %add3A_3143 = arith.addi %mul3A_3141, %add3A_3142 : i32
    %jit3A_3144 = arith.constant 4 : i32
    %div3A_3145 = arith.divsi %add3A_3143, %jit3A_3144 : i32
    %sign3A_3146 = arith.constant 0 : i32
    %sign3A_3147 = arith.cmpi sgt, %add3A_3143, %sign3A_3146 : i32
    %sign3A_3148 = arith.extui %sign3A_3147 : i1 to i32
    %sign3A_3149 = arith.constant 0 : i32
    %sign3A_3150 = arith.cmpi slt, %add3A_3143, %sign3A_3149 : i32
    %sign3A_3151 = arith.extui %sign3A_3150 : i1 to i32
    %sign3A_3152 = arith.subi %sign3A_3148, %sign3A_3151 : i32
    %sign3A_3153 = arith.constant 0 : i32
    %sign3A_3154 = arith.cmpi sgt, %jit3A_3144, %sign3A_3153 : i32
    %sign3A_3155 = arith.extui %sign3A_3154 : i1 to i32
    %sign3A_3156 = arith.constant 0 : i32
    %sign3A_3157 = arith.cmpi slt, %jit3A_3144, %sign3A_3156 : i32
    %sign3A_3158 = arith.extui %sign3A_3157 : i1 to i32
    %sign3A_3159 = arith.subi %sign3A_3155, %sign3A_3158 : i32
    %ne3A_3160 = arith.cmpi ne, %sign3A_3152, %sign3A_3159 : i32
    %rem3A_3161 = arith.remsi %add3A_3143, %jit3A_3144 : i32
    %ne3A_3162 = arith.constant 0 : i32
    %ne3A_3163 = arith.cmpi ne, %rem3A_3161, %ne3A_3162 : i32
    %and3A_3164 = arith.andi %ne3A_3160, %ne3A_3163 : i1
    %sub3A_3165 = arith.constant 1 : i32
    %sub3A_3166 = arith.subi %div3A_3145, %sub3A_3165 : i32
    %select_n3A_3167 = arith.select %and3A_3164, %sub3A_3166, %div3A_3145 : i32
    %jit3A_3168 = arith.constant 4 : i32
    %eq3A_3169 = arith.constant 0 : i32
    %eq3A_3170 = arith.cmpi eq, %jit3A_3168, %eq3A_3169 : i32
    %jit3A_3171 = arith.constant 1 : i32
    %select_n3A_3172 = arith.select %eq3A_3170, %jit3A_3171, %jit3A_3168 : i32
    %rem3A_3173 = arith.remsi %add3A_3143, %select_n3A_3172 : i32
    %ne3A_3174 = arith.constant 0 : i32
    %ne3A_3175 = arith.cmpi ne, %rem3A_3173, %ne3A_3174 : i32
    %lt3A_3176 = arith.constant 0 : i32
    %lt3A_3177 = arith.cmpi slt, %rem3A_3173, %lt3A_3176 : i32
    %lt3A_3178 = arith.constant 0 : i32
    %lt3A_3179 = arith.cmpi slt, %select_n3A_3172, %lt3A_3178 : i32
    %ne3A_3180 = arith.xori %lt3A_3177, %lt3A_3179 : i1
    %and3A_3181 = arith.andi %ne3A_3180, %ne3A_3175 : i1
    %add3A_3182 = arith.addi %rem3A_3173, %select_n3A_3172 : i32
    %select_n3A_3183 = arith.select %and3A_3181, %add3A_3182, %rem3A_3173 : i32
    %eq3A_3184 = arith.constant 50 : i32
    %eq3A_3185 = vector.broadcast %eq3A_3184 : i32 to vector<64x1xi32>
    %eq3A_3186 = arith.cmpi eq, %iota3A, %eq3A_3185 : vector<64x1xi32>
    %mul3A_3187 = arith.constant 16 : i32
    %mul3A_3188 = arith.muli %select_n3A_3167, %mul3A_3187 : i32
    %add3A_3189 = arith.addi %mul3A_3188, %select_n3A_3183 : i32
    %get3A_3190 = arith.index_cast %add3A_3189 : i32 to index
    %get3A_3191 = memref.load %arg1[%get3A_3190] : memref<512xf32, #tpu.memory_space<smem>>
    %broadcast_in_dim3A_3192 = vector.broadcast %get3A_3191 : f32 to vector<64x1xf32>
    %select_n3A_3193 = arith.select %eq3A_3186, %broadcast_in_dim3A_3192, %select_n3A_3130 : vector<64x1xi1>, vector<64x1xf32>
    %mul3A_3194 = arith.constant 16 : i32
    %mul3A_3195 = arith.muli %select_n3A_3167, %mul3A_3194 : i32
    %add3A_3196 = arith.constant 4 : i32
    %add3A_3197 = arith.addi %mul3A_3195, %add3A_3196 : i32
    %add3A_3198 = arith.addi %add3A_3197, %select_n3A_3183 : i32
    %get3A_3199 = arith.index_cast %add3A_3198 : i32 to index
    %get3A_3200 = memref.load %arg1[%get3A_3199] : memref<512xf32, #tpu.memory_space<smem>>
    %broadcast_in_dim3A_3201 = vector.broadcast %get3A_3200 : f32 to vector<64x1xf32>
    %select_n3A_3202 = arith.select %eq3A_3186, %broadcast_in_dim3A_3201, %select_n3A_3139 : vector<64x1xi1>, vector<64x1xf32>
    %mul3A_3203 = arith.constant 64 : i32
    %mul3A_3204 = arith.muli %arg0, %mul3A_3203 : i32
    %add3A_3205 = arith.constant 51 : i32
    %add3A_3206 = arith.addi %mul3A_3204, %add3A_3205 : i32
    %jit3A_3207 = arith.constant 4 : i32
    %div3A_3208 = arith.divsi %add3A_3206, %jit3A_3207 : i32
    %sign3A_3209 = arith.constant 0 : i32
    %sign3A_3210 = arith.cmpi sgt, %add3A_3206, %sign3A_3209 : i32
    %sign3A_3211 = arith.extui %sign3A_3210 : i1 to i32
    %sign3A_3212 = arith.constant 0 : i32
    %sign3A_3213 = arith.cmpi slt, %add3A_3206, %sign3A_3212 : i32
    %sign3A_3214 = arith.extui %sign3A_3213 : i1 to i32
    %sign3A_3215 = arith.subi %sign3A_3211, %sign3A_3214 : i32
    %sign3A_3216 = arith.constant 0 : i32
    %sign3A_3217 = arith.cmpi sgt, %jit3A_3207, %sign3A_3216 : i32
    %sign3A_3218 = arith.extui %sign3A_3217 : i1 to i32
    %sign3A_3219 = arith.constant 0 : i32
    %sign3A_3220 = arith.cmpi slt, %jit3A_3207, %sign3A_3219 : i32
    %sign3A_3221 = arith.extui %sign3A_3220 : i1 to i32
    %sign3A_3222 = arith.subi %sign3A_3218, %sign3A_3221 : i32
    %ne3A_3223 = arith.cmpi ne, %sign3A_3215, %sign3A_3222 : i32
    %rem3A_3224 = arith.remsi %add3A_3206, %jit3A_3207 : i32
    %ne3A_3225 = arith.constant 0 : i32
    %ne3A_3226 = arith.cmpi ne, %rem3A_3224, %ne3A_3225 : i32
    %and3A_3227 = arith.andi %ne3A_3223, %ne3A_3226 : i1
    %sub3A_3228 = arith.constant 1 : i32
    %sub3A_3229 = arith.subi %div3A_3208, %sub3A_3228 : i32
    %select_n3A_3230 = arith.select %and3A_3227, %sub3A_3229, %div3A_3208 : i32
    %jit3A_3231 = arith.constant 4 : i32
    %eq3A_3232 = arith.constant 0 : i32
    %eq3A_3233 = arith.cmpi eq, %jit3A_3231, %eq3A_3232 : i32
    %jit3A_3234 = arith.constant 1 : i32
    %select_n3A_3235 = arith.select %eq3A_3233, %jit3A_3234, %jit3A_3231 : i32
    %rem3A_3236 = arith.remsi %add3A_3206, %select_n3A_3235 : i32
    %ne3A_3237 = arith.constant 0 : i32
    %ne3A_3238 = arith.cmpi ne, %rem3A_3236, %ne3A_3237 : i32
    %lt3A_3239 = arith.constant 0 : i32
    %lt3A_3240 = arith.cmpi slt, %rem3A_3236, %lt3A_3239 : i32
    %lt3A_3241 = arith.constant 0 : i32
    %lt3A_3242 = arith.cmpi slt, %select_n3A_3235, %lt3A_3241 : i32
    %ne3A_3243 = arith.xori %lt3A_3240, %lt3A_3242 : i1
    %and3A_3244 = arith.andi %ne3A_3243, %ne3A_3238 : i1
    %add3A_3245 = arith.addi %rem3A_3236, %select_n3A_3235 : i32
    %select_n3A_3246 = arith.select %and3A_3244, %add3A_3245, %rem3A_3236 : i32
    %eq3A_3247 = arith.constant 51 : i32
    %eq3A_3248 = vector.broadcast %eq3A_3247 : i32 to vector<64x1xi32>
    %eq3A_3249 = arith.cmpi eq, %iota3A, %eq3A_3248 : vector<64x1xi32>
    %mul3A_3250 = arith.constant 16 : i32
    %mul3A_3251 = arith.muli %select_n3A_3230, %mul3A_3250 : i32
    %add3A_3252 = arith.addi %mul3A_3251, %select_n3A_3246 : i32
    %get3A_3253 = arith.index_cast %add3A_3252 : i32 to index
    %get3A_3254 = memref.load %arg1[%get3A_3253] : memref<512xf32, #tpu.memory_space<smem>>
    %broadcast_in_dim3A_3255 = vector.broadcast %get3A_3254 : f32 to vector<64x1xf32>
    %select_n3A_3256 = arith.select %eq3A_3249, %broadcast_in_dim3A_3255, %select_n3A_3193 : vector<64x1xi1>, vector<64x1xf32>
    %mul3A_3257 = arith.constant 16 : i32
    %mul3A_3258 = arith.muli %select_n3A_3230, %mul3A_3257 : i32
    %add3A_3259 = arith.constant 4 : i32
    %add3A_3260 = arith.addi %mul3A_3258, %add3A_3259 : i32
    %add3A_3261 = arith.addi %add3A_3260, %select_n3A_3246 : i32
    %get3A_3262 = arith.index_cast %add3A_3261 : i32 to index
    %get3A_3263 = memref.load %arg1[%get3A_3262] : memref<512xf32, #tpu.memory_space<smem>>
    %broadcast_in_dim3A_3264 = vector.broadcast %get3A_3263 : f32 to vector<64x1xf32>
    %select_n3A_3265 = arith.select %eq3A_3249, %broadcast_in_dim3A_3264, %select_n3A_3202 : vector<64x1xi1>, vector<64x1xf32>
    %mul3A_3266 = arith.constant 64 : i32
    %mul3A_3267 = arith.muli %arg0, %mul3A_3266 : i32
    %add3A_3268 = arith.constant 52 : i32
    %add3A_3269 = arith.addi %mul3A_3267, %add3A_3268 : i32
    %jit3A_3270 = arith.constant 4 : i32
    %div3A_3271 = arith.divsi %add3A_3269, %jit3A_3270 : i32
    %sign3A_3272 = arith.constant 0 : i32
    %sign3A_3273 = arith.cmpi sgt, %add3A_3269, %sign3A_3272 : i32
    %sign3A_3274 = arith.extui %sign3A_3273 : i1 to i32
    %sign3A_3275 = arith.constant 0 : i32
    %sign3A_3276 = arith.cmpi slt, %add3A_3269, %sign3A_3275 : i32
    %sign3A_3277 = arith.extui %sign3A_3276 : i1 to i32
    %sign3A_3278 = arith.subi %sign3A_3274, %sign3A_3277 : i32
    %sign3A_3279 = arith.constant 0 : i32
    %sign3A_3280 = arith.cmpi sgt, %jit3A_3270, %sign3A_3279 : i32
    %sign3A_3281 = arith.extui %sign3A_3280 : i1 to i32
    %sign3A_3282 = arith.constant 0 : i32
    %sign3A_3283 = arith.cmpi slt, %jit3A_3270, %sign3A_3282 : i32
    %sign3A_3284 = arith.extui %sign3A_3283 : i1 to i32
    %sign3A_3285 = arith.subi %sign3A_3281, %sign3A_3284 : i32
    %ne3A_3286 = arith.cmpi ne, %sign3A_3278, %sign3A_3285 : i32
    %rem3A_3287 = arith.remsi %add3A_3269, %jit3A_3270 : i32
    %ne3A_3288 = arith.constant 0 : i32
    %ne3A_3289 = arith.cmpi ne, %rem3A_3287, %ne3A_3288 : i32
    %and3A_3290 = arith.andi %ne3A_3286, %ne3A_3289 : i1
    %sub3A_3291 = arith.constant 1 : i32
    %sub3A_3292 = arith.subi %div3A_3271, %sub3A_3291 : i32
    %select_n3A_3293 = arith.select %and3A_3290, %sub3A_3292, %div3A_3271 : i32
    %jit3A_3294 = arith.constant 4 : i32
    %eq3A_3295 = arith.constant 0 : i32
    %eq3A_3296 = arith.cmpi eq, %jit3A_3294, %eq3A_3295 : i32
    %jit3A_3297 = arith.constant 1 : i32
    %select_n3A_3298 = arith.select %eq3A_3296, %jit3A_3297, %jit3A_3294 : i32
    %rem3A_3299 = arith.remsi %add3A_3269, %select_n3A_3298 : i32
    %ne3A_3300 = arith.constant 0 : i32
    %ne3A_3301 = arith.cmpi ne, %rem3A_3299, %ne3A_3300 : i32
    %lt3A_3302 = arith.constant 0 : i32
    %lt3A_3303 = arith.cmpi slt, %rem3A_3299, %lt3A_3302 : i32
    %lt3A_3304 = arith.constant 0 : i32
    %lt3A_3305 = arith.cmpi slt, %select_n3A_3298, %lt3A_3304 : i32
    %ne3A_3306 = arith.xori %lt3A_3303, %lt3A_3305 : i1
    %and3A_3307 = arith.andi %ne3A_3306, %ne3A_3301 : i1
    %add3A_3308 = arith.addi %rem3A_3299, %select_n3A_3298 : i32
    %select_n3A_3309 = arith.select %and3A_3307, %add3A_3308, %rem3A_3299 : i32
    %eq3A_3310 = arith.constant 52 : i32
    %eq3A_3311 = vector.broadcast %eq3A_3310 : i32 to vector<64x1xi32>
    %eq3A_3312 = arith.cmpi eq, %iota3A, %eq3A_3311 : vector<64x1xi32>
    %mul3A_3313 = arith.constant 16 : i32
    %mul3A_3314 = arith.muli %select_n3A_3293, %mul3A_3313 : i32
    %add3A_3315 = arith.addi %mul3A_3314, %select_n3A_3309 : i32
    %get3A_3316 = arith.index_cast %add3A_3315 : i32 to index
    %get3A_3317 = memref.load %arg1[%get3A_3316] : memref<512xf32, #tpu.memory_space<smem>>
    %broadcast_in_dim3A_3318 = vector.broadcast %get3A_3317 : f32 to vector<64x1xf32>
    %select_n3A_3319 = arith.select %eq3A_3312, %broadcast_in_dim3A_3318, %select_n3A_3256 : vector<64x1xi1>, vector<64x1xf32>
    %mul3A_3320 = arith.constant 16 : i32
    %mul3A_3321 = arith.muli %select_n3A_3293, %mul3A_3320 : i32
    %add3A_3322 = arith.constant 4 : i32
    %add3A_3323 = arith.addi %mul3A_3321, %add3A_3322 : i32
    %add3A_3324 = arith.addi %add3A_3323, %select_n3A_3309 : i32
    %get3A_3325 = arith.index_cast %add3A_3324 : i32 to index
    %get3A_3326 = memref.load %arg1[%get3A_3325] : memref<512xf32, #tpu.memory_space<smem>>
    %broadcast_in_dim3A_3327 = vector.broadcast %get3A_3326 : f32 to vector<64x1xf32>
    %select_n3A_3328 = arith.select %eq3A_3312, %broadcast_in_dim3A_3327, %select_n3A_3265 : vector<64x1xi1>, vector<64x1xf32>
    %mul3A_3329 = arith.constant 64 : i32
    %mul3A_3330 = arith.muli %arg0, %mul3A_3329 : i32
    %add3A_3331 = arith.constant 53 : i32
    %add3A_3332 = arith.addi %mul3A_3330, %add3A_3331 : i32
    %jit3A_3333 = arith.constant 4 : i32
    %div3A_3334 = arith.divsi %add3A_3332, %jit3A_3333 : i32
    %sign3A_3335 = arith.constant 0 : i32
    %sign3A_3336 = arith.cmpi sgt, %add3A_3332, %sign3A_3335 : i32
    %sign3A_3337 = arith.extui %sign3A_3336 : i1 to i32
    %sign3A_3338 = arith.constant 0 : i32
    %sign3A_3339 = arith.cmpi slt, %add3A_3332, %sign3A_3338 : i32
    %sign3A_3340 = arith.extui %sign3A_3339 : i1 to i32
    %sign3A_3341 = arith.subi %sign3A_3337, %sign3A_3340 : i32
    %sign3A_3342 = arith.constant 0 : i32
    %sign3A_3343 = arith.cmpi sgt, %jit3A_3333, %sign3A_3342 : i32
    %sign3A_3344 = arith.extui %sign3A_3343 : i1 to i32
    %sign3A_3345 = arith.constant 0 : i32
    %sign3A_3346 = arith.cmpi slt, %jit3A_3333, %sign3A_3345 : i32
    %sign3A_3347 = arith.extui %sign3A_3346 : i1 to i32
    %sign3A_3348 = arith.subi %sign3A_3344, %sign3A_3347 : i32
    %ne3A_3349 = arith.cmpi ne, %sign3A_3341, %sign3A_3348 : i32
    %rem3A_3350 = arith.remsi %add3A_3332, %jit3A_3333 : i32
    %ne3A_3351 = arith.constant 0 : i32
    %ne3A_3352 = arith.cmpi ne, %rem3A_3350, %ne3A_3351 : i32
    %and3A_3353 = arith.andi %ne3A_3349, %ne3A_3352 : i1
    %sub3A_3354 = arith.constant 1 : i32
    %sub3A_3355 = arith.subi %div3A_3334, %sub3A_3354 : i32
    %select_n3A_3356 = arith.select %and3A_3353, %sub3A_3355, %div3A_3334 : i32
    %jit3A_3357 = arith.constant 4 : i32
    %eq3A_3358 = arith.constant 0 : i32
    %eq3A_3359 = arith.cmpi eq, %jit3A_3357, %eq3A_3358 : i32
    %jit3A_3360 = arith.constant 1 : i32
    %select_n3A_3361 = arith.select %eq3A_3359, %jit3A_3360, %jit3A_3357 : i32
    %rem3A_3362 = arith.remsi %add3A_3332, %select_n3A_3361 : i32
    %ne3A_3363 = arith.constant 0 : i32
    %ne3A_3364 = arith.cmpi ne, %rem3A_3362, %ne3A_3363 : i32
    %lt3A_3365 = arith.constant 0 : i32
    %lt3A_3366 = arith.cmpi slt, %rem3A_3362, %lt3A_3365 : i32
    %lt3A_3367 = arith.constant 0 : i32
    %lt3A_3368 = arith.cmpi slt, %select_n3A_3361, %lt3A_3367 : i32
    %ne3A_3369 = arith.xori %lt3A_3366, %lt3A_3368 : i1
    %and3A_3370 = arith.andi %ne3A_3369, %ne3A_3364 : i1
    %add3A_3371 = arith.addi %rem3A_3362, %select_n3A_3361 : i32
    %select_n3A_3372 = arith.select %and3A_3370, %add3A_3371, %rem3A_3362 : i32
    %eq3A_3373 = arith.constant 53 : i32
    %eq3A_3374 = vector.broadcast %eq3A_3373 : i32 to vector<64x1xi32>
    %eq3A_3375 = arith.cmpi eq, %iota3A, %eq3A_3374 : vector<64x1xi32>
    %mul3A_3376 = arith.constant 16 : i32
    %mul3A_3377 = arith.muli %select_n3A_3356, %mul3A_3376 : i32
    %add3A_3378 = arith.addi %mul3A_3377, %select_n3A_3372 : i32
    %get3A_3379 = arith.index_cast %add3A_3378 : i32 to index
    %get3A_3380 = memref.load %arg1[%get3A_3379] : memref<512xf32, #tpu.memory_space<smem>>
    %broadcast_in_dim3A_3381 = vector.broadcast %get3A_3380 : f32 to vector<64x1xf32>
    %select_n3A_3382 = arith.select %eq3A_3375, %broadcast_in_dim3A_3381, %select_n3A_3319 : vector<64x1xi1>, vector<64x1xf32>
    %mul3A_3383 = arith.constant 16 : i32
    %mul3A_3384 = arith.muli %select_n3A_3356, %mul3A_3383 : i32
    %add3A_3385 = arith.constant 4 : i32
    %add3A_3386 = arith.addi %mul3A_3384, %add3A_3385 : i32
    %add3A_3387 = arith.addi %add3A_3386, %select_n3A_3372 : i32
    %get3A_3388 = arith.index_cast %add3A_3387 : i32 to index
    %get3A_3389 = memref.load %arg1[%get3A_3388] : memref<512xf32, #tpu.memory_space<smem>>
    %broadcast_in_dim3A_3390 = vector.broadcast %get3A_3389 : f32 to vector<64x1xf32>
    %select_n3A_3391 = arith.select %eq3A_3375, %broadcast_in_dim3A_3390, %select_n3A_3328 : vector<64x1xi1>, vector<64x1xf32>
    %mul3A_3392 = arith.constant 64 : i32
    %mul3A_3393 = arith.muli %arg0, %mul3A_3392 : i32
    %add3A_3394 = arith.constant 54 : i32
    %add3A_3395 = arith.addi %mul3A_3393, %add3A_3394 : i32
    %jit3A_3396 = arith.constant 4 : i32
    %div3A_3397 = arith.divsi %add3A_3395, %jit3A_3396 : i32
    %sign3A_3398 = arith.constant 0 : i32
    %sign3A_3399 = arith.cmpi sgt, %add3A_3395, %sign3A_3398 : i32
    %sign3A_3400 = arith.extui %sign3A_3399 : i1 to i32
    %sign3A_3401 = arith.constant 0 : i32
    %sign3A_3402 = arith.cmpi slt, %add3A_3395, %sign3A_3401 : i32
    %sign3A_3403 = arith.extui %sign3A_3402 : i1 to i32
    %sign3A_3404 = arith.subi %sign3A_3400, %sign3A_3403 : i32
    %sign3A_3405 = arith.constant 0 : i32
    %sign3A_3406 = arith.cmpi sgt, %jit3A_3396, %sign3A_3405 : i32
    %sign3A_3407 = arith.extui %sign3A_3406 : i1 to i32
    %sign3A_3408 = arith.constant 0 : i32
    %sign3A_3409 = arith.cmpi slt, %jit3A_3396, %sign3A_3408 : i32
    %sign3A_3410 = arith.extui %sign3A_3409 : i1 to i32
    %sign3A_3411 = arith.subi %sign3A_3407, %sign3A_3410 : i32
    %ne3A_3412 = arith.cmpi ne, %sign3A_3404, %sign3A_3411 : i32
    %rem3A_3413 = arith.remsi %add3A_3395, %jit3A_3396 : i32
    %ne3A_3414 = arith.constant 0 : i32
    %ne3A_3415 = arith.cmpi ne, %rem3A_3413, %ne3A_3414 : i32
    %and3A_3416 = arith.andi %ne3A_3412, %ne3A_3415 : i1
    %sub3A_3417 = arith.constant 1 : i32
    %sub3A_3418 = arith.subi %div3A_3397, %sub3A_3417 : i32
    %select_n3A_3419 = arith.select %and3A_3416, %sub3A_3418, %div3A_3397 : i32
    %jit3A_3420 = arith.constant 4 : i32
    %eq3A_3421 = arith.constant 0 : i32
    %eq3A_3422 = arith.cmpi eq, %jit3A_3420, %eq3A_3421 : i32
    %jit3A_3423 = arith.constant 1 : i32
    %select_n3A_3424 = arith.select %eq3A_3422, %jit3A_3423, %jit3A_3420 : i32
    %rem3A_3425 = arith.remsi %add3A_3395, %select_n3A_3424 : i32
    %ne3A_3426 = arith.constant 0 : i32
    %ne3A_3427 = arith.cmpi ne, %rem3A_3425, %ne3A_3426 : i32
    %lt3A_3428 = arith.constant 0 : i32
    %lt3A_3429 = arith.cmpi slt, %rem3A_3425, %lt3A_3428 : i32
    %lt3A_3430 = arith.constant 0 : i32
    %lt3A_3431 = arith.cmpi slt, %select_n3A_3424, %lt3A_3430 : i32
    %ne3A_3432 = arith.xori %lt3A_3429, %lt3A_3431 : i1
    %and3A_3433 = arith.andi %ne3A_3432, %ne3A_3427 : i1
    %add3A_3434 = arith.addi %rem3A_3425, %select_n3A_3424 : i32
    %select_n3A_3435 = arith.select %and3A_3433, %add3A_3434, %rem3A_3425 : i32
    %eq3A_3436 = arith.constant 54 : i32
    %eq3A_3437 = vector.broadcast %eq3A_3436 : i32 to vector<64x1xi32>
    %eq3A_3438 = arith.cmpi eq, %iota3A, %eq3A_3437 : vector<64x1xi32>
    %mul3A_3439 = arith.constant 16 : i32
    %mul3A_3440 = arith.muli %select_n3A_3419, %mul3A_3439 : i32
    %add3A_3441 = arith.addi %mul3A_3440, %select_n3A_3435 : i32
    %get3A_3442 = arith.index_cast %add3A_3441 : i32 to index
    %get3A_3443 = memref.load %arg1[%get3A_3442] : memref<512xf32, #tpu.memory_space<smem>>
    %broadcast_in_dim3A_3444 = vector.broadcast %get3A_3443 : f32 to vector<64x1xf32>
    %select_n3A_3445 = arith.select %eq3A_3438, %broadcast_in_dim3A_3444, %select_n3A_3382 : vector<64x1xi1>, vector<64x1xf32>
    %mul3A_3446 = arith.constant 16 : i32
    %mul3A_3447 = arith.muli %select_n3A_3419, %mul3A_3446 : i32
    %add3A_3448 = arith.constant 4 : i32
    %add3A_3449 = arith.addi %mul3A_3447, %add3A_3448 : i32
    %add3A_3450 = arith.addi %add3A_3449, %select_n3A_3435 : i32
    %get3A_3451 = arith.index_cast %add3A_3450 : i32 to index
    %get3A_3452 = memref.load %arg1[%get3A_3451] : memref<512xf32, #tpu.memory_space<smem>>
    %broadcast_in_dim3A_3453 = vector.broadcast %get3A_3452 : f32 to vector<64x1xf32>
    %select_n3A_3454 = arith.select %eq3A_3438, %broadcast_in_dim3A_3453, %select_n3A_3391 : vector<64x1xi1>, vector<64x1xf32>
    %mul3A_3455 = arith.constant 64 : i32
    %mul3A_3456 = arith.muli %arg0, %mul3A_3455 : i32
    %add3A_3457 = arith.constant 55 : i32
    %add3A_3458 = arith.addi %mul3A_3456, %add3A_3457 : i32
    %jit3A_3459 = arith.constant 4 : i32
    %div3A_3460 = arith.divsi %add3A_3458, %jit3A_3459 : i32
    %sign3A_3461 = arith.constant 0 : i32
    %sign3A_3462 = arith.cmpi sgt, %add3A_3458, %sign3A_3461 : i32
    %sign3A_3463 = arith.extui %sign3A_3462 : i1 to i32
    %sign3A_3464 = arith.constant 0 : i32
    %sign3A_3465 = arith.cmpi slt, %add3A_3458, %sign3A_3464 : i32
    %sign3A_3466 = arith.extui %sign3A_3465 : i1 to i32
    %sign3A_3467 = arith.subi %sign3A_3463, %sign3A_3466 : i32
    %sign3A_3468 = arith.constant 0 : i32
    %sign3A_3469 = arith.cmpi sgt, %jit3A_3459, %sign3A_3468 : i32
    %sign3A_3470 = arith.extui %sign3A_3469 : i1 to i32
    %sign3A_3471 = arith.constant 0 : i32
    %sign3A_3472 = arith.cmpi slt, %jit3A_3459, %sign3A_3471 : i32
    %sign3A_3473 = arith.extui %sign3A_3472 : i1 to i32
    %sign3A_3474 = arith.subi %sign3A_3470, %sign3A_3473 : i32
    %ne3A_3475 = arith.cmpi ne, %sign3A_3467, %sign3A_3474 : i32
    %rem3A_3476 = arith.remsi %add3A_3458, %jit3A_3459 : i32
    %ne3A_3477 = arith.constant 0 : i32
    %ne3A_3478 = arith.cmpi ne, %rem3A_3476, %ne3A_3477 : i32
    %and3A_3479 = arith.andi %ne3A_3475, %ne3A_3478 : i1
    %sub3A_3480 = arith.constant 1 : i32
    %sub3A_3481 = arith.subi %div3A_3460, %sub3A_3480 : i32
    %select_n3A_3482 = arith.select %and3A_3479, %sub3A_3481, %div3A_3460 : i32
    %jit3A_3483 = arith.constant 4 : i32
    %eq3A_3484 = arith.constant 0 : i32
    %eq3A_3485 = arith.cmpi eq, %jit3A_3483, %eq3A_3484 : i32
    %jit3A_3486 = arith.constant 1 : i32
    %select_n3A_3487 = arith.select %eq3A_3485, %jit3A_3486, %jit3A_3483 : i32
    %rem3A_3488 = arith.remsi %add3A_3458, %select_n3A_3487 : i32
    %ne3A_3489 = arith.constant 0 : i32
    %ne3A_3490 = arith.cmpi ne, %rem3A_3488, %ne3A_3489 : i32
    %lt3A_3491 = arith.constant 0 : i32
    %lt3A_3492 = arith.cmpi slt, %rem3A_3488, %lt3A_3491 : i32
    %lt3A_3493 = arith.constant 0 : i32
    %lt3A_3494 = arith.cmpi slt, %select_n3A_3487, %lt3A_3493 : i32
    %ne3A_3495 = arith.xori %lt3A_3492, %lt3A_3494 : i1
    %and3A_3496 = arith.andi %ne3A_3495, %ne3A_3490 : i1
    %add3A_3497 = arith.addi %rem3A_3488, %select_n3A_3487 : i32
    %select_n3A_3498 = arith.select %and3A_3496, %add3A_3497, %rem3A_3488 : i32
    %eq3A_3499 = arith.constant 55 : i32
    %eq3A_3500 = vector.broadcast %eq3A_3499 : i32 to vector<64x1xi32>
    %eq3A_3501 = arith.cmpi eq, %iota3A, %eq3A_3500 : vector<64x1xi32>
    %mul3A_3502 = arith.constant 16 : i32
    %mul3A_3503 = arith.muli %select_n3A_3482, %mul3A_3502 : i32
    %add3A_3504 = arith.addi %mul3A_3503, %select_n3A_3498 : i32
    %get3A_3505 = arith.index_cast %add3A_3504 : i32 to index
    %get3A_3506 = memref.load %arg1[%get3A_3505] : memref<512xf32, #tpu.memory_space<smem>>
    %broadcast_in_dim3A_3507 = vector.broadcast %get3A_3506 : f32 to vector<64x1xf32>
    %select_n3A_3508 = arith.select %eq3A_3501, %broadcast_in_dim3A_3507, %select_n3A_3445 : vector<64x1xi1>, vector<64x1xf32>
    %mul3A_3509 = arith.constant 16 : i32
    %mul3A_3510 = arith.muli %select_n3A_3482, %mul3A_3509 : i32
    %add3A_3511 = arith.constant 4 : i32
    %add3A_3512 = arith.addi %mul3A_3510, %add3A_3511 : i32
    %add3A_3513 = arith.addi %add3A_3512, %select_n3A_3498 : i32
    %get3A_3514 = arith.index_cast %add3A_3513 : i32 to index
    %get3A_3515 = memref.load %arg1[%get3A_3514] : memref<512xf32, #tpu.memory_space<smem>>
    %broadcast_in_dim3A_3516 = vector.broadcast %get3A_3515 : f32 to vector<64x1xf32>
    %select_n3A_3517 = arith.select %eq3A_3501, %broadcast_in_dim3A_3516, %select_n3A_3454 : vector<64x1xi1>, vector<64x1xf32>
    %mul3A_3518 = arith.constant 64 : i32
    %mul3A_3519 = arith.muli %arg0, %mul3A_3518 : i32
    %add3A_3520 = arith.constant 56 : i32
    %add3A_3521 = arith.addi %mul3A_3519, %add3A_3520 : i32
    %jit3A_3522 = arith.constant 4 : i32
    %div3A_3523 = arith.divsi %add3A_3521, %jit3A_3522 : i32
    %sign3A_3524 = arith.constant 0 : i32
    %sign3A_3525 = arith.cmpi sgt, %add3A_3521, %sign3A_3524 : i32
    %sign3A_3526 = arith.extui %sign3A_3525 : i1 to i32
    %sign3A_3527 = arith.constant 0 : i32
    %sign3A_3528 = arith.cmpi slt, %add3A_3521, %sign3A_3527 : i32
    %sign3A_3529 = arith.extui %sign3A_3528 : i1 to i32
    %sign3A_3530 = arith.subi %sign3A_3526, %sign3A_3529 : i32
    %sign3A_3531 = arith.constant 0 : i32
    %sign3A_3532 = arith.cmpi sgt, %jit3A_3522, %sign3A_3531 : i32
    %sign3A_3533 = arith.extui %sign3A_3532 : i1 to i32
    %sign3A_3534 = arith.constant 0 : i32
    %sign3A_3535 = arith.cmpi slt, %jit3A_3522, %sign3A_3534 : i32
    %sign3A_3536 = arith.extui %sign3A_3535 : i1 to i32
    %sign3A_3537 = arith.subi %sign3A_3533, %sign3A_3536 : i32
    %ne3A_3538 = arith.cmpi ne, %sign3A_3530, %sign3A_3537 : i32
    %rem3A_3539 = arith.remsi %add3A_3521, %jit3A_3522 : i32
    %ne3A_3540 = arith.constant 0 : i32
    %ne3A_3541 = arith.cmpi ne, %rem3A_3539, %ne3A_3540 : i32
    %and3A_3542 = arith.andi %ne3A_3538, %ne3A_3541 : i1
    %sub3A_3543 = arith.constant 1 : i32
    %sub3A_3544 = arith.subi %div3A_3523, %sub3A_3543 : i32
    %select_n3A_3545 = arith.select %and3A_3542, %sub3A_3544, %div3A_3523 : i32
    %jit3A_3546 = arith.constant 4 : i32
    %eq3A_3547 = arith.constant 0 : i32
    %eq3A_3548 = arith.cmpi eq, %jit3A_3546, %eq3A_3547 : i32
    %jit3A_3549 = arith.constant 1 : i32
    %select_n3A_3550 = arith.select %eq3A_3548, %jit3A_3549, %jit3A_3546 : i32
    %rem3A_3551 = arith.remsi %add3A_3521, %select_n3A_3550 : i32
    %ne3A_3552 = arith.constant 0 : i32
    %ne3A_3553 = arith.cmpi ne, %rem3A_3551, %ne3A_3552 : i32
    %lt3A_3554 = arith.constant 0 : i32
    %lt3A_3555 = arith.cmpi slt, %rem3A_3551, %lt3A_3554 : i32
    %lt3A_3556 = arith.constant 0 : i32
    %lt3A_3557 = arith.cmpi slt, %select_n3A_3550, %lt3A_3556 : i32
    %ne3A_3558 = arith.xori %lt3A_3555, %lt3A_3557 : i1
    %and3A_3559 = arith.andi %ne3A_3558, %ne3A_3553 : i1
    %add3A_3560 = arith.addi %rem3A_3551, %select_n3A_3550 : i32
    %select_n3A_3561 = arith.select %and3A_3559, %add3A_3560, %rem3A_3551 : i32
    %eq3A_3562 = arith.constant 56 : i32
    %eq3A_3563 = vector.broadcast %eq3A_3562 : i32 to vector<64x1xi32>
    %eq3A_3564 = arith.cmpi eq, %iota3A, %eq3A_3563 : vector<64x1xi32>
    %mul3A_3565 = arith.constant 16 : i32
    %mul3A_3566 = arith.muli %select_n3A_3545, %mul3A_3565 : i32
    %add3A_3567 = arith.addi %mul3A_3566, %select_n3A_3561 : i32
    %get3A_3568 = arith.index_cast %add3A_3567 : i32 to index
    %get3A_3569 = memref.load %arg1[%get3A_3568] : memref<512xf32, #tpu.memory_space<smem>>
    %broadcast_in_dim3A_3570 = vector.broadcast %get3A_3569 : f32 to vector<64x1xf32>
    %select_n3A_3571 = arith.select %eq3A_3564, %broadcast_in_dim3A_3570, %select_n3A_3508 : vector<64x1xi1>, vector<64x1xf32>
    %mul3A_3572 = arith.constant 16 : i32
    %mul3A_3573 = arith.muli %select_n3A_3545, %mul3A_3572 : i32
    %add3A_3574 = arith.constant 4 : i32
    %add3A_3575 = arith.addi %mul3A_3573, %add3A_3574 : i32
    %add3A_3576 = arith.addi %add3A_3575, %select_n3A_3561 : i32
    %get3A_3577 = arith.index_cast %add3A_3576 : i32 to index
    %get3A_3578 = memref.load %arg1[%get3A_3577] : memref<512xf32, #tpu.memory_space<smem>>
    %broadcast_in_dim3A_3579 = vector.broadcast %get3A_3578 : f32 to vector<64x1xf32>
    %select_n3A_3580 = arith.select %eq3A_3564, %broadcast_in_dim3A_3579, %select_n3A_3517 : vector<64x1xi1>, vector<64x1xf32>
    %mul3A_3581 = arith.constant 64 : i32
    %mul3A_3582 = arith.muli %arg0, %mul3A_3581 : i32
    %add3A_3583 = arith.constant 57 : i32
    %add3A_3584 = arith.addi %mul3A_3582, %add3A_3583 : i32
    %jit3A_3585 = arith.constant 4 : i32
    %div3A_3586 = arith.divsi %add3A_3584, %jit3A_3585 : i32
    %sign3A_3587 = arith.constant 0 : i32
    %sign3A_3588 = arith.cmpi sgt, %add3A_3584, %sign3A_3587 : i32
    %sign3A_3589 = arith.extui %sign3A_3588 : i1 to i32
    %sign3A_3590 = arith.constant 0 : i32
    %sign3A_3591 = arith.cmpi slt, %add3A_3584, %sign3A_3590 : i32
    %sign3A_3592 = arith.extui %sign3A_3591 : i1 to i32
    %sign3A_3593 = arith.subi %sign3A_3589, %sign3A_3592 : i32
    %sign3A_3594 = arith.constant 0 : i32
    %sign3A_3595 = arith.cmpi sgt, %jit3A_3585, %sign3A_3594 : i32
    %sign3A_3596 = arith.extui %sign3A_3595 : i1 to i32
    %sign3A_3597 = arith.constant 0 : i32
    %sign3A_3598 = arith.cmpi slt, %jit3A_3585, %sign3A_3597 : i32
    %sign3A_3599 = arith.extui %sign3A_3598 : i1 to i32
    %sign3A_3600 = arith.subi %sign3A_3596, %sign3A_3599 : i32
    %ne3A_3601 = arith.cmpi ne, %sign3A_3593, %sign3A_3600 : i32
    %rem3A_3602 = arith.remsi %add3A_3584, %jit3A_3585 : i32
    %ne3A_3603 = arith.constant 0 : i32
    %ne3A_3604 = arith.cmpi ne, %rem3A_3602, %ne3A_3603 : i32
    %and3A_3605 = arith.andi %ne3A_3601, %ne3A_3604 : i1
    %sub3A_3606 = arith.constant 1 : i32
    %sub3A_3607 = arith.subi %div3A_3586, %sub3A_3606 : i32
    %select_n3A_3608 = arith.select %and3A_3605, %sub3A_3607, %div3A_3586 : i32
    %jit3A_3609 = arith.constant 4 : i32
    %eq3A_3610 = arith.constant 0 : i32
    %eq3A_3611 = arith.cmpi eq, %jit3A_3609, %eq3A_3610 : i32
    %jit3A_3612 = arith.constant 1 : i32
    %select_n3A_3613 = arith.select %eq3A_3611, %jit3A_3612, %jit3A_3609 : i32
    %rem3A_3614 = arith.remsi %add3A_3584, %select_n3A_3613 : i32
    %ne3A_3615 = arith.constant 0 : i32
    %ne3A_3616 = arith.cmpi ne, %rem3A_3614, %ne3A_3615 : i32
    %lt3A_3617 = arith.constant 0 : i32
    %lt3A_3618 = arith.cmpi slt, %rem3A_3614, %lt3A_3617 : i32
    %lt3A_3619 = arith.constant 0 : i32
    %lt3A_3620 = arith.cmpi slt, %select_n3A_3613, %lt3A_3619 : i32
    %ne3A_3621 = arith.xori %lt3A_3618, %lt3A_3620 : i1
    %and3A_3622 = arith.andi %ne3A_3621, %ne3A_3616 : i1
    %add3A_3623 = arith.addi %rem3A_3614, %select_n3A_3613 : i32
    %select_n3A_3624 = arith.select %and3A_3622, %add3A_3623, %rem3A_3614 : i32
    %eq3A_3625 = arith.constant 57 : i32
    %eq3A_3626 = vector.broadcast %eq3A_3625 : i32 to vector<64x1xi32>
    %eq3A_3627 = arith.cmpi eq, %iota3A, %eq3A_3626 : vector<64x1xi32>
    %mul3A_3628 = arith.constant 16 : i32
    %mul3A_3629 = arith.muli %select_n3A_3608, %mul3A_3628 : i32
    %add3A_3630 = arith.addi %mul3A_3629, %select_n3A_3624 : i32
    %get3A_3631 = arith.index_cast %add3A_3630 : i32 to index
    %get3A_3632 = memref.load %arg1[%get3A_3631] : memref<512xf32, #tpu.memory_space<smem>>
    %broadcast_in_dim3A_3633 = vector.broadcast %get3A_3632 : f32 to vector<64x1xf32>
    %select_n3A_3634 = arith.select %eq3A_3627, %broadcast_in_dim3A_3633, %select_n3A_3571 : vector<64x1xi1>, vector<64x1xf32>
    %mul3A_3635 = arith.constant 16 : i32
    %mul3A_3636 = arith.muli %select_n3A_3608, %mul3A_3635 : i32
    %add3A_3637 = arith.constant 4 : i32
    %add3A_3638 = arith.addi %mul3A_3636, %add3A_3637 : i32
    %add3A_3639 = arith.addi %add3A_3638, %select_n3A_3624 : i32
    %get3A_3640 = arith.index_cast %add3A_3639 : i32 to index
    %get3A_3641 = memref.load %arg1[%get3A_3640] : memref<512xf32, #tpu.memory_space<smem>>
    %broadcast_in_dim3A_3642 = vector.broadcast %get3A_3641 : f32 to vector<64x1xf32>
    %select_n3A_3643 = arith.select %eq3A_3627, %broadcast_in_dim3A_3642, %select_n3A_3580 : vector<64x1xi1>, vector<64x1xf32>
    %mul3A_3644 = arith.constant 64 : i32
    %mul3A_3645 = arith.muli %arg0, %mul3A_3644 : i32
    %add3A_3646 = arith.constant 58 : i32
    %add3A_3647 = arith.addi %mul3A_3645, %add3A_3646 : i32
    %jit3A_3648 = arith.constant 4 : i32
    %div3A_3649 = arith.divsi %add3A_3647, %jit3A_3648 : i32
    %sign3A_3650 = arith.constant 0 : i32
    %sign3A_3651 = arith.cmpi sgt, %add3A_3647, %sign3A_3650 : i32
    %sign3A_3652 = arith.extui %sign3A_3651 : i1 to i32
    %sign3A_3653 = arith.constant 0 : i32
    %sign3A_3654 = arith.cmpi slt, %add3A_3647, %sign3A_3653 : i32
    %sign3A_3655 = arith.extui %sign3A_3654 : i1 to i32
    %sign3A_3656 = arith.subi %sign3A_3652, %sign3A_3655 : i32
    %sign3A_3657 = arith.constant 0 : i32
    %sign3A_3658 = arith.cmpi sgt, %jit3A_3648, %sign3A_3657 : i32
    %sign3A_3659 = arith.extui %sign3A_3658 : i1 to i32
    %sign3A_3660 = arith.constant 0 : i32
    %sign3A_3661 = arith.cmpi slt, %jit3A_3648, %sign3A_3660 : i32
    %sign3A_3662 = arith.extui %sign3A_3661 : i1 to i32
    %sign3A_3663 = arith.subi %sign3A_3659, %sign3A_3662 : i32
    %ne3A_3664 = arith.cmpi ne, %sign3A_3656, %sign3A_3663 : i32
    %rem3A_3665 = arith.remsi %add3A_3647, %jit3A_3648 : i32
    %ne3A_3666 = arith.constant 0 : i32
    %ne3A_3667 = arith.cmpi ne, %rem3A_3665, %ne3A_3666 : i32
    %and3A_3668 = arith.andi %ne3A_3664, %ne3A_3667 : i1
    %sub3A_3669 = arith.constant 1 : i32
    %sub3A_3670 = arith.subi %div3A_3649, %sub3A_3669 : i32
    %select_n3A_3671 = arith.select %and3A_3668, %sub3A_3670, %div3A_3649 : i32
    %jit3A_3672 = arith.constant 4 : i32
    %eq3A_3673 = arith.constant 0 : i32
    %eq3A_3674 = arith.cmpi eq, %jit3A_3672, %eq3A_3673 : i32
    %jit3A_3675 = arith.constant 1 : i32
    %select_n3A_3676 = arith.select %eq3A_3674, %jit3A_3675, %jit3A_3672 : i32
    %rem3A_3677 = arith.remsi %add3A_3647, %select_n3A_3676 : i32
    %ne3A_3678 = arith.constant 0 : i32
    %ne3A_3679 = arith.cmpi ne, %rem3A_3677, %ne3A_3678 : i32
    %lt3A_3680 = arith.constant 0 : i32
    %lt3A_3681 = arith.cmpi slt, %rem3A_3677, %lt3A_3680 : i32
    %lt3A_3682 = arith.constant 0 : i32
    %lt3A_3683 = arith.cmpi slt, %select_n3A_3676, %lt3A_3682 : i32
    %ne3A_3684 = arith.xori %lt3A_3681, %lt3A_3683 : i1
    %and3A_3685 = arith.andi %ne3A_3684, %ne3A_3679 : i1
    %add3A_3686 = arith.addi %rem3A_3677, %select_n3A_3676 : i32
    %select_n3A_3687 = arith.select %and3A_3685, %add3A_3686, %rem3A_3677 : i32
    %eq3A_3688 = arith.constant 58 : i32
    %eq3A_3689 = vector.broadcast %eq3A_3688 : i32 to vector<64x1xi32>
    %eq3A_3690 = arith.cmpi eq, %iota3A, %eq3A_3689 : vector<64x1xi32>
    %mul3A_3691 = arith.constant 16 : i32
    %mul3A_3692 = arith.muli %select_n3A_3671, %mul3A_3691 : i32
    %add3A_3693 = arith.addi %mul3A_3692, %select_n3A_3687 : i32
    %get3A_3694 = arith.index_cast %add3A_3693 : i32 to index
    %get3A_3695 = memref.load %arg1[%get3A_3694] : memref<512xf32, #tpu.memory_space<smem>>
    %broadcast_in_dim3A_3696 = vector.broadcast %get3A_3695 : f32 to vector<64x1xf32>
    %select_n3A_3697 = arith.select %eq3A_3690, %broadcast_in_dim3A_3696, %select_n3A_3634 : vector<64x1xi1>, vector<64x1xf32>
    %mul3A_3698 = arith.constant 16 : i32
    %mul3A_3699 = arith.muli %select_n3A_3671, %mul3A_3698 : i32
    %add3A_3700 = arith.constant 4 : i32
    %add3A_3701 = arith.addi %mul3A_3699, %add3A_3700 : i32
    %add3A_3702 = arith.addi %add3A_3701, %select_n3A_3687 : i32
    %get3A_3703 = arith.index_cast %add3A_3702 : i32 to index
    %get3A_3704 = memref.load %arg1[%get3A_3703] : memref<512xf32, #tpu.memory_space<smem>>
    %broadcast_in_dim3A_3705 = vector.broadcast %get3A_3704 : f32 to vector<64x1xf32>
    %select_n3A_3706 = arith.select %eq3A_3690, %broadcast_in_dim3A_3705, %select_n3A_3643 : vector<64x1xi1>, vector<64x1xf32>
    %mul3A_3707 = arith.constant 64 : i32
    %mul3A_3708 = arith.muli %arg0, %mul3A_3707 : i32
    %add3A_3709 = arith.constant 59 : i32
    %add3A_3710 = arith.addi %mul3A_3708, %add3A_3709 : i32
    %jit3A_3711 = arith.constant 4 : i32
    %div3A_3712 = arith.divsi %add3A_3710, %jit3A_3711 : i32
    %sign3A_3713 = arith.constant 0 : i32
    %sign3A_3714 = arith.cmpi sgt, %add3A_3710, %sign3A_3713 : i32
    %sign3A_3715 = arith.extui %sign3A_3714 : i1 to i32
    %sign3A_3716 = arith.constant 0 : i32
    %sign3A_3717 = arith.cmpi slt, %add3A_3710, %sign3A_3716 : i32
    %sign3A_3718 = arith.extui %sign3A_3717 : i1 to i32
    %sign3A_3719 = arith.subi %sign3A_3715, %sign3A_3718 : i32
    %sign3A_3720 = arith.constant 0 : i32
    %sign3A_3721 = arith.cmpi sgt, %jit3A_3711, %sign3A_3720 : i32
    %sign3A_3722 = arith.extui %sign3A_3721 : i1 to i32
    %sign3A_3723 = arith.constant 0 : i32
    %sign3A_3724 = arith.cmpi slt, %jit3A_3711, %sign3A_3723 : i32
    %sign3A_3725 = arith.extui %sign3A_3724 : i1 to i32
    %sign3A_3726 = arith.subi %sign3A_3722, %sign3A_3725 : i32
    %ne3A_3727 = arith.cmpi ne, %sign3A_3719, %sign3A_3726 : i32
    %rem3A_3728 = arith.remsi %add3A_3710, %jit3A_3711 : i32
    %ne3A_3729 = arith.constant 0 : i32
    %ne3A_3730 = arith.cmpi ne, %rem3A_3728, %ne3A_3729 : i32
    %and3A_3731 = arith.andi %ne3A_3727, %ne3A_3730 : i1
    %sub3A_3732 = arith.constant 1 : i32
    %sub3A_3733 = arith.subi %div3A_3712, %sub3A_3732 : i32
    %select_n3A_3734 = arith.select %and3A_3731, %sub3A_3733, %div3A_3712 : i32
    %jit3A_3735 = arith.constant 4 : i32
    %eq3A_3736 = arith.constant 0 : i32
    %eq3A_3737 = arith.cmpi eq, %jit3A_3735, %eq3A_3736 : i32
    %jit3A_3738 = arith.constant 1 : i32
    %select_n3A_3739 = arith.select %eq3A_3737, %jit3A_3738, %jit3A_3735 : i32
    %rem3A_3740 = arith.remsi %add3A_3710, %select_n3A_3739 : i32
    %ne3A_3741 = arith.constant 0 : i32
    %ne3A_3742 = arith.cmpi ne, %rem3A_3740, %ne3A_3741 : i32
    %lt3A_3743 = arith.constant 0 : i32
    %lt3A_3744 = arith.cmpi slt, %rem3A_3740, %lt3A_3743 : i32
    %lt3A_3745 = arith.constant 0 : i32
    %lt3A_3746 = arith.cmpi slt, %select_n3A_3739, %lt3A_3745 : i32
    %ne3A_3747 = arith.xori %lt3A_3744, %lt3A_3746 : i1
    %and3A_3748 = arith.andi %ne3A_3747, %ne3A_3742 : i1
    %add3A_3749 = arith.addi %rem3A_3740, %select_n3A_3739 : i32
    %select_n3A_3750 = arith.select %and3A_3748, %add3A_3749, %rem3A_3740 : i32
    %eq3A_3751 = arith.constant 59 : i32
    %eq3A_3752 = vector.broadcast %eq3A_3751 : i32 to vector<64x1xi32>
    %eq3A_3753 = arith.cmpi eq, %iota3A, %eq3A_3752 : vector<64x1xi32>
    %mul3A_3754 = arith.constant 16 : i32
    %mul3A_3755 = arith.muli %select_n3A_3734, %mul3A_3754 : i32
    %add3A_3756 = arith.addi %mul3A_3755, %select_n3A_3750 : i32
    %get3A_3757 = arith.index_cast %add3A_3756 : i32 to index
    %get3A_3758 = memref.load %arg1[%get3A_3757] : memref<512xf32, #tpu.memory_space<smem>>
    %broadcast_in_dim3A_3759 = vector.broadcast %get3A_3758 : f32 to vector<64x1xf32>
    %select_n3A_3760 = arith.select %eq3A_3753, %broadcast_in_dim3A_3759, %select_n3A_3697 : vector<64x1xi1>, vector<64x1xf32>
    %mul3A_3761 = arith.constant 16 : i32
    %mul3A_3762 = arith.muli %select_n3A_3734, %mul3A_3761 : i32
    %add3A_3763 = arith.constant 4 : i32
    %add3A_3764 = arith.addi %mul3A_3762, %add3A_3763 : i32
    %add3A_3765 = arith.addi %add3A_3764, %select_n3A_3750 : i32
    %get3A_3766 = arith.index_cast %add3A_3765 : i32 to index
    %get3A_3767 = memref.load %arg1[%get3A_3766] : memref<512xf32, #tpu.memory_space<smem>>
    %broadcast_in_dim3A_3768 = vector.broadcast %get3A_3767 : f32 to vector<64x1xf32>
    %select_n3A_3769 = arith.select %eq3A_3753, %broadcast_in_dim3A_3768, %select_n3A_3706 : vector<64x1xi1>, vector<64x1xf32>
    %mul3A_3770 = arith.constant 64 : i32
    %mul3A_3771 = arith.muli %arg0, %mul3A_3770 : i32
    %add3A_3772 = arith.constant 60 : i32
    %add3A_3773 = arith.addi %mul3A_3771, %add3A_3772 : i32
    %jit3A_3774 = arith.constant 4 : i32
    %div3A_3775 = arith.divsi %add3A_3773, %jit3A_3774 : i32
    %sign3A_3776 = arith.constant 0 : i32
    %sign3A_3777 = arith.cmpi sgt, %add3A_3773, %sign3A_3776 : i32
    %sign3A_3778 = arith.extui %sign3A_3777 : i1 to i32
    %sign3A_3779 = arith.constant 0 : i32
    %sign3A_3780 = arith.cmpi slt, %add3A_3773, %sign3A_3779 : i32
    %sign3A_3781 = arith.extui %sign3A_3780 : i1 to i32
    %sign3A_3782 = arith.subi %sign3A_3778, %sign3A_3781 : i32
    %sign3A_3783 = arith.constant 0 : i32
    %sign3A_3784 = arith.cmpi sgt, %jit3A_3774, %sign3A_3783 : i32
    %sign3A_3785 = arith.extui %sign3A_3784 : i1 to i32
    %sign3A_3786 = arith.constant 0 : i32
    %sign3A_3787 = arith.cmpi slt, %jit3A_3774, %sign3A_3786 : i32
    %sign3A_3788 = arith.extui %sign3A_3787 : i1 to i32
    %sign3A_3789 = arith.subi %sign3A_3785, %sign3A_3788 : i32
    %ne3A_3790 = arith.cmpi ne, %sign3A_3782, %sign3A_3789 : i32
    %rem3A_3791 = arith.remsi %add3A_3773, %jit3A_3774 : i32
    %ne3A_3792 = arith.constant 0 : i32
    %ne3A_3793 = arith.cmpi ne, %rem3A_3791, %ne3A_3792 : i32
    %and3A_3794 = arith.andi %ne3A_3790, %ne3A_3793 : i1
    %sub3A_3795 = arith.constant 1 : i32
    %sub3A_3796 = arith.subi %div3A_3775, %sub3A_3795 : i32
    %select_n3A_3797 = arith.select %and3A_3794, %sub3A_3796, %div3A_3775 : i32
    %jit3A_3798 = arith.constant 4 : i32
    %eq3A_3799 = arith.constant 0 : i32
    %eq3A_3800 = arith.cmpi eq, %jit3A_3798, %eq3A_3799 : i32
    %jit3A_3801 = arith.constant 1 : i32
    %select_n3A_3802 = arith.select %eq3A_3800, %jit3A_3801, %jit3A_3798 : i32
    %rem3A_3803 = arith.remsi %add3A_3773, %select_n3A_3802 : i32
    %ne3A_3804 = arith.constant 0 : i32
    %ne3A_3805 = arith.cmpi ne, %rem3A_3803, %ne3A_3804 : i32
    %lt3A_3806 = arith.constant 0 : i32
    %lt3A_3807 = arith.cmpi slt, %rem3A_3803, %lt3A_3806 : i32
    %lt3A_3808 = arith.constant 0 : i32
    %lt3A_3809 = arith.cmpi slt, %select_n3A_3802, %lt3A_3808 : i32
    %ne3A_3810 = arith.xori %lt3A_3807, %lt3A_3809 : i1
    %and3A_3811 = arith.andi %ne3A_3810, %ne3A_3805 : i1
    %add3A_3812 = arith.addi %rem3A_3803, %select_n3A_3802 : i32
    %select_n3A_3813 = arith.select %and3A_3811, %add3A_3812, %rem3A_3803 : i32
    %eq3A_3814 = arith.constant 60 : i32
    %eq3A_3815 = vector.broadcast %eq3A_3814 : i32 to vector<64x1xi32>
    %eq3A_3816 = arith.cmpi eq, %iota3A, %eq3A_3815 : vector<64x1xi32>
    %mul3A_3817 = arith.constant 16 : i32
    %mul3A_3818 = arith.muli %select_n3A_3797, %mul3A_3817 : i32
    %add3A_3819 = arith.addi %mul3A_3818, %select_n3A_3813 : i32
    %get3A_3820 = arith.index_cast %add3A_3819 : i32 to index
    %get3A_3821 = memref.load %arg1[%get3A_3820] : memref<512xf32, #tpu.memory_space<smem>>
    %broadcast_in_dim3A_3822 = vector.broadcast %get3A_3821 : f32 to vector<64x1xf32>
    %select_n3A_3823 = arith.select %eq3A_3816, %broadcast_in_dim3A_3822, %select_n3A_3760 : vector<64x1xi1>, vector<64x1xf32>
    %mul3A_3824 = arith.constant 16 : i32
    %mul3A_3825 = arith.muli %select_n3A_3797, %mul3A_3824 : i32
    %add3A_3826 = arith.constant 4 : i32
    %add3A_3827 = arith.addi %mul3A_3825, %add3A_3826 : i32
    %add3A_3828 = arith.addi %add3A_3827, %select_n3A_3813 : i32
    %get3A_3829 = arith.index_cast %add3A_3828 : i32 to index
    %get3A_3830 = memref.load %arg1[%get3A_3829] : memref<512xf32, #tpu.memory_space<smem>>
    %broadcast_in_dim3A_3831 = vector.broadcast %get3A_3830 : f32 to vector<64x1xf32>
    %select_n3A_3832 = arith.select %eq3A_3816, %broadcast_in_dim3A_3831, %select_n3A_3769 : vector<64x1xi1>, vector<64x1xf32>
    %mul3A_3833 = arith.constant 64 : i32
    %mul3A_3834 = arith.muli %arg0, %mul3A_3833 : i32
    %add3A_3835 = arith.constant 61 : i32
    %add3A_3836 = arith.addi %mul3A_3834, %add3A_3835 : i32
    %jit3A_3837 = arith.constant 4 : i32
    %div3A_3838 = arith.divsi %add3A_3836, %jit3A_3837 : i32
    %sign3A_3839 = arith.constant 0 : i32
    %sign3A_3840 = arith.cmpi sgt, %add3A_3836, %sign3A_3839 : i32
    %sign3A_3841 = arith.extui %sign3A_3840 : i1 to i32
    %sign3A_3842 = arith.constant 0 : i32
    %sign3A_3843 = arith.cmpi slt, %add3A_3836, %sign3A_3842 : i32
    %sign3A_3844 = arith.extui %sign3A_3843 : i1 to i32
    %sign3A_3845 = arith.subi %sign3A_3841, %sign3A_3844 : i32
    %sign3A_3846 = arith.constant 0 : i32
    %sign3A_3847 = arith.cmpi sgt, %jit3A_3837, %sign3A_3846 : i32
    %sign3A_3848 = arith.extui %sign3A_3847 : i1 to i32
    %sign3A_3849 = arith.constant 0 : i32
    %sign3A_3850 = arith.cmpi slt, %jit3A_3837, %sign3A_3849 : i32
    %sign3A_3851 = arith.extui %sign3A_3850 : i1 to i32
    %sign3A_3852 = arith.subi %sign3A_3848, %sign3A_3851 : i32
    %ne3A_3853 = arith.cmpi ne, %sign3A_3845, %sign3A_3852 : i32
    %rem3A_3854 = arith.remsi %add3A_3836, %jit3A_3837 : i32
    %ne3A_3855 = arith.constant 0 : i32
    %ne3A_3856 = arith.cmpi ne, %rem3A_3854, %ne3A_3855 : i32
    %and3A_3857 = arith.andi %ne3A_3853, %ne3A_3856 : i1
    %sub3A_3858 = arith.constant 1 : i32
    %sub3A_3859 = arith.subi %div3A_3838, %sub3A_3858 : i32
    %select_n3A_3860 = arith.select %and3A_3857, %sub3A_3859, %div3A_3838 : i32
    %jit3A_3861 = arith.constant 4 : i32
    %eq3A_3862 = arith.constant 0 : i32
    %eq3A_3863 = arith.cmpi eq, %jit3A_3861, %eq3A_3862 : i32
    %jit3A_3864 = arith.constant 1 : i32
    %select_n3A_3865 = arith.select %eq3A_3863, %jit3A_3864, %jit3A_3861 : i32
    %rem3A_3866 = arith.remsi %add3A_3836, %select_n3A_3865 : i32
    %ne3A_3867 = arith.constant 0 : i32
    %ne3A_3868 = arith.cmpi ne, %rem3A_3866, %ne3A_3867 : i32
    %lt3A_3869 = arith.constant 0 : i32
    %lt3A_3870 = arith.cmpi slt, %rem3A_3866, %lt3A_3869 : i32
    %lt3A_3871 = arith.constant 0 : i32
    %lt3A_3872 = arith.cmpi slt, %select_n3A_3865, %lt3A_3871 : i32
    %ne3A_3873 = arith.xori %lt3A_3870, %lt3A_3872 : i1
    %and3A_3874 = arith.andi %ne3A_3873, %ne3A_3868 : i1
    %add3A_3875 = arith.addi %rem3A_3866, %select_n3A_3865 : i32
    %select_n3A_3876 = arith.select %and3A_3874, %add3A_3875, %rem3A_3866 : i32
    %eq3A_3877 = arith.constant 61 : i32
    %eq3A_3878 = vector.broadcast %eq3A_3877 : i32 to vector<64x1xi32>
    %eq3A_3879 = arith.cmpi eq, %iota3A, %eq3A_3878 : vector<64x1xi32>
    %mul3A_3880 = arith.constant 16 : i32
    %mul3A_3881 = arith.muli %select_n3A_3860, %mul3A_3880 : i32
    %add3A_3882 = arith.addi %mul3A_3881, %select_n3A_3876 : i32
    %get3A_3883 = arith.index_cast %add3A_3882 : i32 to index
    %get3A_3884 = memref.load %arg1[%get3A_3883] : memref<512xf32, #tpu.memory_space<smem>>
    %broadcast_in_dim3A_3885 = vector.broadcast %get3A_3884 : f32 to vector<64x1xf32>
    %select_n3A_3886 = arith.select %eq3A_3879, %broadcast_in_dim3A_3885, %select_n3A_3823 : vector<64x1xi1>, vector<64x1xf32>
    %mul3A_3887 = arith.constant 16 : i32
    %mul3A_3888 = arith.muli %select_n3A_3860, %mul3A_3887 : i32
    %add3A_3889 = arith.constant 4 : i32
    %add3A_3890 = arith.addi %mul3A_3888, %add3A_3889 : i32
    %add3A_3891 = arith.addi %add3A_3890, %select_n3A_3876 : i32
    %get3A_3892 = arith.index_cast %add3A_3891 : i32 to index
    %get3A_3893 = memref.load %arg1[%get3A_3892] : memref<512xf32, #tpu.memory_space<smem>>
    %broadcast_in_dim3A_3894 = vector.broadcast %get3A_3893 : f32 to vector<64x1xf32>
    %select_n3A_3895 = arith.select %eq3A_3879, %broadcast_in_dim3A_3894, %select_n3A_3832 : vector<64x1xi1>, vector<64x1xf32>
    %mul3A_3896 = arith.constant 64 : i32
    %mul3A_3897 = arith.muli %arg0, %mul3A_3896 : i32
    %add3A_3898 = arith.constant 62 : i32
    %add3A_3899 = arith.addi %mul3A_3897, %add3A_3898 : i32
    %jit3A_3900 = arith.constant 4 : i32
    %div3A_3901 = arith.divsi %add3A_3899, %jit3A_3900 : i32
    %sign3A_3902 = arith.constant 0 : i32
    %sign3A_3903 = arith.cmpi sgt, %add3A_3899, %sign3A_3902 : i32
    %sign3A_3904 = arith.extui %sign3A_3903 : i1 to i32
    %sign3A_3905 = arith.constant 0 : i32
    %sign3A_3906 = arith.cmpi slt, %add3A_3899, %sign3A_3905 : i32
    %sign3A_3907 = arith.extui %sign3A_3906 : i1 to i32
    %sign3A_3908 = arith.subi %sign3A_3904, %sign3A_3907 : i32
    %sign3A_3909 = arith.constant 0 : i32
    %sign3A_3910 = arith.cmpi sgt, %jit3A_3900, %sign3A_3909 : i32
    %sign3A_3911 = arith.extui %sign3A_3910 : i1 to i32
    %sign3A_3912 = arith.constant 0 : i32
    %sign3A_3913 = arith.cmpi slt, %jit3A_3900, %sign3A_3912 : i32
    %sign3A_3914 = arith.extui %sign3A_3913 : i1 to i32
    %sign3A_3915 = arith.subi %sign3A_3911, %sign3A_3914 : i32
    %ne3A_3916 = arith.cmpi ne, %sign3A_3908, %sign3A_3915 : i32
    %rem3A_3917 = arith.remsi %add3A_3899, %jit3A_3900 : i32
    %ne3A_3918 = arith.constant 0 : i32
    %ne3A_3919 = arith.cmpi ne, %rem3A_3917, %ne3A_3918 : i32
    %and3A_3920 = arith.andi %ne3A_3916, %ne3A_3919 : i1
    %sub3A_3921 = arith.constant 1 : i32
    %sub3A_3922 = arith.subi %div3A_3901, %sub3A_3921 : i32
    %select_n3A_3923 = arith.select %and3A_3920, %sub3A_3922, %div3A_3901 : i32
    %jit3A_3924 = arith.constant 4 : i32
    %eq3A_3925 = arith.constant 0 : i32
    %eq3A_3926 = arith.cmpi eq, %jit3A_3924, %eq3A_3925 : i32
    %jit3A_3927 = arith.constant 1 : i32
    %select_n3A_3928 = arith.select %eq3A_3926, %jit3A_3927, %jit3A_3924 : i32
    %rem3A_3929 = arith.remsi %add3A_3899, %select_n3A_3928 : i32
    %ne3A_3930 = arith.constant 0 : i32
    %ne3A_3931 = arith.cmpi ne, %rem3A_3929, %ne3A_3930 : i32
    %lt3A_3932 = arith.constant 0 : i32
    %lt3A_3933 = arith.cmpi slt, %rem3A_3929, %lt3A_3932 : i32
    %lt3A_3934 = arith.constant 0 : i32
    %lt3A_3935 = arith.cmpi slt, %select_n3A_3928, %lt3A_3934 : i32
    %ne3A_3936 = arith.xori %lt3A_3933, %lt3A_3935 : i1
    %and3A_3937 = arith.andi %ne3A_3936, %ne3A_3931 : i1
    %add3A_3938 = arith.addi %rem3A_3929, %select_n3A_3928 : i32
    %select_n3A_3939 = arith.select %and3A_3937, %add3A_3938, %rem3A_3929 : i32
    %eq3A_3940 = arith.constant 62 : i32
    %eq3A_3941 = vector.broadcast %eq3A_3940 : i32 to vector<64x1xi32>
    %eq3A_3942 = arith.cmpi eq, %iota3A, %eq3A_3941 : vector<64x1xi32>
    %mul3A_3943 = arith.constant 16 : i32
    %mul3A_3944 = arith.muli %select_n3A_3923, %mul3A_3943 : i32
    %add3A_3945 = arith.addi %mul3A_3944, %select_n3A_3939 : i32
    %get3A_3946 = arith.index_cast %add3A_3945 : i32 to index
    %get3A_3947 = memref.load %arg1[%get3A_3946] : memref<512xf32, #tpu.memory_space<smem>>
    %broadcast_in_dim3A_3948 = vector.broadcast %get3A_3947 : f32 to vector<64x1xf32>
    %select_n3A_3949 = arith.select %eq3A_3942, %broadcast_in_dim3A_3948, %select_n3A_3886 : vector<64x1xi1>, vector<64x1xf32>
    %mul3A_3950 = arith.constant 16 : i32
    %mul3A_3951 = arith.muli %select_n3A_3923, %mul3A_3950 : i32
    %add3A_3952 = arith.constant 4 : i32
    %add3A_3953 = arith.addi %mul3A_3951, %add3A_3952 : i32
    %add3A_3954 = arith.addi %add3A_3953, %select_n3A_3939 : i32
    %get3A_3955 = arith.index_cast %add3A_3954 : i32 to index
    %get3A_3956 = memref.load %arg1[%get3A_3955] : memref<512xf32, #tpu.memory_space<smem>>
    %broadcast_in_dim3A_3957 = vector.broadcast %get3A_3956 : f32 to vector<64x1xf32>
    %select_n3A_3958 = arith.select %eq3A_3942, %broadcast_in_dim3A_3957, %select_n3A_3895 : vector<64x1xi1>, vector<64x1xf32>
    %mul3A_3959 = arith.constant 64 : i32
    %mul3A_3960 = arith.muli %arg0, %mul3A_3959 : i32
    %add3A_3961 = arith.constant 63 : i32
    %add3A_3962 = arith.addi %mul3A_3960, %add3A_3961 : i32
    %jit3A_3963 = arith.constant 4 : i32
    %div3A_3964 = arith.divsi %add3A_3962, %jit3A_3963 : i32
    %sign3A_3965 = arith.constant 0 : i32
    %sign3A_3966 = arith.cmpi sgt, %add3A_3962, %sign3A_3965 : i32
    %sign3A_3967 = arith.extui %sign3A_3966 : i1 to i32
    %sign3A_3968 = arith.constant 0 : i32
    %sign3A_3969 = arith.cmpi slt, %add3A_3962, %sign3A_3968 : i32
    %sign3A_3970 = arith.extui %sign3A_3969 : i1 to i32
    %sign3A_3971 = arith.subi %sign3A_3967, %sign3A_3970 : i32
    %sign3A_3972 = arith.constant 0 : i32
    %sign3A_3973 = arith.cmpi sgt, %jit3A_3963, %sign3A_3972 : i32
    %sign3A_3974 = arith.extui %sign3A_3973 : i1 to i32
    %sign3A_3975 = arith.constant 0 : i32
    %sign3A_3976 = arith.cmpi slt, %jit3A_3963, %sign3A_3975 : i32
    %sign3A_3977 = arith.extui %sign3A_3976 : i1 to i32
    %sign3A_3978 = arith.subi %sign3A_3974, %sign3A_3977 : i32
    %ne3A_3979 = arith.cmpi ne, %sign3A_3971, %sign3A_3978 : i32
    %rem3A_3980 = arith.remsi %add3A_3962, %jit3A_3963 : i32
    %ne3A_3981 = arith.constant 0 : i32
    %ne3A_3982 = arith.cmpi ne, %rem3A_3980, %ne3A_3981 : i32
    %and3A_3983 = arith.andi %ne3A_3979, %ne3A_3982 : i1
    %sub3A_3984 = arith.constant 1 : i32
    %sub3A_3985 = arith.subi %div3A_3964, %sub3A_3984 : i32
    %select_n3A_3986 = arith.select %and3A_3983, %sub3A_3985, %div3A_3964 : i32
    %jit3A_3987 = arith.constant 4 : i32
    %eq3A_3988 = arith.constant 0 : i32
    %eq3A_3989 = arith.cmpi eq, %jit3A_3987, %eq3A_3988 : i32
    %jit3A_3990 = arith.constant 1 : i32
    %select_n3A_3991 = arith.select %eq3A_3989, %jit3A_3990, %jit3A_3987 : i32
    %rem3A_3992 = arith.remsi %add3A_3962, %select_n3A_3991 : i32
    %ne3A_3993 = arith.constant 0 : i32
    %ne3A_3994 = arith.cmpi ne, %rem3A_3992, %ne3A_3993 : i32
    %lt3A_3995 = arith.constant 0 : i32
    %lt3A_3996 = arith.cmpi slt, %rem3A_3992, %lt3A_3995 : i32
    %lt3A_3997 = arith.constant 0 : i32
    %lt3A_3998 = arith.cmpi slt, %select_n3A_3991, %lt3A_3997 : i32
    %ne3A_3999 = arith.xori %lt3A_3996, %lt3A_3998 : i1
    %and3A_4000 = arith.andi %ne3A_3999, %ne3A_3994 : i1
    %add3A_4001 = arith.addi %rem3A_3992, %select_n3A_3991 : i32
    %select_n3A_4002 = arith.select %and3A_4000, %add3A_4001, %rem3A_3992 : i32
    %eq3A_4003 = arith.constant 63 : i32
    %eq3A_4004 = vector.broadcast %eq3A_4003 : i32 to vector<64x1xi32>
    %eq3A_4005 = arith.cmpi eq, %iota3A, %eq3A_4004 : vector<64x1xi32>
    %mul3A_4006 = arith.constant 16 : i32
    %mul3A_4007 = arith.muli %select_n3A_3986, %mul3A_4006 : i32
    %add3A_4008 = arith.addi %mul3A_4007, %select_n3A_4002 : i32
    %get3A_4009 = arith.index_cast %add3A_4008 : i32 to index
    %get3A_4010 = memref.load %arg1[%get3A_4009] : memref<512xf32, #tpu.memory_space<smem>>
    %broadcast_in_dim3A_4011 = vector.broadcast %get3A_4010 : f32 to vector<64x1xf32>
    %select_n3A_4012 = arith.select %eq3A_4005, %broadcast_in_dim3A_4011, %select_n3A_3949 : vector<64x1xi1>, vector<64x1xf32>
    %mul3A_4013 = arith.constant 16 : i32
    %mul3A_4014 = arith.muli %select_n3A_3986, %mul3A_4013 : i32
    %add3A_4015 = arith.constant 4 : i32
    %add3A_4016 = arith.addi %mul3A_4014, %add3A_4015 : i32
    %add3A_4017 = arith.addi %add3A_4016, %select_n3A_4002 : i32
    %get3A_4018 = arith.index_cast %add3A_4017 : i32 to index
    %get3A_4019 = memref.load %arg1[%get3A_4018] : memref<512xf32, #tpu.memory_space<smem>>
    %broadcast_in_dim3A_4020 = vector.broadcast %get3A_4019 : f32 to vector<64x1xf32>
    %select_n3A_4021 = arith.select %eq3A_4005, %broadcast_in_dim3A_4020, %select_n3A_3958 : vector<64x1xi1>, vector<64x1xf32>
    %convert_element_type3A = arith.fptosi %select_n3A_4012 : vector<64x1xf32> to vector<64x1xi32>
    %get3A_4022 = arith.constant 0 : index
    %get3A_4023 = arith.constant 0 : index
    %get3A_4024 = vector.load %arg3[%get3A_4022, %get3A_4023] : memref<64x6144xf32, #tpu.memory_space<vmem>>, vector<64x6144xf32>
    %get3A_4025 = arith.constant 0 : index
    %get3A_4026 = memref.load %arg2[%get3A_4025] : memref<1xf32, #tpu.memory_space<smem>>
    %mul3A_4027 = vector.broadcast %get3A_4026 : f32 to vector<64x6144xf32>
    %mul3A_4028 = arith.mulf %get3A_4024, %mul3A_4027 : vector<64x6144xf32>
    %reduce_min3A = arith.constant dense<0x7F800000> : vector<64xf32>
    %reduce_min3A_4029 = vector.multi_reduction <minimumf>, %mul3A_4028, %reduce_min3A [1] : vector<64x6144xf32> to vector<64xf32>
    %broadcast_in_dim3A_4030 = vector.shape_cast %reduce_min3A_4029 : vector<64xf32> to vector<64x1xf32>
    %iota3A_4031 = tpu.iota {dimensions = array<i32: 1>} : vector<64x6144xi32>
    %add3A_4032 = arith.constant 2048 : i32
    %add3A_4033 = vector.broadcast %add3A_4032 : i32 to vector<64x6144xi32>
    %add3A_4034 = arith.addi %iota3A_4031, %add3A_4033 : vector<64x6144xi32>
    %eq3A_4035 = vector.broadcast %broadcast_in_dim3A_4030 : vector<64x1xf32> to vector<64x6144xf32>
    %eq3A_4036 = arith.cmpf oeq, %mul3A_4028, %eq3A_4035 : vector<64x6144xf32>
    %jit3A_4037 = arith.constant -1 : i32
    %broadcast_in_dim3A_4038 = vector.broadcast %jit3A_4037 : i32 to vector<64x6144xi32>
    %select_n3A_4039 = arith.select %eq3A_4036, %add3A_4034, %broadcast_in_dim3A_4038 : vector<64x6144xi1>, vector<64x6144xi32>
    %reduce_max3A = arith.constant dense<-2147483648> : vector<64xi32>
    %reduce_max3A_4040 = vector.multi_reduction <maxsi>, %select_n3A_4039, %reduce_max3A [1] : vector<64x6144xi32> to vector<64xi32>
    %broadcast_in_dim3A_4041 = vector.shape_cast %reduce_max3A_4040 : vector<64xi32> to vector<64x1xi32>
    %le3A = arith.cmpf ole, %broadcast_in_dim3A_4030, %select_n3A_4021 : vector<64x1xf32>
    %select_n3A_4042 = arith.select %le3A, %broadcast_in_dim3A_4041, %convert_element_type3A : vector<64x1xi1>, vector<64x1xi32>
    %iota3A_4043 = tpu.iota {dimensions = array<i32: 1>} : vector<64x8192xi32>
    %eq3A_4044 = vector.broadcast %select_n3A_4042 : vector<64x1xi32> to vector<64x8192xi32>
    %eq3A_4045 = arith.cmpi eq, %iota3A_4043, %eq3A_4044 : vector<64x8192xi32>
    %get3A_4046 = arith.constant 0 : index
    %get3A_4047 = arith.constant 0 : index
    %get3A_4048 = vector.load %arg4[%get3A_4046, %get3A_4047] : memref<64x8192xi32, #tpu.memory_space<vmem>>, vector<64x8192xi32>
    %jit3A_4049 = arith.constant 3472 : i32
    %broadcast_in_dim3A_4050 = vector.broadcast %jit3A_4049 : i32 to vector<64x8192xi32>
    %select_n3A_4051 = arith.select %eq3A_4045, %get3A_4048, %broadcast_in_dim3A_4050 : vector<64x8192xi1>, vector<64x8192xi32>
    %swap3A = arith.constant 0 : index
    %swap3A_4052 = arith.constant 0 : index
    %swap3A_4053 = vector.load %arg5[%swap3A, %swap3A_4052] : memref<64x8192xi32, #tpu.memory_space<vmem>>, vector<64x8192xi32>
    tpu.vector_store %arg5[%swap3A, %swap3A_4052], %select_n3A_4051 {strides = array<i32>} : memref<64x8192xi32, #tpu.memory_space<vmem>>, vector<64x8192xi32>,
    %jit3A_4054 = arith.constant 0 : i32
    %jit3A_4055 = arith.constant 1 : i32
    %broadcast_in_dim3A_4056 = vector.broadcast %jit3A_4054 : i32 to vector<64x8192xi32>
    %broadcast_in_dim3A_4057 = vector.broadcast %jit3A_4055 : i32 to vector<64x8192xi32>
    %select_n3A_4058 = arith.select %eq3A_4045, %broadcast_in_dim3A_4056, %broadcast_in_dim3A_4057 : vector<64x8192xi1>, vector<64x8192xi32>
    %swap3A_4059 = arith.constant 0 : index
    %swap3A_4060 = arith.constant 0 : index
    %swap3A_4061 = vector.load %arg6[%swap3A_4059, %swap3A_4060] : memref<64x8192xi32, #tpu.memory_space<vmem>>, vector<64x8192xi32>
    tpu.vector_store %arg6[%swap3A_4059, %swap3A_4060], %select_n3A_4058 {strides = array<i32>} : memref<64x8192xi32, #tpu.memory_space<vmem>>, vector<64x8192xi32>,
    return
  }
  func.func @transform_0(%arg0: i32) -> i32 {
    %c0_i32 = arith.constant 0 : i32
    %c0_i32_0 = arith.constant 0 : i32
    return %c0_i32 : i32
  }
  func.func @transform_1(%arg0: i32) -> i32 {
    %c0_i32 = arith.constant 0 : i32
    %c0_i32_0 = arith.constant 0 : i32
    return %c0_i32 : i32
  }
  func.func @transform_2(%arg0: i32) -> (i32, i32) {
    %c0_i32 = arith.constant 0 : i32
    %c0_i32_0 = arith.constant 0 : i32
    return %arg0, %c0_i32 : i32, i32
  }
  func.func @transform_3(%arg0: i32) -> (i32, i32) {
    %c0_i32 = arith.constant 0 : i32
    %c0_i32_0 = arith.constant 0 : i32
    return %arg0, %c0_i32 : i32, i32
  }
  func.func @transform_4(%arg0: i32) -> (i32, i32) {
    %c0_i32 = arith.constant 0 : i32
    %c0_i32_0 = arith.constant 0 : i32
    return %arg0, %c0_i32 : i32, i32
  }
  func.func @transform_5(%arg0: i32) -> (i32, i32) {
    %c0_i32 = arith.constant 0 : i32
    %c0_i32_0 = arith.constant 0 : i32
    return %arg0, %c0_i32 : i32, i32
  }
}

</mosaic_0001>

<sc_bundles>
// kernel: kernel.4.cloned.1.call-start
scs
__scs_entry_jumppad:
0x0: {  	(pc) =	sbr.rel $0x88, $3  }
0x1: {  	(tag) =	ssettag $0x0;
	lr =	simm.s32 $0x1  }
0x2: {  	[smem:$0x3F9F] =	sst lr;
	_ =	strace $0xD0000000  }
0x3: {  	_ = 	snop  }
0x4: {  	_ = 	snop  }
0x5: {  	_ = 	snop  }
0x6: {  	_ = 	snop  }
0x7: {  	_ = 	snop  }
__scs_overlays_trampoline_lowered:
0x8: {  	[smem:$0x3FAE] =	sst s0  }
0x9: {  	[smem:$0x3FAF] =	sst s1  }
0xa: {  	[smem:$0x3FB0] =	sst s2  }
0xb: {  	[smem:$0x3FB1] =	sst s3  }
0xc: {  	[smem:$0x3FB2] =	sst s4  }
0xd: {  	[smem:$0x3FB3] =	sst s5  }
0xe: {  	[smem:$0x3FB4] =	sst s6  }
0xf: {  	[smem:$0x3FB5] =	sst s7  }
0x10: {  	[smem:$0x3FB6] =	sst s8  }
0x11: {  	[smem:$0x3FB7] =	sst s9;
	s0 =	simm.s32 @!p0 $0x0  }
0x12: {  	s1 =	sld [smem:$0x3F9D];
	s0 =	simm.s32 @p0 $0x1  }
0x13: {  	[smem:$0x3FB8] =	sst s0;
	s0 =	simm.s32 @!p1 $0x0  }
0x14: {  	s2 =	sld [smem:$0x3F9C];
	s0 =	simm.s32 @p1 $0x1  }
0x15: {  	[smem:$0x3FB9] =	sst s0;
	s0 =	simm.s32 @!p2 $0x0  }
0x16: {  	s3 =	sld [smem:$0x3FDB];
	s0 =	simm.s32 @p2 $0x1  }
0x17: {  	s4 =	simm.s32 $0x1BF5;
	[smem:$0x3FBB] =	sst s0  }
0x18: {  	s0 =	sld [smem:$0x3F9E];
	_ =	swait.ge [sflag:s4], $0x0  }
0x19: {  	s7 =	sld [smem:$0x3F9F]  }
0x1a: {  	s8 =	sadd.s32 $0xFFFFE003, lr  }
0x1b: {  	s9 =	sadd.s32 $0xFFFFFEF7, lr;
	s5 =	simm.s32 $0xFFFFFFFF;
	p2 =	slt.u32 s8, $0xFFFFF086  }
0x1c: {  	p1 =	slt.u32 s9, $0xF7A;
	s5 =	simm.s32 @!p2 $0x0  }
0x1d: {  	s5 =	simm.s32 @p1 $0x1;
	p0 =	seq.s32 s7, s2  }
0x1e: {  	s7 =	smul.u32 @!p0 $0xF7A, s2;
	p2 =	seq.s32 @!p0 s5, $0x0  }
0x1f: {  	s9 =	smul.u32 $0xF7A, s1;
	s8 =	simm.s32 @!p0 $0x1BF5;
	p2 =	por !p2, p0  }
0x20: {  	[sflag:s8] =	ssyncset.s32 @!p0 $0xFFFFF086;
	s6 =	sadd.s32 @!p0 s3, s7;
	s7 =	simm.s32 @!p0 $0x108  }
0x21: {  	s3 =	sadd.s32 s3, s9;
	s6 =	sadd.s32 @!p0 $0x88, s6;
	s7 =	simm.s32 @p2 $0x1082  }
0x22: {  	[simem:s7], [sflag:s8] =	dma.local @!p0 [hbm:s6], $0xF7A  }
0x23: {  	s9 =	sor.u32 $0xD0000000, s2;
	s6 =	simm.s32 $0x108;
	_ =	swait.ge @!p0 [sflag:s8], $0x0  }
0x24: {  	s3 =	sadd.s32 $0x88, s3;
	s6 =	simm.s32 @!p1 $0x1082;
	[sflag:s4] =	ssyncset.s32 $0xFFFFF086  }
0x25: {  	[simem:s6], [sflag:s4] =	dma.local [hbm:s3], $0xF7A  }
0x26: {  	[smem:$0x3F9F] =	sst s1;
	(tag) =	ssettag s2;
	_ =	strace s9  }
0x27: {  	s1 =	sld [smem:$0x3FAF]  }
0x28: {  	s2 =	sld [smem:$0x3FB0]  }
0x29: {  	s4 =	sld [smem:$0x3FB2]  }
0x2a: {  	p0 =	seq.s32 s5, $0x0;
	s5 =	sld [smem:$0x3FB3]  }
0x2b: {  	s6 =	sld [smem:$0x3FB4]  }
0x2c: {  	s7 =	sld [smem:$0x3FB5]  }
0x2d: {  	s3 =	simm.s32 $0x108;
	s8 =	sld [smem:$0x3FB6]  }
0x2e: {  	s3 =	simm.s32 @!p0 $0x1082;
	s9 =	sld [smem:$0x3FB7]  }
0x2f: {  	lr =	sadd.s32 s0, s3;
	s0 =	sld [smem:$0x3FAE]  }
0x30: {  	s3 =	sld [smem:$0x3FB1]  }
0x31: {  	[smem:$0x3FBA] =	sst s10  }
0x32: {  	s10 =	sld [smem:$0x3FB8];
	_ =	sdelay $0x3  }
0x33: {  	p0 =	seq.s32 s10, $0x1;
	s10 =	sld [smem:$0x3FBA];
	_ =	sdelay $0x3  }
0x34: {  	[smem:$0x3FBA] =	sst s10  }
0x35: {  	s10 =	sld [smem:$0x3FB9];
	_ =	sdelay $0x3  }
0x36: {  	p1 =	seq.s32 s10, $0x1;
	s10 =	sld [smem:$0x3FBA];
	_ =	sdelay $0x3  }
0x37: {  	[smem:$0x3FBA] =	sst s10  }
0x38: {  	s10 =	sld [smem:$0x3FBB]  }
0x39: {  	_ = 	snop;
	(pc) =	sbr.ind lr, $3  }
0x3a: {  	_ = 	snop  }
0x3b: {  	_ = 	snop  }
0x3c: {  	p2 =	seq.s32 s10, $0x1;
	s10 =	sld [smem:$0x3FBA]  }
0x3d: {  	_ =	shalt  }
0x3e: {  	_ =	shalt  }
0x3f: {  	_ =	shalt  }
0x40: {  	_ =	shalt  }
0x41: {  	_ =	shalt  }
0x42: {  	_ =	shalt  }
0x43: {  	_ =	shalt  }
0x44: {  	_ =	shalt  }
0x45: {  	_ =	shalt  }
0x46: {  	_ =	shalt  }
0x47: {  	_ =	shalt  }
0x48: {  	_ =	shalt  }
0x49: {  	_ =	shalt  }
0x4a: {  	_ =	shalt  }
0x4b: {  	_ =	shalt  }
0x4c: {  	_ =	shalt  }
0x4d: {  	_ =	shalt  }
0x4e: {  	_ =	shalt  }
0x4f: {  	_ =	shalt  }
0x50: {  	_ =	shalt  }
0x51: {  	_ =	shalt  }
0x52: {  	_ =	shalt  }
0x53: {  	_ =	shalt  }
0x54: {  	_ =	shalt  }
0x55: {  	_ =	shalt  }
0x56: {  	_ =	shalt  }
0x57: {  	_ =	shalt  }
0x58: {  	_ =	shalt  }
0x59: {  	_ =	shalt  }
0x5a: {  	_ =	shalt  }
0x5b: {  	_ =	shalt  }
0x5c: {  	_ =	shalt  }
0x5d: {  	_ =	shalt  }
0x5e: {  	_ =	shalt  }
0x5f: {  	_ =	shalt  }
0x60: {  	_ =	shalt  }
0x61: {  	_ =	shalt  }
0x62: {  	_ =	shalt  }
0x63: {  	_ =	shalt  }
0x64: {  	_ =	shalt  }
0x65: {  	_ =	shalt  }
0x66: {  	_ =	shalt  }
0x67: {  	_ =	shalt  }
0x68: {  	_ =	shalt  }
0x69: {  	_ =	shalt  }
0x6a: {  	_ =	shalt  }
0x6b: {  	_ =	shalt  }
0x6c: {  	_ =	shalt  }
0x6d: {  	_ =	shalt  }
0x6e: {  	_ =	shalt  }
0x6f: {  	_ =	shalt  }
0x70: {  	_ =	shalt  }
0x71: {  	_ =	shalt  }
0x72: {  	_ =	shalt  }
0x73: {  	_ =	shalt  }
0x74: {  	_ =	shalt  }
0x75: {  	_ =	shalt  }
0x76: {  	_ =	shalt  }
0x77: {  	_ =	shalt  }
0x78: {  	_ =	shalt  }
0x79: {  	_ =	shalt  }
0x7a: {  	_ =	shalt  }
0x7b: {  	_ =	shalt  }
0x7c: {  	_ =	shalt  }
0x7d: {  	_ =	shalt  }
0x7e: {  	_ =	shalt  }
0x7f: {  	_ =	shalt  }
0x80: {  	_ =	shalt  }
0x81: {  	_ =	shalt  }
0x82: {  	_ =	shalt  }
0x83: {  	_ =	shalt  }
0x84: {  	_ =	shalt  }
0x85: {  	_ =	shalt  }
0x86: {  	_ =	shalt  }
0x87: {  	_ =	shalt  }
.Lfunc_end0:
.L_simem_size_0:
called_computation_lowered:
.L_overlay_start_0:
0x88: {  	s2 =	sld [smem:$0x3FD9]  }
0x89: {  	s3 =	sld [smem:$0x3FFE];
	_ =	sdelay $0x1  }
0x8a: {  	s1 =	srdreg.scid  }
0x8b: {  	s0 =	sand.u32 $0x1, s1  }
0x8c: {  	s14 =	sshll.u32 s0, $0xA;
	s2 =	sadd.s32 s3, s2  }
0x8d: {  	s2 =	sadd.s32 s2, s14  }
0x8e: {  	[smem:$0x3FC6] =	sst s2  }
0x8f: {  	_ = 	snop  }
0x90: {  	s2 =	sld [smem:$0x3FD0];
	_ =	sdelay $0x2  }
0x91: {  	s15 =	simm.s32 $0xA;
	s4 =	simm.s32 $0x10  }
0x92: {  	[smem:s4], [sflag:s15] =	dma.local [hbm:s2], $0x1  }
0x93: {  	_ =	swait.eq [sflag:s15], $0x1  }
0x94: {  	[sflag:s15] =	ssyncset.done $0x0  }
0x95: {  	s16 =	sld [smem:$0x10];
	[sflag:s15] =	ssyncadd.s32 $0xFFFFFFFF  }
0x96: {  	s17 =	sld [smem:$0x11];
	(tm) =	ssettm $0x1  }
0x97: {  	s18 =	sld [smem:$0x3FFB];
	_ =	sdelay $0x3  }
0x98: {  	_ =	strace s18  }
0x99: {  	s4 =	sld [smem:$0x3FFC];
	_ =	sdelay $0x3  }
0x9a: {  	_ =	strace s4  }
0x9b: {  	s4 =	sld [smem:$0x3FFD];
	_ =	sdelay $0x3  }
0x9c: {  	_ =	strace s4  }
0x9d: {  	_ =	strace $0x8FFFFFFF  }
0x9e: {  	s19 =	sld [smem:$0x3FDB];
	_ =	sdelay $0x1  }
0x9f: {  	s5 =	simm.s32 $_scs_section_size  }
0xa0: {  	s6 =	simm.s32 $_size__tile_overlayer_lowered;
	s7 =	simm.s32 $_tile_overlayer_lowered  }
0xa1: {  	s22 =	simm.s32 $0x1BFF;
	s21 =	sshll.u32 s7, $0x1;
	s4 =	sadd.s32 s5, s19  }
0xa2: {  	s8 =	simm.s32 $0x0;
	s20 =	sshll.u32 s6, $0x1;
	s6 =	sadd.s32 s21, s4  }
0xa3: {  	[timem:s8], [sflag:s22] =	dma.local [hbm:s6], s20  }
0xa4: {  	_ =	swait.ge [sflag:s22], s20  }
0xa5: {  	s5 =	ssub.s32 $0x0, s20;
	[sflag:s22] =	ssyncset.done $0x0  }
0xa6: {  	[sflag:s22] =	ssyncadd.s32 s5;
	_ =	sdelay $0x1  }
0xa7: {  	s23 =	simm.s32 $0x1B8B  }
0xa8: {  	_ =	swait.ge [sflag:s23], $0x1  }
0xa9: {  	[sflag:s23] =	ssyncset.done $0x0  }
0xaa: {  	s25 =	simm.s32 $0x1B8E;
	s24 =	sld [smem:$0x3FFE];
	[sflag:s23] =	ssyncadd.s32 $0xFFFFFFFF  }
0xab: {  	s26 =	simm.s32 $execute0_lowered;
	[smem:$0x3FD2] =	sst s25  }
0xac: {  	s6 =	sshll.u32 s26, $0x1;
	_ =	strace $0x80000046;
	[dreg:$0x1] =	wrdreg $0xFFFFFFFF  }
0xad: {  	s28 =	simm.s32 $_size_execute0_lowered;
	s4 =	sadd.s32 s4, s6;
	[dreg:$0x0] =	wrdreg $0x0  }
0xae: {  	s6 =	sshll.u32 s28, $0x1;
	[dreg:$0x2] =	wrdreg s4  }
0xaf: {  	[dreg:$0x3] =	wrdreg s6  }
0xb0: {  	[dreg:$0x4] =	wrdreg $0xC0  }
0xb1: {  	_ =	task [dreg:s8], $0x5FFFF  }
0xb2: {  	[dreg:$0x1] =	wrdreg $0xFFFFFFFF  }
0xb3: {  	[dreg:$0x0] =	wrdreg $0x60  }
0xb4: {  	[dreg:$0x2] =	wrdreg s24  }
0xb5: {  	[dreg:$0x3] =	wrdreg s17  }
0xb6: {  	[dreg:$0x4] =	wrdreg s16  }
0xb7: {  	[dreg:$0x5] =	wrdreg $0x9  }
0xb8: {  	_ =	task.clear_ibuf [dreg:s8], $0x6FFFF;
	_ =	strace $0x90000046  }
0xb9: {  	s29 =	simm.s32 $0x9;
	_ =	strace $0x80000048  }
0xba: {  	_ =	swait.ge [sflag:s29], $0x1  }
0xbb: {  	[sflag:s29] =	ssyncadd.s32 $0xFFFFFFFF  }
0xbc: {  	_ =	strace $0x90000048  }
0xbd: {  	_ =	sfence  }
0xbe: {  	s30 =	sld [smem:$0x0];
	_ =	sdelay $0x2  }
0xbf: {  	s31 =	sshll.u32 s1, $0xD;
	s1 =	sshrl.u32 s1, $0x2  }
0xc0: {  	s3 =	sand.u32 $0x4000, s31;
	s1 =	sadd.s32 s1, s30  }
0xc1: {  	s0 =	sor.u32 s3, s0;
	s1 =	sshll.u32 s1, $0x11  }
0xc2: {  	s0 =	sor.u32 s1, s0  }
0xc3: {  	s0 =	sadd.s32 $0x8F2B, s0  }
0xc4: {  	[sflag:s0] =	ssyncadd.remote.s32 $0x1  }
0xc5: {  	_ =	sfence.sel $0xFFFF  }
0xc6: {  	[dreg:$0x0] =	wrdreg $0xFFFFFFFF;
	(pc) =	sbr.abs _section_cstart, $3  }
0xc7: {  	[dreg:$0x1] =	wrdreg $0xFFFFFFFF  }
0xc8: {  	_ =	task.clear_ibuf [dreg:s8], $0x2FFFF;
	_ =	strace $0x9FFFFFFF  }
0xc9: {  	(tm) =	ssettm $0x7FFFFFFF  }
tec
execute0_lowered:
.L_overlay_start_1:
0x0: {  	(tag) =	ssettag $0x1  }
0x1: {  	s0 =	rddreg [dreg:$0x0]  }
0x2: {  	s1 =	rddreg [dreg:$0x1]  }
0x3: {  	s3 =	srdreg.scid;
	s4 =	stileid.u32  }
0x4: {  	s2 =	rddreg [dreg:$0x2];
	s3 =	sand.u32 $0x1, s3;
	s4 =	sshll.u32 s4, $0x1  }
0x5: {  	s7 =	simm.s32 $0x0;
	s5 =	ssub.s32 $0x2, s3;
	s3 =	sor.u32 s3, s4  }
0x6: {  	[smem:$0x7FF] =	sst s7;
	s0 =	sadd.s32 $0xC00, s0;
	s6 =	sshll.u32 s3, $0xA  }
0x7: {  	_ =	strace $0x80000047;
	[dreg:$0x4] =	wrdreg s0;
	s28 =	sadd.s32 s1, s6  }
0x8: {  	s4 =	simm.s32 $0x800;
	s1 =	sadd.s32 $0x100, s28;
	[dreg:$0x5] =	wrdreg s28  }
0x9: {  	s25 =	sshrl.u32 s5, $0x1;
	s29 =	sadd.s32 $0x200, s28;
	[dreg:$0x6] =	wrdreg s1  }
0xa: {  	s26 =	ssub.s32 s5, s25;
	s31 =	sadd.s32 $0x300, s28;
	[dreg:$0x7] =	wrdreg s29  }
0xb: {  	s30 =	sshll.u32 s3, $0x1;
	s0 =	smax.u32 s26, $0x1;
	[dreg:$0x8] =	wrdreg s31  }
0xc: {  	vm4 =	vcmask $0x1310;
	s3 =	simm.s32 $0x1;
	s1 =	sadd.s32 s2, s30;
	[dreg:$0xa] =	wrdreg s0  }
0xd: {  	vm5 =	vcmask $0x1714;
	vm6 =	vcmask $0x1B18;
	vm7 =	vcmask $0x1F1C;
	s2 =	simm.s32 $0x2;
	[dreg:$0x9] =	wrdreg s1;
	s1 =	simm.s32 $0x0  }
.LBB2_1:
0xe: {  	[dreg:$0xb] =	wrdreg s1  }
0xf: {  	s0 =	rddreg [dreg:$0x5]  }
0x10: {  	[tilespmem:s7], [sflag:$0x1] =	stream.linear.gather [hbm4b:s0+s7], $0x800, $0x38;
	[tilespmem:$0x1100] =	vst v63  }
0x11: {  	s29 =	rddreg [dreg:$0x4];
	s30 =	simm.s32 $0x1000  }
0x12: {  	[tilespmem:s30], [sflag:$0x2] =	stream.linear.gather [hbm4b:s29+s7], $0x80, $0x38;
	[tilespmem:$0x1100] =	vst v63  }
0x13: {  	_ =	swait.ge [sflag:s2], $0x80  }
0x14: {  	[sflag:s2] =	ssyncset.done $0x0  }
0x15: {  	[sflag:s2] =	ssyncadd.s32 $0xFFFFFF80  }
0x16: {  	v0 =	vld [tilespmem:$0x1000];
	_ =	swait.ge [sflag:s3], $0x800  }
0x17: {  	[sflag:s3] =	ssyncset.done $0x0  }
0x18: {  	s0 =	simm.s32 $0x0;
	s31 =	rddreg [dreg:$0x6];
	[sflag:s3] =	ssyncadd.s32 $0xFFFFF800  }
0x19: {  	[tilespmem:s4], [sflag:$0x1] =	stream.linear.gather [hbm4b:s31+s7], $0x800, $0x38;
	[tilespmem:$0x1100] =	vst v63  }
0x1a: {  	v4 =	vld [tilespmem:s0+$0xC0]  }
0x1b: {  	v5 =	vld [tilespmem:s0+$0xD0]  }
0x1c: {  	v15 =	vld [tilespmem:s0+$0xE0]  }
0x1d: {  	v3 =	vimm.f32 $+Inf;
	v1 =	vlaneseq.u32;
	v17 =	vld [tilespmem:s0+$0x0]  }
0x1e: {  	v26 =	vlaneseq.u32;
	v23 =	vimm.f32 $+Inf;
	v24 =	vadd.s32 $0xC0, v1;
	v18 =	vld [tilespmem:s0+$0xF0]  }
0x1f: {  	v2 =	vadd.s32 $0x100, v1;
	v6 =	vadd.s32 $0xD0, v1;
	v7 =	vadd.s32 $0xE0, v1;
	v28 =	vld [tilespmem:s0+$0x80]  }
0x20: {  	v9 =	vadd.s32 $0xF0, v1;
	v27 =	vadd.s32 $0x80, v1;
	v8 =	vadd.s32 $0x90, v1;
	v22 =	vld [tilespmem:s0+$0x40]  }
0x21: {  	v10 =	vadd.s32 $0xA0, v1;
	v32 =	vadd.s32 $0x40, v1;
	v12 =	vadd.s32 $0x50, v1;
	v29 =	vld [tilespmem:s0+$0x90]  }
0x22: {  	v11 =	vadd.s32 $0xB0, v1;
	v16 =	vadd.s32 $0x10, v1;
	v14 =	vadd.s32 $0x60, v1;
	v31 =	vld [tilespmem:s0+$0xA0]  }
0x23: {  	v13 =	vadd.s32 $0x70, v1;
	v33 =	vld [tilespmem:s0+$0xB0];
	v38 =	vmul.f32 v17, v0;
	v30 =	vmul.f32 v4, v0  }
0x24: {  	v19 =	vadd.s32 $0x20, v1;
	v34 =	vld [tilespmem:s0+$0x50];
	v4 =	vmul.f32 v5, v0;
	v21 =	vmul.f32 v15, v0  }
0x25: {  	v20 =	vadd.s32 $0x30, v1;
	v35 =	vld [tilespmem:s0+$0x60];
	v39 =	vmul.f32 v22, v0;
	v25 =	vmul.f32 v18, v0  }
0x26: {  	v36 =	vld [tilespmem:s0+$0x10];
	v5 =	vimm.f32 $+Inf;
	v22 =	vimm.f32 $+Inf;
	v17 =	vlaneseq.u32  }
0x27: {  	s1 =	simm.s32 $0x400;
	v37 =	vld [tilespmem:s0+$0x20];
	v18 =	vlaneseq.u32;
	v15 =	vlaneseq.u32;
	vm8 =	vle.f32 v38, v3  }
.LBB2_2:
0x28: {  	p0 =	sne.s32 s1, $0x1C00;
	v3 =	vsel vm8, v38, v3;
	v26 =	vsel vm8, v1, v26;
	v38 =	vld [tilespmem:s0+$0x30];
	v28 =	vmul.f32 v28, v0;
	v1 =	vmovc v2  }
0x29: {  	v29 =	vmul.f32 v29, v0;
	v31 =	vmul.f32 v31, v0;
	vm8 =	vle.f32 v39, v3;
	v40 =	vld [tilespmem:s0+$0x70]  }
0x2a: {  	v3 =	vsel vm8, v39, v3;
	v26 =	vsel vm8, v32, v26;
	v32 =	vmul.f32 v33, v0  }
0x2b: {  	v33 =	vmul.f32 v34, v0;
	v34 =	vmul.f32 v35, v0;
	vm8 =	vle.f32 v28, v3  }
0x2c: {  	v35 =	vmul.f32 v36, v0;
	v3 =	vsel vm8, v28, v3;
	v26 =	vsel vm8, v27, v26  }
0x2d: {  	v27 =	vmul.f32 v37, v0;
	v28 =	vmul.f32 v38, v0;
	vm8 =	vle.f32 v30, v3  }
0x2e: {  	v36 =	vmul.f32 v40, v0;
	v3 =	vsel vm8, v30, v3;
	v26 =	vsel vm8, v24, v26  }
0x2f: {  	vm8 =	vle.f32 v35, v5;
	vm9 =	vle.f32 v27, v22;
	vm10 =	vle.f32 v28, v23  }
0x30: {  	v5 =	vsel vm8, v35, v5;
	v22 =	vsel vm9, v27, v22;
	v23 =	vsel vm10, v28, v23  }
0x31: {  	vm11 =	vle.f32 v33, v5;
	vm12 =	vle.f32 v34, v22;
	vm13 =	vle.f32 v36, v23  }
0x32: {  	v5 =	vsel vm11, v33, v5;
	v22 =	vsel vm12, v34, v22;
	v23 =	vsel vm13, v36, v23  }
0x33: {  	vm14 =	vle.f32 v29, v5;
	vm15 =	vle.f32 v31, v22;
	vm0 =	vle.f32 v32, v23  }
0x34: {  	s0 =	sshra.s32 s1, $0x2;
	v5 =	vsel vm14, v29, v5;
	v22 =	vsel vm15, v31, v22;
	v23 =	vsel vm0, v32, v23  }
0x35: {  	vm1 =	vle.f32 v4, v5;
	vm2 =	vle.f32 v21, v22;
	v30 =	vld [tilespmem:s0+$0xC0];
	vm3 =	vle.f32 v25, v23  }
0x36: {  	v5 =	vsel vm1, v4, v5;
	v22 =	vsel vm2, v21, v22;
	v37 =	vld [tilespmem:s0+$0xD0];
	v23 =	vsel vm3, v25, v23  }
0x37: {  	v15 =	vsel vm10, v20, v15;
	v4 =	vsel vm8, v16, v17;
	v16 =	vsel vm9, v19, v18;
	v21 =	vld [tilespmem:s0+$0xE0]  }
0x38: {  	v13 =	vsel vm13, v13, v15;
	v4 =	vsel vm11, v12, v4;
	v12 =	vsel vm12, v14, v16;
	v25 =	vld [tilespmem:s0+$0xF0]  }
0x39: {  	v4 =	vsel vm14, v8, v4;
	v8 =	vsel vm15, v10, v12;
	v10 =	vsel vm0, v11, v13;
	v28 =	vld [tilespmem:s0+$0x80]  }
0x3a: {  	v17 =	vsel vm1, v6, v4;
	v18 =	vsel vm2, v7, v8;
	v15 =	vsel vm3, v9, v10;
	v29 =	vld [tilespmem:s0+$0x90]  }
0x3b: {  	v2 =	vadd.s32 $0x100, v2;
	v24 =	vadd.s32 $0xC0, v1;
	v4 =	vld [tilespmem:s0+$0x0]  }
0x3c: {  	v6 =	vadd.s32 $0xD0, v1;
	v7 =	vadd.s32 $0xE0, v1;
	v9 =	vadd.s32 $0xF0, v1;
	v31 =	vld [tilespmem:s0+$0xA0]  }
0x3d: {  	v27 =	vadd.s32 $0x80, v1;
	v8 =	vadd.s32 $0x90, v1;
	v10 =	vadd.s32 $0xA0, v1;
	v39 =	vld [tilespmem:s0+$0x40]  }
.Ltmp0:
0x3e: {  	v32 =	vadd.s32 $0x40, v1;
	v12 =	vadd.s32 $0x50, v1;
	v11 =	vadd.s32 $0xB0, v1;
	v33 =	vld [tilespmem:s0+$0xB0];
	(pc) =	sbr.rel @p0 .LBB2_2-.Ltmp0, $4  }
0x3f: {  	v16 =	vadd.s32 $0x10, v1;
	v14 =	vadd.s32 $0x60, v1;
	v13 =	vadd.s32 $0x70, v1;
	v34 =	vld [tilespmem:s0+$0x50]  }
0x40: {  	v19 =	vadd.s32 $0x20, v1;
	v30 =	vmul.f32 v30, v0;
	v38 =	vmul.f32 v4, v0;
	v35 =	vld [tilespmem:s0+$0x60]  }
0x41: {  	v20 =	vadd.s32 $0x30, v1;
	v21 =	vmul.f32 v21, v0;
	v4 =	vmul.f32 v37, v0;
	v36 =	vld [tilespmem:s0+$0x10]  }
0x42: {  	s1 =	sadd.s32 $0x400, s1;
	v25 =	vmul.f32 v25, v0;
	vm8 =	vle.f32 v38, v3;
	v37 =	vld [tilespmem:s0+$0x20];
	v39 =	vmul.f32 v39, v0  }
0x43: {  	v2 =	vsel vm8, v38, v3;
	v1 =	vsel vm8, v1, v26;
	v3 =	vld [tilespmem:s0+$0x30];
	v26 =	vmul.f32 v28, v0  }
0x44: {  	v28 =	vld [tilespmem:s0+$0x70];
	v29 =	vmul.f32 v29, v0;
	v31 =	vmul.f32 v31, v0  }
0x45: {  	v60 =	vmul.f32 v33, v0;
	vm0 =	vle.f32 v39, v2;
	v61 =	vmul.f32 v34, v0  }
0x46: {  	v34 =	vlaneseq.u32;
	v2 =	vsel vm0, v39, v2;
	v1 =	vsel vm0, v32, v1  }
0x47: {  	v62 =	vmul.f32 v35, v0;
	vm14 =	vle.f32 v26, v2;
	v63 =	vmul.f32 v36, v0  }
0x48: {  	v2 =	vsel vm14, v26, v2;
	v26 =	vsel vm14, v27, v1;
	v27 =	vmul.f32 v37, v0  }
0x49: {  	vm15 =	vle.f32 v30, v2;
	v3 =	vmul.f32 v3, v0;
	v28 =	vmul.f32 v28, v0  }
0x4a: {  	vm0 =	vle.f32 v63, v5;
	v1 =	vsel vm15, v30, v2;
	v2 =	vsel vm15, v24, v26  }
0x4b: {  	vm1 =	vle.f32 v27, v22;
	v5 =	vsel vm0, v63, v5;
	v16 =	vsel vm0, v16, v17  }
0x4c: {  	vm2 =	vle.f32 v3, v23;
	v22 =	vsel vm1, v27, v22;
	vm3 =	vle.f32 v61, v5  }
0x4d: {  	v17 =	vsel vm1, v19, v18;
	v3 =	vsel vm2, v3, v23;
	vm8 =	vle.f32 v62, v22  }
0x4e: {  	[tilespmem:$0x1FFE0] =	vst v2;
	v5 =	vsel vm3, v61, v5;
	v15 =	vsel vm2, v20, v15;
	v12 =	vsel vm3, v12, v16  }
0x4f: {  	_ =	swait.ge [sflag:s3], $0x800;
	vm9 =	vle.f32 v28, v3;
	v22 =	vsel vm8, v62, v22;
	vm10 =	vle.f32 v29, v5  }
0x50: {  	s31 =	simm.s32 $0x0;
	[sflag:s3] =	ssyncset.done $0x0;
	v14 =	vsel vm8, v14, v17;
	v3 =	vsel vm9, v28, v3;
	vm11 =	vle.f32 v31, v22  }
0x51: {  	s0 =	simm.s32 $0x0;
	s1 =	rddreg [dreg:$0x7];
	v5 =	vsel vm10, v29, v5;
	[sflag:s3] =	ssyncadd.s32 $0xFFFFF800;
	v13 =	vsel vm9, v13, v15;
	v8 =	vsel vm10, v8, v12  }
0x52: {  	v12 =	vimm.f32 $+Inf;
	vm12 =	vle.f32 v60, v3;
	v22 =	vsel vm11, v31, v22;
	[tilespmem:s31], [sflag:$0x1] =	stream.linear.gather [hbm4b:s1+s31], $0x800, $0x38;
	[tilespmem:$0x1100] =	vst v63  }
0x53: {  	vm13 =	vle.f32 v4, v5;
	v10 =	vsel vm11, v10, v14;
	v31 =	vimm.f32 $+Inf;
	v16 =	vld [tilespmem:s0+$0x8C0]  }
0x54: {  	v3 =	vsel vm12, v60, v3;
	vm14 =	vle.f32 v21, v22;
	v5 =	vsel vm13, v4, v5;
	v18 =	vld [tilespmem:s0+$0x8D0]  }
0x55: {  	v11 =	vsel vm12, v11, v13;
	v8 =	vsel vm13, v6, v8;
	v23 =	vld [tilespmem:s0+$0x8E0];
	vm15 =	vle.f32 v25, v3  }
0x56: {  	v26 =	vld [tilespmem:s0+$0x8F0];
	v4 =	vsel vm14, v21, v22;
	v7 =	vsel vm14, v7, v10;
	v10 =	vlaneseq.u32  }
0x57: {  	v36 =	vld [tilespmem:s0+$0x880];
	v3 =	vsel vm15, v25, v3;
	v2 =	vsel vm15, v9, v11;
	v32 =	vadd.s32 $0xC0, v10  }
0x58: {  	v30 =	vld [tilespmem:s0+$0x840];
	v11 =	vadd.s32 $0x100, v10;
	v9 =	vadd.s32 $0xD0, v10;
	v14 =	vadd.s32 $0xE0, v10  }
0x59: {  	v25 =	vld [tilespmem:s0+$0x800];
	v13 =	vadd.s32 $0xF0, v10;
	v35 =	vadd.s32 $0x80, v10;
	v15 =	vadd.s32 $0x90, v10  }
0x5a: {  	v37 =	vld [tilespmem:s0+$0x890];
	v17 =	vadd.s32 $0xA0, v10;
	v40 =	vadd.s32 $0x40, v10;
	v20 =	vadd.s32 $0x50, v10  }
0x5b: {  	v39 =	vld [tilespmem:s0+$0x8A0];
	v19 =	vadd.s32 $0xB0, v10;
	v24 =	vadd.s32 $0x10, v10;
	v22 =	vadd.s32 $0x60, v10  }
0x5c: {  	v41 =	vld [tilespmem:s0+$0x8B0];
	v21 =	vadd.s32 $0x70, v10;
	v38 =	vmul.f32 v16, v0;
	v16 =	vmul.f32 v18, v0  }
0x5d: {  	v42 =	vld [tilespmem:s0+$0x850];
	v27 =	vadd.s32 $0x20, v10;
	v29 =	vmul.f32 v23, v0;
	v47 =	vmul.f32 v30, v0  }
0x5e: {  	v43 =	vld [tilespmem:s0+$0x860];
	v28 =	vadd.s32 $0x30, v10;
	v33 =	vmul.f32 v26, v0;
	v46 =	vmul.f32 v25, v0  }
0x5f: {  	v44 =	vld [tilespmem:s0+$0x810];
	v18 =	vimm.f32 $+Inf;
	v30 =	vimm.f32 $+Inf;
	v26 =	vlaneseq.u32  }
0x60: {  	s1 =	simm.s32 $0x400;
	v45 =	vld [tilespmem:s0+$0x820];
	[tilespmem:$0x1FFF0] =	vst v2;
	v23 =	vlaneseq.u32;
	v25 =	vlaneseq.u32;
	vm8 =	vle.f32 v46, v12  }
.LBB2_4:
0x61: {  	p0 =	sne.s32 s1, $0x1C00;
	v12 =	vsel vm8, v46, v12;
	v34 =	vsel vm8, v10, v34;
	v46 =	vld [tilespmem:s0+$0x830];
	v36 =	vmul.f32 v36, v0;
	v10 =	vmovc v11  }
0x62: {  	v37 =	vmul.f32 v37, v0;
	v39 =	vmul.f32 v39, v0;
	vm0 =	vle.f32 v47, v12;
	v48 =	vld [tilespmem:s0+$0x870]  }
0x63: {  	v12 =	vsel vm0, v47, v12;
	v34 =	vsel vm0, v40, v34;
	v40 =	vmul.f32 v41, v0  }
0x64: {  	v41 =	vmul.f32 v42, v0;
	v42 =	vmul.f32 v43, v0;
	vm0 =	vle.f32 v36, v12  }
0x65: {  	v43 =	vmul.f32 v44, v0;
	v12 =	vsel vm0, v36, v12;
	v34 =	vsel vm0, v35, v34  }
0x66: {  	v35 =	vmul.f32 v45, v0;
	v36 =	vmul.f32 v46, v0;
	vm0 =	vle.f32 v38, v12  }
0x67: {  	v44 =	vmul.f32 v48, v0;
	v12 =	vsel vm0, v38, v12;
	v34 =	vsel vm0, v32, v34  }
0x68: {  	vm8 =	vle.f32 v43, v18;
	vm9 =	vle.f32 v35, v30;
	vm10 =	vle.f32 v36, v31  }
0x69: {  	v18 =	vsel vm8, v43, v18;
	v30 =	vsel vm9, v35, v30;
	v31 =	vsel vm10, v36, v31  }
0x6a: {  	vm11 =	vle.f32 v41, v18;
	vm12 =	vle.f32 v42, v30;
	vm13 =	vle.f32 v44, v31  }
0x6b: {  	v18 =	vsel vm11, v41, v18;
	v30 =	vsel vm12, v42, v30;
	v31 =	vsel vm13, v44, v31  }
0x6c: {  	vm0 =	vle.f32 v37, v18;
	vm1 =	vle.f32 v39, v30;
	vm2 =	vle.f32 v40, v31  }
0x6d: {  	s0 =	sshra.s32 s1, $0x2;
	v18 =	vsel vm0, v37, v18;
	v30 =	vsel vm1, v39, v30;
	v31 =	vsel vm2, v40, v31  }
0x6e: {  	vm3 =	vle.f32 v16, v18;
	vm14 =	vle.f32 v29, v30;
	v38 =	vld [tilespmem:s0+$0x8C0];
	vm15 =	vle.f32 v33, v31  }
0x6f: {  	v18 =	vsel vm3, v16, v18;
	v30 =	vsel vm14, v29, v30;
	v45 =	vld [tilespmem:s0+$0x8D0];
	v31 =	vsel vm15, v33, v31  }
0x70: {  	v23 =	vsel vm10, v28, v23;
	v16 =	vsel vm8, v24, v25;
	v24 =	vsel vm9, v27, v26;
	v29 =	vld [tilespmem:s0+$0x8E0]  }
0x71: {  	v21 =	vsel vm13, v21, v23;
	v16 =	vsel vm11, v20, v16;
	v20 =	vsel vm12, v22, v24;
	v33 =	vld [tilespmem:s0+$0x8F0]  }
0x72: {  	v15 =	vsel vm0, v15, v16;
	v16 =	vsel vm1, v17, v20;
	v17 =	vsel vm2, v19, v21;
	v36 =	vld [tilespmem:s0+$0x880]  }
0x73: {  	v25 =	vsel vm3, v9, v15;
	v26 =	vsel vm14, v14, v16;
	v23 =	vsel vm15, v13, v17;
	v37 =	vld [tilespmem:s0+$0x890]  }
0x74: {  	v11 =	vadd.s32 $0x100, v11;
	v32 =	vadd.s32 $0xC0, v10;
	v16 =	vld [tilespmem:s0+$0x800]  }
0x75: {  	v9 =	vadd.s32 $0xD0, v10;
	v14 =	vadd.s32 $0xE0, v10;
	v13 =	vadd.s32 $0xF0, v10;
	v39 =	vld [tilespmem:s0+$0x8A0]  }
0x76: {  	v35 =	vadd.s32 $0x80, v10;
	v15 =	vadd.s32 $0x90, v10;
	v17 =	vadd.s32 $0xA0, v10;
	v47 =	vld [tilespmem:s0+$0x840]  }
.Ltmp1:
0x77: {  	v40 =	vadd.s32 $0x40, v10;
	v20 =	vadd.s32 $0x50, v10;
	v19 =	vadd.s32 $0xB0, v10;
	v41 =	vld [tilespmem:s0+$0x8B0];
	(pc) =	sbr.rel @p0 .LBB2_4-.Ltmp1, $4  }
0x78: {  	v24 =	vadd.s32 $0x10, v10;
	v22 =	vadd.s32 $0x60, v10;
	v21 =	vadd.s32 $0x70, v10;
	v42 =	vld [tilespmem:s0+$0x850]  }
0x79: {  	v27 =	vadd.s32 $0x20, v10;
	v38 =	vmul.f32 v38, v0;
	v46 =	vmul.f32 v16, v0;
	v43 =	vld [tilespmem:s0+$0x860]  }
0x7a: {  	v28 =	vadd.s32 $0x30, v10;
	v29 =	vmul.f32 v29, v0;
	v16 =	vmul.f32 v45, v0;
	v44 =	vld [tilespmem:s0+$0x810]  }
0x7b: {  	s1 =	sadd.s32 $0x400, s1;
	v33 =	vmul.f32 v33, v0;
	vm8 =	vle.f32 v46, v12;
	v45 =	vld [tilespmem:s0+$0x820];
	v47 =	vmul.f32 v47, v0  }
0x7c: {  	v11 =	vsel vm8, v46, v12;
	v52 =	vmul.f32 v36, v0  }
0x7d: {  	v10 =	vsel vm8, v10, v34;
	v12 =	vld [tilespmem:s0+$0x830];
	v37 =	vmul.f32 v37, v0;
	v39 =	vmul.f32 v39, v0  }
0x7e: {  	v53 =	vld [tilespmem:s0+$0x870];
	v54 =	vmul.f32 v41, v0;
	v41 =	vlaneseq.u32;
	vm0 =	vle.f32 v47, v11  }
0x7f: {  	v34 =	vlaneseq.u32;
	v55 =	vmul.f32 v42, v0;
	v11 =	vsel vm0, v47, v11  }
0x80: {  	v10 =	vsel vm0, v40, v10;
	v56 =	vmul.f32 v43, v0;
	vm14 =	vle.f32 v52, v11  }
0x81: {  	v57 =	vmul.f32 v44, v0;
	v11 =	vsel vm14, v52, v11;
	v10 =	vsel vm14, v35, v10  }
0x82: {  	_ =	swait.ge [sflag:s3], $0x800;
	v58 =	vmul.f32 v45, v0;
	vm15 =	vle.f32 v38, v11;
	v59 =	vmul.f32 v12, v0  }
0x83: {  	s31 =	simm.s32 $0x0;
	[sflag:s3] =	ssyncset.done $0x0;
	v36 =	vmul.f32 v53, v0;
	vm0 =	vle.f32 v57, v18;
	v11 =	vsel vm15, v38, v11  }
0x84: {  	s0 =	simm.s32 $0x0;
	s1 =	rddreg [dreg:$0x8];
	[sflag:s3] =	ssyncadd.s32 $0xFFFFF800;
	v12 =	vsel vm15, v32, v10;
	vm1 =	vle.f32 v58, v30;
	v10 =	vsel vm0, v57, v18  }
0x85: {  	[tilespmem:s4], [sflag:$0x1] =	stream.linear.gather [hbm4b:s1+s31], $0x800, $0x38;
	v24 =	vsel vm0, v24, v25;
	v38 =	vimm.f32 $+Inf;
	vm2 =	vle.f32 v59, v31;
	[tilespmem:$0x1100] =	vst v63  }
0x86: {  	v60 =	vld [tilespmem:s0+$0xE0];
	v18 =	vsel vm1, v58, v30;
	vm3 =	vle.f32 v55, v10;
	v25 =	vsel vm1, v27, v26  }
0x87: {  	v62 =	vld [tilespmem:s0+$0xF0];
	v26 =	vlaneseq.u32;
	v30 =	vsel vm2, v59, v31;
	vm8 =	vle.f32 v56, v18  }
0x88: {  	v63 =	vld [tilespmem:s0+$0x40];
	v10 =	vsel vm3, v55, v10;
	v23 =	vsel vm2, v28, v23;
	v20 =	vsel vm3, v20, v24  }
0x89: {  	v32 =	vadd.s32 $0xC0, v26;
	v27 =	vadd.s32 $0x100, v26;
	v43 =	vadd.s32 $0x80, v26  }
0x8a: {  	v48 =	vadd.s32 $0x40, v26;
	v24 =	vadd.s32 $0x70, v26;
	v35 =	vadd.s32 $0x20, v26  }
0x8b: {  	vm9 =	vle.f32 v36, v30;
	v18 =	vsel vm8, v56, v18;
	vm10 =	vle.f32 v37, v10  }
0x8c: {  	v22 =	vsel vm8, v22, v25;
	v25 =	vadd.s32 $0x60, v26;
	v40 =	vmul.f32 v60, v0  }
0x8d: {  	v55 =	vmul.f32 v63, v0;
	v42 =	vmul.f32 v62, v0;
	v30 =	vsel vm9, v36, v30  }
0x8e: {  	vm11 =	vle.f32 v39, v18;
	v10 =	vsel vm10, v37, v10;
	v21 =	vsel vm9, v21, v23  }
0x8f: {  	v61 =	vld [tilespmem:s0+$0x0];
	v15 =	vsel vm10, v15, v20;
	v23 =	vadd.s32 $0x50, v26;
	v36 =	vadd.s32 $0x30, v26  }
0x90: {  	v44 =	vld [tilespmem:s0+$0x80];
	v37 =	vimm.f32 $+Inf;
	vm12 =	vle.f32 v54, v30;
	v31 =	vsel vm11, v39, v18  }
0x91: {  	v45 =	vld [tilespmem:s0+$0x90];
	vm13 =	vle.f32 v16, v10;
	v17 =	vsel vm11, v17, v22;
	v22 =	vadd.s32 $0xB0, v26  }
0x92: {  	v28 =	vld [tilespmem:s0+$0xC0];
	v30 =	vsel vm12, v54, v30;
	vm14 =	vle.f32 v29, v31;
	v18 =	vsel vm13, v16, v10  }
0x93: {  	v47 =	vld [tilespmem:s0+$0xA0];
	v20 =	vsel vm12, v19, v21;
	v19 =	vsel vm13, v9, v15;
	vm15 =	vle.f32 v33, v30  }
0x94: {  	v9 =	vadd.s32 $0xD0, v26;
	v21 =	vadd.s32 $0xA0, v26;
	v10 =	vsel vm15, v33, v30;
	v30 =	vld [tilespmem:s0+$0xD0]  }
0x95: {  	v49 =	vld [tilespmem:s0+$0xB0];
	v54 =	vmul.f32 v61, v0;
	v16 =	vsel vm14, v29, v31;
	v17 =	vsel vm14, v14, v17  }
0x96: {  	v50 =	vld [tilespmem:s0+$0x50];
	v31 =	vimm.f32 $+Inf;
	v14 =	vadd.s32 $0xE0, v26;
	v29 =	vadd.s32 $0x10, v26  }
0x97: {  	v51 =	vld [tilespmem:s0+$0x60];
	v46 =	vmul.f32 v28, v0;
	v28 =	vlaneseq.u32;
	v15 =	vsel vm15, v13, v20  }
0x98: {  	v52 =	vld [tilespmem:s0+$0x10];
	v13 =	vadd.s32 $0xF0, v26;
	v20 =	vadd.s32 $0x90, v26;
	vm8 =	vle.f32 v54, v31  }
0x99: {  	s1 =	simm.s32 $0x400;
	v53 =	vld [tilespmem:s0+$0x20];
	v33 =	vimm.f32 $+Inf;
	v39 =	vmul.f32 v30, v0;
	v30 =	vlaneseq.u32  }
.LBB2_6:
0x9a: {  	p0 =	sne.s32 s1, $0x1C00;
	v31 =	vsel vm8, v54, v31;
	v41 =	vsel vm8, v26, v41;
	v54 =	vld [tilespmem:s0+$0x30];
	v44 =	vmul.f32 v44, v0;
	v26 =	vmovc v27  }
0x9b: {  	v45 =	vmul.f32 v45, v0;
	v47 =	vmul.f32 v47, v0;
	vm0 =	vle.f32 v55, v31;
	v56 =	vld [tilespmem:s0+$0x70]  }
0x9c: {  	v31 =	vsel vm0, v55, v31;
	v41 =	vsel vm0, v48, v41;
	v48 =	vmul.f32 v49, v0  }
0x9d: {  	v49 =	vmul.f32 v50, v0;
	v50 =	vmul.f32 v51, v0;
	vm0 =	vle.f32 v44, v31  }
0x9e: {  	v51 =	vmul.f32 v52, v0;
	v31 =	vsel vm0, v44, v31;
	v41 =	vsel vm0, v43, v41  }
0x9f: {  	v43 =	vmul.f32 v53, v0;
	v44 =	vmul.f32 v54, v0;
	vm0 =	vle.f32 v46, v31  }
0xa0: {  	v52 =	vmul.f32 v56, v0;
	v31 =	vsel vm0, v46, v31;
	v41 =	vsel vm0, v32, v41  }
0xa1: {  	vm8 =	vle.f32 v51, v33;
	vm9 =	vle.f32 v43, v37;
	vm10 =	vle.f32 v44, v38  }
0xa2: {  	v32 =	vsel vm8, v51, v33;
	v33 =	vsel vm9, v43, v37;
	v37 =	vsel vm10, v44, v38  }
0xa3: {  	vm11 =	vle.f32 v49, v32;
	vm12 =	vle.f32 v50, v33;
	vm13 =	vle.f32 v52, v37  }
0xa4: {  	v32 =	vsel vm11, v49, v32;
	v33 =	vsel vm12, v50, v33;
	v37 =	vsel vm13, v52, v37  }
0xa5: {  	vm0 =	vle.f32 v45, v32;
	vm1 =	vle.f32 v47, v33;
	vm2 =	vle.f32 v48, v37  }
0xa6: {  	s0 =	sshra.s32 s1, $0x2;
	v32 =	vsel vm0, v45, v32;
	v38 =	vsel vm1, v47, v33;
	v43 =	vsel vm2, v48, v37  }
0xa7: {  	vm3 =	vle.f32 v39, v32;
	vm14 =	vle.f32 v40, v38;
	v46 =	vld [tilespmem:s0+$0xC0];
	vm15 =	vle.f32 v42, v43  }
0xa8: {  	v33 =	vsel vm3, v39, v32;
	v37 =	vsel vm14, v40, v38;
	v53 =	vld [tilespmem:s0+$0xD0];
	v38 =	vsel vm15, v42, v43  }
0xa9: {  	v29 =	vsel vm8, v29, v30;
	v30 =	vsel vm9, v35, v34;
	v28 =	vsel vm10, v36, v28;
	v40 =	vld [tilespmem:s0+$0xE0]  }
0xaa: {  	v23 =	vsel vm11, v23, v29;
	v25 =	vsel vm12, v25, v30;
	v24 =	vsel vm13, v24, v28;
	v42 =	vld [tilespmem:s0+$0xF0]  }
0xab: {  	v20 =	vsel vm0, v20, v23;
	v21 =	vsel vm1, v21, v25;
	v22 =	vsel vm2, v22, v24;
	v44 =	vld [tilespmem:s0+$0x80]  }
0xac: {  	v30 =	vsel vm3, v9, v20;
	v34 =	vsel vm14, v14, v21;
	v28 =	vsel vm15, v13, v22;
	v45 =	vld [tilespmem:s0+$0x90]  }
0xad: {  	v27 =	vadd.s32 $0x100, v27;
	v32 =	vadd.s32 $0xC0, v26;
	v35 =	vld [tilespmem:s0+$0x0]  }
0xae: {  	v9 =	vadd.s32 $0xD0, v26;
	v14 =	vadd.s32 $0xE0, v26;
	v13 =	vadd.s32 $0xF0, v26;
	v47 =	vld [tilespmem:s0+$0xA0]  }
0xaf: {  	v20 =	vadd.s32 $0x90, v26;
	v21 =	vadd.s32 $0xA0, v26;
	v43 =	vadd.s32 $0x80, v26;
	v55 =	vld [tilespmem:s0+$0x40]  }
.Ltmp2:
0xb0: {  	v23 =	vadd.s32 $0x50, v26;
	v48 =	vadd.s32 $0x40, v26;
	v22 =	vadd.s32 $0xB0, v26;
	v49 =	vld [tilespmem:s0+$0xB0];
	(pc) =	sbr.rel @p0 .LBB2_6-.Ltmp2, $4  }
0xb1: {  	v29 =	vadd.s32 $0x10, v26;
	v25 =	vadd.s32 $0x60, v26;
	v24 =	vadd.s32 $0x70, v26;
	v50 =	vld [tilespmem:s0+$0x50]  }
0xb2: {  	v46 =	vmul.f32 v46, v0;
	v54 =	vmul.f32 v35, v0;
	v35 =	vadd.s32 $0x20, v26;
	v51 =	vld [tilespmem:s0+$0x60]  }
0xb3: {  	v36 =	vadd.s32 $0x30, v26;
	v39 =	vmul.f32 v53, v0;
	v40 =	vmul.f32 v40, v0;
	v52 =	vld [tilespmem:s0+$0x10]  }
0xb4: {  	s1 =	sadd.s32 $0x400, s1;
	v42 =	vmul.f32 v42, v0;
	vm8 =	vle.f32 v54, v31;
	v53 =	vld [tilespmem:s0+$0x20];
	v55 =	vmul.f32 v55, v0  }
0xb5: {  	v27 =	vsel vm8, v54, v31;
	v63 =	vmul.f32 v44, v0  }
0xb6: {  	v26 =	vsel vm8, v26, v41;
	v31 =	vld [tilespmem:s0+$0x30];
	v45 =	vmul.f32 v45, v0;
	v47 =	vmul.f32 v47, v0  }
0xb7: {  	v54 =	vld [tilespmem:s0+$0x70];
	v56 =	vmul.f32 v49, v0;
	v49 =	vlaneseq.u32;
	vm0 =	vle.f32 v55, v27  }
0xb8: {  	v57 =	vmul.f32 v50, v0;
	v50 =	vimm.f32 $+Inf;
	v27 =	vsel vm0, v55, v27  }
0xb9: {  	v26 =	vsel vm0, v48, v26;
	v58 =	vmul.f32 v51, v0;
	v55 =	vadd.s32 $0x40, v49  }
0xba: {  	vm14 =	vle.f32 v63, v27;
	v59 =	vmul.f32 v52, v0;
	v52 =	vlaneseq.u32  }
0xbb: {  	_ =	swait.ge [sflag:s3], $0x800;
	v27 =	vsel vm14, v63, v27;
	v26 =	vsel vm14, v43, v26;
	v60 =	vmul.f32 v53, v0  }
0xbc: {  	[sflag:s3] =	ssyncset.done $0x0;
	vm15 =	vle.f32 v46, v27;
	v61 =	vmul.f32 v31, v0;
	v44 =	vmul.f32 v54, v0  }
0xbd: {  	s21 =	simm.s32 $0x0;
	[sflag:s3] =	ssyncadd.s32 $0xFFFFF800;
	vm0 =	vle.f32 v59, v33;
	v31 =	vsel vm15, v46, v27;
	v32 =	vsel vm15, v32, v26  }
0xbe: {  	v43 =	vld [tilespmem:s21+$0x8C0];
	vm1 =	vle.f32 v60, v37;
	v26 =	vsel vm0, v59, v33;
	v46 =	vadd.s32 $0xC0, v49  }
0xbf: {  	vm2 =	vle.f32 v61, v38;
	v27 =	vsel vm1, v60, v37;
	vm3 =	vle.f32 v57, v26  }
0xc0: {  	v37 =	vlaneseq.u32;
	v62 =	vsel vm2, v61, v38;
	vm8 =	vle.f32 v58, v27  }
0xc1: {  	v26 =	vsel vm3, v57, v26;
	v28 =	vsel vm2, v36, v28;
	v36 =	vadd.s32 $0x10, v49  }
0xc2: {  	vm9 =	vle.f32 v44, v62;
	v27 =	vsel vm8, v58, v27;
	vm10 =	vle.f32 v45, v26  }
0xc3: {  	v48 =	vmul.f32 v43, v0;
	v43 =	vimm.f32 $+Inf;
	v33 =	vsel vm9, v44, v62  }
0xc4: {  	vm11 =	vle.f32 v47, v27;
	v26 =	vsel vm10, v45, v26;
	v24 =	vsel vm9, v24, v28  }
0xc5: {  	v28 =	vadd.s32 $0x50, v49;
	vm12 =	vle.f32 v56, v33;
	v27 =	vsel vm11, v47, v27  }
0xc6: {  	v51 =	vld [tilespmem:s21+$0x820];
	vm13 =	vle.f32 v39, v26;
	v47 =	vadd.s32 $0x80, v49;
	v63 =	vsel vm12, v56, v33  }
0xc7: {  	v53 =	vld [tilespmem:s21+$0x880];
	vm14 =	vle.f32 v40, v27;
	v41 =	vsel vm13, v39, v26;
	v26 =	vsel vm0, v29, v30  }
0xc8: {  	v54 =	vld [tilespmem:s21+$0x890];
	v29 =	vsel vm1, v35, v34;
	v22 =	vsel vm12, v22, v24;
	v39 =	vadd.s32 $0x20, v49  }
0xc9: {  	v44 =	vld [tilespmem:s21+$0x840];
	v34 =	vlaneseq.u32;
	vm15 =	vle.f32 v42, v63;
	v33 =	vsel vm14, v40, v27  }
0xca: {  	v24 =	vld [tilespmem:s21+$0x800];
	v23 =	vsel vm3, v23, v26;
	v25 =	vsel vm8, v25, v29;
	v29 =	vadd.s32 $0x60, v49  }
0xcb: {  	v26 =	vadd.s32 $0x70, v49;
	v40 =	vadd.s32 $0x30, v49;
	v20 =	vsel vm10, v20, v23;
	v23 =	vld [tilespmem:s21+$0x8D0]  }
0xcc: {  	v27 =	vsel vm15, v42, v63;
	v21 =	vsel vm11, v21, v25;
	v25 =	vld [tilespmem:s21+$0x8E0];
	v30 =	vsel vm15, v13, v22  }
0xcd: {  	v35 =	vld [tilespmem:s21+$0x8F0];
	v63 =	vadd.s32 $0x100, v49;
	v13 =	vadd.s32 $0xD0, v49;
	v22 =	vadd.s32 $0x90, v49  }
0xce: {  	v59 =	vld [tilespmem:s21+$0x850];
	v42 =	vimm.f32 $+Inf;
	v45 =	vsel vm13, v9, v20;
	v38 =	vsel vm14, v14, v21  }
0xcf: {  	v56 =	vld [tilespmem:s21+$0x8A0];
	v14 =	vadd.s32 $0xE0, v49;
	v9 =	vadd.s32 $0xF0, v49;
	v20 =	vadd.s32 $0xA0, v49  }
0xd0: {  	v58 =	vld [tilespmem:s21+$0x8B0];
	v21 =	vadd.s32 $0xB0, v49;
	v61 =	vmul.f32 v44, v0;
	v62 =	vmul.f32 v24, v0  }
0xd1: {  	v60 =	vld [tilespmem:s21+$0x860];
	v44 =	vimm.f32 $+Inf;
	v24 =	vmul.f32 v23, v0;
	v25 =	vmul.f32 v25, v0  }
0xd2: {  	s0 =	simm.s32 $0x400;
	v57 =	vld [tilespmem:s21+$0x810];
	vm8 =	vle.f32 v62, v50;
	v23 =	vmul.f32 v35, v0;
	v35 =	vlaneseq.u32  }
.LBB2_8:
0xd3: {  	p0 =	sne.s32 s0, $0x1C00;
	v50 =	vsel vm8, v62, v50;
	v52 =	vsel vm8, v49, v52;
	v62 =	vld [tilespmem:s21+$0x830];
	v53 =	vmul.f32 v53, v0;
	v49 =	vmovc v63  }
0xd4: {  	v54 =	vmul.f32 v54, v0;
	v56 =	vmul.f32 v56, v0;
	vm0 =	vle.f32 v61, v50;
	v2 =	vld [tilespmem:s21+$0x870]  }
0xd5: {  	v50 =	vsel vm0, v61, v50;
	v52 =	vsel vm0, v55, v52;
	v55 =	vmul.f32 v58, v0  }
0xd6: {  	v58 =	vmul.f32 v59, v0;
	v59 =	vmul.f32 v60, v0;
	vm0 =	vle.f32 v53, v50  }
0xd7: {  	v57 =	vmul.f32 v57, v0;
	v50 =	vsel vm0, v53, v50;
	v47 =	vsel vm0, v47, v52  }
0xd8: {  	v51 =	vmul.f32 v51, v0;
	v53 =	vmul.f32 v62, v0;
	vm0 =	vle.f32 v48, v50  }
0xd9: {  	v2 =	vmul.f32 v2, v0;
	v50 =	vsel vm0, v48, v50;
	v52 =	vsel vm0, v46, v47  }
0xda: {  	vm8 =	vle.f32 v57, v44;
	vm9 =	vle.f32 v51, v42;
	vm10 =	vle.f32 v53, v43  }
0xdb: {  	v44 =	vsel vm8, v57, v44;
	v42 =	vsel vm9, v51, v42;
	v43 =	vsel vm10, v53, v43  }
0xdc: {  	vm11 =	vle.f32 v58, v44;
	vm12 =	vle.f32 v59, v42;
	vm13 =	vle.f32 v2, v43  }
0xdd: {  	v44 =	vsel vm11, v58, v44;
	v42 =	vsel vm12, v59, v42;
	v2 =	vsel vm13, v2, v43  }
0xde: {  	vm0 =	vle.f32 v54, v44;
	vm1 =	vle.f32 v56, v42;
	vm2 =	vle.f32 v55, v2  }
0xdf: {  	s21 =	sshra.s32 s0, $0x2;
	v43 =	vsel vm0, v54, v44;
	v42 =	vsel vm1, v56, v42;
	v2 =	vsel vm2, v55, v2  }
0xe0: {  	vm3 =	vle.f32 v24, v43;
	vm14 =	vle.f32 v25, v42;
	v48 =	vld [tilespmem:s21+$0x8C0];
	vm15 =	vle.f32 v23, v2  }
0xe1: {  	v44 =	vsel vm3, v24, v43;
	v42 =	vsel vm14, v25, v42;
	v51 =	vld [tilespmem:s21+$0x8D0];
	v43 =	vsel vm15, v23, v2  }
0xe2: {  	v24 =	vsel vm9, v39, v35;
	v25 =	vsel vm10, v40, v34;
	v23 =	vsel vm8, v36, v37;
	v2 =	vld [tilespmem:s21+$0x8E0]  }
0xe3: {  	v24 =	vsel vm12, v29, v24;
	v25 =	vsel vm13, v26, v25;
	v23 =	vsel vm11, v28, v23;
	v6 =	vld [tilespmem:s21+$0x8F0]  }
0xe4: {  	v20 =	vsel vm1, v20, v24;
	v21 =	vsel vm2, v21, v25;
	v22 =	vsel vm0, v22, v23;
	v53 =	vld [tilespmem:s21+$0x880]  }
0xe5: {  	v35 =	vsel vm14, v14, v20;
	v34 =	vsel vm15, v9, v21;
	v37 =	vsel vm3, v13, v22;
	v54 =	vld [tilespmem:s21+$0x890]  }
0xe6: {  	v63 =	vadd.s32 $0x100, v63;
	v46 =	vadd.s32 $0xC0, v49;
	v23 =	vld [tilespmem:s21+$0x800]  }
0xe7: {  	v14 =	vadd.s32 $0xE0, v49;
	v9 =	vadd.s32 $0xF0, v49;
	v13 =	vadd.s32 $0xD0, v49;
	v56 =	vld [tilespmem:s21+$0x8A0]  }
0xe8: {  	v47 =	vadd.s32 $0x80, v49;
	v20 =	vadd.s32 $0xA0, v49;
	v22 =	vadd.s32 $0x90, v49;
	v61 =	vld [tilespmem:s21+$0x840]  }
.Ltmp3:
0xe9: {  	v55 =	vadd.s32 $0x40, v49;
	v28 =	vadd.s32 $0x50, v49;
	v21 =	vadd.s32 $0xB0, v49;
	v58 =	vld [tilespmem:s21+$0x8B0];
	(pc) =	sbr.rel @p0 .LBB2_8-.Ltmp3, $4  }
0xea: {  	v29 =	vadd.s32 $0x60, v49;
	v36 =	vadd.s32 $0x10, v49;
	v26 =	vadd.s32 $0x70, v49;
	v59 =	vld [tilespmem:s21+$0x850]  }
0xeb: {  	v39 =	vadd.s32 $0x20, v49;
	v48 =	vmul.f32 v48, v0;
	v62 =	vmul.f32 v23, v0;
	v60 =	vld [tilespmem:s21+$0x860]  }
0xec: {  	v40 =	vadd.s32 $0x30, v49;
	v24 =	vmul.f32 v51, v0;
	v25 =	vmul.f32 v2, v0;
	v57 =	vld [tilespmem:s21+$0x810]  }
0xed: {  	s0 =	sadd.s32 $0x400, s0;
	v23 =	vmul.f32 v6, v0;
	vm8 =	vle.f32 v62, v50;
	v51 =	vld [tilespmem:s21+$0x820];
	v61 =	vmul.f32 v61, v0  }
0xee: {  	v2 =	vld [tilespmem:$0x1FFE0];
	_ =	sdelay $0x4  }
0xef: {  	vm0 =	veq.f32 v5, v1;
	vm1 =	vgt.s32 v8, v2  }
0xf0: {  	vm14 =	vlt.f32 v5, v1;
	vm0 =	vmand vm0, vm1  }
0xf1: {  	vm0 =	vmor vm14, vm0  }
0xf2: {  	v6 =	vsel vm0, v5, v1;
	v2 =	vsel vm0, v8, v2;
	v8 =	vld [tilespmem:$0x1FFF0]  }
0xf3: {  	vm15 =	veq.f32 v4, v6;
	vm9 =	vgt.s32 v7, v2  }
0xf4: {  	vm10 =	vlt.f32 v4, v6;
	vm0 =	vmand vm15, vm9  }
0xf5: {  	vm0 =	vmor vm10, vm0  }
0xf6: {  	v1 =	vsel vm0, v4, v6;
	v2 =	vsel vm0, v7, v2  }
0xf7: {  	vm11 =	veq.f32 v3, v1;
	vm12 =	vgt.s32 v8, v2  }
0xf8: {  	vm13 =	vlt.f32 v3, v1;
	vm0 =	vmand vm11, vm12  }
0xf9: {  	vm0 =	vmor vm13, vm0  }
0xfa: {  	v1 =	vsel vm0, v3, v1  }
0xfb: {  	v2 =	vsel vm0, v8, v2;
	(v2sf) =	vpush v1, $0x0  }
0xfc: {  	(v2sf) =	vpush v2, $0x0;
	_ =	sdelay $0x2  }
0xfd: {  	(v2sf) =	vpush v1, $0x1  }
0xfe: {  	(v2sf) =	vpush v2, $0x1;
	_ =	sdelay $0x4  }
0xff: {  	(v2sf) =	vpush v1, $0x2  }
0x100: {  	(v2sf) =	vpush v2, $0x2;
	_ =	sdelay $0x3  }
0x101: {  	s16 =	spop (v2sf)  }
0x102: {  	s17 =	spop (v2sf);
	(v2sf) =	vpush v1, $0x3  }
0x103: {  	(v2sf) =	vpush v2, $0x3;
	_ =	sdelay $0x1  }
0x104: {  	s0 =	spop (v2sf)  }
0x105: {  	s1 =	spop (v2sf);
	p0 =	seq.f32 s0, s16  }
0x106: {  	p1 =	sgt.s32 s1, s17  }
0x107: {  	p2 =	slt.f32 s0, s16;
	(v2sf) =	vpush v1, $0x4;
	p0 =	por !p0, !p1  }
0x108: {  	(v2sf) =	vpush v2, $0x4;
	p0 =	por !p0, !p0  }
0x109: {  	p0 =	por p2, p0  }
0x10a: {  	s16 =	smov.u32 @p0 s0;
	s0 =	spop (v2sf)  }
0x10b: {  	s17 =	smov.u32 @p0 s1;
	s1 =	spop (v2sf);
	p1 =	seq.f32 s0, s16  }
0x10c: {  	p2 =	sgt.s32 s1, s17  }
0x10d: {  	(v2sf) =	vpush v1, $0x5;
	p3 =	slt.f32 s0, s16;
	p0 =	por !p1, !p2  }
0x10e: {  	(v2sf) =	vpush v2, $0x5;
	p0 =	por !p0, !p0  }
0x10f: {  	p0 =	por p3, p0  }
0x110: {  	s16 =	smov.u32 @p0 s0;
	s0 =	spop (v2sf)  }
0x111: {  	s17 =	smov.u32 @p0 s1;
	s1 =	spop (v2sf);
	p4 =	seq.f32 s0, s16  }
0x112: {  	p5 =	sgt.s32 s1, s17  }
0x113: {  	(v2sf) =	vpush v1, $0x6;
	p6 =	slt.f32 s0, s16;
	p0 =	por !p4, !p5  }
0x114: {  	(v2sf) =	vpush v2, $0x6;
	p0 =	por !p0, !p0  }
0x115: {  	p0 =	por p6, p0  }
0x116: {  	s16 =	smov.u32 @p0 s0;
	s0 =	spop (v2sf)  }
0x117: {  	s17 =	smov.u32 @p0 s1;
	s1 =	spop (v2sf);
	p1 =	seq.f32 s0, s16  }
0x118: {  	p2 =	sgt.s32 s1, s17  }
0x119: {  	(v2sf) =	vpush v1, $0x7;
	p3 =	slt.f32 s0, s16;
	p0 =	por !p1, !p2  }
0x11a: {  	(v2sf) =	vpush v2, $0x7;
	p0 =	por !p0, !p0  }
0x11b: {  	p0 =	por p3, p0  }
0x11c: {  	s16 =	smov.u32 @p0 s0;
	s0 =	spop (v2sf)  }
0x11d: {  	s17 =	smov.u32 @p0 s1;
	s1 =	spop (v2sf);
	p4 =	seq.f32 s0, s16  }
0x11e: {  	(v2sf) =	vpush v1, $0x8;
	p5 =	sgt.s32 s1, s17  }
0x11f: {  	(v2sf) =	vpush v2, $0x8;
	p6 =	slt.f32 s0, s16;
	p0 =	por !p4, !p5  }
0x120: {  	(v2sf) =	vpush v1, $0x9;
	p0 =	por !p0, !p0  }
0x121: {  	(v2sf) =	vpush v2, $0x9;
	p0 =	por p6, p0  }
0x122: {  	vm14 =	veq.f32 v18, v11;
	vm15 =	vgt.s32 v19, v12;
	(v2sf) =	vpush v1, $0xA;
	s16 =	smov.u32 @p0 s0;
	s0 =	spop (v2sf)  }
0x123: {  	vm9 =	vlt.f32 v18, v11;
	vm0 =	vmand vm14, vm15;
	(v2sf) =	vpush v2, $0xA;
	s17 =	smov.u32 @p0 s1;
	s1 =	spop (v2sf);
	p1 =	seq.f32 s0, s16  }
0x124: {  	vm0 =	vmor vm9, vm0;
	(v2sf) =	vpush v1, $0xB;
	p2 =	sgt.s32 s1, s17  }
0x125: {  	v18 =	vsel vm0, v18, v11;
	v19 =	vsel vm0, v19, v12;
	(v2sf) =	vpush v2, $0xB;
	p3 =	slt.f32 s0, s16;
	p0 =	por !p1, !p2  }
0x126: {  	vm10 =	veq.f32 v16, v18;
	vm11 =	vgt.s32 v17, v19;
	(v2sf) =	vpush v1, $0xC;
	p0 =	por !p0, !p0  }
0x127: {  	vm12 =	vlt.f32 v16, v18;
	vm0 =	vmand vm10, vm11;
	(v2sf) =	vpush v2, $0xC;
	p0 =	por p3, p0  }
0x128: {  	vm0 =	vmor vm12, vm0;
	(v2sf) =	vpush v1, $0xD;
	s16 =	smov.u32 @p0 s0;
	s0 =	spop (v2sf)  }
0x129: {  	v3 =	vsel vm0, v16, v18;
	v4 =	vsel vm0, v17, v19;
	(v2sf) =	vpush v2, $0xD;
	s17 =	smov.u32 @p0 s1;
	s1 =	spop (v2sf);
	p4 =	seq.f32 s0, s16  }
0x12a: {  	vm13 =	veq.f32 v10, v3;
	vm14 =	vgt.s32 v15, v4;
	(v2sf) =	vpush v1, $0xE;
	p5 =	sgt.s32 s1, s17  }
0x12b: {  	vm15 =	vlt.f32 v10, v3;
	vm0 =	vmand vm13, vm14;
	(v2sf) =	vpush v2, $0xE;
	p6 =	slt.f32 s0, s16;
	p0 =	por !p4, !p5  }
0x12c: {  	vm0 =	vmor vm15, vm0;
	(v2sf) =	vpush v1, $0xF;
	p0 =	por !p0, !p0  }
0x12d: {  	s2 =	spop (v2sf);
	(v2sf) =	vpush v2, $0xF;
	v2 =	vsel vm0, v10, v3;
	p0 =	por p6, p0  }
0x12e: {  	v1 =	vsel vm0, v15, v4;
	(v2sf) =	vpush v2, $0x0;
	s16 =	smov.u32 @p0 s0;
	s0 =	spop (v2sf)  }
0x12f: {  	s17 =	smov.u32 @p0 s1;
	s3 =	spop (v2sf);
	(v2sf) =	vpush v1, $0x0;
	p1 =	seq.f32 s2, s16  }
0x130: {  	p2 =	sgt.s32 s0, s17;
	s5 =	spop (v2sf);
	(v2sf) =	vpush v2, $0x1  }
0x131: {  	p3 =	slt.f32 s2, s16;
	s4 =	spop (v2sf);
	(v2sf) =	vpush v1, $0x1;
	p0 =	por !p1, !p2  }
0x132: {  	s1 =	spop (v2sf);
	p0 =	por !p0, !p0  }
0x133: {  	(v2sf) =	vpush v2, $0x2;
	s15 =	spop (v2sf);
	p0 =	por p3, p0  }
0x134: {  	(v2sf) =	vpush v1, $0x2;
	s6 =	spop (v2sf);
	s16 =	smov.u32 @p0 s2  }
0x135: {  	(v2sf) =	vpush v2, $0x3;
	s17 =	smov.u32 @p0 s0;
	s11 =	spop (v2sf);
	p4 =	seq.f32 s3, s16  }
0x136: {  	(v2sf) =	vpush v1, $0x3;
	p5 =	sgt.s32 s5, s17;
	s14 =	spop (v2sf)  }
0x137: {  	p6 =	slt.f32 s3, s16;
	(v2sf) =	vpush v2, $0x4;
	s7 =	spop (v2sf);
	p0 =	por !p4, !p5  }
0x138: {  	(v2sf) =	vpush v1, $0x4;
	s2 =	spop (v2sf);
	p0 =	por !p0, !p0  }
0x139: {  	s18 =	spop (v2sf);
	p0 =	por p6, p0  }
0x13a: {  	(v2sf) =	vpush v2, $0x5;
	s23 =	spop (v2sf);
	s16 =	smov.u32 @p0 s3  }
0x13b: {  	(v2sf) =	vpush v1, $0x5;
	s17 =	smov.u32 @p0 s5;
	s29 =	spop (v2sf);
	p1 =	seq.f32 s4, s16  }
0x13c: {  	(v2sf) =	vpush v2, $0x6;
	p2 =	sgt.s32 s1, s17;
	s30 =	spop (v2sf)  }
0x13d: {  	(v2sf) =	vpush v1, $0x6;
	p3 =	slt.f32 s4, s16;
	s19 =	spop (v2sf);
	p0 =	por !p1, !p2  }
0x13e: {  	(v2sf) =	vpush v2, $0x7;
	s20 =	spop (v2sf);
	p0 =	por !p0, !p0  }
0x13f: {  	(v2sf) =	vpush v1, $0x7;
	s10 =	spop (v2sf);
	p0 =	por p3, p0  }
0x140: {  	[dreg:$0x10] =	wrdreg s29;
	s13 =	spop (v2sf);
	s16 =	smov.u32 @p0 s4  }
0x141: {  	(v2sf) =	vpush v2, $0x8;
	s17 =	smov.u32 @p0 s1;
	p4 =	seq.f32 s10, s19;
	p3 =	slt.f32 s10, s19  }
0x142: {  	(v2sf) =	vpush v1, $0x8;
	s3 =	spop (v2sf);
	p0 =	slt.f32 s15, s16;
	p5 =	sgt.s32 s13, s20  }
0x143: {  	v50 =	vsel vm8, v62, v50;
	v53 =	vmul.f32 v53, v0;
	(v2sf) =	vpush v2, $0x9;
	p6 =	seq.f32 s15, s16;
	s0 =	spop (v2sf);
	p1 =	por !p4, !p5  }
0x144: {  	v6 =	vsel vm8, v49, v52;
	vm9 =	vle.f32 v61, v50;
	(v2sf) =	vpush v1, $0x9;
	p4 =	sgt.s32 s6, s17;
	s9 =	spop (v2sf);
	p1 =	por !p1, !p1  }
0x145: {  	v55 =	vsel vm9, v55, v6;
	vm10 =	veq.f32 v41, v31;
	vm11 =	vgt.s32 v45, v32;
	p2 =	por !p6, !p4;
	s1 =	spop (v2sf);
	p1 =	por p3, p1  }
0x146: {  	vm12 =	vlt.f32 v41, v31;
	v4 =	vmul.f32 v54, v0;
	(v2sf) =	vpush v2, $0xA;
	p2 =	por !p2, !p2;
	s4 =	spop (v2sf);
	s19 =	smov.u32 @p1 s10  }
0x147: {  	v54 =	vsel vm9, v61, v50;
	v3 =	vmul.f32 v56, v0;
	v56 =	vmul.f32 v58, v0;
	s20 =	smov.u32 @p1 s13;
	p0 =	por p0, p2;
	s5 =	spop (v2sf)  }
0x148: {  	v58 =	vmul.f32 v59, v0;
	vm0 =	vmand vm10, vm11;
	(v2sf) =	vpush v1, $0xA;
	p4 =	seq.f32 s3, s19;
	s16 =	smov.u32 @p0 s15;
	p5 =	sgt.s32 s0, s20  }
0x149: {  	v59 =	vmul.f32 v60, v0;
	vm0 =	vmor vm12, vm0;
	(v2sf) =	vpush v2, $0xB;
	p6 =	slt.f32 s3, s19;
	s17 =	smov.u32 @p0 s6;
	s8 =	spop (v2sf)  }
0x14a: {  	v61 =	vsel vm0, v41, v31;
	v62 =	vsel vm0, v45, v32;
	(v2sf) =	vpush v1, $0xB;
	s31 =	spop (v2sf);
	p1 =	por !p4, !p5;
	p4 =	seq.f32 s11, s16  }
0x14b: {  	vm13 =	veq.f32 v33, v61;
	vm14 =	vgt.s32 v38, v62;
	(v2sf) =	vpush v2, $0xC;
	p5 =	sgt.s32 s14, s17;
	s12 =	spop (v2sf);
	p2 =	por !p1, !p1  }
0x14c: {  	vm15 =	vlt.f32 v33, v61;
	vm0 =	vmand vm13, vm14;
	(v2sf) =	vpush v1, $0xC;
	s25 =	spop (v2sf);
	p0 =	por p6, p2;
	p6 =	slt.f32 s11, s16  }
0x14d: {  	v63 =	vld [tilespmem:s21+$0x830];
	vm8 =	vle.f32 v53, v54;
	vm0 =	vmor vm15, vm0;
	(v2sf) =	vpush v2, $0xD;
	p1 =	por !p4, !p5;
	s28 =	spop (v2sf);
	s19 =	smov.u32 @p0 s3  }
0x14e: {  	v15 =	vsel vm0, v33, v61;
	v16 =	vsel vm0, v38, v62;
	(v2sf) =	vpush v1, $0xD;
	s20 =	smov.u32 @p0 s0;
	p2 =	por !p1, !p1;
	s10 =	spop (v2sf)  }
0x14f: {  	vm9 =	veq.f32 v27, v15;
	vm10 =	vgt.s32 v30, v16;
	(v2sf) =	vpush v2, $0xE;
	p0 =	por p6, p2;
	p4 =	seq.f32 s9, s19;
	p5 =	sgt.s32 s1, s20  }
0x150: {  	v31 =	vld [tilespmem:s21+$0x870];
	vm11 =	vlt.f32 v27, v15;
	vm0 =	vmand vm9, vm10;
	(v2sf) =	vpush v1, $0xE;
	p6 =	slt.f32 s9, s19;
	s21 =	spop (v2sf);
	s16 =	smov.u32 @p0 s11  }
0x151: {  	v60 =	vmul.f32 v57, v0;
	vm0 =	vmor vm11, vm0;
	(v2sf) =	vpush v2, $0xF;
	s17 =	smov.u32 @p0 s14;
	s22 =	spop (v2sf);
	p1 =	por !p4, !p5  }
0x152: {  	v10 =	vmul.f32 v63, v0;
	v33 =	vsel vm0, v27, v15;
	(v2sf) =	vpush v1, $0xF;
	p4 =	seq.f32 s7, s16;
	p5 =	sgt.s32 s2, s17;
	s26 =	spop (v2sf)  }
0x153: {  	v8 =	vsel vm8, v53, v54;
	v38 =	vsel vm0, v30, v16;
	(v2sf) =	vpush v33, $0x0;
	[smem:$0x7FB] =	sst s22;
	p2 =	por !p1, !p1;
	s24 =	spop (v2sf)  }
0x154: {  	v11 =	vsel vm8, v47, v55;
	v32 =	vmul.f32 v51, v0;
	(v2sf) =	vpush v38, $0x0;
	p0 =	por p6, p2;
	p6 =	slt.f32 s7, s16;
	p1 =	por !p4, !p5  }
0x155: {  	vm12 =	vle.f32 v48, v8;
	vm2 =	vle.f32 v10, v43;
	(v2sf) =	vpush v33, $0x1;
	[dreg:$0x1e] =	wrdreg s24;
	s13 =	spop (v2sf);
	s19 =	smov.u32 @p0 s9  }
0x156: {  	v45 =	vsel vm12, v48, v8;
	v46 =	vsel vm12, v46, v11;
	(v2sf) =	vpush v38, $0x1;
	s20 =	smov.u32 @p0 s1;
	p2 =	por !p1, !p1;
	[dreg:$0x1d] =	wrdreg s13  }
0x157: {  	v10 =	vsel vm2, v10, v43;
	v51 =	vsel vm2, v40, v34;
	(v2sf) =	vpush v33, $0x2;
	s15 =	spop (v2sf);
	p0 =	por p6, p2;
	p4 =	seq.f32 s4, s19  }
0x158: {  	vm13 =	vle.f32 v60, v44;
	vm14 =	vle.f32 v32, v42;
	p5 =	sgt.s32 s5, s20;
	p6 =	slt.f32 s4, s19;
	(v2sf) =	vpush v38, $0x2;
	s22 =	spop (v2sf)  }
0x159: {  	v47 =	vsel vm13, v60, v44;
	v48 =	vsel vm14, v32, v42;
	[dreg:$0x1a] =	wrdreg s15;
	s16 =	smov.u32 @p0 s7;
	(v2sf) =	vpush v33, $0x3;
	s24 =	spop (v2sf)  }
0x15a: {  	v49 =	vsel vm13, v36, v37;
	v50 =	vsel vm14, v39, v35;
	s17 =	smov.u32 @p0 s2;
	[dreg:$0x16] =	wrdreg s22;
	(v2sf) =	vpush v38, $0x3;
	s3 =	spop (v2sf)  }
0x15b: {  	vm15 =	vle.f32 v58, v47;
	v41 =	vmul.f32 v31, v0;
	p1 =	por !p4, !p5;
	p4 =	seq.f32 s18, s16;
	(v2sf) =	vpush v33, $0x4;
	s6 =	spop (v2sf)  }
0x15c: {  	v6 =	vsel vm15, v58, v47;
	v52 =	vsel vm15, v28, v49;
	p5 =	sgt.s32 s23, s17;
	[dreg:$0x17] =	wrdreg s24;
	(v2sf) =	vpush v38, $0x4;
	s11 =	spop (v2sf)  }
0x15d: {  	vm9 =	vle.f32 v59, v48;
	vm10 =	vle.f32 v41, v10;
	p2 =	por !p1, !p1;
	[dreg:$0x13] =	wrdreg s3;
	(v2sf) =	vpush v33, $0x5;
	s13 =	spop (v2sf)  }
0x15e: {  	v7 =	vsel vm9, v59, v48;
	vm11 =	vle.f32 v4, v6;
	p0 =	por p6, p2;
	p6 =	slt.f32 s18, s16;
	(v2sf) =	vpush v38, $0x5;
	s14 =	spop (v2sf)  }
0x15f: {  	v53 =	vsel vm9, v29, v50;
	v10 =	vsel vm10, v41, v10;
	p1 =	por !p4, !p5;
	[dreg:$0x14] =	wrdreg s6;
	(v2sf) =	vpush v33, $0x6;
	s15 =	spop (v2sf)  }
0x160: {  	vm12 =	vle.f32 v3, v7;
	v54 =	vsel vm10, v26, v51;
	s19 =	smov.u32 @p0 s4;
	[dreg:$0x11] =	wrdreg s11;
	(v2sf) =	vpush v38, $0x6;
	s22 =	spop (v2sf)  }
0x161: {  	v4 =	vsel vm11, v4, v6;
	v55 =	vsel vm11, v22, v52;
	s20 =	smov.u32 @p0 s5;
	p4 =	seq.f32 s8, s19;
	(v2sf) =	vpush v33, $0x7;
	s24 =	spop (v2sf)  }
0x162: {  	vm13 =	vle.f32 v56, v10;
	v3 =	vsel vm12, v3, v7;
	p2 =	por !p1, !p1;
	[dreg:$0xc] =	wrdreg s22;
	(v2sf) =	vpush v38, $0x7;
	s22 =	spop (v2sf)  }
0x163: {  	vm14 =	vle.f32 v24, v4;
	v5 =	vsel vm13, v56, v10;
	p0 =	por p6, p2;
	[dreg:$0xd] =	wrdreg s24;
	(v2sf) =	vpush v33, $0x8;
	s24 =	spop (v2sf)  }
0x164: {  	v56 =	vsel vm12, v20, v53;
	vm15 =	vle.f32 v25, v3;
	p5 =	sgt.s32 s31, s20;
	p6 =	slt.f32 s8, s19;
	(v2sf) =	vpush v38, $0x8;
	s0 =	spop (v2sf)  }
0x165: {  	v57 =	vsel vm13, v21, v54;
	v4 =	vsel vm14, v24, v4;
	[dreg:$0x12] =	wrdreg s13;
	s16 =	smov.u32 @p0 s18;
	(v2sf) =	vpush v33, $0x9;
	s1 =	spop (v2sf)  }
0x166: {  	v6 =	vsel vm14, v13, v55;
	vm8 =	vle.f32 v23, v5;
	s17 =	smov.u32 @p0 s23;
	[dreg:$0xe] =	wrdreg s14;
	(v2sf) =	vpush v38, $0x9;
	s13 =	spop (v2sf)  }
0x167: {  	v3 =	vsel vm15, v25, v3;
	v7 =	vsel vm15, v14, v56;
	p1 =	por !p4, !p5;
	p4 =	seq.f32 s29, s16;
	(v2sf) =	vpush v33, $0xA;
	s4 =	spop (v2sf)  }
0x168: {  	vm10 =	veq.f32 v4, v45;
	vm11 =	vgt.s32 v6, v46;
	p5 =	sgt.s32 s30, s17;
	p2 =	por !p1, !p1;
	(v2sf) =	vpush v38, $0xA;
	s2 =	spop (v2sf)  }
0x169: {  	vm12 =	vlt.f32 v4, v45;
	vm0 =	vmand vm10, vm11;
	[dreg:$0xf] =	wrdreg s15;
	p0 =	por p6, p2;
	(v2sf) =	vpush v33, $0xB;
	s7 =	spop (v2sf)  }
0x16a: {  	v5 =	vsel vm8, v23, v5;
	vm0 =	vmor vm12, vm0;
	p6 =	slt.f32 s29, s16;
	p1 =	por !p4, !p5;
	(v2sf) =	vpush v38, $0xB;
	s3 =	spop (v2sf)  }
0x16b: {  	v0 =	vsel vm0, v4, v45;
	v58 =	vsel vm0, v6, v46;
	s19 =	smov.u32 @p0 s8;
	p2 =	por !p1, !p1;
	(v2sf) =	vpush v33, $0xC;
	s9 =	spop (v2sf)  }
0x16c: {  	vm13 =	veq.f32 v3, v0;
	vm14 =	vgt.s32 v7, v58;
	s20 =	smov.u32 @p0 s31;
	p0 =	por p6, p2;
	(v2sf) =	vpush v38, $0xC;
	s5 =	spop (v2sf)  }
0x16d: {  	vm15 =	vlt.f32 v3, v0;
	vm0 =	vmand vm13, vm14;
	p4 =	seq.f32 s12, s19;
	p5 =	sgt.s32 s25, s20;
	(v2sf) =	vpush v33, $0xD;
	s11 =	spop (v2sf)  }
0x16e: {  	v59 =	vsel vm8, v9, v57;
	vm0 =	vmor vm15, vm0;
	p6 =	slt.f32 s12, s19;
	s17 =	smov.u32 @p0 s30;
	(v2sf) =	vpush v38, $0xD;
	s6 =	spop (v2sf)  }
0x16f: {  	v0 =	vsel vm0, v3, v0;
	v60 =	vsel vm0, v7, v58;
	p1 =	por !p4, !p5;
	p4 =	seq.f32 s0, s22;
	(v2sf) =	vpush v33, $0xE;
	s18 =	spop (v2sf)  }
0x170: {  	vm9 =	veq.f32 v5, v0;
	vm10 =	vgt.s32 v59, v60;
	p1 =	por !p1, !p1;
	p5 =	sgt.s32 s1, s24;
	(v2sf) =	vpush v38, $0xE;
	s31 =	spop (v2sf)  }
0x171: {  	vm11 =	vlt.f32 v5, v0;
	vm0 =	vmand vm9, vm10;
	p1 =	por p6, p1;
	p6 =	slt.f32 s0, s22;
	s23 =	spop (v2sf)  }
0x172: {  	vm0 =	vmor vm11, vm0;
	p2 =	por !p4, !p5;
	s19 =	smov.u32 @p1 s12;
	(v2sf) =	vpush v33, $0xF;
	s8 =	spop (v2sf)  }
0x173: {  	v61 =	vsel vm0, v5, v0;
	p2 =	por !p2, !p2;
	s20 =	smov.u32 @p1 s25;
	(v2sf) =	vpush v38, $0xF;
	s29 =	spop (v2sf)  }
0x174: {  	v62 =	vsel vm0, v59, v60;
	p1 =	por p6, p2;
	p4 =	seq.f32 s28, s19;
	(v2sf) =	vpush v61, $0x0;
	s14 =	spop (v2sf)  }
0x175: {  	p5 =	sgt.s32 s10, s20;
	p6 =	slt.f32 s28, s19;
	(v2sf) =	vpush v62, $0x0;
	s30 =	spop (v2sf)  }
0x176: {  	s22 =	smov.u32 @p1 s0;
	s24 =	smov.u32 @p1 s1;
	(v2sf) =	vpush v61, $0x1;
	s15 =	spop (v2sf)  }
0x177: {  	p1 =	por !p4, !p5;
	[smem:$0x7FC] =	sst s30;
	(v2sf) =	vpush v62, $0x1;
	s30 =	spop (v2sf)  }
0x178: {  	p4 =	seq.f32 s13, s22;
	p1 =	por !p1, !p1;
	s12 =	spop (v2sf)  }
0x179: {  	p1 =	por p6, p1;
	p6 =	slt.f32 s13, s22;
	s25 =	spop (v2sf)  }
0x17a: {  	[dreg:$0x1f] =	wrdreg s25;
	s25 =	spop (v2sf)  }
0x17b: {  	[smem:$0x7FD] =	sst s30;
	s30 =	spop (v2sf)  }
0x17c: {  	p5 =	sgt.s32 s4, s24;
	(v2sf) =	vpush v61, $0x2;
	[dreg:$0x1c] =	wrdreg s30;
	s30 =	spop (v2sf)  }
0x17d: {  	p2 =	por !p4, !p5;
	s19 =	smov.u32 @p1 s28;
	s1 =	spop (v2sf)  }
0x17e: {  	p2 =	por !p2, !p2;
	(v2sf) =	vpush v62, $0x2;
	[dreg:$0x1b] =	wrdreg s1;
	s1 =	spop (v2sf)  }
0x17f: {  	s20 =	smov.u32 @p1 s10;
	[dreg:$0x18] =	wrdreg s1;
	s1 =	spop (v2sf)  }
0x180: {  	p1 =	por p6, p2;
	p2 =	seq.f32 s21, s19;
	[dreg:$0x19] =	wrdreg s1  }
0x181: {  	s28 =	spop (v2sf);
	s1 =	sld [smem:$0x7FB]  }
0x182: {  	p4 =	slt.f32 s21, s19;
	s10 =	spop (v2sf)  }
0x183: {  	[dreg:$0x15] =	wrdreg s10;
	s10 =	spop (v2sf)  }
0x184: {  	s22 =	smov.u32 @p1 s13;
	s13 =	spop (v2sf);
	p5 =	sgt.s32 s1, s20  }
0x185: {  	s24 =	smov.u32 @p1 s4;
	(v2sf) =	vpush v61, $0x3;
	s4 =	spop (v2sf);
	p1 =	por !p2, !p5  }
0x186: {  	(v2sf) =	vpush v62, $0x3;
	p3 =	seq.f32 s4, s10;
	s0 =	spop (v2sf);
	p1 =	por !p1, !p1  }
0x187: {  	p5 =	slt.f32 s4, s10;
	p6 =	sgt.s32 s0, s13;
	p1 =	por p4, p1  }
0x188: {  	p4 =	sgt.s32 s7, s24;
	p2 =	por !p3, !p6;
	p3 =	seq.f32 s2, s22  }
0x189: {  	s19 =	smov.u32 @p1 s21;
	p6 =	slt.f32 s2, s22;
	p2 =	por !p2, !p2  }
0x18a: {  	s20 =	smov.u32 @p1 s1;
	p2 =	por p5, p2;
	p3 =	por !p3, !p4  }
0x18b: {  	s10 =	smov.u32 @p2 s4;
	s13 =	smov.u32 @p2 s0;
	s0 =	spop (v2sf)  }
0x18c: {  	(v2sf) =	vpush v61, $0x4;
	s21 =	scvt.s32.f32 s17;
	p4 =	por !p3, !p3;
	p3 =	seq.f32 s0, s10  }
0x18d: {  	(v2sf) =	vpush v62, $0x4;
	p2 =	por p6, p4;
	s4 =	spop (v2sf);
	p4 =	seq.f32 s26, s19  }
0x18e: {  	p5 =	slt.f32 s0, s10;
	s24 =	smov.u32 @p2 s7;
	s7 =	rddreg [dreg:$0x1e]  }
0x18f: {  	s22 =	smov.u32 @p2 s2;
	p6 =	sgt.s32 s4, s13;
	s2 =	rddreg [dreg:$0x1d]  }
0x190: {  	p1 =	por !p3, !p6;
	p3 =	sgt.s32 s7, s20;
	p6 =	slt.f32 s26, s19  }
0x191: {  	p1 =	por !p1, !p1;
	p2 =	por !p4, !p3;
	p3 =	seq.f32 s3, s22  }
0x192: {  	(v2sf) =	vpush v61, $0x5;
	p1 =	por p5, p1;
	p2 =	por !p2, !p2;
	p5 =	slt.f32 s3, s22  }
0x193: {  	s10 =	smov.u32 @p1 s0;
	s13 =	smov.u32 @p1 s4;
	p1 =	por p6, p2  }
0x194: {  	(v2sf) =	vpush v62, $0x5;
	s0 =	spop (v2sf);
	p6 =	sgt.s32 s9, s24;
	s4 =	rddreg [dreg:$0x16]  }
0x195: {  	p4 =	seq.f32 s0, s10;
	s1 =	spop (v2sf);
	p2 =	por !p3, !p6  }
0x196: {  	p6 =	slt.f32 s0, s10;
	p3 =	sgt.s32 s1, s13;
	p2 =	por !p2, !p2  }
0x197: {  	s19 =	smov.u32 @p1 s26;
	p3 =	por !p4, !p3;
	p2 =	por p5, p2  }
0x198: {  	s20 =	smov.u32 @p1 s7;
	p3 =	por !p3, !p3;
	s22 =	smov.u32 @p2 s3  }
0x199: {  	(v2sf) =	vpush v61, $0x6;
	s24 =	smov.u32 @p2 s9;
	s3 =	rddreg [dreg:$0x1a];
	p2 =	por p6, p3  }
0x19a: {  	p3 =	seq.f32 s5, s22;
	p6 =	sgt.s32 s11, s24;
	p5 =	slt.f32 s5, s22  }
0x19b: {  	(v2sf) =	vpush v62, $0x6;
	s10 =	smov.u32 @p2 s0;
	s13 =	smov.u32 @p2 s1;
	s0 =	spop (v2sf)  }
0x19c: {  	p4 =	seq.f32 s0, s10;
	s1 =	spop (v2sf);
	p2 =	por !p3, !p6  }
0x19d: {  	p6 =	slt.f32 s0, s10;
	p3 =	sgt.s32 s1, s13;
	p2 =	por !p2, !p2  }
0x19e: {  	p3 =	por !p4, !p3;
	p1 =	por p5, p2;
	p5 =	seq.f32 s2, s19  }
0x19f: {  	p4 =	por !p3, !p3;
	s22 =	smov.u32 @p1 s5;
	s24 =	smov.u32 @p1 s11  }
0x1a0: {  	s5 =	rddreg [dreg:$0x1f];
	p1 =	por p6, p4;
	p6 =	sgt.s32 s3, s20  }
0x1a1: {  	(v2sf) =	vpush v61, $0x7;
	p4 =	slt.f32 s2, s19;
	s10 =	smov.u32 @p1 s0;
	s0 =	spop (v2sf)  }
0x1a2: {  	(v2sf) =	vpush v62, $0x7;
	s13 =	smov.u32 @p1 s1;
	p1 =	por !p5, !p6;
	p3 =	seq.f32 s0, s10  }
0x1a3: {  	s1 =	spop (v2sf);
	p1 =	por !p1, !p1;
	p6 =	slt.f32 s0, s10  }
0x1a4: {  	p5 =	sgt.s32 s1, s13;
	p1 =	por p4, p1;
	p4 =	sgt.s32 s18, s24  }
0x1a5: {  	p2 =	por !p3, !p5;
	p3 =	seq.f32 s6, s22;
	s19 =	smov.u32 @p1 s2  }
0x1a6: {  	s20 =	smov.u32 @p1 s3;
	s3 =	rddreg [dreg:$0x17];
	p2 =	por !p2, !p2  }
0x1a7: {  	s2 =	sld [smem:$0x7FC];
	p2 =	por p6, p2;
	p6 =	slt.f32 s6, s22  }
0x1a8: {  	(v2sf) =	vpush v61, $0x8;
	p3 =	por !p3, !p4;
	s10 =	smov.u32 @p2 s0;
	s0 =	spop (v2sf)  }
0x1a9: {  	(v2sf) =	vpush v62, $0x8;
	s13 =	smov.u32 @p2 s1;
	p4 =	por !p3, !p3;
	p3 =	seq.f32 s0, s10  }
0x1aa: {  	p2 =	por p6, p4;
	s1 =	spop (v2sf);
	p4 =	seq.f32 s4, s19  }
0x1ab: {  	p5 =	slt.f32 s0, s10;
	s22 =	smov.u32 @p2 s6;
	p6 =	sgt.s32 s1, s13  }
0x1ac: {  	s24 =	smov.u32 @p2 s18;
	p1 =	por !p3, !p6;
	p3 =	sgt.s32 s3, s20  }
0x1ad: {  	p6 =	slt.f32 s4, s19;
	p1 =	por !p1, !p1;
	p2 =	por !p4, !p3  }
0x1ae: {  	p3 =	seq.f32 s31, s22;
	p1 =	por p5, p1;
	p2 =	por !p2, !p2  }
0x1af: {  	p5 =	slt.f32 s31, s22;
	s10 =	smov.u32 @p1 s0;
	s13 =	smov.u32 @p1 s1  }
0x1b0: {  	(v2sf) =	vpush v61, $0x9;
	p1 =	por p6, p2;
	s0 =	spop (v2sf);
	p6 =	sgt.s32 s23, s24  }
0x1b1: {  	p4 =	seq.f32 s0, s10;
	s1 =	spop (v2sf);
	p2 =	por !p3, !p6  }
0x1b2: {  	(v2sf) =	vpush v62, $0x9;
	p6 =	slt.f32 s0, s10;
	s19 =	smov.u32 @p1 s4;
	p3 =	sgt.s32 s1, s13  }
0x1b3: {  	s20 =	smov.u32 @p1 s3;
	p2 =	por !p2, !p2;
	p3 =	por !p4, !p3  }
0x1b4: {  	s4 =	rddreg [dreg:$0x13];
	p2 =	por p5, p2;
	p3 =	por !p3, !p3  }
0x1b5: {  	s22 =	smov.u32 @p2 s31;
	s24 =	smov.u32 @p2 s23;
	p2 =	por p6, p3  }
0x1b6: {  	p3 =	seq.f32 s8, s22;
	p6 =	sgt.s32 s29, s24;
	p5 =	slt.f32 s8, s22  }
0x1b7: {  	s10 =	smov.u32 @p2 s0;
	s13 =	smov.u32 @p2 s1;
	s0 =	spop (v2sf)  }
0x1b8: {  	p4 =	seq.f32 s0, s10;
	s1 =	spop (v2sf);
	p2 =	por !p3, !p6  }
0x1b9: {  	s3 =	rddreg [dreg:$0x14];
	(v2sf) =	vpush v61, $0xA;
	p3 =	sgt.s32 s1, s13;
	p2 =	por !p2, !p2  }
0x1ba: {  	(v2sf) =	vpush v62, $0xA;
	p6 =	slt.f32 s0, s10;
	p3 =	por !p4, !p3;
	p1 =	por p5, p2  }
0x1bb: {  	p5 =	seq.f32 s4, s19;
	p4 =	por !p3, !p3;
	s22 =	smov.u32 @p1 s8  }
0x1bc: {  	s24 =	smov.u32 @p1 s29;
	p1 =	slt.f32 s4, s19;
	p2 =	por p6, p4  }
0x1bd: {  	p6 =	sgt.s32 s3, s20;
	p3 =	seq.f32 s14, s22;
	p4 =	sgt.s32 s2, s24  }
0x1be: {  	s10 =	smov.u32 @p2 s0;
	s13 =	smov.u32 @p2 s1;
	p5 =	por !p5, !p6  }
0x1bf: {  	s0 =	spop (v2sf);
	p6 =	slt.f32 s14, s22;
	p3 =	por !p3, !p4  }
0x1c0: {  	p2 =	por !p5, !p5;
	p5 =	seq.f32 s0, s10;
	p3 =	por !p3, !p3  }
0x1c1: {  	(v2sf) =	vpush v61, $0xB;
	p1 =	por p1, p2;
	s1 =	spop (v2sf);
	p2 =	por p6, p3  }
0x1c2: {  	s18 =	rddreg [dreg:$0xc];
	(v2sf) =	vpush v62, $0xB;
	p4 =	sgt.s32 s1, s13;
	s24 =	smov.u32 @p2 s2  }
0x1c3: {  	s2 =	sld [smem:$0x7FD];
	p4 =	por !p5, !p4;
	p5 =	slt.f32 s0, s10  }
0x1c4: {  	s19 =	smov.u32 @p1 s4;
	s22 =	smov.u32 @p2 s14;
	p6 =	por !p4, !p4  }
0x1c5: {  	s20 =	smov.u32 @p1 s3;
	p4 =	seq.f32 s15, s22;
	p3 =	por p5, p6  }
0x1c6: {  	s4 =	rddreg [dreg:$0x11];
	p5 =	sgt.s32 s2, s24;
	s10 =	smov.u32 @p3 s0  }
0x1c7: {  	s13 =	smov.u32 @p3 s1;
	p3 =	slt.f32 s15, s22;
	p2 =	por !p4, !p5  }
0x1c8: {  	s3 =	rddreg [dreg:$0x12];
	s0 =	spop (v2sf);
	p2 =	por !p2, !p2  }
0x1c9: {  	(v2sf) =	vpush v61, $0xC;
	p6 =	seq.f32 s0, s10;
	s1 =	spop (v2sf);
	p1 =	por p3, p2  }
0x1ca: {  	(v2sf) =	vpush v62, $0xC;
	p3 =	slt.f32 s0, s10;
	p5 =	sgt.s32 s1, s13;
	s22 =	smov.u32 @p1 s15  }
0x1cb: {  	s24 =	smov.u32 @p1 s2;
	s15 =	rddreg [dreg:$0xe];
	p2 =	por !p6, !p5  }
0x1cc: {  	s2 =	rddreg [dreg:$0x18];
	p6 =	seq.f32 s4, s19;
	p2 =	por !p2, !p2  }
0x1cd: {  	p5 =	sgt.s32 s3, s20;
	p4 =	slt.f32 s12, s22;
	p2 =	por p3, p2  }
0x1ce: {  	p3 =	slt.f32 s4, s19;
	p1 =	por !p6, !p5;
	p5 =	seq.f32 s12, s22  }
0x1cf: {  	p6 =	sgt.s32 s5, s24;
	s10 =	smov.u32 @p2 s0;
	p1 =	por !p1, !p1  }
0x1d0: {  	(v2sf) =	vpush v61, $0xD;
	s13 =	smov.u32 @p2 s1;
	s0 =	spop (v2sf);
	p6 =	por !p5, !p6  }
0x1d1: {  	(v2sf) =	vpush v62, $0xD;
	p5 =	seq.f32 s0, s10;
	s1 =	spop (v2sf);
	p1 =	por p3, p1  }
0x1d2: {  	p2 =	por !p6, !p6;
	p3 =	sgt.s32 s1, s13;
	p6 =	slt.f32 s0, s10  }
0x1d3: {  	s19 =	smov.u32 @p1 s4;
	s4 =	rddreg [dreg:$0x1c];
	s20 =	smov.u32 @p1 s3  }
0x1d4: {  	s3 =	rddreg [dreg:$0xf];
	p2 =	por p4, p2;
	p3 =	por !p5, !p3  }
0x1d5: {  	s22 =	smov.u32 @p2 s12;
	p3 =	por !p3, !p3;
	s24 =	smov.u32 @p2 s5  }
0x1d6: {  	s5 =	rddreg [dreg:$0x1b];
	p5 =	seq.f32 s25, s22;
	p3 =	por p6, p3  }
0x1d7: {  	p4 =	slt.f32 s25, s22;
	p6 =	sgt.s32 s4, s24;
	s10 =	smov.u32 @p3 s0  }
0x1d8: {  	(v2sf) =	vpush v61, $0xE;
	s13 =	smov.u32 @p3 s1;
	s0 =	spop (v2sf);
	p2 =	por !p5, !p6  }
0x1d9: {  	(v2sf) =	vpush v62, $0xE;
	p5 =	seq.f32 s0, s10;
	p2 =	por !p2, !p2;
	s1 =	spop (v2sf)  }
0x1da: {  	p1 =	por p4, p2;
	p4 =	slt.f32 s0, s10;
	p6 =	sgt.s32 s1, s13  }
0x1db: {  	s22 =	smov.u32 @p1 s25;
	s24 =	smov.u32 @p1 s4;
	p2 =	por !p5, !p6  }
0x1dc: {  	p1 =	slt.f32 s15, s19;
	p5 =	seq.f32 s15, s19;
	p2 =	por !p2, !p2  }
0x1dd: {  	s4 =	smov.u32 s15;
	p6 =	sgt.s32 s3, s20;
	p2 =	por p4, p2  }
0x1de: {  	p3 =	por !p5, !p6;
	p4 =	seq.f32 s30, s22;
	p6 =	slt.f32 s30, s22  }
0x1df: {  	(v2sf) =	vpush v61, $0xF;
	s10 =	smov.u32 @p2 s0;
	p3 =	por !p3, !p3;
	s0 =	spop (v2sf)  }
0x1e0: {  	s13 =	smov.u32 @p2 s1;
	p2 =	sgt.s32 s5, s24;
	s1 =	spop (v2sf)  }
0x1e1: {  	(v2sf) =	vpush v62, $0xF;
	p5 =	seq.f32 s0, s10;
	p2 =	por !p4, !p2;
	p1 =	por p1, p3  }
0x1e2: {  	p4 =	sgt.s32 s1, s13;
	p2 =	por !p2, !p2;
	s19 =	smov.u32 @p1 s4  }
0x1e3: {  	s4 =	rddreg [dreg:$0x19];
	p4 =	por !p5, !p4;
	p5 =	slt.f32 s0, s10  }
0x1e4: {  	s20 =	smov.u32 @p1 s3;
	p2 =	por p6, p2;
	p4 =	por !p4, !p4  }
0x1e5: {  	s22 =	smov.u32 @p2 s30;
	s24 =	smov.u32 @p2 s5;
	p3 =	por p5, p4  }
0x1e6: {  	p5 =	seq.f32 s2, s22;
	p6 =	sgt.s32 s4, s24;
	p4 =	slt.f32 s2, s22  }
0x1e7: {  	s10 =	smov.u32 @p3 s0;
	s0 =	spop (v2sf);
	s13 =	smov.u32 @p3 s1  }
0x1e8: {  	s1 =	spop (v2sf);
	p2 =	por !p5, !p6;
	p3 =	seq.f32 s0, s10  }
0x1e9: {  	s5 =	rddreg [dreg:$0x15];
	p5 =	por !p2, !p2;
	p6 =	sgt.s32 s1, s13  }
0x1ea: {  	p1 =	por p4, p5;
	p5 =	slt.f32 s0, s10;
	p2 =	por !p3, !p6  }
0x1eb: {  	p3 =	seq.f32 s18, s19;
	s24 =	smov.u32 @p1 s4;
	s4 =	rddreg [dreg:$0xd]  }
0x1ec: {  	s22 =	smov.u32 @p1 s2;
	p2 =	por !p2, !p2;
	p6 =	sgt.s32 s4, s20  }
0x1ed: {  	p2 =	por p5, p2;
	p5 =	slt.f32 s18, s19;
	p1 =	por !p3, !p6  }
0x1ee: {  	s10 =	smov.u32 @p2 s0;
	s0 =	spop (v2sf);
	p3 =	seq.f32 s28, s22  }
0x1ef: {  	s13 =	smov.u32 @p2 s1;
	p6 =	sgt.s32 s5, s24;
	p1 =	por !p1, !p1  }
0x1f0: {  	p4 =	seq.f32 s0, s10;
	p1 =	por p5, p1;
	s1 =	spop (v2sf)  }
0x1f1: {  	p5 =	slt.f32 s28, s22;
	p2 =	por !p3, !p6;
	p6 =	sgt.s32 s1, s13  }
0x1f2: {  	p2 =	por !p2, !p2;
	p3 =	por !p4, !p6;
	p6 =	slt.f32 s0, s10  }
0x1f3: {  	s20 =	smov.u32 @p1 s4;
	p2 =	por p5, p2;
	p3 =	por !p3, !p3  }
0x1f4: {  	vm12 =	vcmask $0x300;
	v63 =	vmov s21;
	s23 =	scvt.s32.f32 s20;
	s24 =	smov.u32 @p2 s5;
	p3 =	por p6, p3  }
0x1f5: {  	vm13 =	vcmask $0x704;
	v0 =	vnsel vm12, $0x0, v63;
	s25 =	scvt.s32.f32 s24;
	s13 =	smov.u32 @p3 s1  }
0x1f6: {  	vm14 =	vcmask $0xB08;
	v0 =	vsel vm13, s23, v0;
	s26 =	scvt.s32.f32 s13  }
0x1f7: {  	vm15 =	vcmask $0xF0C;
	v0 =	vsel vm14, s25, v0;
	s1 =	rddreg [dreg:$0x10]  }
0x1f8: {  	s3 =	smov.u32 s18;
	s16 =	smov.u32 @p0 s1;
	v0 =	vsel vm15, s26, v0  }
0x1f9: {  	s19 =	smov.u32 @p1 s3;
	v0 =	vsel vm4, s16, v0  }
0x1fa: {  	s22 =	smov.u32 @p2 s28;
	v0 =	vsel vm5, s19, v0  }
0x1fb: {  	s10 =	smov.u32 @p3 s0;
	v0 =	vsel vm6, s22, v0  }
0x1fc: {  	s7 =	simm.s32 $0x0;
	v0 =	vsel vm7, s10, v0  }
0x1fd: {  	s29 =	simm.s32 $0x1080;
	s2 =	simm.s32 $0x2;
	s28 =	rddreg [dreg:$0x9];
	[tilespmem:$0x1080] =	vst v0  }
0x1fe: {  	[hbm4b:s28+s7] =	stream.linear.scatter [tilespmem:s29], [sflag:$0x2], $0x10, $0x38;
	[tilespmem:$0x1100] =	vst v63  }
0x1ff: {  	_ =	swait.ge [sflag:s2], $0x10  }
0x200: {  	s30 =	rddreg [dreg:$0xb]  }
0x201: {  	s31 =	rddreg [dreg:$0xa];
	s1 =	sadd.s32 $0x1, s30  }
0x202: {  	p0 =	sne.s32 s1, s31  }
.Ltmp4:
0x203: {  	_ = 	snop;
	(pc) =	sbr.rel @p0 .LBB2_1-.Ltmp4, $3  }
0x204: {  	_ =	sdelay $0x1  }
0x205: {  	[sflag:s2] =	ssyncset.done $0x0  }
0x206: {  	s3 =	simm.s32 $0x1;
	s4 =	simm.s32 $0x800;
	[sflag:s2] =	ssyncadd.s32 $0xFFFFFFF0  }
0x207: {  	_ =	sfence.sel $0x180000  }
0x208: {  	[bflag:$0x0] =	sbarrier.arrive $0xFFFF  }
0x209: {  	_ =	strace $0x90000047  }
0x20a: {  	s0 =	stileid.u32;
	[bflag:$0x2] =	sbarrier.arrive $0xFFFF  }
0x20b: {  	p0 =	sne.s32 s0, $0x0;
	s0 =	rddreg [dreg:$0x3]  }
0x20c: {  	s0 =	sadd.s32 @!p0 $0x100000, s0  }
0x20d: {  	[sflag:s0] =	ssyncadd.tile.s32 @!p0 $0x1;
	_ =	shalt  }
.Lfunc_end2:
_tile_overlayer_lowered:
.L_overlay_start_2:
0x20e: {  	(tag) =	ssettag $0x2  }
0x20f: {  	s0 =	rddreg [dreg:$0x0];
	s2 =	stileid.u32  }
0x210: {  	s1 =	rddreg [dreg:$0x1];
	p0 =	sne.s32 s2, $0x0  }
0x211: {  	s3 =	rddreg [dreg:$0x2];
	[bflag:$0x3] =	sbarrier.arrive $0xFFFF;
	s2 =	simm.s32 @!p0 $0x1C02  }
0x212: {  	[timem:s3], [sflag:s2] =	dma.local @!p0 [hbm:s0], s1  }
0x213: {  	s0 =	simm.s32 @!p0 $0x2  }
0x214: {  	_ =	swait.ge @!p0 [sflag:s0], s1  }
0x215: {  	s1 =	ssub.s32 @!p0 $0x0, s1;
	[sflag:s0] =	ssyncset.done @!p0 $0x0  }
0x216: {  	[sflag:s0] =	ssyncadd.s32 @!p0 s1  }
0x217: {  	[bflag:$0x3] =	sbarrier.arrive $0xFFFF  }
0x218: {  	_ =	shalt  }

</sc_bundles>
